<compile_context>
chip_gen: v7x
topology: tpu7x:2x2x1
jax: 0.10.2.dev20260603
libtpu: 0.0.44.dev20260713+nightly
codegen_flags: <defaults>
</compile_context>

<pallas_src>
import functools

import jax
import jax.numpy as jnp
from jax import lax
from jax.experimental import pallas as pl
from jax.experimental.pallas import tpu as pltpu
from jax.experimental.pallas import tpu_sc as plsc

N = 10000
E = 320000
DIN = 128
DH = 64
DF = 128
DOUT = 6
G = 128

NC = 2
NS = 16
NW = NC * NS
CHUNK = 128
S0 = 152
S1 = 8
SEGS0 = (48, 48, 48, 8)
SEGS1 = (8,)
SEGMAX = 48
TCH = NS * (S0 + S1)
CH0 = NS * S0
EP = TCH * CHUNK
NPAD = 10112
RPW = NPAD // NS


def _sc_agg(h, src, dst, zeros):
    mesh = plsc.VectorSubcoreMesh(core_axis_name="c", subcore_axis_name="s")

    @functools.partial(
        pl.kernel,
        mesh=mesh,
        out_type=jax.ShapeDtypeStruct((NC * NPAD, DF), jnp.float32),
        scratch_types=[
            pltpu.VMEM((SEGMAX, CHUNK), jnp.int32),
            pltpu.VMEM((SEGMAX, CHUNK), jnp.int32),
            pltpu.VMEM((CHUNK, DF), jnp.float32),
            pltpu.VMEM((CHUNK, DF), jnp.float32),
            pltpu.VMEM_SHARED((NPAD, DF), jnp.float32),
            pltpu.SemaphoreType.DMA,
            pltpu.SemaphoreType.DMA,
            pltpu.SemaphoreType.DMA,
            pltpu.SemaphoreType.DMA,
            pltpu.SemaphoreType.DMA,
        ],
    )
    def k(h_hbm, src_hbm, dst_hbm, z_hbm, out_hbm, srcv, dstv,
          rows0, rows1, acc, isem, gs0, gs1, ss0, ss1):
        c = lax.axis_index("c")
        s = lax.axis_index("s")
        pltpu.sync_copy(z_hbm.at[pl.ds(s * RPW, RPW)], acc.at[pl.ds(s * RPW, RPW)])
        plsc.subcore_barrier()

        def run(base_chunk, segs):
            off = 0
            for hsteps in segs:
                b = base_chunk + off
                off += hsteps
                ic0 = pltpu.async_copy(
                    src_hbm.at[pl.ds(b, hsteps)], srcv.at[pl.ds(0, hsteps)],
                    isem)
                ic1 = pltpu.async_copy(
                    dst_hbm.at[pl.ds(b, hsteps)], dstv.at[pl.ds(0, hsteps)],
                    isem)
                ic0.wait()
                ic1.wait()

                @pl.loop(0, hsteps, step=2)
                def _(t):
                    g0 = pltpu.async_copy(h_hbm.at[srcv.at[t]], rows0, gs0)
                    g1 = pltpu.async_copy(h_hbm.at[srcv.at[t + 1]], rows1, gs1)
                    g0.wait()
                    s0 = pltpu.async_copy(rows0, acc.at[dstv.at[t]], ss0,
                                          add=True)
                    g1.wait()
                    s1 = pltpu.async_copy(rows1, acc.at[dstv.at[t + 1]], ss1,
                                          add=True)
                    s0.wait()
                    s1.wait()

        @pl.when(c == 0)
        def _():
            run(s * S0, SEGS0)

        @pl.when(c == 1)
        def _():
            run(CH0 + s * S1, SEGS1)

        plsc.subcore_barrier()
        pltpu.sync_copy(
            acc.at[pl.ds(s * RPW, RPW)],
            out_hbm.at[pl.ds(c * NPAD + s * RPW, RPW)],
        )

    return k(h, src, dst, zeros)


_ROWS = 2000


def _tc_pre(x, W, b):

    def body(x_ref, w_ref, b_ref, o_ref):
        t = (
            jnp.dot(x_ref[...], w_ref[...], preferred_element_type=jnp.float32)
            + b_ref[...]
        )
        o_ref[...] = jnp.concatenate(
            [t, jnp.zeros((_ROWS, DF - DH), jnp.float32)], axis=1
        )

    return pl.pallas_call(
        body,
        grid=(N // _ROWS,),
        in_specs=[
            pl.BlockSpec((_ROWS, DIN), lambda i: (i, 0)),
            pl.BlockSpec((DIN, DH), lambda i: (0, 0)),
            pl.BlockSpec((1, DH), lambda i: (0, 0)),
        ],
        out_specs=pl.BlockSpec((_ROWS, DF), lambda i: (i, 0)),
        out_shape=jax.ShapeDtypeStruct((N, DF), jnp.float32),
    )(x, W, b.reshape(1, DH))


def _tc_mlp(h, a0, a1, Wa, ba, Wb, bb):

    def body(h_ref, a0_ref, a1_ref, wa, bar, wb, bbr, o_ref):
        t = h_ref[...] + a0_ref[...] + a1_ref[...]
        t = t[:, :DH]
        t = jnp.maximum(
            jnp.dot(t, wa[...], preferred_element_type=jnp.float32) + bar[...], 0.0
        )
        t = jnp.dot(t, wb[...], preferred_element_type=jnp.float32) + bbr[...]
        t = jnp.maximum(t, 0.0)
        o_ref[...] = jnp.concatenate(
            [t, jnp.zeros((_ROWS, DF - DH), jnp.float32)], axis=1
        )

    rows_spec = pl.BlockSpec((_ROWS, DF), lambda i: (i, 0))
    w_spec = pl.BlockSpec((DH, DH), lambda i: (0, 0))
    b_spec = pl.BlockSpec((1, DH), lambda i: (0, 0))
    return pl.pallas_call(
        body,
        grid=(N // _ROWS,),
        in_specs=[rows_spec, rows_spec, rows_spec, w_spec, b_spec, w_spec, b_spec],
        out_specs=rows_spec,
        out_shape=jax.ShapeDtypeStruct((N, DF), jnp.float32),
    )(h, a0, a1, Wa, ba.reshape(1, DH), Wb, bb.reshape(1, DH))


def _tc_pool_post(h, batch3, Wp1, bp1, Wp2, bp2):
    nb = N // _ROWS

    def body(h_ref, b_ref, w1, b1r, w2, b2r, o_ref, acc):
        i = pl.program_id(0)

        @pl.when(i == 0)
        def _():
            acc[...] = jnp.zeros_like(acc)

        ids = b_ref[0]
        gi = lax.broadcasted_iota(jnp.int32, (G, _ROWS), 0)
        onehot = (gi == ids).astype(jnp.float32)
        acc[...] += jnp.dot(
            onehot, h_ref[...][:, :DH], preferred_element_type=jnp.float32
        )

        @pl.when(i == nb - 1)
        def _():
            p = acc[...]
            t = jnp.maximum(
                jnp.dot(p, w1[...], preferred_element_type=jnp.float32) + b1r[...],
                0.0,
            )
            o = jnp.dot(t, w2[...], preferred_element_type=jnp.float32) + b2r[...]
            m = jnp.max(o, axis=1, keepdims=True)
            lse = jnp.log(jnp.sum(jnp.exp(o - m), axis=1, keepdims=True)) + m
            o_ref[...] = o - lse

    return pl.pallas_call(
        body,
        grid=(nb,),
        in_specs=[
            pl.BlockSpec((_ROWS, DF), lambda i: (i, 0)),
            pl.BlockSpec((1, 1, _ROWS), lambda i: (i, 0, 0)),
            pl.BlockSpec((DH, DH), lambda i: (0, 0)),
            pl.BlockSpec((1, DH), lambda i: (0, 0)),
            pl.BlockSpec((DH, DOUT), lambda i: (0, 0)),
            pl.BlockSpec((1, DOUT), lambda i: (0, 0)),
        ],
        out_specs=pl.BlockSpec((G, DOUT), lambda i: (0, 0)),
        out_shape=jax.ShapeDtypeStruct((G, DOUT), jnp.float32),
        scratch_shapes=[pltpu.VMEM((G, DH), jnp.float32)],
    )(h, batch3, Wp1, bp1.reshape(1, DH), Wp2, bp2.reshape(1, DOUT))


def kernel(x, edge_index, batch, W_pre, b_pre, W1a, b1a, W1b, b1b, W2a, b2a,
           W2b, b2b, W3a, b3a, W3b, b3b, Wp1, bp1, Wp2, bp2):
    pad = EP - E
    src = jnp.concatenate([edge_index[0], jnp.zeros((pad,), jnp.int32)])
    pad_dst = N + jnp.arange(pad, dtype=jnp.int32) % (NPAD - N)
    dst = jnp.concatenate([edge_index[1], pad_dst])
    src = src.reshape(TCH, CHUNK)
    dst = dst.reshape(TCH, CHUNK)
    zeros = jnp.zeros((NPAD, DF), jnp.float32)
    batch3 = batch.reshape(N // _ROWS, 1, _ROWS)

    h = _tc_pre(x, W_pre, b_pre)
    for Wa, ba, Wb, bb in ((W1a, b1a, W1b, b1b), (W2a, b2a, W2b, b2b),
                           (W3a, b3a, W3b, b3b)):
        parts = _sc_agg(h, src, dst, zeros)
        a0 = lax.slice(parts, (0, 0), (N, DF))
        a1 = lax.slice(parts, (NPAD, 0), (NPAD + N, DF))
        h = _tc_mlp(h, a0, a1, Wa, ba, Wb, bb)

    return _tc_pool_post(h, batch3, Wp1, bp1, Wp2, bp2)

# --- scband reference (transcript-rebuilt; emitter-appended) ---
"""Pipeline reference for scband-gin-77249281786393 (READ-ONLY COPY).

The authoritative reference and input builder live on the scoring server;
editing this copy changes nothing except your own understanding.
"""

import jax, jax.numpy as jnp
import numpy as np

N = 10000
E = 320000
DIN = 128
DH = 64
DOUT = 6
G = 128


def setup_inputs(seed: int = 0) -> dict:
    key = jax.random.key(seed)
    ks = jax.random.split(key, 24)
    inp = {}
    inp['x'] = jax.random.normal(ks[0], (N, DIN), dtype=jnp.float32)
    inp['edge_index'] = jax.random.randint(ks[1], (2, E), 0, N, dtype=jnp.int32)
    inp['batch'] = jnp.sort(jax.random.randint(ks[2], (N,), 0, G, dtype=jnp.int32))
    s = 1.0 / np.sqrt(DIN)
    inp['W_pre'] = jax.random.uniform(ks[3], (DIN, DH), jnp.float32, -s, s)
    inp['b_pre'] = jax.random.uniform(ks[4], (DH,), jnp.float32, -s, s)
    sh = 1.0 / np.sqrt(DH)
    names = ['W1a', 'b1a', 'W1b', 'b1b', 'W2a', 'b2a', 'W2b', 'b2b', 'W3a', 'b3a', 'W3b', 'b3b', 'Wp1', 'bp1']
    i = 5
    for nme in names:
        if nme.startswith('W'):
            inp[nme] = jax.random.uniform(ks[i], (DH, DH), jnp.float32, -sh, sh)
        else:
            inp[nme] = jax.random.uniform(ks[i], (DH,), jnp.float32, -sh, sh)
        i += 1
    inp['Wp2'] = jax.random.uniform(ks[i], (DH, DOUT), jnp.float32, -sh, sh)
    inp['bp2'] = jax.random.uniform(ks[i + 1], (DOUT,), jnp.float32, -sh, sh)
    return inp


def reference(x, edge_index, batch, W_pre, b_pre, W1a, b1a, W1b, b1b, W2a, b2a, W2b, b2b, W3a, b3a, W3b, b3b, Wp1, bp1, Wp2, bp2):
    src = edge_index[0]
    dst = edge_index[1]
    h = x @ W_pre + b_pre  # pre_mp
    convs = [(W1a, b1a, W1b, b1b), (W2a, b2a, W2b, b2b), (W3a, b3a, W3b, b3b)]
    for (Wa, ba, Wb, bb) in convs:
        msgs = jnp.take(h, src, axis=0)                      # gather
        agg = jax.ops.segment_sum(msgs, dst, num_segments=N)  # scatter-add
        h = h + agg                                           # (1+eps)*x + agg, eps=0
        h = jnp.maximum(h @ Wa + ba, 0.0) @ Wb + bb           # GIN MLP
        h = jnp.maximum(h, 0.0)                               # F.relu
    pooled = jax.ops.segment_sum(h, batch, num_segments=G)    # global_add_pool
    out = jnp.maximum(pooled @ Wp1 + bp1, 0.0) @ Wp2 + bp2    # post_mp
    return jax.nn.log_softmax(out, axis=1)

if __name__ == "__main__":
    import jax
    _d = setup_inputs()
    print(jax.jit(kernel)(*tuple(_d.values())))

</pallas_src>

<mosaic_0001>
#map = affine_map<(d0, d1) -> (0, 0)>
module attributes {stable_mosaic.version = 14 : i64} {
  func.func @k(%arg0: i32, %arg1: i32, %arg2: memref<10000x128xf32, #tpu.memory_space<hbm>>, %arg3: memref<2560x128xi32, #tpu.memory_space<hbm>>, %arg4: memref<2560x128xi32, #tpu.memory_space<hbm>>, %arg5: memref<10112x128xf32, #tpu.memory_space<hbm>>, %arg6: memref<20224x128xf32, #tpu.memory_space<hbm>>, %arg7: memref<48x128xi32, #tpu.memory_space<vmem>>, %arg8: memref<48x128xi32, #tpu.memory_space<vmem>>, %arg9: memref<128x128xf32, #tpu.memory_space<vmem>>, %arg10: memref<128x128xf32, #tpu.memory_space<vmem>>, %arg11: memref<10112x128xf32, #tpu.memory_space<vmem_shared>>, %arg12: memref<!tpu.dma_semaphore, #tpu.memory_space<semaphore_mem>>, %arg13: memref<!tpu.dma_semaphore, #tpu.memory_space<semaphore_mem>>, %arg14: memref<!tpu.dma_semaphore, #tpu.memory_space<semaphore_mem>>, %arg15: memref<!tpu.dma_semaphore, #tpu.memory_space<semaphore_mem>>, %arg16: memref<!tpu.dma_semaphore, #tpu.memory_space<semaphore_mem>>) attributes {dimension_semantics = [#tpu.dimension_semantics<core_parallel>, #tpu.dimension_semantics<subcore_parallel>], iteration_bounds = array<i64: 2, 16>, scalar_prefetch = 0 : i64, scratch_operands = 10 : i64, tpu.core_type = #tpu.core_type<sc_vector_subcore>, window_params = [{transform_indices = #map}, {transform_indices = #map}, {transform_indices = #map}, {transform_indices = #map}, {transform_indices = #map}]} {
    %mul3A = arith.constant 632 : i32
    %mul3A_0 = arith.muli %arg1, %mul3A : i32
    %mul3A_1 = arith.constant 632 : i32
    %mul3A_2 = arith.muli %arg1, %mul3A_1 : i32
    "tpu.region"() ({
      %run_scoped3A = tpu.sem_alloc : memref<!tpu.dma_semaphore, #tpu.memory_space<semaphore_mem>>
      %dma_start3A = arith.constant 0 : i32
      %dma_start3A_17 = tpu.memref_slice %arg11[%mul3A_2, %dma_start3A] : memref<10112x128xf32, #tpu.memory_space<vmem_shared>> -> memref<632x128xf32, #tpu.memory_space<vmem_shared>>
      %dma_start3A_18 = arith.constant 0 : i32
      %dma_start3A_19 = tpu.memref_slice %arg5[%mul3A_0, %dma_start3A_18] : memref<10112x128xf32, #tpu.memory_space<hbm>> -> memref<632x128xf32, #tpu.memory_space<hbm>>
      tpu.enqueue_dma source(%dma_start3A_19 : memref<632x128xf32, #tpu.memory_space<hbm>>) target(%dma_start3A_17 : memref<632x128xf32, #tpu.memory_space<vmem_shared>>) target_semaphore(%run_scoped3A : memref<!tpu.dma_semaphore, #tpu.memory_space<semaphore_mem>>)
      %dma_wait3A = arith.constant 0 : i32
      %dma_wait3A_20 = tpu.memref_slice %arg11[%mul3A_2, %dma_wait3A] : memref<10112x128xf32, #tpu.memory_space<vmem_shared>> -> memref<632x128xf32, #tpu.memory_space<vmem_shared>>
      %dma_wait3A_21 = arith.constant 0 : i32
      %dma_wait3A_22 = tpu.memref_slice %arg5[%mul3A_0, %dma_wait3A_21] : memref<10112x128xf32, #tpu.memory_space<hbm>> -> memref<632x128xf32, #tpu.memory_space<hbm>>
      tpu.wait_dma2 semaphore(%run_scoped3A : memref<!tpu.dma_semaphore, #tpu.memory_space<semaphore_mem>>) src(%dma_wait3A_22 : memref<632x128xf32, #tpu.memory_space<hbm>>) dst(%dma_wait3A_20 : memref<632x128xf32, #tpu.memory_space<vmem_shared>>)
      tpu.yield
    }) : () -> ()
    %barrier3A = arith.constant 0 : index
    tpu.barrier barrier_id(%barrier3A)
    %eq3A = arith.constant 0 : i32
    %eq3A_3 = arith.cmpi eq, %arg0, %eq3A : i32
    %convert_element_type3A = arith.extui %eq3A_3 : i1 to i32
    %cond3A = arith.constant 0 : i32
    %cond3A_4 = arith.cmpi ne, %convert_element_type3A, %cond3A : i32
    scf.if %cond3A_4 {
      %mul3A_17 = arith.constant 152 : i32
      %mul3A_18 = arith.muli %arg1, %mul3A_17 : i32
      %add3A_19 = arith.constant 0 : i32
      %add3A_20 = arith.addi %mul3A_18, %add3A_19 : i32
      %dma_start3A = arith.constant 0 : i32
      %dma_start3A_21 = arith.constant 0 : i32
      %dma_start3A_22 = tpu.memref_slice %arg7[%dma_start3A, %dma_start3A_21] : memref<48x128xi32, #tpu.memory_space<vmem>> -> memref<48x128xi32, #tpu.memory_space<vmem>>
      %dma_start3A_23 = arith.constant 0 : i32
      %dma_start3A_24 = tpu.memref_slice %arg3[%add3A_20, %dma_start3A_23] : memref<2560x128xi32, #tpu.memory_space<hbm>> -> memref<48x128xi32, #tpu.memory_space<hbm>>
      %dma_start3A_25 = arith.constant 0 : i32
      %dma_start3A_26 = arith.constant 0 : i32
      %dma_start3A_27 = tpu.memref_slice %arg7[%dma_start3A_25, %dma_start3A_26] : memref<48x128xi32, #tpu.memory_space<vmem>> -> memref<48x128xi32, #tpu.memory_space<vmem>>
      %dma_start3A_28 = arith.constant 0 : i32
      %dma_start3A_29 = tpu.memref_slice %arg3[%add3A_20, %dma_start3A_28] : memref<2560x128xi32, #tpu.memory_space<hbm>> -> memref<48x128xi32, #tpu.memory_space<hbm>>
      tpu.enqueue_dma source(%dma_start3A_29 : memref<48x128xi32, #tpu.memory_space<hbm>>) target(%dma_start3A_27 : memref<48x128xi32, #tpu.memory_space<vmem>>) target_semaphore(%arg12 : memref<!tpu.dma_semaphore, #tpu.memory_space<semaphore_mem>>)
      %dma_start3A_30 = arith.constant 0 : i32
      %dma_start3A_31 = arith.constant 0 : i32
      %dma_start3A_32 = tpu.memref_slice %arg8[%dma_start3A_30, %dma_start3A_31] : memref<48x128xi32, #tpu.memory_space<vmem>> -> memref<48x128xi32, #tpu.memory_space<vmem>>
      %dma_start3A_33 = arith.constant 0 : i32
      %dma_start3A_34 = tpu.memref_slice %arg4[%add3A_20, %dma_start3A_33] : memref<2560x128xi32, #tpu.memory_space<hbm>> -> memref<48x128xi32, #tpu.memory_space<hbm>>
      %dma_start3A_35 = arith.constant 0 : i32
      %dma_start3A_36 = arith.constant 0 : i32
      %dma_start3A_37 = tpu.memref_slice %arg8[%dma_start3A_35, %dma_start3A_36] : memref<48x128xi32, #tpu.memory_space<vmem>> -> memref<48x128xi32, #tpu.memory_space<vmem>>
      %dma_start3A_38 = arith.constant 0 : i32
      %dma_start3A_39 = tpu.memref_slice %arg4[%add3A_20, %dma_start3A_38] : memref<2560x128xi32, #tpu.memory_space<hbm>> -> memref<48x128xi32, #tpu.memory_space<hbm>>
      tpu.enqueue_dma source(%dma_start3A_39 : memref<48x128xi32, #tpu.memory_space<hbm>>) target(%dma_start3A_37 : memref<48x128xi32, #tpu.memory_space<vmem>>) target_semaphore(%arg12 : memref<!tpu.dma_semaphore, #tpu.memory_space<semaphore_mem>>)
      %dma_wait3A = arith.constant 0 : i32
      %dma_wait3A_40 = arith.constant 0 : i32
      %dma_wait3A_41 = tpu.memref_slice %arg7[%dma_wait3A, %dma_wait3A_40] : memref<48x128xi32, #tpu.memory_space<vmem>> -> memref<48x128xi32, #tpu.memory_space<vmem>>
      %dma_wait3A_42 = arith.constant 0 : i32
      %dma_wait3A_43 = tpu.memref_slice %arg3[%add3A_20, %dma_wait3A_42] : memref<2560x128xi32, #tpu.memory_space<hbm>> -> memref<48x128xi32, #tpu.memory_space<hbm>>
      %dma_wait3A_44 = arith.constant 0 : i32
      %dma_wait3A_45 = arith.constant 0 : i32
      %dma_wait3A_46 = tpu.memref_slice %arg7[%dma_wait3A_44, %dma_wait3A_45] : memref<48x128xi32, #tpu.memory_space<vmem>> -> memref<48x128xi32, #tpu.memory_space<vmem>>
      %dma_wait3A_47 = arith.constant 0 : i32
      %dma_wait3A_48 = tpu.memref_slice %arg3[%add3A_20, %dma_wait3A_47] : memref<2560x128xi32, #tpu.memory_space<hbm>> -> memref<48x128xi32, #tpu.memory_space<hbm>>
      tpu.wait_dma2 semaphore(%arg12 : memref<!tpu.dma_semaphore, #tpu.memory_space<semaphore_mem>>) src(%dma_wait3A_48 : memref<48x128xi32, #tpu.memory_space<hbm>>) dst(%dma_wait3A_46 : memref<48x128xi32, #tpu.memory_space<vmem>>)
      %dma_wait3A_49 = arith.constant 0 : i32
      %dma_wait3A_50 = arith.constant 0 : i32
      %dma_wait3A_51 = tpu.memref_slice %arg8[%dma_wait3A_49, %dma_wait3A_50] : memref<48x128xi32, #tpu.memory_space<vmem>> -> memref<48x128xi32, #tpu.memory_space<vmem>>
      %dma_wait3A_52 = arith.constant 0 : i32
      %dma_wait3A_53 = tpu.memref_slice %arg4[%add3A_20, %dma_wait3A_52] : memref<2560x128xi32, #tpu.memory_space<hbm>> -> memref<48x128xi32, #tpu.memory_space<hbm>>
      %dma_wait3A_54 = arith.constant 0 : i32
      %dma_wait3A_55 = arith.constant 0 : i32
      %dma_wait3A_56 = tpu.memref_slice %arg8[%dma_wait3A_54, %dma_wait3A_55] : memref<48x128xi32, #tpu.memory_space<vmem>> -> memref<48x128xi32, #tpu.memory_space<vmem>>
      %dma_wait3A_57 = arith.constant 0 : i32
      %dma_wait3A_58 = tpu.memref_slice %arg4[%add3A_20, %dma_wait3A_57] : memref<2560x128xi32, #tpu.memory_space<hbm>> -> memref<48x128xi32, #tpu.memory_space<hbm>>
      tpu.wait_dma2 semaphore(%arg12 : memref<!tpu.dma_semaphore, #tpu.memory_space<semaphore_mem>>) src(%dma_wait3A_58 : memref<48x128xi32, #tpu.memory_space<hbm>>) dst(%dma_wait3A_56 : memref<48x128xi32, #tpu.memory_space<vmem>>)
      %scan3A = arith.constant 0 : i32
      %scan3A_59 = arith.constant 24 : i32
      %scan3A_60 = arith.addi %scan3A, %scan3A_59 : i32
      %scan3A_61 = arith.constant 1 : i32
      scf.for %scan3A_204 = %scan3A to %scan3A_60 step %scan3A_61  : i32 {
        %mul3A_205 = arith.constant 2 : i32
        %mul3A_206 = arith.muli %scan3A_204, %mul3A_205 : i32
        %add3A_207 = arith.constant 0 : i32
        %add3A_208 = arith.addi %add3A_207, %mul3A_206 : i32
        %dma_start3A_209 = arith.constant 0 : i32
        %dma_start3A_210 = tpu.memref_slice %arg7[%add3A_208, %dma_start3A_209] : memref<48x128xi32, #tpu.memory_space<vmem>> -> memref<1x128xi32, #tpu.memory_space<vmem>>
        %dma_start3A_211 = tpu.memref_squeeze %dma_start3A_210 : memref<1x128xi32, #tpu.memory_space<vmem>> -> memref<128xi32, #tpu.memory_space<vmem>>
        %dma_start3A_212 = arith.constant 0 : i32
        %dma_start3A_213 = arith.constant 0 : i32
        %dma_start3A_214 = tpu.memref_slice %arg2[%dma_start3A_212, %dma_start3A_213] : memref<10000x128xf32, #tpu.memory_space<hbm>> -> memref<10000x128xf32, #tpu.memory_space<hbm>>
        tpu.enqueue_indirect_dma source(%dma_start3A_214 : memref<10000x128xf32, #tpu.memory_space<hbm>>) target(%arg9 : memref<128x128xf32, #tpu.memory_space<vmem>>) offsets(%dma_start3A_211 : memref<128xi32, #tpu.memory_space<vmem>>) semaphore(%arg13 : memref<!tpu.dma_semaphore, #tpu.memory_space<semaphore_mem>>)
        %add3A_215 = arith.constant 1 : i32
        %add3A_216 = arith.addi %add3A_208, %add3A_215 : i32
        %dma_start3A_217 = arith.constant 0 : i32
        %dma_start3A_218 = tpu.memref_slice %arg7[%add3A_216, %dma_start3A_217] : memref<48x128xi32, #tpu.memory_space<vmem>> -> memref<1x128xi32, #tpu.memory_space<vmem>>
        %dma_start3A_219 = tpu.memref_squeeze %dma_start3A_218 : memref<1x128xi32, #tpu.memory_space<vmem>> -> memref<128xi32, #tpu.memory_space<vmem>>
        %dma_start3A_220 = arith.constant 0 : i32
        %dma_start3A_221 = arith.constant 0 : i32
        %dma_start3A_222 = tpu.memref_slice %arg2[%dma_start3A_220, %dma_start3A_221] : memref<10000x128xf32, #tpu.memory_space<hbm>> -> memref<10000x128xf32, #tpu.memory_space<hbm>>
        tpu.enqueue_indirect_dma source(%dma_start3A_222 : memref<10000x128xf32, #tpu.memory_space<hbm>>) target(%arg10 : memref<128x128xf32, #tpu.memory_space<vmem>>) offsets(%dma_start3A_219 : memref<128xi32, #tpu.memory_space<vmem>>) semaphore(%arg14 : memref<!tpu.dma_semaphore, #tpu.memory_space<semaphore_mem>>)
        %dma_wait3A_223 = arith.constant 0 : i32
        %dma_wait3A_224 = tpu.memref_slice %arg7[%add3A_208, %dma_wait3A_223] : memref<48x128xi32, #tpu.memory_space<vmem>> -> memref<1x128xi32, #tpu.memory_space<vmem>>
        %dma_wait3A_225 = tpu.memref_squeeze %dma_wait3A_224 : memref<1x128xi32, #tpu.memory_space<vmem>> -> memref<128xi32, #tpu.memory_space<vmem>>
        %dma_wait3A_226 = arith.constant 0 : i32
        %dma_wait3A_227 = arith.constant 0 : i32
        %dma_wait3A_228 = tpu.memref_slice %arg2[%dma_wait3A_226, %dma_wait3A_227] : memref<10000x128xf32, #tpu.memory_space<hbm>> -> memref<10000x128xf32, #tpu.memory_space<hbm>>
        tpu.wait_indirect_dma semaphore(%arg13 : memref<!tpu.dma_semaphore, #tpu.memory_space<semaphore_mem>>) src(%dma_wait3A_228 : memref<10000x128xf32, #tpu.memory_space<hbm>>) dst(%arg9 : memref<128x128xf32, #tpu.memory_space<vmem>>)
        %dma_start3A_229 = arith.constant 0 : i32
        %dma_start3A_230 = tpu.memref_slice %arg8[%add3A_208, %dma_start3A_229] : memref<48x128xi32, #tpu.memory_space<vmem>> -> memref<1x128xi32, #tpu.memory_space<vmem>>
        %dma_start3A_231 = tpu.memref_squeeze %dma_start3A_230 : memref<1x128xi32, #tpu.memory_space<vmem>> -> memref<128xi32, #tpu.memory_space<vmem>>
        %dma_start3A_232 = arith.constant 0 : i32
        %dma_start3A_233 = arith.constant 0 : i32
        %dma_start3A_234 = tpu.memref_slice %arg11[%dma_start3A_232, %dma_start3A_233] : memref<10112x128xf32, #tpu.memory_space<vmem_shared>> -> memref<10112x128xf32, #tpu.memory_space<vmem_shared>>
        tpu.enqueue_indirect_dma source(%arg9 : memref<128x128xf32, #tpu.memory_space<vmem>>) target(%dma_start3A_234 : memref<10112x128xf32, #tpu.memory_space<vmem_shared>>) offsets(%dma_start3A_231 : memref<128xi32, #tpu.memory_space<vmem>>) semaphore(%arg15 : memref<!tpu.dma_semaphore, #tpu.memory_space<semaphore_mem>>) {add = true}
        %dma_wait3A_235 = arith.constant 0 : i32
        %dma_wait3A_236 = tpu.memref_slice %arg7[%add3A_216, %dma_wait3A_235] : memref<48x128xi32, #tpu.memory_space<vmem>> -> memref<1x128xi32, #tpu.memory_space<vmem>>
        %dma_wait3A_237 = tpu.memref_squeeze %dma_wait3A_236 : memref<1x128xi32, #tpu.memory_space<vmem>> -> memref<128xi32, #tpu.memory_space<vmem>>
        %dma_wait3A_238 = arith.constant 0 : i32
        %dma_wait3A_239 = arith.constant 0 : i32
        %dma_wait3A_240 = tpu.memref_slice %arg2[%dma_wait3A_238, %dma_wait3A_239] : memref<10000x128xf32, #tpu.memory_space<hbm>> -> memref<10000x128xf32, #tpu.memory_space<hbm>>
        tpu.wait_indirect_dma semaphore(%arg14 : memref<!tpu.dma_semaphore, #tpu.memory_space<semaphore_mem>>) src(%dma_wait3A_240 : memref<10000x128xf32, #tpu.memory_space<hbm>>) dst(%arg10 : memref<128x128xf32, #tpu.memory_space<vmem>>)
        %add3A_241 = arith.constant 1 : i32
        %add3A_242 = arith.addi %add3A_208, %add3A_241 : i32
        %dma_start3A_243 = arith.constant 0 : i32
        %dma_start3A_244 = tpu.memref_slice %arg8[%add3A_242, %dma_start3A_243] : memref<48x128xi32, #tpu.memory_space<vmem>> -> memref<1x128xi32, #tpu.memory_space<vmem>>
        %dma_start3A_245 = tpu.memref_squeeze %dma_start3A_244 : memref<1x128xi32, #tpu.memory_space<vmem>> -> memref<128xi32, #tpu.memory_space<vmem>>
        %dma_start3A_246 = arith.constant 0 : i32
        %dma_start3A_247 = arith.constant 0 : i32
        %dma_start3A_248 = tpu.memref_slice %arg11[%dma_start3A_246, %dma_start3A_247] : memref<10112x128xf32, #tpu.memory_space<vmem_shared>> -> memref<10112x128xf32, #tpu.memory_space<vmem_shared>>
        tpu.enqueue_indirect_dma source(%arg10 : memref<128x128xf32, #tpu.memory_space<vmem>>) target(%dma_start3A_248 : memref<10112x128xf32, #tpu.memory_space<vmem_shared>>) offsets(%dma_start3A_245 : memref<128xi32, #tpu.memory_space<vmem>>) semaphore(%arg16 : memref<!tpu.dma_semaphore, #tpu.memory_space<semaphore_mem>>) {add = true}
        %dma_wait3A_249 = arith.constant 0 : i32
        %dma_wait3A_250 = tpu.memref_slice %arg8[%add3A_208, %dma_wait3A_249] : memref<48x128xi32, #tpu.memory_space<vmem>> -> memref<1x128xi32, #tpu.memory_space<vmem>>
        %dma_wait3A_251 = tpu.memref_squeeze %dma_wait3A_250 : memref<1x128xi32, #tpu.memory_space<vmem>> -> memref<128xi32, #tpu.memory_space<vmem>>
        %dma_wait3A_252 = arith.constant 0 : i32
        %dma_wait3A_253 = arith.constant 0 : i32
        %dma_wait3A_254 = tpu.memref_slice %arg11[%dma_wait3A_252, %dma_wait3A_253] : memref<10112x128xf32, #tpu.memory_space<vmem_shared>> -> memref<10112x128xf32, #tpu.memory_space<vmem_shared>>
        tpu.wait_indirect_dma semaphore(%arg15 : memref<!tpu.dma_semaphore, #tpu.memory_space<semaphore_mem>>) src(%arg9 : memref<128x128xf32, #tpu.memory_space<vmem>>) dst(%dma_wait3A_254 : memref<10112x128xf32, #tpu.memory_space<vmem_shared>>)
        %dma_wait3A_255 = arith.constant 0 : i32
        %dma_wait3A_256 = tpu.memref_slice %arg8[%add3A_242, %dma_wait3A_255] : memref<48x128xi32, #tpu.memory_space<vmem>> -> memref<1x128xi32, #tpu.memory_space<vmem>>
        %dma_wait3A_257 = tpu.memref_squeeze %dma_wait3A_256 : memref<1x128xi32, #tpu.memory_space<vmem>> -> memref<128xi32, #tpu.memory_space<vmem>>
        %dma_wait3A_258 = arith.constant 0 : i32
        %dma_wait3A_259 = arith.constant 0 : i32
        %dma_wait3A_260 = tpu.memref_slice %arg11[%dma_wait3A_258, %dma_wait3A_259] : memref<10112x128xf32, #tpu.memory_space<vmem_shared>> -> memref<10112x128xf32, #tpu.memory_space<vmem_shared>>
        tpu.wait_indirect_dma semaphore(%arg16 : memref<!tpu.dma_semaphore, #tpu.memory_space<semaphore_mem>>) src(%arg10 : memref<128x128xf32, #tpu.memory_space<vmem>>) dst(%dma_wait3A_260 : memref<10112x128xf32, #tpu.memory_space<vmem_shared>>)
      }
      %scan3A_62 = arith.constant 24 : i32
      %add3A_63 = arith.constant 48 : i32
      %add3A_64 = arith.addi %mul3A_18, %add3A_63 : i32
      %dma_start3A_65 = arith.constant 0 : i32
      %dma_start3A_66 = arith.constant 0 : i32
      %dma_start3A_67 = tpu.memref_slice %arg7[%dma_start3A_65, %dma_start3A_66] : memref<48x128xi32, #tpu.memory_space<vmem>> -> memref<48x128xi32, #tpu.memory_space<vmem>>
      %dma_start3A_68 = arith.constant 0 : i32
      %dma_start3A_69 = tpu.memref_slice %arg3[%add3A_64, %dma_start3A_68] : memref<2560x128xi32, #tpu.memory_space<hbm>> -> memref<48x128xi32, #tpu.memory_space<hbm>>
      %dma_start3A_70 = arith.constant 0 : i32
      %dma_start3A_71 = arith.constant 0 : i32
      %dma_start3A_72 = tpu.memref_slice %arg7[%dma_start3A_70, %dma_start3A_71] : memref<48x128xi32, #tpu.memory_space<vmem>> -> memref<48x128xi32, #tpu.memory_space<vmem>>
      %dma_start3A_73 = arith.constant 0 : i32
      %dma_start3A_74 = tpu.memref_slice %arg3[%add3A_64, %dma_start3A_73] : memref<2560x128xi32, #tpu.memory_space<hbm>> -> memref<48x128xi32, #tpu.memory_space<hbm>>
      tpu.enqueue_dma source(%dma_start3A_74 : memref<48x128xi32, #tpu.memory_space<hbm>>) target(%dma_start3A_72 : memref<48x128xi32, #tpu.memory_space<vmem>>) target_semaphore(%arg12 : memref<!tpu.dma_semaphore, #tpu.memory_space<semaphore_mem>>)
      %dma_start3A_75 = arith.constant 0 : i32
      %dma_start3A_76 = arith.constant 0 : i32
      %dma_start3A_77 = tpu.memref_slice %arg8[%dma_start3A_75, %dma_start3A_76] : memref<48x128xi32, #tpu.memory_space<vmem>> -> memref<48x128xi32, #tpu.memory_space<vmem>>
      %dma_start3A_78 = arith.constant 0 : i32
      %dma_start3A_79 = tpu.memref_slice %arg4[%add3A_64, %dma_start3A_78] : memref<2560x128xi32, #tpu.memory_space<hbm>> -> memref<48x128xi32, #tpu.memory_space<hbm>>
      %dma_start3A_80 = arith.constant 0 : i32
      %dma_start3A_81 = arith.constant 0 : i32
      %dma_start3A_82 = tpu.memref_slice %arg8[%dma_start3A_80, %dma_start3A_81] : memref<48x128xi32, #tpu.memory_space<vmem>> -> memref<48x128xi32, #tpu.memory_space<vmem>>
      %dma_start3A_83 = arith.constant 0 : i32
      %dma_start3A_84 = tpu.memref_slice %arg4[%add3A_64, %dma_start3A_83] : memref<2560x128xi32, #tpu.memory_space<hbm>> -> memref<48x128xi32, #tpu.memory_space<hbm>>
      tpu.enqueue_dma source(%dma_start3A_84 : memref<48x128xi32, #tpu.memory_space<hbm>>) target(%dma_start3A_82 : memref<48x128xi32, #tpu.memory_space<vmem>>) target_semaphore(%arg12 : memref<!tpu.dma_semaphore, #tpu.memory_space<semaphore_mem>>)
      %dma_wait3A_85 = arith.constant 0 : i32
      %dma_wait3A_86 = arith.constant 0 : i32
      %dma_wait3A_87 = tpu.memref_slice %arg7[%dma_wait3A_85, %dma_wait3A_86] : memref<48x128xi32, #tpu.memory_space<vmem>> -> memref<48x128xi32, #tpu.memory_space<vmem>>
      %dma_wait3A_88 = arith.constant 0 : i32
      %dma_wait3A_89 = tpu.memref_slice %arg3[%add3A_64, %dma_wait3A_88] : memref<2560x128xi32, #tpu.memory_space<hbm>> -> memref<48x128xi32, #tpu.memory_space<hbm>>
      %dma_wait3A_90 = arith.constant 0 : i32
      %dma_wait3A_91 = arith.constant 0 : i32
      %dma_wait3A_92 = tpu.memref_slice %arg7[%dma_wait3A_90, %dma_wait3A_91] : memref<48x128xi32, #tpu.memory_space<vmem>> -> memref<48x128xi32, #tpu.memory_space<vmem>>
      %dma_wait3A_93 = arith.constant 0 : i32
      %dma_wait3A_94 = tpu.memref_slice %arg3[%add3A_64, %dma_wait3A_93] : memref<2560x128xi32, #tpu.memory_space<hbm>> -> memref<48x128xi32, #tpu.memory_space<hbm>>
      tpu.wait_dma2 semaphore(%arg12 : memref<!tpu.dma_semaphore, #tpu.memory_space<semaphore_mem>>) src(%dma_wait3A_94 : memref<48x128xi32, #tpu.memory_space<hbm>>) dst(%dma_wait3A_92 : memref<48x128xi32, #tpu.memory_space<vmem>>)
      %dma_wait3A_95 = arith.constant 0 : i32
      %dma_wait3A_96 = arith.constant 0 : i32
      %dma_wait3A_97 = tpu.memref_slice %arg8[%dma_wait3A_95, %dma_wait3A_96] : memref<48x128xi32, #tpu.memory_space<vmem>> -> memref<48x128xi32, #tpu.memory_space<vmem>>
      %dma_wait3A_98 = arith.constant 0 : i32
      %dma_wait3A_99 = tpu.memref_slice %arg4[%add3A_64, %dma_wait3A_98] : memref<2560x128xi32, #tpu.memory_space<hbm>> -> memref<48x128xi32, #tpu.memory_space<hbm>>
      %dma_wait3A_100 = arith.constant 0 : i32
      %dma_wait3A_101 = arith.constant 0 : i32
      %dma_wait3A_102 = tpu.memref_slice %arg8[%dma_wait3A_100, %dma_wait3A_101] : memref<48x128xi32, #tpu.memory_space<vmem>> -> memref<48x128xi32, #tpu.memory_space<vmem>>
      %dma_wait3A_103 = arith.constant 0 : i32
      %dma_wait3A_104 = tpu.memref_slice %arg4[%add3A_64, %dma_wait3A_103] : memref<2560x128xi32, #tpu.memory_space<hbm>> -> memref<48x128xi32, #tpu.memory_space<hbm>>
      tpu.wait_dma2 semaphore(%arg12 : memref<!tpu.dma_semaphore, #tpu.memory_space<semaphore_mem>>) src(%dma_wait3A_104 : memref<48x128xi32, #tpu.memory_space<hbm>>) dst(%dma_wait3A_102 : memref<48x128xi32, #tpu.memory_space<vmem>>)
      %scan3A_105 = arith.constant 0 : i32
      %scan3A_106 = arith.constant 24 : i32
      %scan3A_107 = arith.addi %scan3A_105, %scan3A_106 : i32
      %scan3A_108 = arith.constant 1 : i32
      scf.for %scan3A_204 = %scan3A_105 to %scan3A_107 step %scan3A_108  : i32 {
        %mul3A_205 = arith.constant 2 : i32
        %mul3A_206 = arith.muli %scan3A_204, %mul3A_205 : i32
        %add3A_207 = arith.constant 0 : i32
        %add3A_208 = arith.addi %add3A_207, %mul3A_206 : i32
        %dma_start3A_209 = arith.constant 0 : i32
        %dma_start3A_210 = tpu.memref_slice %arg7[%add3A_208, %dma_start3A_209] : memref<48x128xi32, #tpu.memory_space<vmem>> -> memref<1x128xi32, #tpu.memory_space<vmem>>
        %dma_start3A_211 = tpu.memref_squeeze %dma_start3A_210 : memref<1x128xi32, #tpu.memory_space<vmem>> -> memref<128xi32, #tpu.memory_space<vmem>>
        %dma_start3A_212 = arith.constant 0 : i32
        %dma_start3A_213 = arith.constant 0 : i32
        %dma_start3A_214 = tpu.memref_slice %arg2[%dma_start3A_212, %dma_start3A_213] : memref<10000x128xf32, #tpu.memory_space<hbm>> -> memref<10000x128xf32, #tpu.memory_space<hbm>>
        tpu.enqueue_indirect_dma source(%dma_start3A_214 : memref<10000x128xf32, #tpu.memory_space<hbm>>) target(%arg9 : memref<128x128xf32, #tpu.memory_space<vmem>>) offsets(%dma_start3A_211 : memref<128xi32, #tpu.memory_space<vmem>>) semaphore(%arg13 : memref<!tpu.dma_semaphore, #tpu.memory_space<semaphore_mem>>)
        %add3A_215 = arith.constant 1 : i32
        %add3A_216 = arith.addi %add3A_208, %add3A_215 : i32
        %dma_start3A_217 = arith.constant 0 : i32
        %dma_start3A_218 = tpu.memref_slice %arg7[%add3A_216, %dma_start3A_217] : memref<48x128xi32, #tpu.memory_space<vmem>> -> memref<1x128xi32, #tpu.memory_space<vmem>>
        %dma_start3A_219 = tpu.memref_squeeze %dma_start3A_218 : memref<1x128xi32, #tpu.memory_space<vmem>> -> memref<128xi32, #tpu.memory_space<vmem>>
        %dma_start3A_220 = arith.constant 0 : i32
        %dma_start3A_221 = arith.constant 0 : i32
        %dma_start3A_222 = tpu.memref_slice %arg2[%dma_start3A_220, %dma_start3A_221] : memref<10000x128xf32, #tpu.memory_space<hbm>> -> memref<10000x128xf32, #tpu.memory_space<hbm>>
        tpu.enqueue_indirect_dma source(%dma_start3A_222 : memref<10000x128xf32, #tpu.memory_space<hbm>>) target(%arg10 : memref<128x128xf32, #tpu.memory_space<vmem>>) offsets(%dma_start3A_219 : memref<128xi32, #tpu.memory_space<vmem>>) semaphore(%arg14 : memref<!tpu.dma_semaphore, #tpu.memory_space<semaphore_mem>>)
        %dma_wait3A_223 = arith.constant 0 : i32
        %dma_wait3A_224 = tpu.memref_slice %arg7[%add3A_208, %dma_wait3A_223] : memref<48x128xi32, #tpu.memory_space<vmem>> -> memref<1x128xi32, #tpu.memory_space<vmem>>
        %dma_wait3A_225 = tpu.memref_squeeze %dma_wait3A_224 : memref<1x128xi32, #tpu.memory_space<vmem>> -> memref<128xi32, #tpu.memory_space<vmem>>
        %dma_wait3A_226 = arith.constant 0 : i32
        %dma_wait3A_227 = arith.constant 0 : i32
        %dma_wait3A_228 = tpu.memref_slice %arg2[%dma_wait3A_226, %dma_wait3A_227] : memref<10000x128xf32, #tpu.memory_space<hbm>> -> memref<10000x128xf32, #tpu.memory_space<hbm>>
        tpu.wait_indirect_dma semaphore(%arg13 : memref<!tpu.dma_semaphore, #tpu.memory_space<semaphore_mem>>) src(%dma_wait3A_228 : memref<10000x128xf32, #tpu.memory_space<hbm>>) dst(%arg9 : memref<128x128xf32, #tpu.memory_space<vmem>>)
        %dma_start3A_229 = arith.constant 0 : i32
        %dma_start3A_230 = tpu.memref_slice %arg8[%add3A_208, %dma_start3A_229] : memref<48x128xi32, #tpu.memory_space<vmem>> -> memref<1x128xi32, #tpu.memory_space<vmem>>
        %dma_start3A_231 = tpu.memref_squeeze %dma_start3A_230 : memref<1x128xi32, #tpu.memory_space<vmem>> -> memref<128xi32, #tpu.memory_space<vmem>>
        %dma_start3A_232 = arith.constant 0 : i32
        %dma_start3A_233 = arith.constant 0 : i32
        %dma_start3A_234 = tpu.memref_slice %arg11[%dma_start3A_232, %dma_start3A_233] : memref<10112x128xf32, #tpu.memory_space<vmem_shared>> -> memref<10112x128xf32, #tpu.memory_space<vmem_shared>>
        tpu.enqueue_indirect_dma source(%arg9 : memref<128x128xf32, #tpu.memory_space<vmem>>) target(%dma_start3A_234 : memref<10112x128xf32, #tpu.memory_space<vmem_shared>>) offsets(%dma_start3A_231 : memref<128xi32, #tpu.memory_space<vmem>>) semaphore(%arg15 : memref<!tpu.dma_semaphore, #tpu.memory_space<semaphore_mem>>) {add = true}
        %dma_wait3A_235 = arith.constant 0 : i32
        %dma_wait3A_236 = tpu.memref_slice %arg7[%add3A_216, %dma_wait3A_235] : memref<48x128xi32, #tpu.memory_space<vmem>> -> memref<1x128xi32, #tpu.memory_space<vmem>>
        %dma_wait3A_237 = tpu.memref_squeeze %dma_wait3A_236 : memref<1x128xi32, #tpu.memory_space<vmem>> -> memref<128xi32, #tpu.memory_space<vmem>>
        %dma_wait3A_238 = arith.constant 0 : i32
        %dma_wait3A_239 = arith.constant 0 : i32
        %dma_wait3A_240 = tpu.memref_slice %arg2[%dma_wait3A_238, %dma_wait3A_239] : memref<10000x128xf32, #tpu.memory_space<hbm>> -> memref<10000x128xf32, #tpu.memory_space<hbm>>
        tpu.wait_indirect_dma semaphore(%arg14 : memref<!tpu.dma_semaphore, #tpu.memory_space<semaphore_mem>>) src(%dma_wait3A_240 : memref<10000x128xf32, #tpu.memory_space<hbm>>) dst(%arg10 : memref<128x128xf32, #tpu.memory_space<vmem>>)
        %add3A_241 = arith.constant 1 : i32
        %add3A_242 = arith.addi %add3A_208, %add3A_241 : i32
        %dma_start3A_243 = arith.constant 0 : i32
        %dma_start3A_244 = tpu.memref_slice %arg8[%add3A_242, %dma_start3A_243] : memref<48x128xi32, #tpu.memory_space<vmem>> -> memref<1x128xi32, #tpu.memory_space<vmem>>
        %dma_start3A_245 = tpu.memref_squeeze %dma_start3A_244 : memref<1x128xi32, #tpu.memory_space<vmem>> -> memref<128xi32, #tpu.memory_space<vmem>>
        %dma_start3A_246 = arith.constant 0 : i32
        %dma_start3A_247 = arith.constant 0 : i32
        %dma_start3A_248 = tpu.memref_slice %arg11[%dma_start3A_246, %dma_start3A_247] : memref<10112x128xf32, #tpu.memory_space<vmem_shared>> -> memref<10112x128xf32, #tpu.memory_space<vmem_shared>>
        tpu.enqueue_indirect_dma source(%arg10 : memref<128x128xf32, #tpu.memory_space<vmem>>) target(%dma_start3A_248 : memref<10112x128xf32, #tpu.memory_space<vmem_shared>>) offsets(%dma_start3A_245 : memref<128xi32, #tpu.memory_space<vmem>>) semaphore(%arg16 : memref<!tpu.dma_semaphore, #tpu.memory_space<semaphore_mem>>) {add = true}
        %dma_wait3A_249 = arith.constant 0 : i32
        %dma_wait3A_250 = tpu.memref_slice %arg8[%add3A_208, %dma_wait3A_249] : memref<48x128xi32, #tpu.memory_space<vmem>> -> memref<1x128xi32, #tpu.memory_space<vmem>>
        %dma_wait3A_251 = tpu.memref_squeeze %dma_wait3A_250 : memref<1x128xi32, #tpu.memory_space<vmem>> -> memref<128xi32, #tpu.memory_space<vmem>>
        %dma_wait3A_252 = arith.constant 0 : i32
        %dma_wait3A_253 = arith.constant 0 : i32
        %dma_wait3A_254 = tpu.memref_slice %arg11[%dma_wait3A_252, %dma_wait3A_253] : memref<10112x128xf32, #tpu.memory_space<vmem_shared>> -> memref<10112x128xf32, #tpu.memory_space<vmem_shared>>
        tpu.wait_indirect_dma semaphore(%arg15 : memref<!tpu.dma_semaphore, #tpu.memory_space<semaphore_mem>>) src(%arg9 : memref<128x128xf32, #tpu.memory_space<vmem>>) dst(%dma_wait3A_254 : memref<10112x128xf32, #tpu.memory_space<vmem_shared>>)
        %dma_wait3A_255 = arith.constant 0 : i32
        %dma_wait3A_256 = tpu.memref_slice %arg8[%add3A_242, %dma_wait3A_255] : memref<48x128xi32, #tpu.memory_space<vmem>> -> memref<1x128xi32, #tpu.memory_space<vmem>>
        %dma_wait3A_257 = tpu.memref_squeeze %dma_wait3A_256 : memref<1x128xi32, #tpu.memory_space<vmem>> -> memref<128xi32, #tpu.memory_space<vmem>>
        %dma_wait3A_258 = arith.constant 0 : i32
        %dma_wait3A_259 = arith.constant 0 : i32
        %dma_wait3A_260 = tpu.memref_slice %arg11[%dma_wait3A_258, %dma_wait3A_259] : memref<10112x128xf32, #tpu.memory_space<vmem_shared>> -> memref<10112x128xf32, #tpu.memory_space<vmem_shared>>
        tpu.wait_indirect_dma semaphore(%arg16 : memref<!tpu.dma_semaphore, #tpu.memory_space<semaphore_mem>>) src(%arg10 : memref<128x128xf32, #tpu.memory_space<vmem>>) dst(%dma_wait3A_260 : memref<10112x128xf32, #tpu.memory_space<vmem_shared>>)
      }
      %scan3A_109 = arith.constant 24 : i32
      %add3A_110 = arith.constant 96 : i32
      %add3A_111 = arith.addi %mul3A_18, %add3A_110 : i32
      %dma_start3A_112 = arith.constant 0 : i32
      %dma_start3A_113 = arith.constant 0 : i32
      %dma_start3A_114 = tpu.memref_slice %arg7[%dma_start3A_112, %dma_start3A_113] : memref<48x128xi32, #tpu.memory_space<vmem>> -> memref<48x128xi32, #tpu.memory_space<vmem>>
      %dma_start3A_115 = arith.constant 0 : i32
      %dma_start3A_116 = tpu.memref_slice %arg3[%add3A_111, %dma_start3A_115] : memref<2560x128xi32, #tpu.memory_space<hbm>> -> memref<48x128xi32, #tpu.memory_space<hbm>>
      %dma_start3A_117 = arith.constant 0 : i32
      %dma_start3A_118 = arith.constant 0 : i32
      %dma_start3A_119 = tpu.memref_slice %arg7[%dma_start3A_117, %dma_start3A_118] : memref<48x128xi32, #tpu.memory_space<vmem>> -> memref<48x128xi32, #tpu.memory_space<vmem>>
      %dma_start3A_120 = arith.constant 0 : i32
      %dma_start3A_121 = tpu.memref_slice %arg3[%add3A_111, %dma_start3A_120] : memref<2560x128xi32, #tpu.memory_space<hbm>> -> memref<48x128xi32, #tpu.memory_space<hbm>>
      tpu.enqueue_dma source(%dma_start3A_121 : memref<48x128xi32, #tpu.memory_space<hbm>>) target(%dma_start3A_119 : memref<48x128xi32, #tpu.memory_space<vmem>>) target_semaphore(%arg12 : memref<!tpu.dma_semaphore, #tpu.memory_space<semaphore_mem>>)
      %dma_start3A_122 = arith.constant 0 : i32
      %dma_start3A_123 = arith.constant 0 : i32
      %dma_start3A_124 = tpu.memref_slice %arg8[%dma_start3A_122, %dma_start3A_123] : memref<48x128xi32, #tpu.memory_space<vmem>> -> memref<48x128xi32, #tpu.memory_space<vmem>>
      %dma_start3A_125 = arith.constant 0 : i32
      %dma_start3A_126 = tpu.memref_slice %arg4[%add3A_111, %dma_start3A_125] : memref<2560x128xi32, #tpu.memory_space<hbm>> -> memref<48x128xi32, #tpu.memory_space<hbm>>
      %dma_start3A_127 = arith.constant 0 : i32
      %dma_start3A_128 = arith.constant 0 : i32
      %dma_start3A_129 = tpu.memref_slice %arg8[%dma_start3A_127, %dma_start3A_128] : memref<48x128xi32, #tpu.memory_space<vmem>> -> memref<48x128xi32, #tpu.memory_space<vmem>>
      %dma_start3A_130 = arith.constant 0 : i32
      %dma_start3A_131 = tpu.memref_slice %arg4[%add3A_111, %dma_start3A_130] : memref<2560x128xi32, #tpu.memory_space<hbm>> -> memref<48x128xi32, #tpu.memory_space<hbm>>
      tpu.enqueue_dma source(%dma_start3A_131 : memref<48x128xi32, #tpu.memory_space<hbm>>) target(%dma_start3A_129 : memref<48x128xi32, #tpu.memory_space<vmem>>) target_semaphore(%arg12 : memref<!tpu.dma_semaphore, #tpu.memory_space<semaphore_mem>>)
      %dma_wait3A_132 = arith.constant 0 : i32
      %dma_wait3A_133 = arith.constant 0 : i32
      %dma_wait3A_134 = tpu.memref_slice %arg7[%dma_wait3A_132, %dma_wait3A_133] : memref<48x128xi32, #tpu.memory_space<vmem>> -> memref<48x128xi32, #tpu.memory_space<vmem>>
      %dma_wait3A_135 = arith.constant 0 : i32
      %dma_wait3A_136 = tpu.memref_slice %arg3[%add3A_111, %dma_wait3A_135] : memref<2560x128xi32, #tpu.memory_space<hbm>> -> memref<48x128xi32, #tpu.memory_space<hbm>>
      %dma_wait3A_137 = arith.constant 0 : i32
      %dma_wait3A_138 = arith.constant 0 : i32
      %dma_wait3A_139 = tpu.memref_slice %arg7[%dma_wait3A_137, %dma_wait3A_138] : memref<48x128xi32, #tpu.memory_space<vmem>> -> memref<48x128xi32, #tpu.memory_space<vmem>>
      %dma_wait3A_140 = arith.constant 0 : i32
      %dma_wait3A_141 = tpu.memref_slice %arg3[%add3A_111, %dma_wait3A_140] : memref<2560x128xi32, #tpu.memory_space<hbm>> -> memref<48x128xi32, #tpu.memory_space<hbm>>
      tpu.wait_dma2 semaphore(%arg12 : memref<!tpu.dma_semaphore, #tpu.memory_space<semaphore_mem>>) src(%dma_wait3A_141 : memref<48x128xi32, #tpu.memory_space<hbm>>) dst(%dma_wait3A_139 : memref<48x128xi32, #tpu.memory_space<vmem>>)
      %dma_wait3A_142 = arith.constant 0 : i32
      %dma_wait3A_143 = arith.constant 0 : i32
      %dma_wait3A_144 = tpu.memref_slice %arg8[%dma_wait3A_142, %dma_wait3A_143] : memref<48x128xi32, #tpu.memory_space<vmem>> -> memref<48x128xi32, #tpu.memory_space<vmem>>
      %dma_wait3A_145 = arith.constant 0 : i32
      %dma_wait3A_146 = tpu.memref_slice %arg4[%add3A_111, %dma_wait3A_145] : memref<2560x128xi32, #tpu.memory_space<hbm>> -> memref<48x128xi32, #tpu.memory_space<hbm>>
      %dma_wait3A_147 = arith.constant 0 : i32
      %dma_wait3A_148 = arith.constant 0 : i32
      %dma_wait3A_149 = tpu.memref_slice %arg8[%dma_wait3A_147, %dma_wait3A_148] : memref<48x128xi32, #tpu.memory_space<vmem>> -> memref<48x128xi32, #tpu.memory_space<vmem>>
      %dma_wait3A_150 = arith.constant 0 : i32
      %dma_wait3A_151 = tpu.memref_slice %arg4[%add3A_111, %dma_wait3A_150] : memref<2560x128xi32, #tpu.memory_space<hbm>> -> memref<48x128xi32, #tpu.memory_space<hbm>>
      tpu.wait_dma2 semaphore(%arg12 : memref<!tpu.dma_semaphore, #tpu.memory_space<semaphore_mem>>) src(%dma_wait3A_151 : memref<48x128xi32, #tpu.memory_space<hbm>>) dst(%dma_wait3A_149 : memref<48x128xi32, #tpu.memory_space<vmem>>)
      %scan3A_152 = arith.constant 0 : i32
      %scan3A_153 = arith.constant 24 : i32
      %scan3A_154 = arith.addi %scan3A_152, %scan3A_153 : i32
      %scan3A_155 = arith.constant 1 : i32
      scf.for %scan3A_204 = %scan3A_152 to %scan3A_154 step %scan3A_155  : i32 {
        %mul3A_205 = arith.constant 2 : i32
        %mul3A_206 = arith.muli %scan3A_204, %mul3A_205 : i32
        %add3A_207 = arith.constant 0 : i32
        %add3A_208 = arith.addi %add3A_207, %mul3A_206 : i32
        %dma_start3A_209 = arith.constant 0 : i32
        %dma_start3A_210 = tpu.memref_slice %arg7[%add3A_208, %dma_start3A_209] : memref<48x128xi32, #tpu.memory_space<vmem>> -> memref<1x128xi32, #tpu.memory_space<vmem>>
        %dma_start3A_211 = tpu.memref_squeeze %dma_start3A_210 : memref<1x128xi32, #tpu.memory_space<vmem>> -> memref<128xi32, #tpu.memory_space<vmem>>
        %dma_start3A_212 = arith.constant 0 : i32
        %dma_start3A_213 = arith.constant 0 : i32
        %dma_start3A_214 = tpu.memref_slice %arg2[%dma_start3A_212, %dma_start3A_213] : memref<10000x128xf32, #tpu.memory_space<hbm>> -> memref<10000x128xf32, #tpu.memory_space<hbm>>
        tpu.enqueue_indirect_dma source(%dma_start3A_214 : memref<10000x128xf32, #tpu.memory_space<hbm>>) target(%arg9 : memref<128x128xf32, #tpu.memory_space<vmem>>) offsets(%dma_start3A_211 : memref<128xi32, #tpu.memory_space<vmem>>) semaphore(%arg13 : memref<!tpu.dma_semaphore, #tpu.memory_space<semaphore_mem>>)
        %add3A_215 = arith.constant 1 : i32
        %add3A_216 = arith.addi %add3A_208, %add3A_215 : i32
        %dma_start3A_217 = arith.constant 0 : i32
        %dma_start3A_218 = tpu.memref_slice %arg7[%add3A_216, %dma_start3A_217] : memref<48x128xi32, #tpu.memory_space<vmem>> -> memref<1x128xi32, #tpu.memory_space<vmem>>
        %dma_start3A_219 = tpu.memref_squeeze %dma_start3A_218 : memref<1x128xi32, #tpu.memory_space<vmem>> -> memref<128xi32, #tpu.memory_space<vmem>>
        %dma_start3A_220 = arith.constant 0 : i32
        %dma_start3A_221 = arith.constant 0 : i32
        %dma_start3A_222 = tpu.memref_slice %arg2[%dma_start3A_220, %dma_start3A_221] : memref<10000x128xf32, #tpu.memory_space<hbm>> -> memref<10000x128xf32, #tpu.memory_space<hbm>>
        tpu.enqueue_indirect_dma source(%dma_start3A_222 : memref<10000x128xf32, #tpu.memory_space<hbm>>) target(%arg10 : memref<128x128xf32, #tpu.memory_space<vmem>>) offsets(%dma_start3A_219 : memref<128xi32, #tpu.memory_space<vmem>>) semaphore(%arg14 : memref<!tpu.dma_semaphore, #tpu.memory_space<semaphore_mem>>)
        %dma_wait3A_223 = arith.constant 0 : i32
        %dma_wait3A_224 = tpu.memref_slice %arg7[%add3A_208, %dma_wait3A_223] : memref<48x128xi32, #tpu.memory_space<vmem>> -> memref<1x128xi32, #tpu.memory_space<vmem>>
        %dma_wait3A_225 = tpu.memref_squeeze %dma_wait3A_224 : memref<1x128xi32, #tpu.memory_space<vmem>> -> memref<128xi32, #tpu.memory_space<vmem>>
        %dma_wait3A_226 = arith.constant 0 : i32
        %dma_wait3A_227 = arith.constant 0 : i32
        %dma_wait3A_228 = tpu.memref_slice %arg2[%dma_wait3A_226, %dma_wait3A_227] : memref<10000x128xf32, #tpu.memory_space<hbm>> -> memref<10000x128xf32, #tpu.memory_space<hbm>>
        tpu.wait_indirect_dma semaphore(%arg13 : memref<!tpu.dma_semaphore, #tpu.memory_space<semaphore_mem>>) src(%dma_wait3A_228 : memref<10000x128xf32, #tpu.memory_space<hbm>>) dst(%arg9 : memref<128x128xf32, #tpu.memory_space<vmem>>)
        %dma_start3A_229 = arith.constant 0 : i32
        %dma_start3A_230 = tpu.memref_slice %arg8[%add3A_208, %dma_start3A_229] : memref<48x128xi32, #tpu.memory_space<vmem>> -> memref<1x128xi32, #tpu.memory_space<vmem>>
        %dma_start3A_231 = tpu.memref_squeeze %dma_start3A_230 : memref<1x128xi32, #tpu.memory_space<vmem>> -> memref<128xi32, #tpu.memory_space<vmem>>
        %dma_start3A_232 = arith.constant 0 : i32
        %dma_start3A_233 = arith.constant 0 : i32
        %dma_start3A_234 = tpu.memref_slice %arg11[%dma_start3A_232, %dma_start3A_233] : memref<10112x128xf32, #tpu.memory_space<vmem_shared>> -> memref<10112x128xf32, #tpu.memory_space<vmem_shared>>
        tpu.enqueue_indirect_dma source(%arg9 : memref<128x128xf32, #tpu.memory_space<vmem>>) target(%dma_start3A_234 : memref<10112x128xf32, #tpu.memory_space<vmem_shared>>) offsets(%dma_start3A_231 : memref<128xi32, #tpu.memory_space<vmem>>) semaphore(%arg15 : memref<!tpu.dma_semaphore, #tpu.memory_space<semaphore_mem>>) {add = true}
        %dma_wait3A_235 = arith.constant 0 : i32
        %dma_wait3A_236 = tpu.memref_slice %arg7[%add3A_216, %dma_wait3A_235] : memref<48x128xi32, #tpu.memory_space<vmem>> -> memref<1x128xi32, #tpu.memory_space<vmem>>
        %dma_wait3A_237 = tpu.memref_squeeze %dma_wait3A_236 : memref<1x128xi32, #tpu.memory_space<vmem>> -> memref<128xi32, #tpu.memory_space<vmem>>
        %dma_wait3A_238 = arith.constant 0 : i32
        %dma_wait3A_239 = arith.constant 0 : i32
        %dma_wait3A_240 = tpu.memref_slice %arg2[%dma_wait3A_238, %dma_wait3A_239] : memref<10000x128xf32, #tpu.memory_space<hbm>> -> memref<10000x128xf32, #tpu.memory_space<hbm>>
        tpu.wait_indirect_dma semaphore(%arg14 : memref<!tpu.dma_semaphore, #tpu.memory_space<semaphore_mem>>) src(%dma_wait3A_240 : memref<10000x128xf32, #tpu.memory_space<hbm>>) dst(%arg10 : memref<128x128xf32, #tpu.memory_space<vmem>>)
        %add3A_241 = arith.constant 1 : i32
        %add3A_242 = arith.addi %add3A_208, %add3A_241 : i32
        %dma_start3A_243 = arith.constant 0 : i32
        %dma_start3A_244 = tpu.memref_slice %arg8[%add3A_242, %dma_start3A_243] : memref<48x128xi32, #tpu.memory_space<vmem>> -> memref<1x128xi32, #tpu.memory_space<vmem>>
        %dma_start3A_245 = tpu.memref_squeeze %dma_start3A_244 : memref<1x128xi32, #tpu.memory_space<vmem>> -> memref<128xi32, #tpu.memory_space<vmem>>
        %dma_start3A_246 = arith.constant 0 : i32
        %dma_start3A_247 = arith.constant 0 : i32
        %dma_start3A_248 = tpu.memref_slice %arg11[%dma_start3A_246, %dma_start3A_247] : memref<10112x128xf32, #tpu.memory_space<vmem_shared>> -> memref<10112x128xf32, #tpu.memory_space<vmem_shared>>
        tpu.enqueue_indirect_dma source(%arg10 : memref<128x128xf32, #tpu.memory_space<vmem>>) target(%dma_start3A_248 : memref<10112x128xf32, #tpu.memory_space<vmem_shared>>) offsets(%dma_start3A_245 : memref<128xi32, #tpu.memory_space<vmem>>) semaphore(%arg16 : memref<!tpu.dma_semaphore, #tpu.memory_space<semaphore_mem>>) {add = true}
        %dma_wait3A_249 = arith.constant 0 : i32
        %dma_wait3A_250 = tpu.memref_slice %arg8[%add3A_208, %dma_wait3A_249] : memref<48x128xi32, #tpu.memory_space<vmem>> -> memref<1x128xi32, #tpu.memory_space<vmem>>
        %dma_wait3A_251 = tpu.memref_squeeze %dma_wait3A_250 : memref<1x128xi32, #tpu.memory_space<vmem>> -> memref<128xi32, #tpu.memory_space<vmem>>
        %dma_wait3A_252 = arith.constant 0 : i32
        %dma_wait3A_253 = arith.constant 0 : i32
        %dma_wait3A_254 = tpu.memref_slice %arg11[%dma_wait3A_252, %dma_wait3A_253] : memref<10112x128xf32, #tpu.memory_space<vmem_shared>> -> memref<10112x128xf32, #tpu.memory_space<vmem_shared>>
        tpu.wait_indirect_dma semaphore(%arg15 : memref<!tpu.dma_semaphore, #tpu.memory_space<semaphore_mem>>) src(%arg9 : memref<128x128xf32, #tpu.memory_space<vmem>>) dst(%dma_wait3A_254 : memref<10112x128xf32, #tpu.memory_space<vmem_shared>>)
        %dma_wait3A_255 = arith.constant 0 : i32
        %dma_wait3A_256 = tpu.memref_slice %arg8[%add3A_242, %dma_wait3A_255] : memref<48x128xi32, #tpu.memory_space<vmem>> -> memref<1x128xi32, #tpu.memory_space<vmem>>
        %dma_wait3A_257 = tpu.memref_squeeze %dma_wait3A_256 : memref<1x128xi32, #tpu.memory_space<vmem>> -> memref<128xi32, #tpu.memory_space<vmem>>
        %dma_wait3A_258 = arith.constant 0 : i32
        %dma_wait3A_259 = arith.constant 0 : i32
        %dma_wait3A_260 = tpu.memref_slice %arg11[%dma_wait3A_258, %dma_wait3A_259] : memref<10112x128xf32, #tpu.memory_space<vmem_shared>> -> memref<10112x128xf32, #tpu.memory_space<vmem_shared>>
        tpu.wait_indirect_dma semaphore(%arg16 : memref<!tpu.dma_semaphore, #tpu.memory_space<semaphore_mem>>) src(%arg10 : memref<128x128xf32, #tpu.memory_space<vmem>>) dst(%dma_wait3A_260 : memref<10112x128xf32, #tpu.memory_space<vmem_shared>>)
      }
      %scan3A_156 = arith.constant 24 : i32
      %add3A_157 = arith.constant 144 : i32
      %add3A_158 = arith.addi %mul3A_18, %add3A_157 : i32
      %dma_start3A_159 = arith.constant 0 : i32
      %dma_start3A_160 = arith.constant 0 : i32
      %dma_start3A_161 = tpu.memref_slice %arg7[%dma_start3A_159, %dma_start3A_160] : memref<48x128xi32, #tpu.memory_space<vmem>> -> memref<8x128xi32, #tpu.memory_space<vmem>>
      %dma_start3A_162 = arith.constant 0 : i32
      %dma_start3A_163 = tpu.memref_slice %arg3[%add3A_158, %dma_start3A_162] : memref<2560x128xi32, #tpu.memory_space<hbm>> -> memref<8x128xi32, #tpu.memory_space<hbm>>
      %dma_start3A_164 = arith.constant 0 : i32
      %dma_start3A_165 = arith.constant 0 : i32
      %dma_start3A_166 = tpu.memref_slice %arg7[%dma_start3A_164, %dma_start3A_165] : memref<48x128xi32, #tpu.memory_space<vmem>> -> memref<8x128xi32, #tpu.memory_space<vmem>>
      %dma_start3A_167 = arith.constant 0 : i32
      %dma_start3A_168 = tpu.memref_slice %arg3[%add3A_158, %dma_start3A_167] : memref<2560x128xi32, #tpu.memory_space<hbm>> -> memref<8x128xi32, #tpu.memory_space<hbm>>
      tpu.enqueue_dma source(%dma_start3A_168 : memref<8x128xi32, #tpu.memory_space<hbm>>) target(%dma_start3A_166 : memref<8x128xi32, #tpu.memory_space<vmem>>) target_semaphore(%arg12 : memref<!tpu.dma_semaphore, #tpu.memory_space<semaphore_mem>>)
      %dma_start3A_169 = arith.constant 0 : i32
      %dma_start3A_170 = arith.constant 0 : i32
      %dma_start3A_171 = tpu.memref_slice %arg8[%dma_start3A_169, %dma_start3A_170] : memref<48x128xi32, #tpu.memory_space<vmem>> -> memref<8x128xi32, #tpu.memory_space<vmem>>
      %dma_start3A_172 = arith.constant 0 : i32
      %dma_start3A_173 = tpu.memref_slice %arg4[%add3A_158, %dma_start3A_172] : memref<2560x128xi32, #tpu.memory_space<hbm>> -> memref<8x128xi32, #tpu.memory_space<hbm>>
      %dma_start3A_174 = arith.constant 0 : i32
      %dma_start3A_175 = arith.constant 0 : i32
      %dma_start3A_176 = tpu.memref_slice %arg8[%dma_start3A_174, %dma_start3A_175] : memref<48x128xi32, #tpu.memory_space<vmem>> -> memref<8x128xi32, #tpu.memory_space<vmem>>
      %dma_start3A_177 = arith.constant 0 : i32
      %dma_start3A_178 = tpu.memref_slice %arg4[%add3A_158, %dma_start3A_177] : memref<2560x128xi32, #tpu.memory_space<hbm>> -> memref<8x128xi32, #tpu.memory_space<hbm>>
      tpu.enqueue_dma source(%dma_start3A_178 : memref<8x128xi32, #tpu.memory_space<hbm>>) target(%dma_start3A_176 : memref<8x128xi32, #tpu.memory_space<vmem>>) target_semaphore(%arg12 : memref<!tpu.dma_semaphore, #tpu.memory_space<semaphore_mem>>)
      %dma_wait3A_179 = arith.constant 0 : i32
      %dma_wait3A_180 = arith.constant 0 : i32
      %dma_wait3A_181 = tpu.memref_slice %arg7[%dma_wait3A_179, %dma_wait3A_180] : memref<48x128xi32, #tpu.memory_space<vmem>> -> memref<8x128xi32, #tpu.memory_space<vmem>>
      %dma_wait3A_182 = arith.constant 0 : i32
      %dma_wait3A_183 = tpu.memref_slice %arg3[%add3A_158, %dma_wait3A_182] : memref<2560x128xi32, #tpu.memory_space<hbm>> -> memref<8x128xi32, #tpu.memory_space<hbm>>
      %dma_wait3A_184 = arith.constant 0 : i32
      %dma_wait3A_185 = arith.constant 0 : i32
      %dma_wait3A_186 = tpu.memref_slice %arg7[%dma_wait3A_184, %dma_wait3A_185] : memref<48x128xi32, #tpu.memory_space<vmem>> -> memref<8x128xi32, #tpu.memory_space<vmem>>
      %dma_wait3A_187 = arith.constant 0 : i32
      %dma_wait3A_188 = tpu.memref_slice %arg3[%add3A_158, %dma_wait3A_187] : memref<2560x128xi32, #tpu.memory_space<hbm>> -> memref<8x128xi32, #tpu.memory_space<hbm>>
      tpu.wait_dma2 semaphore(%arg12 : memref<!tpu.dma_semaphore, #tpu.memory_space<semaphore_mem>>) src(%dma_wait3A_188 : memref<8x128xi32, #tpu.memory_space<hbm>>) dst(%dma_wait3A_186 : memref<8x128xi32, #tpu.memory_space<vmem>>)
      %dma_wait3A_189 = arith.constant 0 : i32
      %dma_wait3A_190 = arith.constant 0 : i32
      %dma_wait3A_191 = tpu.memref_slice %arg8[%dma_wait3A_189, %dma_wait3A_190] : memref<48x128xi32, #tpu.memory_space<vmem>> -> memref<8x128xi32, #tpu.memory_space<vmem>>
      %dma_wait3A_192 = arith.constant 0 : i32
      %dma_wait3A_193 = tpu.memref_slice %arg4[%add3A_158, %dma_wait3A_192] : memref<2560x128xi32, #tpu.memory_space<hbm>> -> memref<8x128xi32, #tpu.memory_space<hbm>>
      %dma_wait3A_194 = arith.constant 0 : i32
      %dma_wait3A_195 = arith.constant 0 : i32
      %dma_wait3A_196 = tpu.memref_slice %arg8[%dma_wait3A_194, %dma_wait3A_195] : memref<48x128xi32, #tpu.memory_space<vmem>> -> memref<8x128xi32, #tpu.memory_space<vmem>>
      %dma_wait3A_197 = arith.constant 0 : i32
      %dma_wait3A_198 = tpu.memref_slice %arg4[%add3A_158, %dma_wait3A_197] : memref<2560x128xi32, #tpu.memory_space<hbm>> -> memref<8x128xi32, #tpu.memory_space<hbm>>
      tpu.wait_dma2 semaphore(%arg12 : memref<!tpu.dma_semaphore, #tpu.memory_space<semaphore_mem>>) src(%dma_wait3A_198 : memref<8x128xi32, #tpu.memory_space<hbm>>) dst(%dma_wait3A_196 : memref<8x128xi32, #tpu.memory_space<vmem>>)
      %scan3A_199 = arith.constant 0 : i32
      %scan3A_200 = arith.constant 4 : i32
      %scan3A_201 = arith.addi %scan3A_199, %scan3A_200 : i32
      %scan3A_202 = arith.constant 1 : i32
      scf.for %scan3A_204 = %scan3A_199 to %scan3A_201 step %scan3A_202  : i32 {
        %mul3A_205 = arith.constant 2 : i32
        %mul3A_206 = arith.muli %scan3A_204, %mul3A_205 : i32
        %add3A_207 = arith.constant 0 : i32
        %add3A_208 = arith.addi %add3A_207, %mul3A_206 : i32
        %dma_start3A_209 = arith.constant 0 : i32
        %dma_start3A_210 = tpu.memref_slice %arg7[%add3A_208, %dma_start3A_209] : memref<48x128xi32, #tpu.memory_space<vmem>> -> memref<1x128xi32, #tpu.memory_space<vmem>>
        %dma_start3A_211 = tpu.memref_squeeze %dma_start3A_210 : memref<1x128xi32, #tpu.memory_space<vmem>> -> memref<128xi32, #tpu.memory_space<vmem>>
        %dma_start3A_212 = arith.constant 0 : i32
        %dma_start3A_213 = arith.constant 0 : i32
        %dma_start3A_214 = tpu.memref_slice %arg2[%dma_start3A_212, %dma_start3A_213] : memref<10000x128xf32, #tpu.memory_space<hbm>> -> memref<10000x128xf32, #tpu.memory_space<hbm>>
        tpu.enqueue_indirect_dma source(%dma_start3A_214 : memref<10000x128xf32, #tpu.memory_space<hbm>>) target(%arg9 : memref<128x128xf32, #tpu.memory_space<vmem>>) offsets(%dma_start3A_211 : memref<128xi32, #tpu.memory_space<vmem>>) semaphore(%arg13 : memref<!tpu.dma_semaphore, #tpu.memory_space<semaphore_mem>>)
        %add3A_215 = arith.constant 1 : i32
        %add3A_216 = arith.addi %add3A_208, %add3A_215 : i32
        %dma_start3A_217 = arith.constant 0 : i32
        %dma_start3A_218 = tpu.memref_slice %arg7[%add3A_216, %dma_start3A_217] : memref<48x128xi32, #tpu.memory_space<vmem>> -> memref<1x128xi32, #tpu.memory_space<vmem>>
        %dma_start3A_219 = tpu.memref_squeeze %dma_start3A_218 : memref<1x128xi32, #tpu.memory_space<vmem>> -> memref<128xi32, #tpu.memory_space<vmem>>
        %dma_start3A_220 = arith.constant 0 : i32
        %dma_start3A_221 = arith.constant 0 : i32
        %dma_start3A_222 = tpu.memref_slice %arg2[%dma_start3A_220, %dma_start3A_221] : memref<10000x128xf32, #tpu.memory_space<hbm>> -> memref<10000x128xf32, #tpu.memory_space<hbm>>
        tpu.enqueue_indirect_dma source(%dma_start3A_222 : memref<10000x128xf32, #tpu.memory_space<hbm>>) target(%arg10 : memref<128x128xf32, #tpu.memory_space<vmem>>) offsets(%dma_start3A_219 : memref<128xi32, #tpu.memory_space<vmem>>) semaphore(%arg14 : memref<!tpu.dma_semaphore, #tpu.memory_space<semaphore_mem>>)
        %dma_wait3A_223 = arith.constant 0 : i32
        %dma_wait3A_224 = tpu.memref_slice %arg7[%add3A_208, %dma_wait3A_223] : memref<48x128xi32, #tpu.memory_space<vmem>> -> memref<1x128xi32, #tpu.memory_space<vmem>>
        %dma_wait3A_225 = tpu.memref_squeeze %dma_wait3A_224 : memref<1x128xi32, #tpu.memory_space<vmem>> -> memref<128xi32, #tpu.memory_space<vmem>>
        %dma_wait3A_226 = arith.constant 0 : i32
        %dma_wait3A_227 = arith.constant 0 : i32
        %dma_wait3A_228 = tpu.memref_slice %arg2[%dma_wait3A_226, %dma_wait3A_227] : memref<10000x128xf32, #tpu.memory_space<hbm>> -> memref<10000x128xf32, #tpu.memory_space<hbm>>
        tpu.wait_indirect_dma semaphore(%arg13 : memref<!tpu.dma_semaphore, #tpu.memory_space<semaphore_mem>>) src(%dma_wait3A_228 : memref<10000x128xf32, #tpu.memory_space<hbm>>) dst(%arg9 : memref<128x128xf32, #tpu.memory_space<vmem>>)
        %dma_start3A_229 = arith.constant 0 : i32
        %dma_start3A_230 = tpu.memref_slice %arg8[%add3A_208, %dma_start3A_229] : memref<48x128xi32, #tpu.memory_space<vmem>> -> memref<1x128xi32, #tpu.memory_space<vmem>>
        %dma_start3A_231 = tpu.memref_squeeze %dma_start3A_230 : memref<1x128xi32, #tpu.memory_space<vmem>> -> memref<128xi32, #tpu.memory_space<vmem>>
        %dma_start3A_232 = arith.constant 0 : i32
        %dma_start3A_233 = arith.constant 0 : i32
        %dma_start3A_234 = tpu.memref_slice %arg11[%dma_start3A_232, %dma_start3A_233] : memref<10112x128xf32, #tpu.memory_space<vmem_shared>> -> memref<10112x128xf32, #tpu.memory_space<vmem_shared>>
        tpu.enqueue_indirect_dma source(%arg9 : memref<128x128xf32, #tpu.memory_space<vmem>>) target(%dma_start3A_234 : memref<10112x128xf32, #tpu.memory_space<vmem_shared>>) offsets(%dma_start3A_231 : memref<128xi32, #tpu.memory_space<vmem>>) semaphore(%arg15 : memref<!tpu.dma_semaphore, #tpu.memory_space<semaphore_mem>>) {add = true}
        %dma_wait3A_235 = arith.constant 0 : i32
        %dma_wait3A_236 = tpu.memref_slice %arg7[%add3A_216, %dma_wait3A_235] : memref<48x128xi32, #tpu.memory_space<vmem>> -> memref<1x128xi32, #tpu.memory_space<vmem>>
        %dma_wait3A_237 = tpu.memref_squeeze %dma_wait3A_236 : memref<1x128xi32, #tpu.memory_space<vmem>> -> memref<128xi32, #tpu.memory_space<vmem>>
        %dma_wait3A_238 = arith.constant 0 : i32
        %dma_wait3A_239 = arith.constant 0 : i32
        %dma_wait3A_240 = tpu.memref_slice %arg2[%dma_wait3A_238, %dma_wait3A_239] : memref<10000x128xf32, #tpu.memory_space<hbm>> -> memref<10000x128xf32, #tpu.memory_space<hbm>>
        tpu.wait_indirect_dma semaphore(%arg14 : memref<!tpu.dma_semaphore, #tpu.memory_space<semaphore_mem>>) src(%dma_wait3A_240 : memref<10000x128xf32, #tpu.memory_space<hbm>>) dst(%arg10 : memref<128x128xf32, #tpu.memory_space<vmem>>)
        %add3A_241 = arith.constant 1 : i32
        %add3A_242 = arith.addi %add3A_208, %add3A_241 : i32
        %dma_start3A_243 = arith.constant 0 : i32
        %dma_start3A_244 = tpu.memref_slice %arg8[%add3A_242, %dma_start3A_243] : memref<48x128xi32, #tpu.memory_space<vmem>> -> memref<1x128xi32, #tpu.memory_space<vmem>>
        %dma_start3A_245 = tpu.memref_squeeze %dma_start3A_244 : memref<1x128xi32, #tpu.memory_space<vmem>> -> memref<128xi32, #tpu.memory_space<vmem>>
        %dma_start3A_246 = arith.constant 0 : i32
        %dma_start3A_247 = arith.constant 0 : i32
        %dma_start3A_248 = tpu.memref_slice %arg11[%dma_start3A_246, %dma_start3A_247] : memref<10112x128xf32, #tpu.memory_space<vmem_shared>> -> memref<10112x128xf32, #tpu.memory_space<vmem_shared>>
        tpu.enqueue_indirect_dma source(%arg10 : memref<128x128xf32, #tpu.memory_space<vmem>>) target(%dma_start3A_248 : memref<10112x128xf32, #tpu.memory_space<vmem_shared>>) offsets(%dma_start3A_245 : memref<128xi32, #tpu.memory_space<vmem>>) semaphore(%arg16 : memref<!tpu.dma_semaphore, #tpu.memory_space<semaphore_mem>>) {add = true}
        %dma_wait3A_249 = arith.constant 0 : i32
        %dma_wait3A_250 = tpu.memref_slice %arg8[%add3A_208, %dma_wait3A_249] : memref<48x128xi32, #tpu.memory_space<vmem>> -> memref<1x128xi32, #tpu.memory_space<vmem>>
        %dma_wait3A_251 = tpu.memref_squeeze %dma_wait3A_250 : memref<1x128xi32, #tpu.memory_space<vmem>> -> memref<128xi32, #tpu.memory_space<vmem>>
        %dma_wait3A_252 = arith.constant 0 : i32
        %dma_wait3A_253 = arith.constant 0 : i32
        %dma_wait3A_254 = tpu.memref_slice %arg11[%dma_wait3A_252, %dma_wait3A_253] : memref<10112x128xf32, #tpu.memory_space<vmem_shared>> -> memref<10112x128xf32, #tpu.memory_space<vmem_shared>>
        tpu.wait_indirect_dma semaphore(%arg15 : memref<!tpu.dma_semaphore, #tpu.memory_space<semaphore_mem>>) src(%arg9 : memref<128x128xf32, #tpu.memory_space<vmem>>) dst(%dma_wait3A_254 : memref<10112x128xf32, #tpu.memory_space<vmem_shared>>)
        %dma_wait3A_255 = arith.constant 0 : i32
        %dma_wait3A_256 = tpu.memref_slice %arg8[%add3A_242, %dma_wait3A_255] : memref<48x128xi32, #tpu.memory_space<vmem>> -> memref<1x128xi32, #tpu.memory_space<vmem>>
        %dma_wait3A_257 = tpu.memref_squeeze %dma_wait3A_256 : memref<1x128xi32, #tpu.memory_space<vmem>> -> memref<128xi32, #tpu.memory_space<vmem>>
        %dma_wait3A_258 = arith.constant 0 : i32
        %dma_wait3A_259 = arith.constant 0 : i32
        %dma_wait3A_260 = tpu.memref_slice %arg11[%dma_wait3A_258, %dma_wait3A_259] : memref<10112x128xf32, #tpu.memory_space<vmem_shared>> -> memref<10112x128xf32, #tpu.memory_space<vmem_shared>>
        tpu.wait_indirect_dma semaphore(%arg16 : memref<!tpu.dma_semaphore, #tpu.memory_space<semaphore_mem>>) src(%arg10 : memref<128x128xf32, #tpu.memory_space<vmem>>) dst(%dma_wait3A_260 : memref<10112x128xf32, #tpu.memory_space<vmem_shared>>)
      }
      %scan3A_203 = arith.constant 4 : i32
    } else {
    }
    %eq3A_5 = arith.constant 1 : i32
    %eq3A_6 = arith.cmpi eq, %arg0, %eq3A_5 : i32
    %convert_element_type3A_7 = arith.extui %eq3A_6 : i1 to i32
    %cond3A_8 = arith.constant 0 : i32
    %cond3A_9 = arith.cmpi ne, %convert_element_type3A_7, %cond3A_8 : i32
    scf.if %cond3A_9 {
      %mul3A_17 = arith.constant 8 : i32
      %mul3A_18 = arith.muli %arg1, %mul3A_17 : i32
      %add3A_19 = arith.constant 2432 : i32
      %add3A_20 = arith.addi %add3A_19, %mul3A_18 : i32
      %add3A_21 = arith.constant 0 : i32
      %add3A_22 = arith.addi %add3A_20, %add3A_21 : i32
      %dma_start3A = arith.constant 0 : i32
      %dma_start3A_23 = arith.constant 0 : i32
      %dma_start3A_24 = tpu.memref_slice %arg7[%dma_start3A, %dma_start3A_23] : memref<48x128xi32, #tpu.memory_space<vmem>> -> memref<8x128xi32, #tpu.memory_space<vmem>>
      %dma_start3A_25 = arith.constant 0 : i32
      %dma_start3A_26 = tpu.memref_slice %arg3[%add3A_22, %dma_start3A_25] : memref<2560x128xi32, #tpu.memory_space<hbm>> -> memref<8x128xi32, #tpu.memory_space<hbm>>
      %dma_start3A_27 = arith.constant 0 : i32
      %dma_start3A_28 = arith.constant 0 : i32
      %dma_start3A_29 = tpu.memref_slice %arg7[%dma_start3A_27, %dma_start3A_28] : memref<48x128xi32, #tpu.memory_space<vmem>> -> memref<8x128xi32, #tpu.memory_space<vmem>>
      %dma_start3A_30 = arith.constant 0 : i32
      %dma_start3A_31 = tpu.memref_slice %arg3[%add3A_22, %dma_start3A_30] : memref<2560x128xi32, #tpu.memory_space<hbm>> -> memref<8x128xi32, #tpu.memory_space<hbm>>
      tpu.enqueue_dma source(%dma_start3A_31 : memref<8x128xi32, #tpu.memory_space<hbm>>) target(%dma_start3A_29 : memref<8x128xi32, #tpu.memory_space<vmem>>) target_semaphore(%arg12 : memref<!tpu.dma_semaphore, #tpu.memory_space<semaphore_mem>>)
      %dma_start3A_32 = arith.constant 0 : i32
      %dma_start3A_33 = arith.constant 0 : i32
      %dma_start3A_34 = tpu.memref_slice %arg8[%dma_start3A_32, %dma_start3A_33] : memref<48x128xi32, #tpu.memory_space<vmem>> -> memref<8x128xi32, #tpu.memory_space<vmem>>
      %dma_start3A_35 = arith.constant 0 : i32
      %dma_start3A_36 = tpu.memref_slice %arg4[%add3A_22, %dma_start3A_35] : memref<2560x128xi32, #tpu.memory_space<hbm>> -> memref<8x128xi32, #tpu.memory_space<hbm>>
      %dma_start3A_37 = arith.constant 0 : i32
      %dma_start3A_38 = arith.constant 0 : i32
      %dma_start3A_39 = tpu.memref_slice %arg8[%dma_start3A_37, %dma_start3A_38] : memref<48x128xi32, #tpu.memory_space<vmem>> -> memref<8x128xi32, #tpu.memory_space<vmem>>
      %dma_start3A_40 = arith.constant 0 : i32
      %dma_start3A_41 = tpu.memref_slice %arg4[%add3A_22, %dma_start3A_40] : memref<2560x128xi32, #tpu.memory_space<hbm>> -> memref<8x128xi32, #tpu.memory_space<hbm>>
      tpu.enqueue_dma source(%dma_start3A_41 : memref<8x128xi32, #tpu.memory_space<hbm>>) target(%dma_start3A_39 : memref<8x128xi32, #tpu.memory_space<vmem>>) target_semaphore(%arg12 : memref<!tpu.dma_semaphore, #tpu.memory_space<semaphore_mem>>)
      %dma_wait3A = arith.constant 0 : i32
      %dma_wait3A_42 = arith.constant 0 : i32
      %dma_wait3A_43 = tpu.memref_slice %arg7[%dma_wait3A, %dma_wait3A_42] : memref<48x128xi32, #tpu.memory_space<vmem>> -> memref<8x128xi32, #tpu.memory_space<vmem>>
      %dma_wait3A_44 = arith.constant 0 : i32
      %dma_wait3A_45 = tpu.memref_slice %arg3[%add3A_22, %dma_wait3A_44] : memref<2560x128xi32, #tpu.memory_space<hbm>> -> memref<8x128xi32, #tpu.memory_space<hbm>>
      %dma_wait3A_46 = arith.constant 0 : i32
      %dma_wait3A_47 = arith.constant 0 : i32
      %dma_wait3A_48 = tpu.memref_slice %arg7[%dma_wait3A_46, %dma_wait3A_47] : memref<48x128xi32, #tpu.memory_space<vmem>> -> memref<8x128xi32, #tpu.memory_space<vmem>>
      %dma_wait3A_49 = arith.constant 0 : i32
      %dma_wait3A_50 = tpu.memref_slice %arg3[%add3A_22, %dma_wait3A_49] : memref<2560x128xi32, #tpu.memory_space<hbm>> -> memref<8x128xi32, #tpu.memory_space<hbm>>
      tpu.wait_dma2 semaphore(%arg12 : memref<!tpu.dma_semaphore, #tpu.memory_space<semaphore_mem>>) src(%dma_wait3A_50 : memref<8x128xi32, #tpu.memory_space<hbm>>) dst(%dma_wait3A_48 : memref<8x128xi32, #tpu.memory_space<vmem>>)
      %dma_wait3A_51 = arith.constant 0 : i32
      %dma_wait3A_52 = arith.constant 0 : i32
      %dma_wait3A_53 = tpu.memref_slice %arg8[%dma_wait3A_51, %dma_wait3A_52] : memref<48x128xi32, #tpu.memory_space<vmem>> -> memref<8x128xi32, #tpu.memory_space<vmem>>
      %dma_wait3A_54 = arith.constant 0 : i32
      %dma_wait3A_55 = tpu.memref_slice %arg4[%add3A_22, %dma_wait3A_54] : memref<2560x128xi32, #tpu.memory_space<hbm>> -> memref<8x128xi32, #tpu.memory_space<hbm>>
      %dma_wait3A_56 = arith.constant 0 : i32
      %dma_wait3A_57 = arith.constant 0 : i32
      %dma_wait3A_58 = tpu.memref_slice %arg8[%dma_wait3A_56, %dma_wait3A_57] : memref<48x128xi32, #tpu.memory_space<vmem>> -> memref<8x128xi32, #tpu.memory_space<vmem>>
      %dma_wait3A_59 = arith.constant 0 : i32
      %dma_wait3A_60 = tpu.memref_slice %arg4[%add3A_22, %dma_wait3A_59] : memref<2560x128xi32, #tpu.memory_space<hbm>> -> memref<8x128xi32, #tpu.memory_space<hbm>>
      tpu.wait_dma2 semaphore(%arg12 : memref<!tpu.dma_semaphore, #tpu.memory_space<semaphore_mem>>) src(%dma_wait3A_60 : memref<8x128xi32, #tpu.memory_space<hbm>>) dst(%dma_wait3A_58 : memref<8x128xi32, #tpu.memory_space<vmem>>)
      %scan3A = arith.constant 0 : i32
      %scan3A_61 = arith.constant 4 : i32
      %scan3A_62 = arith.addi %scan3A, %scan3A_61 : i32
      %scan3A_63 = arith.constant 1 : i32
      scf.for %scan3A_65 = %scan3A to %scan3A_62 step %scan3A_63  : i32 {
        %mul3A_66 = arith.constant 2 : i32
        %mul3A_67 = arith.muli %scan3A_65, %mul3A_66 : i32
        %add3A_68 = arith.constant 0 : i32
        %add3A_69 = arith.addi %add3A_68, %mul3A_67 : i32
        %dma_start3A_70 = arith.constant 0 : i32
        %dma_start3A_71 = tpu.memref_slice %arg7[%add3A_69, %dma_start3A_70] : memref<48x128xi32, #tpu.memory_space<vmem>> -> memref<1x128xi32, #tpu.memory_space<vmem>>
        %dma_start3A_72 = tpu.memref_squeeze %dma_start3A_71 : memref<1x128xi32, #tpu.memory_space<vmem>> -> memref<128xi32, #tpu.memory_space<vmem>>
        %dma_start3A_73 = arith.constant 0 : i32
        %dma_start3A_74 = arith.constant 0 : i32
        %dma_start3A_75 = tpu.memref_slice %arg2[%dma_start3A_73, %dma_start3A_74] : memref<10000x128xf32, #tpu.memory_space<hbm>> -> memref<10000x128xf32, #tpu.memory_space<hbm>>
        tpu.enqueue_indirect_dma source(%dma_start3A_75 : memref<10000x128xf32, #tpu.memory_space<hbm>>) target(%arg9 : memref<128x128xf32, #tpu.memory_space<vmem>>) offsets(%dma_start3A_72 : memref<128xi32, #tpu.memory_space<vmem>>) semaphore(%arg13 : memref<!tpu.dma_semaphore, #tpu.memory_space<semaphore_mem>>)
        %add3A_76 = arith.constant 1 : i32
        %add3A_77 = arith.addi %add3A_69, %add3A_76 : i32
        %dma_start3A_78 = arith.constant 0 : i32
        %dma_start3A_79 = tpu.memref_slice %arg7[%add3A_77, %dma_start3A_78] : memref<48x128xi32, #tpu.memory_space<vmem>> -> memref<1x128xi32, #tpu.memory_space<vmem>>
        %dma_start3A_80 = tpu.memref_squeeze %dma_start3A_79 : memref<1x128xi32, #tpu.memory_space<vmem>> -> memref<128xi32, #tpu.memory_space<vmem>>
        %dma_start3A_81 = arith.constant 0 : i32
        %dma_start3A_82 = arith.constant 0 : i32
        %dma_start3A_83 = tpu.memref_slice %arg2[%dma_start3A_81, %dma_start3A_82] : memref<10000x128xf32, #tpu.memory_space<hbm>> -> memref<10000x128xf32, #tpu.memory_space<hbm>>
        tpu.enqueue_indirect_dma source(%dma_start3A_83 : memref<10000x128xf32, #tpu.memory_space<hbm>>) target(%arg10 : memref<128x128xf32, #tpu.memory_space<vmem>>) offsets(%dma_start3A_80 : memref<128xi32, #tpu.memory_space<vmem>>) semaphore(%arg14 : memref<!tpu.dma_semaphore, #tpu.memory_space<semaphore_mem>>)
        %dma_wait3A_84 = arith.constant 0 : i32
        %dma_wait3A_85 = tpu.memref_slice %arg7[%add3A_69, %dma_wait3A_84] : memref<48x128xi32, #tpu.memory_space<vmem>> -> memref<1x128xi32, #tpu.memory_space<vmem>>
        %dma_wait3A_86 = tpu.memref_squeeze %dma_wait3A_85 : memref<1x128xi32, #tpu.memory_space<vmem>> -> memref<128xi32, #tpu.memory_space<vmem>>
        %dma_wait3A_87 = arith.constant 0 : i32
        %dma_wait3A_88 = arith.constant 0 : i32
        %dma_wait3A_89 = tpu.memref_slice %arg2[%dma_wait3A_87, %dma_wait3A_88] : memref<10000x128xf32, #tpu.memory_space<hbm>> -> memref<10000x128xf32, #tpu.memory_space<hbm>>
        tpu.wait_indirect_dma semaphore(%arg13 : memref<!tpu.dma_semaphore, #tpu.memory_space<semaphore_mem>>) src(%dma_wait3A_89 : memref<10000x128xf32, #tpu.memory_space<hbm>>) dst(%arg9 : memref<128x128xf32, #tpu.memory_space<vmem>>)
        %dma_start3A_90 = arith.constant 0 : i32
        %dma_start3A_91 = tpu.memref_slice %arg8[%add3A_69, %dma_start3A_90] : memref<48x128xi32, #tpu.memory_space<vmem>> -> memref<1x128xi32, #tpu.memory_space<vmem>>
        %dma_start3A_92 = tpu.memref_squeeze %dma_start3A_91 : memref<1x128xi32, #tpu.memory_space<vmem>> -> memref<128xi32, #tpu.memory_space<vmem>>
        %dma_start3A_93 = arith.constant 0 : i32
        %dma_start3A_94 = arith.constant 0 : i32
        %dma_start3A_95 = tpu.memref_slice %arg11[%dma_start3A_93, %dma_start3A_94] : memref<10112x128xf32, #tpu.memory_space<vmem_shared>> -> memref<10112x128xf32, #tpu.memory_space<vmem_shared>>
        tpu.enqueue_indirect_dma source(%arg9 : memref<128x128xf32, #tpu.memory_space<vmem>>) target(%dma_start3A_95 : memref<10112x128xf32, #tpu.memory_space<vmem_shared>>) offsets(%dma_start3A_92 : memref<128xi32, #tpu.memory_space<vmem>>) semaphore(%arg15 : memref<!tpu.dma_semaphore, #tpu.memory_space<semaphore_mem>>) {add = true}
        %dma_wait3A_96 = arith.constant 0 : i32
        %dma_wait3A_97 = tpu.memref_slice %arg7[%add3A_77, %dma_wait3A_96] : memref<48x128xi32, #tpu.memory_space<vmem>> -> memref<1x128xi32, #tpu.memory_space<vmem>>
        %dma_wait3A_98 = tpu.memref_squeeze %dma_wait3A_97 : memref<1x128xi32, #tpu.memory_space<vmem>> -> memref<128xi32, #tpu.memory_space<vmem>>
        %dma_wait3A_99 = arith.constant 0 : i32
        %dma_wait3A_100 = arith.constant 0 : i32
        %dma_wait3A_101 = tpu.memref_slice %arg2[%dma_wait3A_99, %dma_wait3A_100] : memref<10000x128xf32, #tpu.memory_space<hbm>> -> memref<10000x128xf32, #tpu.memory_space<hbm>>
        tpu.wait_indirect_dma semaphore(%arg14 : memref<!tpu.dma_semaphore, #tpu.memory_space<semaphore_mem>>) src(%dma_wait3A_101 : memref<10000x128xf32, #tpu.memory_space<hbm>>) dst(%arg10 : memref<128x128xf32, #tpu.memory_space<vmem>>)
        %add3A_102 = arith.constant 1 : i32
        %add3A_103 = arith.addi %add3A_69, %add3A_102 : i32
        %dma_start3A_104 = arith.constant 0 : i32
        %dma_start3A_105 = tpu.memref_slice %arg8[%add3A_103, %dma_start3A_104] : memref<48x128xi32, #tpu.memory_space<vmem>> -> memref<1x128xi32, #tpu.memory_space<vmem>>
        %dma_start3A_106 = tpu.memref_squeeze %dma_start3A_105 : memref<1x128xi32, #tpu.memory_space<vmem>> -> memref<128xi32, #tpu.memory_space<vmem>>
        %dma_start3A_107 = arith.constant 0 : i32
        %dma_start3A_108 = arith.constant 0 : i32
        %dma_start3A_109 = tpu.memref_slice %arg11[%dma_start3A_107, %dma_start3A_108] : memref<10112x128xf32, #tpu.memory_space<vmem_shared>> -> memref<10112x128xf32, #tpu.memory_space<vmem_shared>>
        tpu.enqueue_indirect_dma source(%arg10 : memref<128x128xf32, #tpu.memory_space<vmem>>) target(%dma_start3A_109 : memref<10112x128xf32, #tpu.memory_space<vmem_shared>>) offsets(%dma_start3A_106 : memref<128xi32, #tpu.memory_space<vmem>>) semaphore(%arg16 : memref<!tpu.dma_semaphore, #tpu.memory_space<semaphore_mem>>) {add = true}
        %dma_wait3A_110 = arith.constant 0 : i32
        %dma_wait3A_111 = tpu.memref_slice %arg8[%add3A_69, %dma_wait3A_110] : memref<48x128xi32, #tpu.memory_space<vmem>> -> memref<1x128xi32, #tpu.memory_space<vmem>>
        %dma_wait3A_112 = tpu.memref_squeeze %dma_wait3A_111 : memref<1x128xi32, #tpu.memory_space<vmem>> -> memref<128xi32, #tpu.memory_space<vmem>>
        %dma_wait3A_113 = arith.constant 0 : i32
        %dma_wait3A_114 = arith.constant 0 : i32
        %dma_wait3A_115 = tpu.memref_slice %arg11[%dma_wait3A_113, %dma_wait3A_114] : memref<10112x128xf32, #tpu.memory_space<vmem_shared>> -> memref<10112x128xf32, #tpu.memory_space<vmem_shared>>
        tpu.wait_indirect_dma semaphore(%arg15 : memref<!tpu.dma_semaphore, #tpu.memory_space<semaphore_mem>>) src(%arg9 : memref<128x128xf32, #tpu.memory_space<vmem>>) dst(%dma_wait3A_115 : memref<10112x128xf32, #tpu.memory_space<vmem_shared>>)
        %dma_wait3A_116 = arith.constant 0 : i32
        %dma_wait3A_117 = tpu.memref_slice %arg8[%add3A_103, %dma_wait3A_116] : memref<48x128xi32, #tpu.memory_space<vmem>> -> memref<1x128xi32, #tpu.memory_space<vmem>>
        %dma_wait3A_118 = tpu.memref_squeeze %dma_wait3A_117 : memref<1x128xi32, #tpu.memory_space<vmem>> -> memref<128xi32, #tpu.memory_space<vmem>>
        %dma_wait3A_119 = arith.constant 0 : i32
        %dma_wait3A_120 = arith.constant 0 : i32
        %dma_wait3A_121 = tpu.memref_slice %arg11[%dma_wait3A_119, %dma_wait3A_120] : memref<10112x128xf32, #tpu.memory_space<vmem_shared>> -> memref<10112x128xf32, #tpu.memory_space<vmem_shared>>
        tpu.wait_indirect_dma semaphore(%arg16 : memref<!tpu.dma_semaphore, #tpu.memory_space<semaphore_mem>>) src(%arg10 : memref<128x128xf32, #tpu.memory_space<vmem>>) dst(%dma_wait3A_121 : memref<10112x128xf32, #tpu.memory_space<vmem_shared>>)
      }
      %scan3A_64 = arith.constant 4 : i32
    } else {
    }
    %barrier3A_10 = arith.constant 0 : index
    tpu.barrier barrier_id(%barrier3A_10)
    %mul3A_11 = arith.constant 632 : i32
    %mul3A_12 = arith.muli %arg1, %mul3A_11 : i32
    %mul3A_13 = arith.constant 10112 : i32
    %mul3A_14 = arith.muli %arg0, %mul3A_13 : i32
    %mul3A_15 = arith.constant 632 : i32
    %mul3A_16 = arith.muli %arg1, %mul3A_15 : i32
    %add3A = arith.addi %mul3A_14, %mul3A_16 : i32
    "tpu.region"() ({
      %run_scoped3A = tpu.sem_alloc : memref<!tpu.dma_semaphore, #tpu.memory_space<semaphore_mem>>
      %dma_start3A = arith.constant 0 : i32
      %dma_start3A_17 = tpu.memref_slice %arg6[%add3A, %dma_start3A] : memref<20224x128xf32, #tpu.memory_space<hbm>> -> memref<632x128xf32, #tpu.memory_space<hbm>>
      %dma_start3A_18 = arith.constant 0 : i32
      %dma_start3A_19 = tpu.memref_slice %arg11[%mul3A_12, %dma_start3A_18] : memref<10112x128xf32, #tpu.memory_space<vmem_shared>> -> memref<632x128xf32, #tpu.memory_space<vmem_shared>>
      tpu.enqueue_dma source(%dma_start3A_19 : memref<632x128xf32, #tpu.memory_space<vmem_shared>>) target(%dma_start3A_17 : memref<632x128xf32, #tpu.memory_space<hbm>>) target_semaphore(%run_scoped3A : memref<!tpu.dma_semaphore, #tpu.memory_space<semaphore_mem>>)
      %dma_wait3A = arith.constant 0 : i32
      %dma_wait3A_20 = tpu.memref_slice %arg6[%add3A, %dma_wait3A] : memref<20224x128xf32, #tpu.memory_space<hbm>> -> memref<632x128xf32, #tpu.memory_space<hbm>>
      %dma_wait3A_21 = arith.constant 0 : i32
      %dma_wait3A_22 = tpu.memref_slice %arg11[%mul3A_12, %dma_wait3A_21] : memref<10112x128xf32, #tpu.memory_space<vmem_shared>> -> memref<632x128xf32, #tpu.memory_space<vmem_shared>>
      tpu.wait_dma2 semaphore(%run_scoped3A : memref<!tpu.dma_semaphore, #tpu.memory_space<semaphore_mem>>) src(%dma_wait3A_22 : memref<632x128xf32, #tpu.memory_space<vmem_shared>>) dst(%dma_wait3A_20 : memref<632x128xf32, #tpu.memory_space<hbm>>)
      tpu.yield
    }) : () -> ()
    return
  }
}

#map = affine_map<(d0, d1) -> (0, 0)>
module attributes {stable_mosaic.version = 14 : i64} {
  func.func @k(%arg0: i32, %arg1: i32, %arg2: memref<10000x128xf32, #tpu.memory_space<hbm>>, %arg3: memref<2560x128xi32, #tpu.memory_space<hbm>>, %arg4: memref<2560x128xi32, #tpu.memory_space<hbm>>, %arg5: memref<10112x128xf32, #tpu.memory_space<hbm>>, %arg6: memref<20224x128xf32, #tpu.memory_space<hbm>>, %arg7: memref<48x128xi32, #tpu.memory_space<vmem>>, %arg8: memref<48x128xi32, #tpu.memory_space<vmem>>, %arg9: memref<128x128xf32, #tpu.memory_space<vmem>>, %arg10: memref<128x128xf32, #tpu.memory_space<vmem>>, %arg11: memref<10112x128xf32, #tpu.memory_space<vmem_shared>>, %arg12: memref<!tpu.dma_semaphore, #tpu.memory_space<semaphore_mem>>, %arg13: memref<!tpu.dma_semaphore, #tpu.memory_space<semaphore_mem>>, %arg14: memref<!tpu.dma_semaphore, #tpu.memory_space<semaphore_mem>>, %arg15: memref<!tpu.dma_semaphore, #tpu.memory_space<semaphore_mem>>, %arg16: memref<!tpu.dma_semaphore, #tpu.memory_space<semaphore_mem>>) attributes {dimension_semantics = [#tpu.dimension_semantics<core_parallel>, #tpu.dimension_semantics<subcore_parallel>], iteration_bounds = array<i64: 2, 16>, scalar_prefetch = 0 : i64, scratch_operands = 10 : i64, tpu.core_type = #tpu.core_type<sc_vector_subcore>, window_params = [{transform_indices = #map}, {transform_indices = #map}, {transform_indices = #map}, {transform_indices = #map}, {transform_indices = #map}]} {
    %mul3A = arith.constant 632 : i32
    %mul3A_0 = arith.muli %arg1, %mul3A : i32
    %mul3A_1 = arith.constant 632 : i32
    %mul3A_2 = arith.muli %arg1, %mul3A_1 : i32
    "tpu.region"() ({
      %run_scoped3A = tpu.sem_alloc : memref<!tpu.dma_semaphore, #tpu.memory_space<semaphore_mem>>
      %dma_start3A = arith.constant 0 : i32
      %dma_start3A_17 = tpu.memref_slice %arg11[%mul3A_2, %dma_start3A] : memref<10112x128xf32, #tpu.memory_space<vmem_shared>> -> memref<632x128xf32, #tpu.memory_space<vmem_shared>>
      %dma_start3A_18 = arith.constant 0 : i32
      %dma_start3A_19 = tpu.memref_slice %arg5[%mul3A_0, %dma_start3A_18] : memref<10112x128xf32, #tpu.memory_space<hbm>> -> memref<632x128xf32, #tpu.memory_space<hbm>>
      tpu.enqueue_dma source(%dma_start3A_19 : memref<632x128xf32, #tpu.memory_space<hbm>>) target(%dma_start3A_17 : memref<632x128xf32, #tpu.memory_space<vmem_shared>>) target_semaphore(%run_scoped3A : memref<!tpu.dma_semaphore, #tpu.memory_space<semaphore_mem>>)
      %dma_wait3A = arith.constant 0 : i32
      %dma_wait3A_20 = tpu.memref_slice %arg11[%mul3A_2, %dma_wait3A] : memref<10112x128xf32, #tpu.memory_space<vmem_shared>> -> memref<632x128xf32, #tpu.memory_space<vmem_shared>>
      %dma_wait3A_21 = arith.constant 0 : i32
      %dma_wait3A_22 = tpu.memref_slice %arg5[%mul3A_0, %dma_wait3A_21] : memref<10112x128xf32, #tpu.memory_space<hbm>> -> memref<632x128xf32, #tpu.memory_space<hbm>>
      tpu.wait_dma2 semaphore(%run_scoped3A : memref<!tpu.dma_semaphore, #tpu.memory_space<semaphore_mem>>) src(%dma_wait3A_22 : memref<632x128xf32, #tpu.memory_space<hbm>>) dst(%dma_wait3A_20 : memref<632x128xf32, #tpu.memory_space<vmem_shared>>)
      tpu.yield
    }) : () -> ()
    %barrier3A = arith.constant 0 : index
    tpu.barrier barrier_id(%barrier3A)
    %eq3A = arith.constant 0 : i32
    %eq3A_3 = arith.cmpi eq, %arg0, %eq3A : i32
    %convert_element_type3A = arith.extui %eq3A_3 : i1 to i32
    %cond3A = arith.constant 0 : i32
    %cond3A_4 = arith.cmpi ne, %convert_element_type3A, %cond3A : i32
    scf.if %cond3A_4 {
      %mul3A_17 = arith.constant 152 : i32
      %mul3A_18 = arith.muli %arg1, %mul3A_17 : i32
      %add3A_19 = arith.constant 0 : i32
      %add3A_20 = arith.addi %mul3A_18, %add3A_19 : i32
      %dma_start3A = arith.constant 0 : i32
      %dma_start3A_21 = arith.constant 0 : i32
      %dma_start3A_22 = tpu.memref_slice %arg7[%dma_start3A, %dma_start3A_21] : memref<48x128xi32, #tpu.memory_space<vmem>> -> memref<48x128xi32, #tpu.memory_space<vmem>>
      %dma_start3A_23 = arith.constant 0 : i32
      %dma_start3A_24 = tpu.memref_slice %arg3[%add3A_20, %dma_start3A_23] : memref<2560x128xi32, #tpu.memory_space<hbm>> -> memref<48x128xi32, #tpu.memory_space<hbm>>
      %dma_start3A_25 = arith.constant 0 : i32
      %dma_start3A_26 = arith.constant 0 : i32
      %dma_start3A_27 = tpu.memref_slice %arg7[%dma_start3A_25, %dma_start3A_26] : memref<48x128xi32, #tpu.memory_space<vmem>> -> memref<48x128xi32, #tpu.memory_space<vmem>>
      %dma_start3A_28 = arith.constant 0 : i32
      %dma_start3A_29 = tpu.memref_slice %arg3[%add3A_20, %dma_start3A_28] : memref<2560x128xi32, #tpu.memory_space<hbm>> -> memref<48x128xi32, #tpu.memory_space<hbm>>
      tpu.enqueue_dma source(%dma_start3A_29 : memref<48x128xi32, #tpu.memory_space<hbm>>) target(%dma_start3A_27 : memref<48x128xi32, #tpu.memory_space<vmem>>) target_semaphore(%arg12 : memref<!tpu.dma_semaphore, #tpu.memory_space<semaphore_mem>>)
      %dma_start3A_30 = arith.constant 0 : i32
      %dma_start3A_31 = arith.constant 0 : i32
      %dma_start3A_32 = tpu.memref_slice %arg8[%dma_start3A_30, %dma_start3A_31] : memref<48x128xi32, #tpu.memory_space<vmem>> -> memref<48x128xi32, #tpu.memory_space<vmem>>
      %dma_start3A_33 = arith.constant 0 : i32
      %dma_start3A_34 = tpu.memref_slice %arg4[%add3A_20, %dma_start3A_33] : memref<2560x128xi32, #tpu.memory_space<hbm>> -> memref<48x128xi32, #tpu.memory_space<hbm>>
      %dma_start3A_35 = arith.constant 0 : i32
      %dma_start3A_36 = arith.constant 0 : i32
      %dma_start3A_37 = tpu.memref_slice %arg8[%dma_start3A_35, %dma_start3A_36] : memref<48x128xi32, #tpu.memory_space<vmem>> -> memref<48x128xi32, #tpu.memory_space<vmem>>
      %dma_start3A_38 = arith.constant 0 : i32
      %dma_start3A_39 = tpu.memref_slice %arg4[%add3A_20, %dma_start3A_38] : memref<2560x128xi32, #tpu.memory_space<hbm>> -> memref<48x128xi32, #tpu.memory_space<hbm>>
      tpu.enqueue_dma source(%dma_start3A_39 : memref<48x128xi32, #tpu.memory_space<hbm>>) target(%dma_start3A_37 : memref<48x128xi32, #tpu.memory_space<vmem>>) target_semaphore(%arg12 : memref<!tpu.dma_semaphore, #tpu.memory_space<semaphore_mem>>)
      %dma_wait3A = arith.constant 0 : i32
      %dma_wait3A_40 = arith.constant 0 : i32
      %dma_wait3A_41 = tpu.memref_slice %arg7[%dma_wait3A, %dma_wait3A_40] : memref<48x128xi32, #tpu.memory_space<vmem>> -> memref<48x128xi32, #tpu.memory_space<vmem>>
      %dma_wait3A_42 = arith.constant 0 : i32
      %dma_wait3A_43 = tpu.memref_slice %arg3[%add3A_20, %dma_wait3A_42] : memref<2560x128xi32, #tpu.memory_space<hbm>> -> memref<48x128xi32, #tpu.memory_space<hbm>>
      %dma_wait3A_44 = arith.constant 0 : i32
      %dma_wait3A_45 = arith.constant 0 : i32
      %dma_wait3A_46 = tpu.memref_slice %arg7[%dma_wait3A_44, %dma_wait3A_45] : memref<48x128xi32, #tpu.memory_space<vmem>> -> memref<48x128xi32, #tpu.memory_space<vmem>>
      %dma_wait3A_47 = arith.constant 0 : i32
      %dma_wait3A_48 = tpu.memref_slice %arg3[%add3A_20, %dma_wait3A_47] : memref<2560x128xi32, #tpu.memory_space<hbm>> -> memref<48x128xi32, #tpu.memory_space<hbm>>
      tpu.wait_dma2 semaphore(%arg12 : memref<!tpu.dma_semaphore, #tpu.memory_space<semaphore_mem>>) src(%dma_wait3A_48 : memref<48x128xi32, #tpu.memory_space<hbm>>) dst(%dma_wait3A_46 : memref<48x128xi32, #tpu.memory_space<vmem>>)
      %dma_wait3A_49 = arith.constant 0 : i32
      %dma_wait3A_50 = arith.constant 0 : i32
      %dma_wait3A_51 = tpu.memref_slice %arg8[%dma_wait3A_49, %dma_wait3A_50] : memref<48x128xi32, #tpu.memory_space<vmem>> -> memref<48x128xi32, #tpu.memory_space<vmem>>
      %dma_wait3A_52 = arith.constant 0 : i32
      %dma_wait3A_53 = tpu.memref_slice %arg4[%add3A_20, %dma_wait3A_52] : memref<2560x128xi32, #tpu.memory_space<hbm>> -> memref<48x128xi32, #tpu.memory_space<hbm>>
      %dma_wait3A_54 = arith.constant 0 : i32
      %dma_wait3A_55 = arith.constant 0 : i32
      %dma_wait3A_56 = tpu.memref_slice %arg8[%dma_wait3A_54, %dma_wait3A_55] : memref<48x128xi32, #tpu.memory_space<vmem>> -> memref<48x128xi32, #tpu.memory_space<vmem>>
      %dma_wait3A_57 = arith.constant 0 : i32
      %dma_wait3A_58 = tpu.memref_slice %arg4[%add3A_20, %dma_wait3A_57] : memref<2560x128xi32, #tpu.memory_space<hbm>> -> memref<48x128xi32, #tpu.memory_space<hbm>>
      tpu.wait_dma2 semaphore(%arg12 : memref<!tpu.dma_semaphore, #tpu.memory_space<semaphore_mem>>) src(%dma_wait3A_58 : memref<48x128xi32, #tpu.memory_space<hbm>>) dst(%dma_wait3A_56 : memref<48x128xi32, #tpu.memory_space<vmem>>)
      %scan3A = arith.constant 0 : i32
      %scan3A_59 = arith.constant 24 : i32
      %scan3A_60 = arith.addi %scan3A, %scan3A_59 : i32
      %scan3A_61 = arith.constant 1 : i32
      scf.for %scan3A_204 = %scan3A to %scan3A_60 step %scan3A_61  : i32 {
        %mul3A_205 = arith.constant 2 : i32
        %mul3A_206 = arith.muli %scan3A_204, %mul3A_205 : i32
        %add3A_207 = arith.constant 0 : i32
        %add3A_208 = arith.addi %add3A_207, %mul3A_206 : i32
        %dma_start3A_209 = arith.constant 0 : i32
        %dma_start3A_210 = tpu.memref_slice %arg7[%add3A_208, %dma_start3A_209] : memref<48x128xi32, #tpu.memory_space<vmem>> -> memref<1x128xi32, #tpu.memory_space<vmem>>
        %dma_start3A_211 = tpu.memref_squeeze %dma_start3A_210 : memref<1x128xi32, #tpu.memory_space<vmem>> -> memref<128xi32, #tpu.memory_space<vmem>>
        %dma_start3A_212 = arith.constant 0 : i32
        %dma_start3A_213 = arith.constant 0 : i32
        %dma_start3A_214 = tpu.memref_slice %arg2[%dma_start3A_212, %dma_start3A_213] : memref<10000x128xf32, #tpu.memory_space<hbm>> -> memref<10000x128xf32, #tpu.memory_space<hbm>>
        tpu.enqueue_indirect_dma source(%dma_start3A_214 : memref<10000x128xf32, #tpu.memory_space<hbm>>) target(%arg9 : memref<128x128xf32, #tpu.memory_space<vmem>>) offsets(%dma_start3A_211 : memref<128xi32, #tpu.memory_space<vmem>>) semaphore(%arg13 : memref<!tpu.dma_semaphore, #tpu.memory_space<semaphore_mem>>)
        %add3A_215 = arith.constant 1 : i32
        %add3A_216 = arith.addi %add3A_208, %add3A_215 : i32
        %dma_start3A_217 = arith.constant 0 : i32
        %dma_start3A_218 = tpu.memref_slice %arg7[%add3A_216, %dma_start3A_217] : memref<48x128xi32, #tpu.memory_space<vmem>> -> memref<1x128xi32, #tpu.memory_space<vmem>>
        %dma_start3A_219 = tpu.memref_squeeze %dma_start3A_218 : memref<1x128xi32, #tpu.memory_space<vmem>> -> memref<128xi32, #tpu.memory_space<vmem>>
        %dma_start3A_220 = arith.constant 0 : i32
        %dma_start3A_221 = arith.constant 0 : i32
        %dma_start3A_222 = tpu.memref_slice %arg2[%dma_start3A_220, %dma_start3A_221] : memref<10000x128xf32, #tpu.memory_space<hbm>> -> memref<10000x128xf32, #tpu.memory_space<hbm>>
        tpu.enqueue_indirect_dma source(%dma_start3A_222 : memref<10000x128xf32, #tpu.memory_space<hbm>>) target(%arg10 : memref<128x128xf32, #tpu.memory_space<vmem>>) offsets(%dma_start3A_219 : memref<128xi32, #tpu.memory_space<vmem>>) semaphore(%arg14 : memref<!tpu.dma_semaphore, #tpu.memory_space<semaphore_mem>>)
        %dma_wait3A_223 = arith.constant 0 : i32
        %dma_wait3A_224 = tpu.memref_slice %arg7[%add3A_208, %dma_wait3A_223] : memref<48x128xi32, #tpu.memory_space<vmem>> -> memref<1x128xi32, #tpu.memory_space<vmem>>
        %dma_wait3A_225 = tpu.memref_squeeze %dma_wait3A_224 : memref<1x128xi32, #tpu.memory_space<vmem>> -> memref<128xi32, #tpu.memory_space<vmem>>
        %dma_wait3A_226 = arith.constant 0 : i32
        %dma_wait3A_227 = arith.constant 0 : i32
        %dma_wait3A_228 = tpu.memref_slice %arg2[%dma_wait3A_226, %dma_wait3A_227] : memref<10000x128xf32, #tpu.memory_space<hbm>> -> memref<10000x128xf32, #tpu.memory_space<hbm>>
        tpu.wait_indirect_dma semaphore(%arg13 : memref<!tpu.dma_semaphore, #tpu.memory_space<semaphore_mem>>) src(%dma_wait3A_228 : memref<10000x128xf32, #tpu.memory_space<hbm>>) dst(%arg9 : memref<128x128xf32, #tpu.memory_space<vmem>>)
        %dma_start3A_229 = arith.constant 0 : i32
        %dma_start3A_230 = tpu.memref_slice %arg8[%add3A_208, %dma_start3A_229] : memref<48x128xi32, #tpu.memory_space<vmem>> -> memref<1x128xi32, #tpu.memory_space<vmem>>
        %dma_start3A_231 = tpu.memref_squeeze %dma_start3A_230 : memref<1x128xi32, #tpu.memory_space<vmem>> -> memref<128xi32, #tpu.memory_space<vmem>>
        %dma_start3A_232 = arith.constant 0 : i32
        %dma_start3A_233 = arith.constant 0 : i32
        %dma_start3A_234 = tpu.memref_slice %arg11[%dma_start3A_232, %dma_start3A_233] : memref<10112x128xf32, #tpu.memory_space<vmem_shared>> -> memref<10112x128xf32, #tpu.memory_space<vmem_shared>>
        tpu.enqueue_indirect_dma source(%arg9 : memref<128x128xf32, #tpu.memory_space<vmem>>) target(%dma_start3A_234 : memref<10112x128xf32, #tpu.memory_space<vmem_shared>>) offsets(%dma_start3A_231 : memref<128xi32, #tpu.memory_space<vmem>>) semaphore(%arg15 : memref<!tpu.dma_semaphore, #tpu.memory_space<semaphore_mem>>) {add = true}
        %dma_wait3A_235 = arith.constant 0 : i32
        %dma_wait3A_236 = tpu.memref_slice %arg7[%add3A_216, %dma_wait3A_235] : memref<48x128xi32, #tpu.memory_space<vmem>> -> memref<1x128xi32, #tpu.memory_space<vmem>>
        %dma_wait3A_237 = tpu.memref_squeeze %dma_wait3A_236 : memref<1x128xi32, #tpu.memory_space<vmem>> -> memref<128xi32, #tpu.memory_space<vmem>>
        %dma_wait3A_238 = arith.constant 0 : i32
        %dma_wait3A_239 = arith.constant 0 : i32
        %dma_wait3A_240 = tpu.memref_slice %arg2[%dma_wait3A_238, %dma_wait3A_239] : memref<10000x128xf32, #tpu.memory_space<hbm>> -> memref<10000x128xf32, #tpu.memory_space<hbm>>
        tpu.wait_indirect_dma semaphore(%arg14 : memref<!tpu.dma_semaphore, #tpu.memory_space<semaphore_mem>>) src(%dma_wait3A_240 : memref<10000x128xf32, #tpu.memory_space<hbm>>) dst(%arg10 : memref<128x128xf32, #tpu.memory_space<vmem>>)
        %add3A_241 = arith.constant 1 : i32
        %add3A_242 = arith.addi %add3A_208, %add3A_241 : i32
        %dma_start3A_243 = arith.constant 0 : i32
        %dma_start3A_244 = tpu.memref_slice %arg8[%add3A_242, %dma_start3A_243] : memref<48x128xi32, #tpu.memory_space<vmem>> -> memref<1x128xi32, #tpu.memory_space<vmem>>
        %dma_start3A_245 = tpu.memref_squeeze %dma_start3A_244 : memref<1x128xi32, #tpu.memory_space<vmem>> -> memref<128xi32, #tpu.memory_space<vmem>>
        %dma_start3A_246 = arith.constant 0 : i32
        %dma_start3A_247 = arith.constant 0 : i32
        %dma_start3A_248 = tpu.memref_slice %arg11[%dma_start3A_246, %dma_start3A_247] : memref<10112x128xf32, #tpu.memory_space<vmem_shared>> -> memref<10112x128xf32, #tpu.memory_space<vmem_shared>>
        tpu.enqueue_indirect_dma source(%arg10 : memref<128x128xf32, #tpu.memory_space<vmem>>) target(%dma_start3A_248 : memref<10112x128xf32, #tpu.memory_space<vmem_shared>>) offsets(%dma_start3A_245 : memref<128xi32, #tpu.memory_space<vmem>>) semaphore(%arg16 : memref<!tpu.dma_semaphore, #tpu.memory_space<semaphore_mem>>) {add = true}
        %dma_wait3A_249 = arith.constant 0 : i32
        %dma_wait3A_250 = tpu.memref_slice %arg8[%add3A_208, %dma_wait3A_249] : memref<48x128xi32, #tpu.memory_space<vmem>> -> memref<1x128xi32, #tpu.memory_space<vmem>>
        %dma_wait3A_251 = tpu.memref_squeeze %dma_wait3A_250 : memref<1x128xi32, #tpu.memory_space<vmem>> -> memref<128xi32, #tpu.memory_space<vmem>>
        %dma_wait3A_252 = arith.constant 0 : i32
        %dma_wait3A_253 = arith.constant 0 : i32
        %dma_wait3A_254 = tpu.memref_slice %arg11[%dma_wait3A_252, %dma_wait3A_253] : memref<10112x128xf32, #tpu.memory_space<vmem_shared>> -> memref<10112x128xf32, #tpu.memory_space<vmem_shared>>
        tpu.wait_indirect_dma semaphore(%arg15 : memref<!tpu.dma_semaphore, #tpu.memory_space<semaphore_mem>>) src(%arg9 : memref<128x128xf32, #tpu.memory_space<vmem>>) dst(%dma_wait3A_254 : memref<10112x128xf32, #tpu.memory_space<vmem_shared>>)
        %dma_wait3A_255 = arith.constant 0 : i32
        %dma_wait3A_256 = tpu.memref_slice %arg8[%add3A_242, %dma_wait3A_255] : memref<48x128xi32, #tpu.memory_space<vmem>> -> memref<1x128xi32, #tpu.memory_space<vmem>>
        %dma_wait3A_257 = tpu.memref_squeeze %dma_wait3A_256 : memref<1x128xi32, #tpu.memory_space<vmem>> -> memref<128xi32, #tpu.memory_space<vmem>>
        %dma_wait3A_258 = arith.constant 0 : i32
        %dma_wait3A_259 = arith.constant 0 : i32
        %dma_wait3A_260 = tpu.memref_slice %arg11[%dma_wait3A_258, %dma_wait3A_259] : memref<10112x128xf32, #tpu.memory_space<vmem_shared>> -> memref<10112x128xf32, #tpu.memory_space<vmem_shared>>
        tpu.wait_indirect_dma semaphore(%arg16 : memref<!tpu.dma_semaphore, #tpu.memory_space<semaphore_mem>>) src(%arg10 : memref<128x128xf32, #tpu.memory_space<vmem>>) dst(%dma_wait3A_260 : memref<10112x128xf32, #tpu.memory_space<vmem_shared>>)
      }
      %scan3A_62 = arith.constant 24 : i32
      %add3A_63 = arith.constant 48 : i32
      %add3A_64 = arith.addi %mul3A_18, %add3A_63 : i32
      %dma_start3A_65 = arith.constant 0 : i32
      %dma_start3A_66 = arith.constant 0 : i32
      %dma_start3A_67 = tpu.memref_slice %arg7[%dma_start3A_65, %dma_start3A_66] : memref<48x128xi32, #tpu.memory_space<vmem>> -> memref<48x128xi32, #tpu.memory_space<vmem>>
      %dma_start3A_68 = arith.constant 0 : i32
      %dma_start3A_69 = tpu.memref_slice %arg3[%add3A_64, %dma_start3A_68] : memref<2560x128xi32, #tpu.memory_space<hbm>> -> memref<48x128xi32, #tpu.memory_space<hbm>>
      %dma_start3A_70 = arith.constant 0 : i32
      %dma_start3A_71 = arith.constant 0 : i32
      %dma_start3A_72 = tpu.memref_slice %arg7[%dma_start3A_70, %dma_start3A_71] : memref<48x128xi32, #tpu.memory_space<vmem>> -> memref<48x128xi32, #tpu.memory_space<vmem>>
      %dma_start3A_73 = arith.constant 0 : i32
      %dma_start3A_74 = tpu.memref_slice %arg3[%add3A_64, %dma_start3A_73] : memref<2560x128xi32, #tpu.memory_space<hbm>> -> memref<48x128xi32, #tpu.memory_space<hbm>>
      tpu.enqueue_dma source(%dma_start3A_74 : memref<48x128xi32, #tpu.memory_space<hbm>>) target(%dma_start3A_72 : memref<48x128xi32, #tpu.memory_space<vmem>>) target_semaphore(%arg12 : memref<!tpu.dma_semaphore, #tpu.memory_space<semaphore_mem>>)
      %dma_start3A_75 = arith.constant 0 : i32
      %dma_start3A_76 = arith.constant 0 : i32
      %dma_start3A_77 = tpu.memref_slice %arg8[%dma_start3A_75, %dma_start3A_76] : memref<48x128xi32, #tpu.memory_space<vmem>> -> memref<48x128xi32, #tpu.memory_space<vmem>>
      %dma_start3A_78 = arith.constant 0 : i32
      %dma_start3A_79 = tpu.memref_slice %arg4[%add3A_64, %dma_start3A_78] : memref<2560x128xi32, #tpu.memory_space<hbm>> -> memref<48x128xi32, #tpu.memory_space<hbm>>
      %dma_start3A_80 = arith.constant 0 : i32
      %dma_start3A_81 = arith.constant 0 : i32
      %dma_start3A_82 = tpu.memref_slice %arg8[%dma_start3A_80, %dma_start3A_81] : memref<48x128xi32, #tpu.memory_space<vmem>> -> memref<48x128xi32, #tpu.memory_space<vmem>>
      %dma_start3A_83 = arith.constant 0 : i32
      %dma_start3A_84 = tpu.memref_slice %arg4[%add3A_64, %dma_start3A_83] : memref<2560x128xi32, #tpu.memory_space<hbm>> -> memref<48x128xi32, #tpu.memory_space<hbm>>
      tpu.enqueue_dma source(%dma_start3A_84 : memref<48x128xi32, #tpu.memory_space<hbm>>) target(%dma_start3A_82 : memref<48x128xi32, #tpu.memory_space<vmem>>) target_semaphore(%arg12 : memref<!tpu.dma_semaphore, #tpu.memory_space<semaphore_mem>>)
      %dma_wait3A_85 = arith.constant 0 : i32
      %dma_wait3A_86 = arith.constant 0 : i32
      %dma_wait3A_87 = tpu.memref_slice %arg7[%dma_wait3A_85, %dma_wait3A_86] : memref<48x128xi32, #tpu.memory_space<vmem>> -> memref<48x128xi32, #tpu.memory_space<vmem>>
      %dma_wait3A_88 = arith.constant 0 : i32
      %dma_wait3A_89 = tpu.memref_slice %arg3[%add3A_64, %dma_wait3A_88] : memref<2560x128xi32, #tpu.memory_space<hbm>> -> memref<48x128xi32, #tpu.memory_space<hbm>>
      %dma_wait3A_90 = arith.constant 0 : i32
      %dma_wait3A_91 = arith.constant 0 : i32
      %dma_wait3A_92 = tpu.memref_slice %arg7[%dma_wait3A_90, %dma_wait3A_91] : memref<48x128xi32, #tpu.memory_space<vmem>> -> memref<48x128xi32, #tpu.memory_space<vmem>>
      %dma_wait3A_93 = arith.constant 0 : i32
      %dma_wait3A_94 = tpu.memref_slice %arg3[%add3A_64, %dma_wait3A_93] : memref<2560x128xi32, #tpu.memory_space<hbm>> -> memref<48x128xi32, #tpu.memory_space<hbm>>
      tpu.wait_dma2 semaphore(%arg12 : memref<!tpu.dma_semaphore, #tpu.memory_space<semaphore_mem>>) src(%dma_wait3A_94 : memref<48x128xi32, #tpu.memory_space<hbm>>) dst(%dma_wait3A_92 : memref<48x128xi32, #tpu.memory_space<vmem>>)
      %dma_wait3A_95 = arith.constant 0 : i32
      %dma_wait3A_96 = arith.constant 0 : i32
      %dma_wait3A_97 = tpu.memref_slice %arg8[%dma_wait3A_95, %dma_wait3A_96] : memref<48x128xi32, #tpu.memory_space<vmem>> -> memref<48x128xi32, #tpu.memory_space<vmem>>
      %dma_wait3A_98 = arith.constant 0 : i32
      %dma_wait3A_99 = tpu.memref_slice %arg4[%add3A_64, %dma_wait3A_98] : memref<2560x128xi32, #tpu.memory_space<hbm>> -> memref<48x128xi32, #tpu.memory_space<hbm>>
      %dma_wait3A_100 = arith.constant 0 : i32
      %dma_wait3A_101 = arith.constant 0 : i32
      %dma_wait3A_102 = tpu.memref_slice %arg8[%dma_wait3A_100, %dma_wait3A_101] : memref<48x128xi32, #tpu.memory_space<vmem>> -> memref<48x128xi32, #tpu.memory_space<vmem>>
      %dma_wait3A_103 = arith.constant 0 : i32
      %dma_wait3A_104 = tpu.memref_slice %arg4[%add3A_64, %dma_wait3A_103] : memref<2560x128xi32, #tpu.memory_space<hbm>> -> memref<48x128xi32, #tpu.memory_space<hbm>>
      tpu.wait_dma2 semaphore(%arg12 : memref<!tpu.dma_semaphore, #tpu.memory_space<semaphore_mem>>) src(%dma_wait3A_104 : memref<48x128xi32, #tpu.memory_space<hbm>>) dst(%dma_wait3A_102 : memref<48x128xi32, #tpu.memory_space<vmem>>)
      %scan3A_105 = arith.constant 0 : i32
      %scan3A_106 = arith.constant 24 : i32
      %scan3A_107 = arith.addi %scan3A_105, %scan3A_106 : i32
      %scan3A_108 = arith.constant 1 : i32
      scf.for %scan3A_204 = %scan3A_105 to %scan3A_107 step %scan3A_108  : i32 {
        %mul3A_205 = arith.constant 2 : i32
        %mul3A_206 = arith.muli %scan3A_204, %mul3A_205 : i32
        %add3A_207 = arith.constant 0 : i32
        %add3A_208 = arith.addi %add3A_207, %mul3A_206 : i32
        %dma_start3A_209 = arith.constant 0 : i32
        %dma_start3A_210 = tpu.memref_slice %arg7[%add3A_208, %dma_start3A_209] : memref<48x128xi32, #tpu.memory_space<vmem>> -> memref<1x128xi32, #tpu.memory_space<vmem>>
        %dma_start3A_211 = tpu.memref_squeeze %dma_start3A_210 : memref<1x128xi32, #tpu.memory_space<vmem>> -> memref<128xi32, #tpu.memory_space<vmem>>
        %dma_start3A_212 = arith.constant 0 : i32
        %dma_start3A_213 = arith.constant 0 : i32
        %dma_start3A_214 = tpu.memref_slice %arg2[%dma_start3A_212, %dma_start3A_213] : memref<10000x128xf32, #tpu.memory_space<hbm>> -> memref<10000x128xf32, #tpu.memory_space<hbm>>
        tpu.enqueue_indirect_dma source(%dma_start3A_214 : memref<10000x128xf32, #tpu.memory_space<hbm>>) target(%arg9 : memref<128x128xf32, #tpu.memory_space<vmem>>) offsets(%dma_start3A_211 : memref<128xi32, #tpu.memory_space<vmem>>) semaphore(%arg13 : memref<!tpu.dma_semaphore, #tpu.memory_space<semaphore_mem>>)
        %add3A_215 = arith.constant 1 : i32
        %add3A_216 = arith.addi %add3A_208, %add3A_215 : i32
        %dma_start3A_217 = arith.constant 0 : i32
        %dma_start3A_218 = tpu.memref_slice %arg7[%add3A_216, %dma_start3A_217] : memref<48x128xi32, #tpu.memory_space<vmem>> -> memref<1x128xi32, #tpu.memory_space<vmem>>
        %dma_start3A_219 = tpu.memref_squeeze %dma_start3A_218 : memref<1x128xi32, #tpu.memory_space<vmem>> -> memref<128xi32, #tpu.memory_space<vmem>>
        %dma_start3A_220 = arith.constant 0 : i32
        %dma_start3A_221 = arith.constant 0 : i32
        %dma_start3A_222 = tpu.memref_slice %arg2[%dma_start3A_220, %dma_start3A_221] : memref<10000x128xf32, #tpu.memory_space<hbm>> -> memref<10000x128xf32, #tpu.memory_space<hbm>>
        tpu.enqueue_indirect_dma source(%dma_start3A_222 : memref<10000x128xf32, #tpu.memory_space<hbm>>) target(%arg10 : memref<128x128xf32, #tpu.memory_space<vmem>>) offsets(%dma_start3A_219 : memref<128xi32, #tpu.memory_space<vmem>>) semaphore(%arg14 : memref<!tpu.dma_semaphore, #tpu.memory_space<semaphore_mem>>)
        %dma_wait3A_223 = arith.constant 0 : i32
        %dma_wait3A_224 = tpu.memref_slice %arg7[%add3A_208, %dma_wait3A_223] : memref<48x128xi32, #tpu.memory_space<vmem>> -> memref<1x128xi32, #tpu.memory_space<vmem>>
        %dma_wait3A_225 = tpu.memref_squeeze %dma_wait3A_224 : memref<1x128xi32, #tpu.memory_space<vmem>> -> memref<128xi32, #tpu.memory_space<vmem>>
        %dma_wait3A_226 = arith.constant 0 : i32
        %dma_wait3A_227 = arith.constant 0 : i32
        %dma_wait3A_228 = tpu.memref_slice %arg2[%dma_wait3A_226, %dma_wait3A_227] : memref<10000x128xf32, #tpu.memory_space<hbm>> -> memref<10000x128xf32, #tpu.memory_space<hbm>>
        tpu.wait_indirect_dma semaphore(%arg13 : memref<!tpu.dma_semaphore, #tpu.memory_space<semaphore_mem>>) src(%dma_wait3A_228 : memref<10000x128xf32, #tpu.memory_space<hbm>>) dst(%arg9 : memref<128x128xf32, #tpu.memory_space<vmem>>)
        %dma_start3A_229 = arith.constant 0 : i32
        %dma_start3A_230 = tpu.memref_slice %arg8[%add3A_208, %dma_start3A_229] : memref<48x128xi32, #tpu.memory_space<vmem>> -> memref<1x128xi32, #tpu.memory_space<vmem>>
        %dma_start3A_231 = tpu.memref_squeeze %dma_start3A_230 : memref<1x128xi32, #tpu.memory_space<vmem>> -> memref<128xi32, #tpu.memory_space<vmem>>
        %dma_start3A_232 = arith.constant 0 : i32
        %dma_start3A_233 = arith.constant 0 : i32
        %dma_start3A_234 = tpu.memref_slice %arg11[%dma_start3A_232, %dma_start3A_233] : memref<10112x128xf32, #tpu.memory_space<vmem_shared>> -> memref<10112x128xf32, #tpu.memory_space<vmem_shared>>
        tpu.enqueue_indirect_dma source(%arg9 : memref<128x128xf32, #tpu.memory_space<vmem>>) target(%dma_start3A_234 : memref<10112x128xf32, #tpu.memory_space<vmem_shared>>) offsets(%dma_start3A_231 : memref<128xi32, #tpu.memory_space<vmem>>) semaphore(%arg15 : memref<!tpu.dma_semaphore, #tpu.memory_space<semaphore_mem>>) {add = true}
        %dma_wait3A_235 = arith.constant 0 : i32
        %dma_wait3A_236 = tpu.memref_slice %arg7[%add3A_216, %dma_wait3A_235] : memref<48x128xi32, #tpu.memory_space<vmem>> -> memref<1x128xi32, #tpu.memory_space<vmem>>
        %dma_wait3A_237 = tpu.memref_squeeze %dma_wait3A_236 : memref<1x128xi32, #tpu.memory_space<vmem>> -> memref<128xi32, #tpu.memory_space<vmem>>
        %dma_wait3A_238 = arith.constant 0 : i32
        %dma_wait3A_239 = arith.constant 0 : i32
        %dma_wait3A_240 = tpu.memref_slice %arg2[%dma_wait3A_238, %dma_wait3A_239] : memref<10000x128xf32, #tpu.memory_space<hbm>> -> memref<10000x128xf32, #tpu.memory_space<hbm>>
        tpu.wait_indirect_dma semaphore(%arg14 : memref<!tpu.dma_semaphore, #tpu.memory_space<semaphore_mem>>) src(%dma_wait3A_240 : memref<10000x128xf32, #tpu.memory_space<hbm>>) dst(%arg10 : memref<128x128xf32, #tpu.memory_space<vmem>>)
        %add3A_241 = arith.constant 1 : i32
        %add3A_242 = arith.addi %add3A_208, %add3A_241 : i32
        %dma_start3A_243 = arith.constant 0 : i32
        %dma_start3A_244 = tpu.memref_slice %arg8[%add3A_242, %dma_start3A_243] : memref<48x128xi32, #tpu.memory_space<vmem>> -> memref<1x128xi32, #tpu.memory_space<vmem>>
        %dma_start3A_245 = tpu.memref_squeeze %dma_start3A_244 : memref<1x128xi32, #tpu.memory_space<vmem>> -> memref<128xi32, #tpu.memory_space<vmem>>
        %dma_start3A_246 = arith.constant 0 : i32
        %dma_start3A_247 = arith.constant 0 : i32
        %dma_start3A_248 = tpu.memref_slice %arg11[%dma_start3A_246, %dma_start3A_247] : memref<10112x128xf32, #tpu.memory_space<vmem_shared>> -> memref<10112x128xf32, #tpu.memory_space<vmem_shared>>
        tpu.enqueue_indirect_dma source(%arg10 : memref<128x128xf32, #tpu.memory_space<vmem>>) target(%dma_start3A_248 : memref<10112x128xf32, #tpu.memory_space<vmem_shared>>) offsets(%dma_start3A_245 : memref<128xi32, #tpu.memory_space<vmem>>) semaphore(%arg16 : memref<!tpu.dma_semaphore, #tpu.memory_space<semaphore_mem>>) {add = true}
        %dma_wait3A_249 = arith.constant 0 : i32
        %dma_wait3A_250 = tpu.memref_slice %arg8[%add3A_208, %dma_wait3A_249] : memref<48x128xi32, #tpu.memory_space<vmem>> -> memref<1x128xi32, #tpu.memory_space<vmem>>
        %dma_wait3A_251 = tpu.memref_squeeze %dma_wait3A_250 : memref<1x128xi32, #tpu.memory_space<vmem>> -> memref<128xi32, #tpu.memory_space<vmem>>
        %dma_wait3A_252 = arith.constant 0 : i32
        %dma_wait3A_253 = arith.constant 0 : i32
        %dma_wait3A_254 = tpu.memref_slice %arg11[%dma_wait3A_252, %dma_wait3A_253] : memref<10112x128xf32, #tpu.memory_space<vmem_shared>> -> memref<10112x128xf32, #tpu.memory_space<vmem_shared>>
        tpu.wait_indirect_dma semaphore(%arg15 : memref<!tpu.dma_semaphore, #tpu.memory_space<semaphore_mem>>) src(%arg9 : memref<128x128xf32, #tpu.memory_space<vmem>>) dst(%dma_wait3A_254 : memref<10112x128xf32, #tpu.memory_space<vmem_shared>>)
        %dma_wait3A_255 = arith.constant 0 : i32
        %dma_wait3A_256 = tpu.memref_slice %arg8[%add3A_242, %dma_wait3A_255] : memref<48x128xi32, #tpu.memory_space<vmem>> -> memref<1x128xi32, #tpu.memory_space<vmem>>
        %dma_wait3A_257 = tpu.memref_squeeze %dma_wait3A_256 : memref<1x128xi32, #tpu.memory_space<vmem>> -> memref<128xi32, #tpu.memory_space<vmem>>
        %dma_wait3A_258 = arith.constant 0 : i32
        %dma_wait3A_259 = arith.constant 0 : i32
        %dma_wait3A_260 = tpu.memref_slice %arg11[%dma_wait3A_258, %dma_wait3A_259] : memref<10112x128xf32, #tpu.memory_space<vmem_shared>> -> memref<10112x128xf32, #tpu.memory_space<vmem_shared>>
        tpu.wait_indirect_dma semaphore(%arg16 : memref<!tpu.dma_semaphore, #tpu.memory_space<semaphore_mem>>) src(%arg10 : memref<128x128xf32, #tpu.memory_space<vmem>>) dst(%dma_wait3A_260 : memref<10112x128xf32, #tpu.memory_space<vmem_shared>>)
      }
      %scan3A_109 = arith.constant 24 : i32
      %add3A_110 = arith.constant 96 : i32
      %add3A_111 = arith.addi %mul3A_18, %add3A_110 : i32
      %dma_start3A_112 = arith.constant 0 : i32
      %dma_start3A_113 = arith.constant 0 : i32
      %dma_start3A_114 = tpu.memref_slice %arg7[%dma_start3A_112, %dma_start3A_113] : memref<48x128xi32, #tpu.memory_space<vmem>> -> memref<48x128xi32, #tpu.memory_space<vmem>>
      %dma_start3A_115 = arith.constant 0 : i32
      %dma_start3A_116 = tpu.memref_slice %arg3[%add3A_111, %dma_start3A_115] : memref<2560x128xi32, #tpu.memory_space<hbm>> -> memref<48x128xi32, #tpu.memory_space<hbm>>
      %dma_start3A_117 = arith.constant 0 : i32
      %dma_start3A_118 = arith.constant 0 : i32
      %dma_start3A_119 = tpu.memref_slice %arg7[%dma_start3A_117, %dma_start3A_118] : memref<48x128xi32, #tpu.memory_space<vmem>> -> memref<48x128xi32, #tpu.memory_space<vmem>>
      %dma_start3A_120 = arith.constant 0 : i32
      %dma_start3A_121 = tpu.memref_slice %arg3[%add3A_111, %dma_start3A_120] : memref<2560x128xi32, #tpu.memory_space<hbm>> -> memref<48x128xi32, #tpu.memory_space<hbm>>
      tpu.enqueue_dma source(%dma_start3A_121 : memref<48x128xi32, #tpu.memory_space<hbm>>) target(%dma_start3A_119 : memref<48x128xi32, #tpu.memory_space<vmem>>) target_semaphore(%arg12 : memref<!tpu.dma_semaphore, #tpu.memory_space<semaphore_mem>>)
      %dma_start3A_122 = arith.constant 0 : i32
      %dma_start3A_123 = arith.constant 0 : i32
      %dma_start3A_124 = tpu.memref_slice %arg8[%dma_start3A_122, %dma_start3A_123] : memref<48x128xi32, #tpu.memory_space<vmem>> -> memref<48x128xi32, #tpu.memory_space<vmem>>
      %dma_start3A_125 = arith.constant 0 : i32
      %dma_start3A_126 = tpu.memref_slice %arg4[%add3A_111, %dma_start3A_125] : memref<2560x128xi32, #tpu.memory_space<hbm>> -> memref<48x128xi32, #tpu.memory_space<hbm>>
      %dma_start3A_127 = arith.constant 0 : i32
      %dma_start3A_128 = arith.constant 0 : i32
      %dma_start3A_129 = tpu.memref_slice %arg8[%dma_start3A_127, %dma_start3A_128] : memref<48x128xi32, #tpu.memory_space<vmem>> -> memref<48x128xi32, #tpu.memory_space<vmem>>
      %dma_start3A_130 = arith.constant 0 : i32
      %dma_start3A_131 = tpu.memref_slice %arg4[%add3A_111, %dma_start3A_130] : memref<2560x128xi32, #tpu.memory_space<hbm>> -> memref<48x128xi32, #tpu.memory_space<hbm>>
      tpu.enqueue_dma source(%dma_start3A_131 : memref<48x128xi32, #tpu.memory_space<hbm>>) target(%dma_start3A_129 : memref<48x128xi32, #tpu.memory_space<vmem>>) target_semaphore(%arg12 : memref<!tpu.dma_semaphore, #tpu.memory_space<semaphore_mem>>)
      %dma_wait3A_132 = arith.constant 0 : i32
      %dma_wait3A_133 = arith.constant 0 : i32
      %dma_wait3A_134 = tpu.memref_slice %arg7[%dma_wait3A_132, %dma_wait3A_133] : memref<48x128xi32, #tpu.memory_space<vmem>> -> memref<48x128xi32, #tpu.memory_space<vmem>>
      %dma_wait3A_135 = arith.constant 0 : i32
      %dma_wait3A_136 = tpu.memref_slice %arg3[%add3A_111, %dma_wait3A_135] : memref<2560x128xi32, #tpu.memory_space<hbm>> -> memref<48x128xi32, #tpu.memory_space<hbm>>
      %dma_wait3A_137 = arith.constant 0 : i32
      %dma_wait3A_138 = arith.constant 0 : i32
      %dma_wait3A_139 = tpu.memref_slice %arg7[%dma_wait3A_137, %dma_wait3A_138] : memref<48x128xi32, #tpu.memory_space<vmem>> -> memref<48x128xi32, #tpu.memory_space<vmem>>
      %dma_wait3A_140 = arith.constant 0 : i32
      %dma_wait3A_141 = tpu.memref_slice %arg3[%add3A_111, %dma_wait3A_140] : memref<2560x128xi32, #tpu.memory_space<hbm>> -> memref<48x128xi32, #tpu.memory_space<hbm>>
      tpu.wait_dma2 semaphore(%arg12 : memref<!tpu.dma_semaphore, #tpu.memory_space<semaphore_mem>>) src(%dma_wait3A_141 : memref<48x128xi32, #tpu.memory_space<hbm>>) dst(%dma_wait3A_139 : memref<48x128xi32, #tpu.memory_space<vmem>>)
      %dma_wait3A_142 = arith.constant 0 : i32
      %dma_wait3A_143 = arith.constant 0 : i32
      %dma_wait3A_144 = tpu.memref_slice %arg8[%dma_wait3A_142, %dma_wait3A_143] : memref<48x128xi32, #tpu.memory_space<vmem>> -> memref<48x128xi32, #tpu.memory_space<vmem>>
      %dma_wait3A_145 = arith.constant 0 : i32
      %dma_wait3A_146 = tpu.memref_slice %arg4[%add3A_111, %dma_wait3A_145] : memref<2560x128xi32, #tpu.memory_space<hbm>> -> memref<48x128xi32, #tpu.memory_space<hbm>>
      %dma_wait3A_147 = arith.constant 0 : i32
      %dma_wait3A_148 = arith.constant 0 : i32
      %dma_wait3A_149 = tpu.memref_slice %arg8[%dma_wait3A_147, %dma_wait3A_148] : memref<48x128xi32, #tpu.memory_space<vmem>> -> memref<48x128xi32, #tpu.memory_space<vmem>>
      %dma_wait3A_150 = arith.constant 0 : i32
      %dma_wait3A_151 = tpu.memref_slice %arg4[%add3A_111, %dma_wait3A_150] : memref<2560x128xi32, #tpu.memory_space<hbm>> -> memref<48x128xi32, #tpu.memory_space<hbm>>
      tpu.wait_dma2 semaphore(%arg12 : memref<!tpu.dma_semaphore, #tpu.memory_space<semaphore_mem>>) src(%dma_wait3A_151 : memref<48x128xi32, #tpu.memory_space<hbm>>) dst(%dma_wait3A_149 : memref<48x128xi32, #tpu.memory_space<vmem>>)
      %scan3A_152 = arith.constant 0 : i32
      %scan3A_153 = arith.constant 24 : i32
      %scan3A_154 = arith.addi %scan3A_152, %scan3A_153 : i32
      %scan3A_155 = arith.constant 1 : i32
      scf.for %scan3A_204 = %scan3A_152 to %scan3A_154 step %scan3A_155  : i32 {
        %mul3A_205 = arith.constant 2 : i32
        %mul3A_206 = arith.muli %scan3A_204, %mul3A_205 : i32
        %add3A_207 = arith.constant 0 : i32
        %add3A_208 = arith.addi %add3A_207, %mul3A_206 : i32
        %dma_start3A_209 = arith.constant 0 : i32
        %dma_start3A_210 = tpu.memref_slice %arg7[%add3A_208, %dma_start3A_209] : memref<48x128xi32, #tpu.memory_space<vmem>> -> memref<1x128xi32, #tpu.memory_space<vmem>>
        %dma_start3A_211 = tpu.memref_squeeze %dma_start3A_210 : memref<1x128xi32, #tpu.memory_space<vmem>> -> memref<128xi32, #tpu.memory_space<vmem>>
        %dma_start3A_212 = arith.constant 0 : i32
        %dma_start3A_213 = arith.constant 0 : i32
        %dma_start3A_214 = tpu.memref_slice %arg2[%dma_start3A_212, %dma_start3A_213] : memref<10000x128xf32, #tpu.memory_space<hbm>> -> memref<10000x128xf32, #tpu.memory_space<hbm>>
        tpu.enqueue_indirect_dma source(%dma_start3A_214 : memref<10000x128xf32, #tpu.memory_space<hbm>>) target(%arg9 : memref<128x128xf32, #tpu.memory_space<vmem>>) offsets(%dma_start3A_211 : memref<128xi32, #tpu.memory_space<vmem>>) semaphore(%arg13 : memref<!tpu.dma_semaphore, #tpu.memory_space<semaphore_mem>>)
        %add3A_215 = arith.constant 1 : i32
        %add3A_216 = arith.addi %add3A_208, %add3A_215 : i32
        %dma_start3A_217 = arith.constant 0 : i32
        %dma_start3A_218 = tpu.memref_slice %arg7[%add3A_216, %dma_start3A_217] : memref<48x128xi32, #tpu.memory_space<vmem>> -> memref<1x128xi32, #tpu.memory_space<vmem>>
        %dma_start3A_219 = tpu.memref_squeeze %dma_start3A_218 : memref<1x128xi32, #tpu.memory_space<vmem>> -> memref<128xi32, #tpu.memory_space<vmem>>
        %dma_start3A_220 = arith.constant 0 : i32
        %dma_start3A_221 = arith.constant 0 : i32
        %dma_start3A_222 = tpu.memref_slice %arg2[%dma_start3A_220, %dma_start3A_221] : memref<10000x128xf32, #tpu.memory_space<hbm>> -> memref<10000x128xf32, #tpu.memory_space<hbm>>
        tpu.enqueue_indirect_dma source(%dma_start3A_222 : memref<10000x128xf32, #tpu.memory_space<hbm>>) target(%arg10 : memref<128x128xf32, #tpu.memory_space<vmem>>) offsets(%dma_start3A_219 : memref<128xi32, #tpu.memory_space<vmem>>) semaphore(%arg14 : memref<!tpu.dma_semaphore, #tpu.memory_space<semaphore_mem>>)
        %dma_wait3A_223 = arith.constant 0 : i32
        %dma_wait3A_224 = tpu.memref_slice %arg7[%add3A_208, %dma_wait3A_223] : memref<48x128xi32, #tpu.memory_space<vmem>> -> memref<1x128xi32, #tpu.memory_space<vmem>>
        %dma_wait3A_225 = tpu.memref_squeeze %dma_wait3A_224 : memref<1x128xi32, #tpu.memory_space<vmem>> -> memref<128xi32, #tpu.memory_space<vmem>>
        %dma_wait3A_226 = arith.constant 0 : i32
        %dma_wait3A_227 = arith.constant 0 : i32
        %dma_wait3A_228 = tpu.memref_slice %arg2[%dma_wait3A_226, %dma_wait3A_227] : memref<10000x128xf32, #tpu.memory_space<hbm>> -> memref<10000x128xf32, #tpu.memory_space<hbm>>
        tpu.wait_indirect_dma semaphore(%arg13 : memref<!tpu.dma_semaphore, #tpu.memory_space<semaphore_mem>>) src(%dma_wait3A_228 : memref<10000x128xf32, #tpu.memory_space<hbm>>) dst(%arg9 : memref<128x128xf32, #tpu.memory_space<vmem>>)
        %dma_start3A_229 = arith.constant 0 : i32
        %dma_start3A_230 = tpu.memref_slice %arg8[%add3A_208, %dma_start3A_229] : memref<48x128xi32, #tpu.memory_space<vmem>> -> memref<1x128xi32, #tpu.memory_space<vmem>>
        %dma_start3A_231 = tpu.memref_squeeze %dma_start3A_230 : memref<1x128xi32, #tpu.memory_space<vmem>> -> memref<128xi32, #tpu.memory_space<vmem>>
        %dma_start3A_232 = arith.constant 0 : i32
        %dma_start3A_233 = arith.constant 0 : i32
        %dma_start3A_234 = tpu.memref_slice %arg11[%dma_start3A_232, %dma_start3A_233] : memref<10112x128xf32, #tpu.memory_space<vmem_shared>> -> memref<10112x128xf32, #tpu.memory_space<vmem_shared>>
        tpu.enqueue_indirect_dma source(%arg9 : memref<128x128xf32, #tpu.memory_space<vmem>>) target(%dma_start3A_234 : memref<10112x128xf32, #tpu.memory_space<vmem_shared>>) offsets(%dma_start3A_231 : memref<128xi32, #tpu.memory_space<vmem>>) semaphore(%arg15 : memref<!tpu.dma_semaphore, #tpu.memory_space<semaphore_mem>>) {add = true}
        %dma_wait3A_235 = arith.constant 0 : i32
        %dma_wait3A_236 = tpu.memref_slice %arg7[%add3A_216, %dma_wait3A_235] : memref<48x128xi32, #tpu.memory_space<vmem>> -> memref<1x128xi32, #tpu.memory_space<vmem>>
        %dma_wait3A_237 = tpu.memref_squeeze %dma_wait3A_236 : memref<1x128xi32, #tpu.memory_space<vmem>> -> memref<128xi32, #tpu.memory_space<vmem>>
        %dma_wait3A_238 = arith.constant 0 : i32
        %dma_wait3A_239 = arith.constant 0 : i32
        %dma_wait3A_240 = tpu.memref_slice %arg2[%dma_wait3A_238, %dma_wait3A_239] : memref<10000x128xf32, #tpu.memory_space<hbm>> -> memref<10000x128xf32, #tpu.memory_space<hbm>>
        tpu.wait_indirect_dma semaphore(%arg14 : memref<!tpu.dma_semaphore, #tpu.memory_space<semaphore_mem>>) src(%dma_wait3A_240 : memref<10000x128xf32, #tpu.memory_space<hbm>>) dst(%arg10 : memref<128x128xf32, #tpu.memory_space<vmem>>)
        %add3A_241 = arith.constant 1 : i32
        %add3A_242 = arith.addi %add3A_208, %add3A_241 : i32
        %dma_start3A_243 = arith.constant 0 : i32
        %dma_start3A_244 = tpu.memref_slice %arg8[%add3A_242, %dma_start3A_243] : memref<48x128xi32, #tpu.memory_space<vmem>> -> memref<1x128xi32, #tpu.memory_space<vmem>>
        %dma_start3A_245 = tpu.memref_squeeze %dma_start3A_244 : memref<1x128xi32, #tpu.memory_space<vmem>> -> memref<128xi32, #tpu.memory_space<vmem>>
        %dma_start3A_246 = arith.constant 0 : i32
        %dma_start3A_247 = arith.constant 0 : i32
        %dma_start3A_248 = tpu.memref_slice %arg11[%dma_start3A_246, %dma_start3A_247] : memref<10112x128xf32, #tpu.memory_space<vmem_shared>> -> memref<10112x128xf32, #tpu.memory_space<vmem_shared>>
        tpu.enqueue_indirect_dma source(%arg10 : memref<128x128xf32, #tpu.memory_space<vmem>>) target(%dma_start3A_248 : memref<10112x128xf32, #tpu.memory_space<vmem_shared>>) offsets(%dma_start3A_245 : memref<128xi32, #tpu.memory_space<vmem>>) semaphore(%arg16 : memref<!tpu.dma_semaphore, #tpu.memory_space<semaphore_mem>>) {add = true}
        %dma_wait3A_249 = arith.constant 0 : i32
        %dma_wait3A_250 = tpu.memref_slice %arg8[%add3A_208, %dma_wait3A_249] : memref<48x128xi32, #tpu.memory_space<vmem>> -> memref<1x128xi32, #tpu.memory_space<vmem>>
        %dma_wait3A_251 = tpu.memref_squeeze %dma_wait3A_250 : memref<1x128xi32, #tpu.memory_space<vmem>> -> memref<128xi32, #tpu.memory_space<vmem>>
        %dma_wait3A_252 = arith.constant 0 : i32
        %dma_wait3A_253 = arith.constant 0 : i32
        %dma_wait3A_254 = tpu.memref_slice %arg11[%dma_wait3A_252, %dma_wait3A_253] : memref<10112x128xf32, #tpu.memory_space<vmem_shared>> -> memref<10112x128xf32, #tpu.memory_space<vmem_shared>>
        tpu.wait_indirect_dma semaphore(%arg15 : memref<!tpu.dma_semaphore, #tpu.memory_space<semaphore_mem>>) src(%arg9 : memref<128x128xf32, #tpu.memory_space<vmem>>) dst(%dma_wait3A_254 : memref<10112x128xf32, #tpu.memory_space<vmem_shared>>)
        %dma_wait3A_255 = arith.constant 0 : i32
        %dma_wait3A_256 = tpu.memref_slice %arg8[%add3A_242, %dma_wait3A_255] : memref<48x128xi32, #tpu.memory_space<vmem>> -> memref<1x128xi32, #tpu.memory_space<vmem>>
        %dma_wait3A_257 = tpu.memref_squeeze %dma_wait3A_256 : memref<1x128xi32, #tpu.memory_space<vmem>> -> memref<128xi32, #tpu.memory_space<vmem>>
        %dma_wait3A_258 = arith.constant 0 : i32
        %dma_wait3A_259 = arith.constant 0 : i32
        %dma_wait3A_260 = tpu.memref_slice %arg11[%dma_wait3A_258, %dma_wait3A_259] : memref<10112x128xf32, #tpu.memory_space<vmem_shared>> -> memref<10112x128xf32, #tpu.memory_space<vmem_shared>>
        tpu.wait_indirect_dma semaphore(%arg16 : memref<!tpu.dma_semaphore, #tpu.memory_space<semaphore_mem>>) src(%arg10 : memref<128x128xf32, #tpu.memory_space<vmem>>) dst(%dma_wait3A_260 : memref<10112x128xf32, #tpu.memory_space<vmem_shared>>)
      }
      %scan3A_156 = arith.constant 24 : i32
      %add3A_157 = arith.constant 144 : i32
      %add3A_158 = arith.addi %mul3A_18, %add3A_157 : i32
      %dma_start3A_159 = arith.constant 0 : i32
      %dma_start3A_160 = arith.constant 0 : i32
      %dma_start3A_161 = tpu.memref_slice %arg7[%dma_start3A_159, %dma_start3A_160] : memref<48x128xi32, #tpu.memory_space<vmem>> -> memref<8x128xi32, #tpu.memory_space<vmem>>
      %dma_start3A_162 = arith.constant 0 : i32
      %dma_start3A_163 = tpu.memref_slice %arg3[%add3A_158, %dma_start3A_162] : memref<2560x128xi32, #tpu.memory_space<hbm>> -> memref<8x128xi32, #tpu.memory_space<hbm>>
      %dma_start3A_164 = arith.constant 0 : i32
      %dma_start3A_165 = arith.constant 0 : i32
      %dma_start3A_166 = tpu.memref_slice %arg7[%dma_start3A_164, %dma_start3A_165] : memref<48x128xi32, #tpu.memory_space<vmem>> -> memref<8x128xi32, #tpu.memory_space<vmem>>
      %dma_start3A_167 = arith.constant 0 : i32
      %dma_start3A_168 = tpu.memref_slice %arg3[%add3A_158, %dma_start3A_167] : memref<2560x128xi32, #tpu.memory_space<hbm>> -> memref<8x128xi32, #tpu.memory_space<hbm>>
      tpu.enqueue_dma source(%dma_start3A_168 : memref<8x128xi32, #tpu.memory_space<hbm>>) target(%dma_start3A_166 : memref<8x128xi32, #tpu.memory_space<vmem>>) target_semaphore(%arg12 : memref<!tpu.dma_semaphore, #tpu.memory_space<semaphore_mem>>)
      %dma_start3A_169 = arith.constant 0 : i32
      %dma_start3A_170 = arith.constant 0 : i32
      %dma_start3A_171 = tpu.memref_slice %arg8[%dma_start3A_169, %dma_start3A_170] : memref<48x128xi32, #tpu.memory_space<vmem>> -> memref<8x128xi32, #tpu.memory_space<vmem>>
      %dma_start3A_172 = arith.constant 0 : i32
      %dma_start3A_173 = tpu.memref_slice %arg4[%add3A_158, %dma_start3A_172] : memref<2560x128xi32, #tpu.memory_space<hbm>> -> memref<8x128xi32, #tpu.memory_space<hbm>>
      %dma_start3A_174 = arith.constant 0 : i32
      %dma_start3A_175 = arith.constant 0 : i32
      %dma_start3A_176 = tpu.memref_slice %arg8[%dma_start3A_174, %dma_start3A_175] : memref<48x128xi32, #tpu.memory_space<vmem>> -> memref<8x128xi32, #tpu.memory_space<vmem>>
      %dma_start3A_177 = arith.constant 0 : i32
      %dma_start3A_178 = tpu.memref_slice %arg4[%add3A_158, %dma_start3A_177] : memref<2560x128xi32, #tpu.memory_space<hbm>> -> memref<8x128xi32, #tpu.memory_space<hbm>>
      tpu.enqueue_dma source(%dma_start3A_178 : memref<8x128xi32, #tpu.memory_space<hbm>>) target(%dma_start3A_176 : memref<8x128xi32, #tpu.memory_space<vmem>>) target_semaphore(%arg12 : memref<!tpu.dma_semaphore, #tpu.memory_space<semaphore_mem>>)
      %dma_wait3A_179 = arith.constant 0 : i32
      %dma_wait3A_180 = arith.constant 0 : i32
      %dma_wait3A_181 = tpu.memref_slice %arg7[%dma_wait3A_179, %dma_wait3A_180] : memref<48x128xi32, #tpu.memory_space<vmem>> -> memref<8x128xi32, #tpu.memory_space<vmem>>
      %dma_wait3A_182 = arith.constant 0 : i32
      %dma_wait3A_183 = tpu.memref_slice %arg3[%add3A_158, %dma_wait3A_182] : memref<2560x128xi32, #tpu.memory_space<hbm>> -> memref<8x128xi32, #tpu.memory_space<hbm>>
      %dma_wait3A_184 = arith.constant 0 : i32
      %dma_wait3A_185 = arith.constant 0 : i32
      %dma_wait3A_186 = tpu.memref_slice %arg7[%dma_wait3A_184, %dma_wait3A_185] : memref<48x128xi32, #tpu.memory_space<vmem>> -> memref<8x128xi32, #tpu.memory_space<vmem>>
      %dma_wait3A_187 = arith.constant 0 : i32
      %dma_wait3A_188 = tpu.memref_slice %arg3[%add3A_158, %dma_wait3A_187] : memref<2560x128xi32, #tpu.memory_space<hbm>> -> memref<8x128xi32, #tpu.memory_space<hbm>>
      tpu.wait_dma2 semaphore(%arg12 : memref<!tpu.dma_semaphore, #tpu.memory_space<semaphore_mem>>) src(%dma_wait3A_188 : memref<8x128xi32, #tpu.memory_space<hbm>>) dst(%dma_wait3A_186 : memref<8x128xi32, #tpu.memory_space<vmem>>)
      %dma_wait3A_189 = arith.constant 0 : i32
      %dma_wait3A_190 = arith.constant 0 : i32
      %dma_wait3A_191 = tpu.memref_slice %arg8[%dma_wait3A_189, %dma_wait3A_190] : memref<48x128xi32, #tpu.memory_space<vmem>> -> memref<8x128xi32, #tpu.memory_space<vmem>>
      %dma_wait3A_192 = arith.constant 0 : i32
      %dma_wait3A_193 = tpu.memref_slice %arg4[%add3A_158, %dma_wait3A_192] : memref<2560x128xi32, #tpu.memory_space<hbm>> -> memref<8x128xi32, #tpu.memory_space<hbm>>
      %dma_wait3A_194 = arith.constant 0 : i32
      %dma_wait3A_195 = arith.constant 0 : i32
      %dma_wait3A_196 = tpu.memref_slice %arg8[%dma_wait3A_194, %dma_wait3A_195] : memref<48x128xi32, #tpu.memory_space<vmem>> -> memref<8x128xi32, #tpu.memory_space<vmem>>
      %dma_wait3A_197 = arith.constant 0 : i32
      %dma_wait3A_198 = tpu.memref_slice %arg4[%add3A_158, %dma_wait3A_197] : memref<2560x128xi32, #tpu.memory_space<hbm>> -> memref<8x128xi32, #tpu.memory_space<hbm>>
      tpu.wait_dma2 semaphore(%arg12 : memref<!tpu.dma_semaphore, #tpu.memory_space<semaphore_mem>>) src(%dma_wait3A_198 : memref<8x128xi32, #tpu.memory_space<hbm>>) dst(%dma_wait3A_196 : memref<8x128xi32, #tpu.memory_space<vmem>>)
      %scan3A_199 = arith.constant 0 : i32
      %scan3A_200 = arith.constant 4 : i32
      %scan3A_201 = arith.addi %scan3A_199, %scan3A_200 : i32
      %scan3A_202 = arith.constant 1 : i32
      scf.for %scan3A_204 = %scan3A_199 to %scan3A_201 step %scan3A_202  : i32 {
        %mul3A_205 = arith.constant 2 : i32
        %mul3A_206 = arith.muli %scan3A_204, %mul3A_205 : i32
        %add3A_207 = arith.constant 0 : i32
        %add3A_208 = arith.addi %add3A_207, %mul3A_206 : i32
        %dma_start3A_209 = arith.constant 0 : i32
        %dma_start3A_210 = tpu.memref_slice %arg7[%add3A_208, %dma_start3A_209] : memref<48x128xi32, #tpu.memory_space<vmem>> -> memref<1x128xi32, #tpu.memory_space<vmem>>
        %dma_start3A_211 = tpu.memref_squeeze %dma_start3A_210 : memref<1x128xi32, #tpu.memory_space<vmem>> -> memref<128xi32, #tpu.memory_space<vmem>>
        %dma_start3A_212 = arith.constant 0 : i32
        %dma_start3A_213 = arith.constant 0 : i32
        %dma_start3A_214 = tpu.memref_slice %arg2[%dma_start3A_212, %dma_start3A_213] : memref<10000x128xf32, #tpu.memory_space<hbm>> -> memref<10000x128xf32, #tpu.memory_space<hbm>>
        tpu.enqueue_indirect_dma source(%dma_start3A_214 : memref<10000x128xf32, #tpu.memory_space<hbm>>) target(%arg9 : memref<128x128xf32, #tpu.memory_space<vmem>>) offsets(%dma_start3A_211 : memref<128xi32, #tpu.memory_space<vmem>>) semaphore(%arg13 : memref<!tpu.dma_semaphore, #tpu.memory_space<semaphore_mem>>)
        %add3A_215 = arith.constant 1 : i32
        %add3A_216 = arith.addi %add3A_208, %add3A_215 : i32
        %dma_start3A_217 = arith.constant 0 : i32
        %dma_start3A_218 = tpu.memref_slice %arg7[%add3A_216, %dma_start3A_217] : memref<48x128xi32, #tpu.memory_space<vmem>> -> memref<1x128xi32, #tpu.memory_space<vmem>>
        %dma_start3A_219 = tpu.memref_squeeze %dma_start3A_218 : memref<1x128xi32, #tpu.memory_space<vmem>> -> memref<128xi32, #tpu.memory_space<vmem>>
        %dma_start3A_220 = arith.constant 0 : i32
        %dma_start3A_221 = arith.constant 0 : i32
        %dma_start3A_222 = tpu.memref_slice %arg2[%dma_start3A_220, %dma_start3A_221] : memref<10000x128xf32, #tpu.memory_space<hbm>> -> memref<10000x128xf32, #tpu.memory_space<hbm>>
        tpu.enqueue_indirect_dma source(%dma_start3A_222 : memref<10000x128xf32, #tpu.memory_space<hbm>>) target(%arg10 : memref<128x128xf32, #tpu.memory_space<vmem>>) offsets(%dma_start3A_219 : memref<128xi32, #tpu.memory_space<vmem>>) semaphore(%arg14 : memref<!tpu.dma_semaphore, #tpu.memory_space<semaphore_mem>>)
        %dma_wait3A_223 = arith.constant 0 : i32
        %dma_wait3A_224 = tpu.memref_slice %arg7[%add3A_208, %dma_wait3A_223] : memref<48x128xi32, #tpu.memory_space<vmem>> -> memref<1x128xi32, #tpu.memory_space<vmem>>
        %dma_wait3A_225 = tpu.memref_squeeze %dma_wait3A_224 : memref<1x128xi32, #tpu.memory_space<vmem>> -> memref<128xi32, #tpu.memory_space<vmem>>
        %dma_wait3A_226 = arith.constant 0 : i32
        %dma_wait3A_227 = arith.constant 0 : i32
        %dma_wait3A_228 = tpu.memref_slice %arg2[%dma_wait3A_226, %dma_wait3A_227] : memref<10000x128xf32, #tpu.memory_space<hbm>> -> memref<10000x128xf32, #tpu.memory_space<hbm>>
        tpu.wait_indirect_dma semaphore(%arg13 : memref<!tpu.dma_semaphore, #tpu.memory_space<semaphore_mem>>) src(%dma_wait3A_228 : memref<10000x128xf32, #tpu.memory_space<hbm>>) dst(%arg9 : memref<128x128xf32, #tpu.memory_space<vmem>>)
        %dma_start3A_229 = arith.constant 0 : i32
        %dma_start3A_230 = tpu.memref_slice %arg8[%add3A_208, %dma_start3A_229] : memref<48x128xi32, #tpu.memory_space<vmem>> -> memref<1x128xi32, #tpu.memory_space<vmem>>
        %dma_start3A_231 = tpu.memref_squeeze %dma_start3A_230 : memref<1x128xi32, #tpu.memory_space<vmem>> -> memref<128xi32, #tpu.memory_space<vmem>>
        %dma_start3A_232 = arith.constant 0 : i32
        %dma_start3A_233 = arith.constant 0 : i32
        %dma_start3A_234 = tpu.memref_slice %arg11[%dma_start3A_232, %dma_start3A_233] : memref<10112x128xf32, #tpu.memory_space<vmem_shared>> -> memref<10112x128xf32, #tpu.memory_space<vmem_shared>>
        tpu.enqueue_indirect_dma source(%arg9 : memref<128x128xf32, #tpu.memory_space<vmem>>) target(%dma_start3A_234 : memref<10112x128xf32, #tpu.memory_space<vmem_shared>>) offsets(%dma_start3A_231 : memref<128xi32, #tpu.memory_space<vmem>>) semaphore(%arg15 : memref<!tpu.dma_semaphore, #tpu.memory_space<semaphore_mem>>) {add = true}
        %dma_wait3A_235 = arith.constant 0 : i32
        %dma_wait3A_236 = tpu.memref_slice %arg7[%add3A_216, %dma_wait3A_235] : memref<48x128xi32, #tpu.memory_space<vmem>> -> memref<1x128xi32, #tpu.memory_space<vmem>>
        %dma_wait3A_237 = tpu.memref_squeeze %dma_wait3A_236 : memref<1x128xi32, #tpu.memory_space<vmem>> -> memref<128xi32, #tpu.memory_space<vmem>>
        %dma_wait3A_238 = arith.constant 0 : i32
        %dma_wait3A_239 = arith.constant 0 : i32
        %dma_wait3A_240 = tpu.memref_slice %arg2[%dma_wait3A_238, %dma_wait3A_239] : memref<10000x128xf32, #tpu.memory_space<hbm>> -> memref<10000x128xf32, #tpu.memory_space<hbm>>
        tpu.wait_indirect_dma semaphore(%arg14 : memref<!tpu.dma_semaphore, #tpu.memory_space<semaphore_mem>>) src(%dma_wait3A_240 : memref<10000x128xf32, #tpu.memory_space<hbm>>) dst(%arg10 : memref<128x128xf32, #tpu.memory_space<vmem>>)
        %add3A_241 = arith.constant 1 : i32
        %add3A_242 = arith.addi %add3A_208, %add3A_241 : i32
        %dma_start3A_243 = arith.constant 0 : i32
        %dma_start3A_244 = tpu.memref_slice %arg8[%add3A_242, %dma_start3A_243] : memref<48x128xi32, #tpu.memory_space<vmem>> -> memref<1x128xi32, #tpu.memory_space<vmem>>
        %dma_start3A_245 = tpu.memref_squeeze %dma_start3A_244 : memref<1x128xi32, #tpu.memory_space<vmem>> -> memref<128xi32, #tpu.memory_space<vmem>>
        %dma_start3A_246 = arith.constant 0 : i32
        %dma_start3A_247 = arith.constant 0 : i32
        %dma_start3A_248 = tpu.memref_slice %arg11[%dma_start3A_246, %dma_start3A_247] : memref<10112x128xf32, #tpu.memory_space<vmem_shared>> -> memref<10112x128xf32, #tpu.memory_space<vmem_shared>>
        tpu.enqueue_indirect_dma source(%arg10 : memref<128x128xf32, #tpu.memory_space<vmem>>) target(%dma_start3A_248 : memref<10112x128xf32, #tpu.memory_space<vmem_shared>>) offsets(%dma_start3A_245 : memref<128xi32, #tpu.memory_space<vmem>>) semaphore(%arg16 : memref<!tpu.dma_semaphore, #tpu.memory_space<semaphore_mem>>) {add = true}
        %dma_wait3A_249 = arith.constant 0 : i32
        %dma_wait3A_250 = tpu.memref_slice %arg8[%add3A_208, %dma_wait3A_249] : memref<48x128xi32, #tpu.memory_space<vmem>> -> memref<1x128xi32, #tpu.memory_space<vmem>>
        %dma_wait3A_251 = tpu.memref_squeeze %dma_wait3A_250 : memref<1x128xi32, #tpu.memory_space<vmem>> -> memref<128xi32, #tpu.memory_space<vmem>>
        %dma_wait3A_252 = arith.constant 0 : i32
        %dma_wait3A_253 = arith.constant 0 : i32
        %dma_wait3A_254 = tpu.memref_slice %arg11[%dma_wait3A_252, %dma_wait3A_253] : memref<10112x128xf32, #tpu.memory_space<vmem_shared>> -> memref<10112x128xf32, #tpu.memory_space<vmem_shared>>
        tpu.wait_indirect_dma semaphore(%arg15 : memref<!tpu.dma_semaphore, #tpu.memory_space<semaphore_mem>>) src(%arg9 : memref<128x128xf32, #tpu.memory_space<vmem>>) dst(%dma_wait3A_254 : memref<10112x128xf32, #tpu.memory_space<vmem_shared>>)
        %dma_wait3A_255 = arith.constant 0 : i32
        %dma_wait3A_256 = tpu.memref_slice %arg8[%add3A_242, %dma_wait3A_255] : memref<48x128xi32, #tpu.memory_space<vmem>> -> memref<1x128xi32, #tpu.memory_space<vmem>>
        %dma_wait3A_257 = tpu.memref_squeeze %dma_wait3A_256 : memref<1x128xi32, #tpu.memory_space<vmem>> -> memref<128xi32, #tpu.memory_space<vmem>>
        %dma_wait3A_258 = arith.constant 0 : i32
        %dma_wait3A_259 = arith.constant 0 : i32
        %dma_wait3A_260 = tpu.memref_slice %arg11[%dma_wait3A_258, %dma_wait3A_259] : memref<10112x128xf32, #tpu.memory_space<vmem_shared>> -> memref<10112x128xf32, #tpu.memory_space<vmem_shared>>
        tpu.wait_indirect_dma semaphore(%arg16 : memref<!tpu.dma_semaphore, #tpu.memory_space<semaphore_mem>>) src(%arg10 : memref<128x128xf32, #tpu.memory_space<vmem>>) dst(%dma_wait3A_260 : memref<10112x128xf32, #tpu.memory_space<vmem_shared>>)
      }
      %scan3A_203 = arith.constant 4 : i32
    } else {
    }
    %eq3A_5 = arith.constant 1 : i32
    %eq3A_6 = arith.cmpi eq, %arg0, %eq3A_5 : i32
    %convert_element_type3A_7 = arith.extui %eq3A_6 : i1 to i32
    %cond3A_8 = arith.constant 0 : i32
    %cond3A_9 = arith.cmpi ne, %convert_element_type3A_7, %cond3A_8 : i32
    scf.if %cond3A_9 {
      %mul3A_17 = arith.constant 8 : i32
      %mul3A_18 = arith.muli %arg1, %mul3A_17 : i32
      %add3A_19 = arith.constant 2432 : i32
      %add3A_20 = arith.addi %add3A_19, %mul3A_18 : i32
      %add3A_21 = arith.constant 0 : i32
      %add3A_22 = arith.addi %add3A_20, %add3A_21 : i32
      %dma_start3A = arith.constant 0 : i32
      %dma_start3A_23 = arith.constant 0 : i32
      %dma_start3A_24 = tpu.memref_slice %arg7[%dma_start3A, %dma_start3A_23] : memref<48x128xi32, #tpu.memory_space<vmem>> -> memref<8x128xi32, #tpu.memory_space<vmem>>
      %dma_start3A_25 = arith.constant 0 : i32
      %dma_start3A_26 = tpu.memref_slice %arg3[%add3A_22, %dma_start3A_25] : memref<2560x128xi32, #tpu.memory_space<hbm>> -> memref<8x128xi32, #tpu.memory_space<hbm>>
      %dma_start3A_27 = arith.constant 0 : i32
      %dma_start3A_28 = arith.constant 0 : i32
      %dma_start3A_29 = tpu.memref_slice %arg7[%dma_start3A_27, %dma_start3A_28] : memref<48x128xi32, #tpu.memory_space<vmem>> -> memref<8x128xi32, #tpu.memory_space<vmem>>
      %dma_start3A_30 = arith.constant 0 : i32
      %dma_start3A_31 = tpu.memref_slice %arg3[%add3A_22, %dma_start3A_30] : memref<2560x128xi32, #tpu.memory_space<hbm>> -> memref<8x128xi32, #tpu.memory_space<hbm>>
      tpu.enqueue_dma source(%dma_start3A_31 : memref<8x128xi32, #tpu.memory_space<hbm>>) target(%dma_start3A_29 : memref<8x128xi32, #tpu.memory_space<vmem>>) target_semaphore(%arg12 : memref<!tpu.dma_semaphore, #tpu.memory_space<semaphore_mem>>)
      %dma_start3A_32 = arith.constant 0 : i32
      %dma_start3A_33 = arith.constant 0 : i32
      %dma_start3A_34 = tpu.memref_slice %arg8[%dma_start3A_32, %dma_start3A_33] : memref<48x128xi32, #tpu.memory_space<vmem>> -> memref<8x128xi32, #tpu.memory_space<vmem>>
      %dma_start3A_35 = arith.constant 0 : i32
      %dma_start3A_36 = tpu.memref_slice %arg4[%add3A_22, %dma_start3A_35] : memref<2560x128xi32, #tpu.memory_space<hbm>> -> memref<8x128xi32, #tpu.memory_space<hbm>>
      %dma_start3A_37 = arith.constant 0 : i32
      %dma_start3A_38 = arith.constant 0 : i32
      %dma_start3A_39 = tpu.memref_slice %arg8[%dma_start3A_37, %dma_start3A_38] : memref<48x128xi32, #tpu.memory_space<vmem>> -> memref<8x128xi32, #tpu.memory_space<vmem>>
      %dma_start3A_40 = arith.constant 0 : i32
      %dma_start3A_41 = tpu.memref_slice %arg4[%add3A_22, %dma_start3A_40] : memref<2560x128xi32, #tpu.memory_space<hbm>> -> memref<8x128xi32, #tpu.memory_space<hbm>>
      tpu.enqueue_dma source(%dma_start3A_41 : memref<8x128xi32, #tpu.memory_space<hbm>>) target(%dma_start3A_39 : memref<8x128xi32, #tpu.memory_space<vmem>>) target_semaphore(%arg12 : memref<!tpu.dma_semaphore, #tpu.memory_space<semaphore_mem>>)
      %dma_wait3A = arith.constant 0 : i32
      %dma_wait3A_42 = arith.constant 0 : i32
      %dma_wait3A_43 = tpu.memref_slice %arg7[%dma_wait3A, %dma_wait3A_42] : memref<48x128xi32, #tpu.memory_space<vmem>> -> memref<8x128xi32, #tpu.memory_space<vmem>>
      %dma_wait3A_44 = arith.constant 0 : i32
      %dma_wait3A_45 = tpu.memref_slice %arg3[%add3A_22, %dma_wait3A_44] : memref<2560x128xi32, #tpu.memory_space<hbm>> -> memref<8x128xi32, #tpu.memory_space<hbm>>
      %dma_wait3A_46 = arith.constant 0 : i32
      %dma_wait3A_47 = arith.constant 0 : i32
      %dma_wait3A_48 = tpu.memref_slice %arg7[%dma_wait3A_46, %dma_wait3A_47] : memref<48x128xi32, #tpu.memory_space<vmem>> -> memref<8x128xi32, #tpu.memory_space<vmem>>
      %dma_wait3A_49 = arith.constant 0 : i32
      %dma_wait3A_50 = tpu.memref_slice %arg3[%add3A_22, %dma_wait3A_49] : memref<2560x128xi32, #tpu.memory_space<hbm>> -> memref<8x128xi32, #tpu.memory_space<hbm>>
      tpu.wait_dma2 semaphore(%arg12 : memref<!tpu.dma_semaphore, #tpu.memory_space<semaphore_mem>>) src(%dma_wait3A_50 : memref<8x128xi32, #tpu.memory_space<hbm>>) dst(%dma_wait3A_48 : memref<8x128xi32, #tpu.memory_space<vmem>>)
      %dma_wait3A_51 = arith.constant 0 : i32
      %dma_wait3A_52 = arith.constant 0 : i32
      %dma_wait3A_53 = tpu.memref_slice %arg8[%dma_wait3A_51, %dma_wait3A_52] : memref<48x128xi32, #tpu.memory_space<vmem>> -> memref<8x128xi32, #tpu.memory_space<vmem>>
      %dma_wait3A_54 = arith.constant 0 : i32
      %dma_wait3A_55 = tpu.memref_slice %arg4[%add3A_22, %dma_wait3A_54] : memref<2560x128xi32, #tpu.memory_space<hbm>> -> memref<8x128xi32, #tpu.memory_space<hbm>>
      %dma_wait3A_56 = arith.constant 0 : i32
      %dma_wait3A_57 = arith.constant 0 : i32
      %dma_wait3A_58 = tpu.memref_slice %arg8[%dma_wait3A_56, %dma_wait3A_57] : memref<48x128xi32, #tpu.memory_space<vmem>> -> memref<8x128xi32, #tpu.memory_space<vmem>>
      %dma_wait3A_59 = arith.constant 0 : i32
      %dma_wait3A_60 = tpu.memref_slice %arg4[%add3A_22, %dma_wait3A_59] : memref<2560x128xi32, #tpu.memory_space<hbm>> -> memref<8x128xi32, #tpu.memory_space<hbm>>
      tpu.wait_dma2 semaphore(%arg12 : memref<!tpu.dma_semaphore, #tpu.memory_space<semaphore_mem>>) src(%dma_wait3A_60 : memref<8x128xi32, #tpu.memory_space<hbm>>) dst(%dma_wait3A_58 : memref<8x128xi32, #tpu.memory_space<vmem>>)
      %scan3A = arith.constant 0 : i32
      %scan3A_61 = arith.constant 4 : i32
      %scan3A_62 = arith.addi %scan3A, %scan3A_61 : i32
      %scan3A_63 = arith.constant 1 : i32
      scf.for %scan3A_65 = %scan3A to %scan3A_62 step %scan3A_63  : i32 {
        %mul3A_66 = arith.constant 2 : i32
        %mul3A_67 = arith.muli %scan3A_65, %mul3A_66 : i32
        %add3A_68 = arith.constant 0 : i32
        %add3A_69 = arith.addi %add3A_68, %mul3A_67 : i32
        %dma_start3A_70 = arith.constant 0 : i32
        %dma_start3A_71 = tpu.memref_slice %arg7[%add3A_69, %dma_start3A_70] : memref<48x128xi32, #tpu.memory_space<vmem>> -> memref<1x128xi32, #tpu.memory_space<vmem>>
        %dma_start3A_72 = tpu.memref_squeeze %dma_start3A_71 : memref<1x128xi32, #tpu.memory_space<vmem>> -> memref<128xi32, #tpu.memory_space<vmem>>
        %dma_start3A_73 = arith.constant 0 : i32
        %dma_start3A_74 = arith.constant 0 : i32
        %dma_start3A_75 = tpu.memref_slice %arg2[%dma_start3A_73, %dma_start3A_74] : memref<10000x128xf32, #tpu.memory_space<hbm>> -> memref<10000x128xf32, #tpu.memory_space<hbm>>
        tpu.enqueue_indirect_dma source(%dma_start3A_75 : memref<10000x128xf32, #tpu.memory_space<hbm>>) target(%arg9 : memref<128x128xf32, #tpu.memory_space<vmem>>) offsets(%dma_start3A_72 : memref<128xi32, #tpu.memory_space<vmem>>) semaphore(%arg13 : memref<!tpu.dma_semaphore, #tpu.memory_space<semaphore_mem>>)
        %add3A_76 = arith.constant 1 : i32
        %add3A_77 = arith.addi %add3A_69, %add3A_76 : i32
        %dma_start3A_78 = arith.constant 0 : i32
        %dma_start3A_79 = tpu.memref_slice %arg7[%add3A_77, %dma_start3A_78] : memref<48x128xi32, #tpu.memory_space<vmem>> -> memref<1x128xi32, #tpu.memory_space<vmem>>
        %dma_start3A_80 = tpu.memref_squeeze %dma_start3A_79 : memref<1x128xi32, #tpu.memory_space<vmem>> -> memref<128xi32, #tpu.memory_space<vmem>>
        %dma_start3A_81 = arith.constant 0 : i32
        %dma_start3A_82 = arith.constant 0 : i32
        %dma_start3A_83 = tpu.memref_slice %arg2[%dma_start3A_81, %dma_start3A_82] : memref<10000x128xf32, #tpu.memory_space<hbm>> -> memref<10000x128xf32, #tpu.memory_space<hbm>>
        tpu.enqueue_indirect_dma source(%dma_start3A_83 : memref<10000x128xf32, #tpu.memory_space<hbm>>) target(%arg10 : memref<128x128xf32, #tpu.memory_space<vmem>>) offsets(%dma_start3A_80 : memref<128xi32, #tpu.memory_space<vmem>>) semaphore(%arg14 : memref<!tpu.dma_semaphore, #tpu.memory_space<semaphore_mem>>)
        %dma_wait3A_84 = arith.constant 0 : i32
        %dma_wait3A_85 = tpu.memref_slice %arg7[%add3A_69, %dma_wait3A_84] : memref<48x128xi32, #tpu.memory_space<vmem>> -> memref<1x128xi32, #tpu.memory_space<vmem>>
        %dma_wait3A_86 = tpu.memref_squeeze %dma_wait3A_85 : memref<1x128xi32, #tpu.memory_space<vmem>> -> memref<128xi32, #tpu.memory_space<vmem>>
        %dma_wait3A_87 = arith.constant 0 : i32
        %dma_wait3A_88 = arith.constant 0 : i32
        %dma_wait3A_89 = tpu.memref_slice %arg2[%dma_wait3A_87, %dma_wait3A_88] : memref<10000x128xf32, #tpu.memory_space<hbm>> -> memref<10000x128xf32, #tpu.memory_space<hbm>>
        tpu.wait_indirect_dma semaphore(%arg13 : memref<!tpu.dma_semaphore, #tpu.memory_space<semaphore_mem>>) src(%dma_wait3A_89 : memref<10000x128xf32, #tpu.memory_space<hbm>>) dst(%arg9 : memref<128x128xf32, #tpu.memory_space<vmem>>)
        %dma_start3A_90 = arith.constant 0 : i32
        %dma_start3A_91 = tpu.memref_slice %arg8[%add3A_69, %dma_start3A_90] : memref<48x128xi32, #tpu.memory_space<vmem>> -> memref<1x128xi32, #tpu.memory_space<vmem>>
        %dma_start3A_92 = tpu.memref_squeeze %dma_start3A_91 : memref<1x128xi32, #tpu.memory_space<vmem>> -> memref<128xi32, #tpu.memory_space<vmem>>
        %dma_start3A_93 = arith.constant 0 : i32
        %dma_start3A_94 = arith.constant 0 : i32
        %dma_start3A_95 = tpu.memref_slice %arg11[%dma_start3A_93, %dma_start3A_94] : memref<10112x128xf32, #tpu.memory_space<vmem_shared>> -> memref<10112x128xf32, #tpu.memory_space<vmem_shared>>
        tpu.enqueue_indirect_dma source(%arg9 : memref<128x128xf32, #tpu.memory_space<vmem>>) target(%dma_start3A_95 : memref<10112x128xf32, #tpu.memory_space<vmem_shared>>) offsets(%dma_start3A_92 : memref<128xi32, #tpu.memory_space<vmem>>) semaphore(%arg15 : memref<!tpu.dma_semaphore, #tpu.memory_space<semaphore_mem>>) {add = true}
        %dma_wait3A_96 = arith.constant 0 : i32
        %dma_wait3A_97 = tpu.memref_slice %arg7[%add3A_77, %dma_wait3A_96] : memref<48x128xi32, #tpu.memory_space<vmem>> -> memref<1x128xi32, #tpu.memory_space<vmem>>
        %dma_wait3A_98 = tpu.memref_squeeze %dma_wait3A_97 : memref<1x128xi32, #tpu.memory_space<vmem>> -> memref<128xi32, #tpu.memory_space<vmem>>
        %dma_wait3A_99 = arith.constant 0 : i32
        %dma_wait3A_100 = arith.constant 0 : i32
        %dma_wait3A_101 = tpu.memref_slice %arg2[%dma_wait3A_99, %dma_wait3A_100] : memref<10000x128xf32, #tpu.memory_space<hbm>> -> memref<10000x128xf32, #tpu.memory_space<hbm>>
        tpu.wait_indirect_dma semaphore(%arg14 : memref<!tpu.dma_semaphore, #tpu.memory_space<semaphore_mem>>) src(%dma_wait3A_101 : memref<10000x128xf32, #tpu.memory_space<hbm>>) dst(%arg10 : memref<128x128xf32, #tpu.memory_space<vmem>>)
        %add3A_102 = arith.constant 1 : i32
        %add3A_103 = arith.addi %add3A_69, %add3A_102 : i32
        %dma_start3A_104 = arith.constant 0 : i32
        %dma_start3A_105 = tpu.memref_slice %arg8[%add3A_103, %dma_start3A_104] : memref<48x128xi32, #tpu.memory_space<vmem>> -> memref<1x128xi32, #tpu.memory_space<vmem>>
        %dma_start3A_106 = tpu.memref_squeeze %dma_start3A_105 : memref<1x128xi32, #tpu.memory_space<vmem>> -> memref<128xi32, #tpu.memory_space<vmem>>
        %dma_start3A_107 = arith.constant 0 : i32
        %dma_start3A_108 = arith.constant 0 : i32
        %dma_start3A_109 = tpu.memref_slice %arg11[%dma_start3A_107, %dma_start3A_108] : memref<10112x128xf32, #tpu.memory_space<vmem_shared>> -> memref<10112x128xf32, #tpu.memory_space<vmem_shared>>
        tpu.enqueue_indirect_dma source(%arg10 : memref<128x128xf32, #tpu.memory_space<vmem>>) target(%dma_start3A_109 : memref<10112x128xf32, #tpu.memory_space<vmem_shared>>) offsets(%dma_start3A_106 : memref<128xi32, #tpu.memory_space<vmem>>) semaphore(%arg16 : memref<!tpu.dma_semaphore, #tpu.memory_space<semaphore_mem>>) {add = true}
        %dma_wait3A_110 = arith.constant 0 : i32
        %dma_wait3A_111 = tpu.memref_slice %arg8[%add3A_69, %dma_wait3A_110] : memref<48x128xi32, #tpu.memory_space<vmem>> -> memref<1x128xi32, #tpu.memory_space<vmem>>
        %dma_wait3A_112 = tpu.memref_squeeze %dma_wait3A_111 : memref<1x128xi32, #tpu.memory_space<vmem>> -> memref<128xi32, #tpu.memory_space<vmem>>
        %dma_wait3A_113 = arith.constant 0 : i32
        %dma_wait3A_114 = arith.constant 0 : i32
        %dma_wait3A_115 = tpu.memref_slice %arg11[%dma_wait3A_113, %dma_wait3A_114] : memref<10112x128xf32, #tpu.memory_space<vmem_shared>> -> memref<10112x128xf32, #tpu.memory_space<vmem_shared>>
        tpu.wait_indirect_dma semaphore(%arg15 : memref<!tpu.dma_semaphore, #tpu.memory_space<semaphore_mem>>) src(%arg9 : memref<128x128xf32, #tpu.memory_space<vmem>>) dst(%dma_wait3A_115 : memref<10112x128xf32, #tpu.memory_space<vmem_shared>>)
        %dma_wait3A_116 = arith.constant 0 : i32
        %dma_wait3A_117 = tpu.memref_slice %arg8[%add3A_103, %dma_wait3A_116] : memref<48x128xi32, #tpu.memory_space<vmem>> -> memref<1x128xi32, #tpu.memory_space<vmem>>
        %dma_wait3A_118 = tpu.memref_squeeze %dma_wait3A_117 : memref<1x128xi32, #tpu.memory_space<vmem>> -> memref<128xi32, #tpu.memory_space<vmem>>
        %dma_wait3A_119 = arith.constant 0 : i32
        %dma_wait3A_120 = arith.constant 0 : i32
        %dma_wait3A_121 = tpu.memref_slice %arg11[%dma_wait3A_119, %dma_wait3A_120] : memref<10112x128xf32, #tpu.memory_space<vmem_shared>> -> memref<10112x128xf32, #tpu.memory_space<vmem_shared>>
        tpu.wait_indirect_dma semaphore(%arg16 : memref<!tpu.dma_semaphore, #tpu.memory_space<semaphore_mem>>) src(%arg10 : memref<128x128xf32, #tpu.memory_space<vmem>>) dst(%dma_wait3A_121 : memref<10112x128xf32, #tpu.memory_space<vmem_shared>>)
      }
      %scan3A_64 = arith.constant 4 : i32
    } else {
    }
    %barrier3A_10 = arith.constant 0 : index
    tpu.barrier barrier_id(%barrier3A_10)
    %mul3A_11 = arith.constant 632 : i32
    %mul3A_12 = arith.muli %arg1, %mul3A_11 : i32
    %mul3A_13 = arith.constant 10112 : i32
    %mul3A_14 = arith.muli %arg0, %mul3A_13 : i32
    %mul3A_15 = arith.constant 632 : i32
    %mul3A_16 = arith.muli %arg1, %mul3A_15 : i32
    %add3A = arith.addi %mul3A_14, %mul3A_16 : i32
    "tpu.region"() ({
      %run_scoped3A = tpu.sem_alloc : memref<!tpu.dma_semaphore, #tpu.memory_space<semaphore_mem>>
      %dma_start3A = arith.constant 0 : i32
      %dma_start3A_17 = tpu.memref_slice %arg6[%add3A, %dma_start3A] : memref<20224x128xf32, #tpu.memory_space<hbm>> -> memref<632x128xf32, #tpu.memory_space<hbm>>
      %dma_start3A_18 = arith.constant 0 : i32
      %dma_start3A_19 = tpu.memref_slice %arg11[%mul3A_12, %dma_start3A_18] : memref<10112x128xf32, #tpu.memory_space<vmem_shared>> -> memref<632x128xf32, #tpu.memory_space<vmem_shared>>
      tpu.enqueue_dma source(%dma_start3A_19 : memref<632x128xf32, #tpu.memory_space<vmem_shared>>) target(%dma_start3A_17 : memref<632x128xf32, #tpu.memory_space<hbm>>) target_semaphore(%run_scoped3A : memref<!tpu.dma_semaphore, #tpu.memory_space<semaphore_mem>>)
      %dma_wait3A = arith.constant 0 : i32
      %dma_wait3A_20 = tpu.memref_slice %arg6[%add3A, %dma_wait3A] : memref<20224x128xf32, #tpu.memory_space<hbm>> -> memref<632x128xf32, #tpu.memory_space<hbm>>
      %dma_wait3A_21 = arith.constant 0 : i32
      %dma_wait3A_22 = tpu.memref_slice %arg11[%mul3A_12, %dma_wait3A_21] : memref<10112x128xf32, #tpu.memory_space<vmem_shared>> -> memref<632x128xf32, #tpu.memory_space<vmem_shared>>
      tpu.wait_dma2 semaphore(%run_scoped3A : memref<!tpu.dma_semaphore, #tpu.memory_space<semaphore_mem>>) src(%dma_wait3A_22 : memref<632x128xf32, #tpu.memory_space<vmem_shared>>) dst(%dma_wait3A_20 : memref<632x128xf32, #tpu.memory_space<hbm>>)
      tpu.yield
    }) : () -> ()
    return
  }
}

#map = affine_map<(d0, d1) -> (0, 0)>
module attributes {stable_mosaic.version = 14 : i64} {
  func.func @k(%arg0: i32, %arg1: i32, %arg2: memref<10000x128xf32, #tpu.memory_space<hbm>>, %arg3: memref<2560x128xi32, #tpu.memory_space<hbm>>, %arg4: memref<2560x128xi32, #tpu.memory_space<hbm>>, %arg5: memref<10112x128xf32, #tpu.memory_space<hbm>>, %arg6: memref<20224x128xf32, #tpu.memory_space<hbm>>, %arg7: memref<48x128xi32, #tpu.memory_space<vmem>>, %arg8: memref<48x128xi32, #tpu.memory_space<vmem>>, %arg9: memref<128x128xf32, #tpu.memory_space<vmem>>, %arg10: memref<128x128xf32, #tpu.memory_space<vmem>>, %arg11: memref<10112x128xf32, #tpu.memory_space<vmem_shared>>, %arg12: memref<!tpu.dma_semaphore, #tpu.memory_space<semaphore_mem>>, %arg13: memref<!tpu.dma_semaphore, #tpu.memory_space<semaphore_mem>>, %arg14: memref<!tpu.dma_semaphore, #tpu.memory_space<semaphore_mem>>, %arg15: memref<!tpu.dma_semaphore, #tpu.memory_space<semaphore_mem>>, %arg16: memref<!tpu.dma_semaphore, #tpu.memory_space<semaphore_mem>>) attributes {dimension_semantics = [#tpu.dimension_semantics<core_parallel>, #tpu.dimension_semantics<subcore_parallel>], iteration_bounds = array<i64: 2, 16>, scalar_prefetch = 0 : i64, scratch_operands = 10 : i64, tpu.core_type = #tpu.core_type<sc_vector_subcore>, window_params = [{transform_indices = #map}, {transform_indices = #map}, {transform_indices = #map}, {transform_indices = #map}, {transform_indices = #map}]} {
    %mul3A = arith.constant 632 : i32
    %mul3A_0 = arith.muli %arg1, %mul3A : i32
    %mul3A_1 = arith.constant 632 : i32
    %mul3A_2 = arith.muli %arg1, %mul3A_1 : i32
    "tpu.region"() ({
      %run_scoped3A = tpu.sem_alloc : memref<!tpu.dma_semaphore, #tpu.memory_space<semaphore_mem>>
      %dma_start3A = arith.constant 0 : i32
      %dma_start3A_17 = tpu.memref_slice %arg11[%mul3A_2, %dma_start3A] : memref<10112x128xf32, #tpu.memory_space<vmem_shared>> -> memref<632x128xf32, #tpu.memory_space<vmem_shared>>
      %dma_start3A_18 = arith.constant 0 : i32
      %dma_start3A_19 = tpu.memref_slice %arg5[%mul3A_0, %dma_start3A_18] : memref<10112x128xf32, #tpu.memory_space<hbm>> -> memref<632x128xf32, #tpu.memory_space<hbm>>
      tpu.enqueue_dma source(%dma_start3A_19 : memref<632x128xf32, #tpu.memory_space<hbm>>) target(%dma_start3A_17 : memref<632x128xf32, #tpu.memory_space<vmem_shared>>) target_semaphore(%run_scoped3A : memref<!tpu.dma_semaphore, #tpu.memory_space<semaphore_mem>>)
      %dma_wait3A = arith.constant 0 : i32
      %dma_wait3A_20 = tpu.memref_slice %arg11[%mul3A_2, %dma_wait3A] : memref<10112x128xf32, #tpu.memory_space<vmem_shared>> -> memref<632x128xf32, #tpu.memory_space<vmem_shared>>
      %dma_wait3A_21 = arith.constant 0 : i32
      %dma_wait3A_22 = tpu.memref_slice %arg5[%mul3A_0, %dma_wait3A_21] : memref<10112x128xf32, #tpu.memory_space<hbm>> -> memref<632x128xf32, #tpu.memory_space<hbm>>
      tpu.wait_dma2 semaphore(%run_scoped3A : memref<!tpu.dma_semaphore, #tpu.memory_space<semaphore_mem>>) src(%dma_wait3A_22 : memref<632x128xf32, #tpu.memory_space<hbm>>) dst(%dma_wait3A_20 : memref<632x128xf32, #tpu.memory_space<vmem_shared>>)
      tpu.yield
    }) : () -> ()
    %barrier3A = arith.constant 0 : index
    tpu.barrier barrier_id(%barrier3A)
    %eq3A = arith.constant 0 : i32
    %eq3A_3 = arith.cmpi eq, %arg0, %eq3A : i32
    %convert_element_type3A = arith.extui %eq3A_3 : i1 to i32
    %cond3A = arith.constant 0 : i32
    %cond3A_4 = arith.cmpi ne, %convert_element_type3A, %cond3A : i32
    scf.if %cond3A_4 {
      %mul3A_17 = arith.constant 152 : i32
      %mul3A_18 = arith.muli %arg1, %mul3A_17 : i32
      %add3A_19 = arith.constant 0 : i32
      %add3A_20 = arith.addi %mul3A_18, %add3A_19 : i32
      %dma_start3A = arith.constant 0 : i32
      %dma_start3A_21 = arith.constant 0 : i32
      %dma_start3A_22 = tpu.memref_slice %arg7[%dma_start3A, %dma_start3A_21] : memref<48x128xi32, #tpu.memory_space<vmem>> -> memref<48x128xi32, #tpu.memory_space<vmem>>
      %dma_start3A_23 = arith.constant 0 : i32
      %dma_start3A_24 = tpu.memref_slice %arg3[%add3A_20, %dma_start3A_23] : memref<2560x128xi32, #tpu.memory_space<hbm>> -> memref<48x128xi32, #tpu.memory_space<hbm>>
      %dma_start3A_25 = arith.constant 0 : i32
      %dma_start3A_26 = arith.constant 0 : i32
      %dma_start3A_27 = tpu.memref_slice %arg7[%dma_start3A_25, %dma_start3A_26] : memref<48x128xi32, #tpu.memory_space<vmem>> -> memref<48x128xi32, #tpu.memory_space<vmem>>
      %dma_start3A_28 = arith.constant 0 : i32
      %dma_start3A_29 = tpu.memref_slice %arg3[%add3A_20, %dma_start3A_28] : memref<2560x128xi32, #tpu.memory_space<hbm>> -> memref<48x128xi32, #tpu.memory_space<hbm>>
      tpu.enqueue_dma source(%dma_start3A_29 : memref<48x128xi32, #tpu.memory_space<hbm>>) target(%dma_start3A_27 : memref<48x128xi32, #tpu.memory_space<vmem>>) target_semaphore(%arg12 : memref<!tpu.dma_semaphore, #tpu.memory_space<semaphore_mem>>)
      %dma_start3A_30 = arith.constant 0 : i32
      %dma_start3A_31 = arith.constant 0 : i32
      %dma_start3A_32 = tpu.memref_slice %arg8[%dma_start3A_30, %dma_start3A_31] : memref<48x128xi32, #tpu.memory_space<vmem>> -> memref<48x128xi32, #tpu.memory_space<vmem>>
      %dma_start3A_33 = arith.constant 0 : i32
      %dma_start3A_34 = tpu.memref_slice %arg4[%add3A_20, %dma_start3A_33] : memref<2560x128xi32, #tpu.memory_space<hbm>> -> memref<48x128xi32, #tpu.memory_space<hbm>>
      %dma_start3A_35 = arith.constant 0 : i32
      %dma_start3A_36 = arith.constant 0 : i32
      %dma_start3A_37 = tpu.memref_slice %arg8[%dma_start3A_35, %dma_start3A_36] : memref<48x128xi32, #tpu.memory_space<vmem>> -> memref<48x128xi32, #tpu.memory_space<vmem>>
      %dma_start3A_38 = arith.constant 0 : i32
      %dma_start3A_39 = tpu.memref_slice %arg4[%add3A_20, %dma_start3A_38] : memref<2560x128xi32, #tpu.memory_space<hbm>> -> memref<48x128xi32, #tpu.memory_space<hbm>>
      tpu.enqueue_dma source(%dma_start3A_39 : memref<48x128xi32, #tpu.memory_space<hbm>>) target(%dma_start3A_37 : memref<48x128xi32, #tpu.memory_space<vmem>>) target_semaphore(%arg12 : memref<!tpu.dma_semaphore, #tpu.memory_space<semaphore_mem>>)
      %dma_wait3A = arith.constant 0 : i32
      %dma_wait3A_40 = arith.constant 0 : i32
      %dma_wait3A_41 = tpu.memref_slice %arg7[%dma_wait3A, %dma_wait3A_40] : memref<48x128xi32, #tpu.memory_space<vmem>> -> memref<48x128xi32, #tpu.memory_space<vmem>>
      %dma_wait3A_42 = arith.constant 0 : i32
      %dma_wait3A_43 = tpu.memref_slice %arg3[%add3A_20, %dma_wait3A_42] : memref<2560x128xi32, #tpu.memory_space<hbm>> -> memref<48x128xi32, #tpu.memory_space<hbm>>
      %dma_wait3A_44 = arith.constant 0 : i32
      %dma_wait3A_45 = arith.constant 0 : i32
      %dma_wait3A_46 = tpu.memref_slice %arg7[%dma_wait3A_44, %dma_wait3A_45] : memref<48x128xi32, #tpu.memory_space<vmem>> -> memref<48x128xi32, #tpu.memory_space<vmem>>
      %dma_wait3A_47 = arith.constant 0 : i32
      %dma_wait3A_48 = tpu.memref_slice %arg3[%add3A_20, %dma_wait3A_47] : memref<2560x128xi32, #tpu.memory_space<hbm>> -> memref<48x128xi32, #tpu.memory_space<hbm>>
      tpu.wait_dma2 semaphore(%arg12 : memref<!tpu.dma_semaphore, #tpu.memory_space<semaphore_mem>>) src(%dma_wait3A_48 : memref<48x128xi32, #tpu.memory_space<hbm>>) dst(%dma_wait3A_46 : memref<48x128xi32, #tpu.memory_space<vmem>>)
      %dma_wait3A_49 = arith.constant 0 : i32
      %dma_wait3A_50 = arith.constant 0 : i32
      %dma_wait3A_51 = tpu.memref_slice %arg8[%dma_wait3A_49, %dma_wait3A_50] : memref<48x128xi32, #tpu.memory_space<vmem>> -> memref<48x128xi32, #tpu.memory_space<vmem>>
      %dma_wait3A_52 = arith.constant 0 : i32
      %dma_wait3A_53 = tpu.memref_slice %arg4[%add3A_20, %dma_wait3A_52] : memref<2560x128xi32, #tpu.memory_space<hbm>> -> memref<48x128xi32, #tpu.memory_space<hbm>>
      %dma_wait3A_54 = arith.constant 0 : i32
      %dma_wait3A_55 = arith.constant 0 : i32
      %dma_wait3A_56 = tpu.memref_slice %arg8[%dma_wait3A_54, %dma_wait3A_55] : memref<48x128xi32, #tpu.memory_space<vmem>> -> memref<48x128xi32, #tpu.memory_space<vmem>>
      %dma_wait3A_57 = arith.constant 0 : i32
      %dma_wait3A_58 = tpu.memref_slice %arg4[%add3A_20, %dma_wait3A_57] : memref<2560x128xi32, #tpu.memory_space<hbm>> -> memref<48x128xi32, #tpu.memory_space<hbm>>
      tpu.wait_dma2 semaphore(%arg12 : memref<!tpu.dma_semaphore, #tpu.memory_space<semaphore_mem>>) src(%dma_wait3A_58 : memref<48x128xi32, #tpu.memory_space<hbm>>) dst(%dma_wait3A_56 : memref<48x128xi32, #tpu.memory_space<vmem>>)
      %scan3A = arith.constant 0 : i32
      %scan3A_59 = arith.constant 24 : i32
      %scan3A_60 = arith.addi %scan3A, %scan3A_59 : i32
      %scan3A_61 = arith.constant 1 : i32
      scf.for %scan3A_204 = %scan3A to %scan3A_60 step %scan3A_61  : i32 {
        %mul3A_205 = arith.constant 2 : i32
        %mul3A_206 = arith.muli %scan3A_204, %mul3A_205 : i32
        %add3A_207 = arith.constant 0 : i32
        %add3A_208 = arith.addi %add3A_207, %mul3A_206 : i32
        %dma_start3A_209 = arith.constant 0 : i32
        %dma_start3A_210 = tpu.memref_slice %arg7[%add3A_208, %dma_start3A_209] : memref<48x128xi32, #tpu.memory_space<vmem>> -> memref<1x128xi32, #tpu.memory_space<vmem>>
        %dma_start3A_211 = tpu.memref_squeeze %dma_start3A_210 : memref<1x128xi32, #tpu.memory_space<vmem>> -> memref<128xi32, #tpu.memory_space<vmem>>
        %dma_start3A_212 = arith.constant 0 : i32
        %dma_start3A_213 = arith.constant 0 : i32
        %dma_start3A_214 = tpu.memref_slice %arg2[%dma_start3A_212, %dma_start3A_213] : memref<10000x128xf32, #tpu.memory_space<hbm>> -> memref<10000x128xf32, #tpu.memory_space<hbm>>
        tpu.enqueue_indirect_dma source(%dma_start3A_214 : memref<10000x128xf32, #tpu.memory_space<hbm>>) target(%arg9 : memref<128x128xf32, #tpu.memory_space<vmem>>) offsets(%dma_start3A_211 : memref<128xi32, #tpu.memory_space<vmem>>) semaphore(%arg13 : memref<!tpu.dma_semaphore, #tpu.memory_space<semaphore_mem>>)
        %add3A_215 = arith.constant 1 : i32
        %add3A_216 = arith.addi %add3A_208, %add3A_215 : i32
        %dma_start3A_217 = arith.constant 0 : i32
        %dma_start3A_218 = tpu.memref_slice %arg7[%add3A_216, %dma_start3A_217] : memref<48x128xi32, #tpu.memory_space<vmem>> -> memref<1x128xi32, #tpu.memory_space<vmem>>
        %dma_start3A_219 = tpu.memref_squeeze %dma_start3A_218 : memref<1x128xi32, #tpu.memory_space<vmem>> -> memref<128xi32, #tpu.memory_space<vmem>>
        %dma_start3A_220 = arith.constant 0 : i32
        %dma_start3A_221 = arith.constant 0 : i32
        %dma_start3A_222 = tpu.memref_slice %arg2[%dma_start3A_220, %dma_start3A_221] : memref<10000x128xf32, #tpu.memory_space<hbm>> -> memref<10000x128xf32, #tpu.memory_space<hbm>>
        tpu.enqueue_indirect_dma source(%dma_start3A_222 : memref<10000x128xf32, #tpu.memory_space<hbm>>) target(%arg10 : memref<128x128xf32, #tpu.memory_space<vmem>>) offsets(%dma_start3A_219 : memref<128xi32, #tpu.memory_space<vmem>>) semaphore(%arg14 : memref<!tpu.dma_semaphore, #tpu.memory_space<semaphore_mem>>)
        %dma_wait3A_223 = arith.constant 0 : i32
        %dma_wait3A_224 = tpu.memref_slice %arg7[%add3A_208, %dma_wait3A_223] : memref<48x128xi32, #tpu.memory_space<vmem>> -> memref<1x128xi32, #tpu.memory_space<vmem>>
        %dma_wait3A_225 = tpu.memref_squeeze %dma_wait3A_224 : memref<1x128xi32, #tpu.memory_space<vmem>> -> memref<128xi32, #tpu.memory_space<vmem>>
        %dma_wait3A_226 = arith.constant 0 : i32
        %dma_wait3A_227 = arith.constant 0 : i32
        %dma_wait3A_228 = tpu.memref_slice %arg2[%dma_wait3A_226, %dma_wait3A_227] : memref<10000x128xf32, #tpu.memory_space<hbm>> -> memref<10000x128xf32, #tpu.memory_space<hbm>>
        tpu.wait_indirect_dma semaphore(%arg13 : memref<!tpu.dma_semaphore, #tpu.memory_space<semaphore_mem>>) src(%dma_wait3A_228 : memref<10000x128xf32, #tpu.memory_space<hbm>>) dst(%arg9 : memref<128x128xf32, #tpu.memory_space<vmem>>)
        %dma_start3A_229 = arith.constant 0 : i32
        %dma_start3A_230 = tpu.memref_slice %arg8[%add3A_208, %dma_start3A_229] : memref<48x128xi32, #tpu.memory_space<vmem>> -> memref<1x128xi32, #tpu.memory_space<vmem>>
        %dma_start3A_231 = tpu.memref_squeeze %dma_start3A_230 : memref<1x128xi32, #tpu.memory_space<vmem>> -> memref<128xi32, #tpu.memory_space<vmem>>
        %dma_start3A_232 = arith.constant 0 : i32
        %dma_start3A_233 = arith.constant 0 : i32
        %dma_start3A_234 = tpu.memref_slice %arg11[%dma_start3A_232, %dma_start3A_233] : memref<10112x128xf32, #tpu.memory_space<vmem_shared>> -> memref<10112x128xf32, #tpu.memory_space<vmem_shared>>
        tpu.enqueue_indirect_dma source(%arg9 : memref<128x128xf32, #tpu.memory_space<vmem>>) target(%dma_start3A_234 : memref<10112x128xf32, #tpu.memory_space<vmem_shared>>) offsets(%dma_start3A_231 : memref<128xi32, #tpu.memory_space<vmem>>) semaphore(%arg15 : memref<!tpu.dma_semaphore, #tpu.memory_space<semaphore_mem>>) {add = true}
        %dma_wait3A_235 = arith.constant 0 : i32
        %dma_wait3A_236 = tpu.memref_slice %arg7[%add3A_216, %dma_wait3A_235] : memref<48x128xi32, #tpu.memory_space<vmem>> -> memref<1x128xi32, #tpu.memory_space<vmem>>
        %dma_wait3A_237 = tpu.memref_squeeze %dma_wait3A_236 : memref<1x128xi32, #tpu.memory_space<vmem>> -> memref<128xi32, #tpu.memory_space<vmem>>
        %dma_wait3A_238 = arith.constant 0 : i32
        %dma_wait3A_239 = arith.constant 0 : i32
        %dma_wait3A_240 = tpu.memref_slice %arg2[%dma_wait3A_238, %dma_wait3A_239] : memref<10000x128xf32, #tpu.memory_space<hbm>> -> memref<10000x128xf32, #tpu.memory_space<hbm>>
        tpu.wait_indirect_dma semaphore(%arg14 : memref<!tpu.dma_semaphore, #tpu.memory_space<semaphore_mem>>) src(%dma_wait3A_240 : memref<10000x128xf32, #tpu.memory_space<hbm>>) dst(%arg10 : memref<128x128xf32, #tpu.memory_space<vmem>>)
        %add3A_241 = arith.constant 1 : i32
        %add3A_242 = arith.addi %add3A_208, %add3A_241 : i32
        %dma_start3A_243 = arith.constant 0 : i32
        %dma_start3A_244 = tpu.memref_slice %arg8[%add3A_242, %dma_start3A_243] : memref<48x128xi32, #tpu.memory_space<vmem>> -> memref<1x128xi32, #tpu.memory_space<vmem>>
        %dma_start3A_245 = tpu.memref_squeeze %dma_start3A_244 : memref<1x128xi32, #tpu.memory_space<vmem>> -> memref<128xi32, #tpu.memory_space<vmem>>
        %dma_start3A_246 = arith.constant 0 : i32
        %dma_start3A_247 = arith.constant 0 : i32
        %dma_start3A_248 = tpu.memref_slice %arg11[%dma_start3A_246, %dma_start3A_247] : memref<10112x128xf32, #tpu.memory_space<vmem_shared>> -> memref<10112x128xf32, #tpu.memory_space<vmem_shared>>
        tpu.enqueue_indirect_dma source(%arg10 : memref<128x128xf32, #tpu.memory_space<vmem>>) target(%dma_start3A_248 : memref<10112x128xf32, #tpu.memory_space<vmem_shared>>) offsets(%dma_start3A_245 : memref<128xi32, #tpu.memory_space<vmem>>) semaphore(%arg16 : memref<!tpu.dma_semaphore, #tpu.memory_space<semaphore_mem>>) {add = true}
        %dma_wait3A_249 = arith.constant 0 : i32
        %dma_wait3A_250 = tpu.memref_slice %arg8[%add3A_208, %dma_wait3A_249] : memref<48x128xi32, #tpu.memory_space<vmem>> -> memref<1x128xi32, #tpu.memory_space<vmem>>
        %dma_wait3A_251 = tpu.memref_squeeze %dma_wait3A_250 : memref<1x128xi32, #tpu.memory_space<vmem>> -> memref<128xi32, #tpu.memory_space<vmem>>
        %dma_wait3A_252 = arith.constant 0 : i32
        %dma_wait3A_253 = arith.constant 0 : i32
        %dma_wait3A_254 = tpu.memref_slice %arg11[%dma_wait3A_252, %dma_wait3A_253] : memref<10112x128xf32, #tpu.memory_space<vmem_shared>> -> memref<10112x128xf32, #tpu.memory_space<vmem_shared>>
        tpu.wait_indirect_dma semaphore(%arg15 : memref<!tpu.dma_semaphore, #tpu.memory_space<semaphore_mem>>) src(%arg9 : memref<128x128xf32, #tpu.memory_space<vmem>>) dst(%dma_wait3A_254 : memref<10112x128xf32, #tpu.memory_space<vmem_shared>>)
        %dma_wait3A_255 = arith.constant 0 : i32
        %dma_wait3A_256 = tpu.memref_slice %arg8[%add3A_242, %dma_wait3A_255] : memref<48x128xi32, #tpu.memory_space<vmem>> -> memref<1x128xi32, #tpu.memory_space<vmem>>
        %dma_wait3A_257 = tpu.memref_squeeze %dma_wait3A_256 : memref<1x128xi32, #tpu.memory_space<vmem>> -> memref<128xi32, #tpu.memory_space<vmem>>
        %dma_wait3A_258 = arith.constant 0 : i32
        %dma_wait3A_259 = arith.constant 0 : i32
        %dma_wait3A_260 = tpu.memref_slice %arg11[%dma_wait3A_258, %dma_wait3A_259] : memref<10112x128xf32, #tpu.memory_space<vmem_shared>> -> memref<10112x128xf32, #tpu.memory_space<vmem_shared>>
        tpu.wait_indirect_dma semaphore(%arg16 : memref<!tpu.dma_semaphore, #tpu.memory_space<semaphore_mem>>) src(%arg10 : memref<128x128xf32, #tpu.memory_space<vmem>>) dst(%dma_wait3A_260 : memref<10112x128xf32, #tpu.memory_space<vmem_shared>>)
      }
      %scan3A_62 = arith.constant 24 : i32
      %add3A_63 = arith.constant 48 : i32
      %add3A_64 = arith.addi %mul3A_18, %add3A_63 : i32
      %dma_start3A_65 = arith.constant 0 : i32
      %dma_start3A_66 = arith.constant 0 : i32
      %dma_start3A_67 = tpu.memref_slice %arg7[%dma_start3A_65, %dma_start3A_66] : memref<48x128xi32, #tpu.memory_space<vmem>> -> memref<48x128xi32, #tpu.memory_space<vmem>>
      %dma_start3A_68 = arith.constant 0 : i32
      %dma_start3A_69 = tpu.memref_slice %arg3[%add3A_64, %dma_start3A_68] : memref<2560x128xi32, #tpu.memory_space<hbm>> -> memref<48x128xi32, #tpu.memory_space<hbm>>
      %dma_start3A_70 = arith.constant 0 : i32
      %dma_start3A_71 = arith.constant 0 : i32
      %dma_start3A_72 = tpu.memref_slice %arg7[%dma_start3A_70, %dma_start3A_71] : memref<48x128xi32, #tpu.memory_space<vmem>> -> memref<48x128xi32, #tpu.memory_space<vmem>>
      %dma_start3A_73 = arith.constant 0 : i32
      %dma_start3A_74 = tpu.memref_slice %arg3[%add3A_64, %dma_start3A_73] : memref<2560x128xi32, #tpu.memory_space<hbm>> -> memref<48x128xi32, #tpu.memory_space<hbm>>
      tpu.enqueue_dma source(%dma_start3A_74 : memref<48x128xi32, #tpu.memory_space<hbm>>) target(%dma_start3A_72 : memref<48x128xi32, #tpu.memory_space<vmem>>) target_semaphore(%arg12 : memref<!tpu.dma_semaphore, #tpu.memory_space<semaphore_mem>>)
      %dma_start3A_75 = arith.constant 0 : i32
      %dma_start3A_76 = arith.constant 0 : i32
      %dma_start3A_77 = tpu.memref_slice %arg8[%dma_start3A_75, %dma_start3A_76] : memref<48x128xi32, #tpu.memory_space<vmem>> -> memref<48x128xi32, #tpu.memory_space<vmem>>
      %dma_start3A_78 = arith.constant 0 : i32
      %dma_start3A_79 = tpu.memref_slice %arg4[%add3A_64, %dma_start3A_78] : memref<2560x128xi32, #tpu.memory_space<hbm>> -> memref<48x128xi32, #tpu.memory_space<hbm>>
      %dma_start3A_80 = arith.constant 0 : i32
      %dma_start3A_81 = arith.constant 0 : i32
      %dma_start3A_82 = tpu.memref_slice %arg8[%dma_start3A_80, %dma_start3A_81] : memref<48x128xi32, #tpu.memory_space<vmem>> -> memref<48x128xi32, #tpu.memory_space<vmem>>
      %dma_start3A_83 = arith.constant 0 : i32
      %dma_start3A_84 = tpu.memref_slice %arg4[%add3A_64, %dma_start3A_83] : memref<2560x128xi32, #tpu.memory_space<hbm>> -> memref<48x128xi32, #tpu.memory_space<hbm>>
      tpu.enqueue_dma source(%dma_start3A_84 : memref<48x128xi32, #tpu.memory_space<hbm>>) target(%dma_start3A_82 : memref<48x128xi32, #tpu.memory_space<vmem>>) target_semaphore(%arg12 : memref<!tpu.dma_semaphore, #tpu.memory_space<semaphore_mem>>)
      %dma_wait3A_85 = arith.constant 0 : i32
      %dma_wait3A_86 = arith.constant 0 : i32
      %dma_wait3A_87 = tpu.memref_slice %arg7[%dma_wait3A_85, %dma_wait3A_86] : memref<48x128xi32, #tpu.memory_space<vmem>> -> memref<48x128xi32, #tpu.memory_space<vmem>>
      %dma_wait3A_88 = arith.constant 0 : i32
      %dma_wait3A_89 = tpu.memref_slice %arg3[%add3A_64, %dma_wait3A_88] : memref<2560x128xi32, #tpu.memory_space<hbm>> -> memref<48x128xi32, #tpu.memory_space<hbm>>
      %dma_wait3A_90 = arith.constant 0 : i32
      %dma_wait3A_91 = arith.constant 0 : i32
      %dma_wait3A_92 = tpu.memref_slice %arg7[%dma_wait3A_90, %dma_wait3A_91] : memref<48x128xi32, #tpu.memory_space<vmem>> -> memref<48x128xi32, #tpu.memory_space<vmem>>
      %dma_wait3A_93 = arith.constant 0 : i32
      %dma_wait3A_94 = tpu.memref_slice %arg3[%add3A_64, %dma_wait3A_93] : memref<2560x128xi32, #tpu.memory_space<hbm>> -> memref<48x128xi32, #tpu.memory_space<hbm>>
      tpu.wait_dma2 semaphore(%arg12 : memref<!tpu.dma_semaphore, #tpu.memory_space<semaphore_mem>>) src(%dma_wait3A_94 : memref<48x128xi32, #tpu.memory_space<hbm>>) dst(%dma_wait3A_92 : memref<48x128xi32, #tpu.memory_space<vmem>>)
      %dma_wait3A_95 = arith.constant 0 : i32
      %dma_wait3A_96 = arith.constant 0 : i32
      %dma_wait3A_97 = tpu.memref_slice %arg8[%dma_wait3A_95, %dma_wait3A_96] : memref<48x128xi32, #tpu.memory_space<vmem>> -> memref<48x128xi32, #tpu.memory_space<vmem>>
      %dma_wait3A_98 = arith.constant 0 : i32
      %dma_wait3A_99 = tpu.memref_slice %arg4[%add3A_64, %dma_wait3A_98] : memref<2560x128xi32, #tpu.memory_space<hbm>> -> memref<48x128xi32, #tpu.memory_space<hbm>>
      %dma_wait3A_100 = arith.constant 0 : i32
      %dma_wait3A_101 = arith.constant 0 : i32
      %dma_wait3A_102 = tpu.memref_slice %arg8[%dma_wait3A_100, %dma_wait3A_101] : memref<48x128xi32, #tpu.memory_space<vmem>> -> memref<48x128xi32, #tpu.memory_space<vmem>>
      %dma_wait3A_103 = arith.constant 0 : i32
      %dma_wait3A_104 = tpu.memref_slice %arg4[%add3A_64, %dma_wait3A_103] : memref<2560x128xi32, #tpu.memory_space<hbm>> -> memref<48x128xi32, #tpu.memory_space<hbm>>
      tpu.wait_dma2 semaphore(%arg12 : memref<!tpu.dma_semaphore, #tpu.memory_space<semaphore_mem>>) src(%dma_wait3A_104 : memref<48x128xi32, #tpu.memory_space<hbm>>) dst(%dma_wait3A_102 : memref<48x128xi32, #tpu.memory_space<vmem>>)
      %scan3A_105 = arith.constant 0 : i32
      %scan3A_106 = arith.constant 24 : i32
      %scan3A_107 = arith.addi %scan3A_105, %scan3A_106 : i32
      %scan3A_108 = arith.constant 1 : i32
      scf.for %scan3A_204 = %scan3A_105 to %scan3A_107 step %scan3A_108  : i32 {
        %mul3A_205 = arith.constant 2 : i32
        %mul3A_206 = arith.muli %scan3A_204, %mul3A_205 : i32
        %add3A_207 = arith.constant 0 : i32
        %add3A_208 = arith.addi %add3A_207, %mul3A_206 : i32
        %dma_start3A_209 = arith.constant 0 : i32
        %dma_start3A_210 = tpu.memref_slice %arg7[%add3A_208, %dma_start3A_209] : memref<48x128xi32, #tpu.memory_space<vmem>> -> memref<1x128xi32, #tpu.memory_space<vmem>>
        %dma_start3A_211 = tpu.memref_squeeze %dma_start3A_210 : memref<1x128xi32, #tpu.memory_space<vmem>> -> memref<128xi32, #tpu.memory_space<vmem>>
        %dma_start3A_212 = arith.constant 0 : i32
        %dma_start3A_213 = arith.constant 0 : i32
        %dma_start3A_214 = tpu.memref_slice %arg2[%dma_start3A_212, %dma_start3A_213] : memref<10000x128xf32, #tpu.memory_space<hbm>> -> memref<10000x128xf32, #tpu.memory_space<hbm>>
        tpu.enqueue_indirect_dma source(%dma_start3A_214 : memref<10000x128xf32, #tpu.memory_space<hbm>>) target(%arg9 : memref<128x128xf32, #tpu.memory_space<vmem>>) offsets(%dma_start3A_211 : memref<128xi32, #tpu.memory_space<vmem>>) semaphore(%arg13 : memref<!tpu.dma_semaphore, #tpu.memory_space<semaphore_mem>>)
        %add3A_215 = arith.constant 1 : i32
        %add3A_216 = arith.addi %add3A_208, %add3A_215 : i32
        %dma_start3A_217 = arith.constant 0 : i32
        %dma_start3A_218 = tpu.memref_slice %arg7[%add3A_216, %dma_start3A_217] : memref<48x128xi32, #tpu.memory_space<vmem>> -> memref<1x128xi32, #tpu.memory_space<vmem>>
        %dma_start3A_219 = tpu.memref_squeeze %dma_start3A_218 : memref<1x128xi32, #tpu.memory_space<vmem>> -> memref<128xi32, #tpu.memory_space<vmem>>
        %dma_start3A_220 = arith.constant 0 : i32
        %dma_start3A_221 = arith.constant 0 : i32
        %dma_start3A_222 = tpu.memref_slice %arg2[%dma_start3A_220, %dma_start3A_221] : memref<10000x128xf32, #tpu.memory_space<hbm>> -> memref<10000x128xf32, #tpu.memory_space<hbm>>
        tpu.enqueue_indirect_dma source(%dma_start3A_222 : memref<10000x128xf32, #tpu.memory_space<hbm>>) target(%arg10 : memref<128x128xf32, #tpu.memory_space<vmem>>) offsets(%dma_start3A_219 : memref<128xi32, #tpu.memory_space<vmem>>) semaphore(%arg14 : memref<!tpu.dma_semaphore, #tpu.memory_space<semaphore_mem>>)
        %dma_wait3A_223 = arith.constant 0 : i32
        %dma_wait3A_224 = tpu.memref_slice %arg7[%add3A_208, %dma_wait3A_223] : memref<48x128xi32, #tpu.memory_space<vmem>> -> memref<1x128xi32, #tpu.memory_space<vmem>>
        %dma_wait3A_225 = tpu.memref_squeeze %dma_wait3A_224 : memref<1x128xi32, #tpu.memory_space<vmem>> -> memref<128xi32, #tpu.memory_space<vmem>>
        %dma_wait3A_226 = arith.constant 0 : i32
        %dma_wait3A_227 = arith.constant 0 : i32
        %dma_wait3A_228 = tpu.memref_slice %arg2[%dma_wait3A_226, %dma_wait3A_227] : memref<10000x128xf32, #tpu.memory_space<hbm>> -> memref<10000x128xf32, #tpu.memory_space<hbm>>
        tpu.wait_indirect_dma semaphore(%arg13 : memref<!tpu.dma_semaphore, #tpu.memory_space<semaphore_mem>>) src(%dma_wait3A_228 : memref<10000x128xf32, #tpu.memory_space<hbm>>) dst(%arg9 : memref<128x128xf32, #tpu.memory_space<vmem>>)
        %dma_start3A_229 = arith.constant 0 : i32
        %dma_start3A_230 = tpu.memref_slice %arg8[%add3A_208, %dma_start3A_229] : memref<48x128xi32, #tpu.memory_space<vmem>> -> memref<1x128xi32, #tpu.memory_space<vmem>>
        %dma_start3A_231 = tpu.memref_squeeze %dma_start3A_230 : memref<1x128xi32, #tpu.memory_space<vmem>> -> memref<128xi32, #tpu.memory_space<vmem>>
        %dma_start3A_232 = arith.constant 0 : i32
        %dma_start3A_233 = arith.constant 0 : i32
        %dma_start3A_234 = tpu.memref_slice %arg11[%dma_start3A_232, %dma_start3A_233] : memref<10112x128xf32, #tpu.memory_space<vmem_shared>> -> memref<10112x128xf32, #tpu.memory_space<vmem_shared>>
        tpu.enqueue_indirect_dma source(%arg9 : memref<128x128xf32, #tpu.memory_space<vmem>>) target(%dma_start3A_234 : memref<10112x128xf32, #tpu.memory_space<vmem_shared>>) offsets(%dma_start3A_231 : memref<128xi32, #tpu.memory_space<vmem>>) semaphore(%arg15 : memref<!tpu.dma_semaphore, #tpu.memory_space<semaphore_mem>>) {add = true}
        %dma_wait3A_235 = arith.constant 0 : i32
        %dma_wait3A_236 = tpu.memref_slice %arg7[%add3A_216, %dma_wait3A_235] : memref<48x128xi32, #tpu.memory_space<vmem>> -> memref<1x128xi32, #tpu.memory_space<vmem>>
        %dma_wait3A_237 = tpu.memref_squeeze %dma_wait3A_236 : memref<1x128xi32, #tpu.memory_space<vmem>> -> memref<128xi32, #tpu.memory_space<vmem>>
        %dma_wait3A_238 = arith.constant 0 : i32
        %dma_wait3A_239 = arith.constant 0 : i32
        %dma_wait3A_240 = tpu.memref_slice %arg2[%dma_wait3A_238, %dma_wait3A_239] : memref<10000x128xf32, #tpu.memory_space<hbm>> -> memref<10000x128xf32, #tpu.memory_space<hbm>>
        tpu.wait_indirect_dma semaphore(%arg14 : memref<!tpu.dma_semaphore, #tpu.memory_space<semaphore_mem>>) src(%dma_wait3A_240 : memref<10000x128xf32, #tpu.memory_space<hbm>>) dst(%arg10 : memref<128x128xf32, #tpu.memory_space<vmem>>)
        %add3A_241 = arith.constant 1 : i32
        %add3A_242 = arith.addi %add3A_208, %add3A_241 : i32
        %dma_start3A_243 = arith.constant 0 : i32
        %dma_start3A_244 = tpu.memref_slice %arg8[%add3A_242, %dma_start3A_243] : memref<48x128xi32, #tpu.memory_space<vmem>> -> memref<1x128xi32, #tpu.memory_space<vmem>>
        %dma_start3A_245 = tpu.memref_squeeze %dma_start3A_244 : memref<1x128xi32, #tpu.memory_space<vmem>> -> memref<128xi32, #tpu.memory_space<vmem>>
        %dma_start3A_246 = arith.constant 0 : i32
        %dma_start3A_247 = arith.constant 0 : i32
        %dma_start3A_248 = tpu.memref_slice %arg11[%dma_start3A_246, %dma_start3A_247] : memref<10112x128xf32, #tpu.memory_space<vmem_shared>> -> memref<10112x128xf32, #tpu.memory_space<vmem_shared>>
        tpu.enqueue_indirect_dma source(%arg10 : memref<128x128xf32, #tpu.memory_space<vmem>>) target(%dma_start3A_248 : memref<10112x128xf32, #tpu.memory_space<vmem_shared>>) offsets(%dma_start3A_245 : memref<128xi32, #tpu.memory_space<vmem>>) semaphore(%arg16 : memref<!tpu.dma_semaphore, #tpu.memory_space<semaphore_mem>>) {add = true}
        %dma_wait3A_249 = arith.constant 0 : i32
        %dma_wait3A_250 = tpu.memref_slice %arg8[%add3A_208, %dma_wait3A_249] : memref<48x128xi32, #tpu.memory_space<vmem>> -> memref<1x128xi32, #tpu.memory_space<vmem>>
        %dma_wait3A_251 = tpu.memref_squeeze %dma_wait3A_250 : memref<1x128xi32, #tpu.memory_space<vmem>> -> memref<128xi32, #tpu.memory_space<vmem>>
        %dma_wait3A_252 = arith.constant 0 : i32
        %dma_wait3A_253 = arith.constant 0 : i32
        %dma_wait3A_254 = tpu.memref_slice %arg11[%dma_wait3A_252, %dma_wait3A_253] : memref<10112x128xf32, #tpu.memory_space<vmem_shared>> -> memref<10112x128xf32, #tpu.memory_space<vmem_shared>>
        tpu.wait_indirect_dma semaphore(%arg15 : memref<!tpu.dma_semaphore, #tpu.memory_space<semaphore_mem>>) src(%arg9 : memref<128x128xf32, #tpu.memory_space<vmem>>) dst(%dma_wait3A_254 : memref<10112x128xf32, #tpu.memory_space<vmem_shared>>)
        %dma_wait3A_255 = arith.constant 0 : i32
        %dma_wait3A_256 = tpu.memref_slice %arg8[%add3A_242, %dma_wait3A_255] : memref<48x128xi32, #tpu.memory_space<vmem>> -> memref<1x128xi32, #tpu.memory_space<vmem>>
        %dma_wait3A_257 = tpu.memref_squeeze %dma_wait3A_256 : memref<1x128xi32, #tpu.memory_space<vmem>> -> memref<128xi32, #tpu.memory_space<vmem>>
        %dma_wait3A_258 = arith.constant 0 : i32
        %dma_wait3A_259 = arith.constant 0 : i32
        %dma_wait3A_260 = tpu.memref_slice %arg11[%dma_wait3A_258, %dma_wait3A_259] : memref<10112x128xf32, #tpu.memory_space<vmem_shared>> -> memref<10112x128xf32, #tpu.memory_space<vmem_shared>>
        tpu.wait_indirect_dma semaphore(%arg16 : memref<!tpu.dma_semaphore, #tpu.memory_space<semaphore_mem>>) src(%arg10 : memref<128x128xf32, #tpu.memory_space<vmem>>) dst(%dma_wait3A_260 : memref<10112x128xf32, #tpu.memory_space<vmem_shared>>)
      }
      %scan3A_109 = arith.constant 24 : i32
      %add3A_110 = arith.constant 96 : i32
      %add3A_111 = arith.addi %mul3A_18, %add3A_110 : i32
      %dma_start3A_112 = arith.constant 0 : i32
      %dma_start3A_113 = arith.constant 0 : i32
      %dma_start3A_114 = tpu.memref_slice %arg7[%dma_start3A_112, %dma_start3A_113] : memref<48x128xi32, #tpu.memory_space<vmem>> -> memref<48x128xi32, #tpu.memory_space<vmem>>
      %dma_start3A_115 = arith.constant 0 : i32
      %dma_start3A_116 = tpu.memref_slice %arg3[%add3A_111, %dma_start3A_115] : memref<2560x128xi32, #tpu.memory_space<hbm>> -> memref<48x128xi32, #tpu.memory_space<hbm>>
      %dma_start3A_117 = arith.constant 0 : i32
      %dma_start3A_118 = arith.constant 0 : i32
      %dma_start3A_119 = tpu.memref_slice %arg7[%dma_start3A_117, %dma_start3A_118] : memref<48x128xi32, #tpu.memory_space<vmem>> -> memref<48x128xi32, #tpu.memory_space<vmem>>
      %dma_start3A_120 = arith.constant 0 : i32
      %dma_start3A_121 = tpu.memref_slice %arg3[%add3A_111, %dma_start3A_120] : memref<2560x128xi32, #tpu.memory_space<hbm>> -> memref<48x128xi32, #tpu.memory_space<hbm>>
      tpu.enqueue_dma source(%dma_start3A_121 : memref<48x128xi32, #tpu.memory_space<hbm>>) target(%dma_start3A_119 : memref<48x128xi32, #tpu.memory_space<vmem>>) target_semaphore(%arg12 : memref<!tpu.dma_semaphore, #tpu.memory_space<semaphore_mem>>)
      %dma_start3A_122 = arith.constant 0 : i32
      %dma_start3A_123 = arith.constant 0 : i32
      %dma_start3A_124 = tpu.memref_slice %arg8[%dma_start3A_122, %dma_start3A_123] : memref<48x128xi32, #tpu.memory_space<vmem>> -> memref<48x128xi32, #tpu.memory_space<vmem>>
      %dma_start3A_125 = arith.constant 0 : i32
      %dma_start3A_126 = tpu.memref_slice %arg4[%add3A_111, %dma_start3A_125] : memref<2560x128xi32, #tpu.memory_space<hbm>> -> memref<48x128xi32, #tpu.memory_space<hbm>>
      %dma_start3A_127 = arith.constant 0 : i32
      %dma_start3A_128 = arith.constant 0 : i32
      %dma_start3A_129 = tpu.memref_slice %arg8[%dma_start3A_127, %dma_start3A_128] : memref<48x128xi32, #tpu.memory_space<vmem>> -> memref<48x128xi32, #tpu.memory_space<vmem>>
      %dma_start3A_130 = arith.constant 0 : i32
      %dma_start3A_131 = tpu.memref_slice %arg4[%add3A_111, %dma_start3A_130] : memref<2560x128xi32, #tpu.memory_space<hbm>> -> memref<48x128xi32, #tpu.memory_space<hbm>>
      tpu.enqueue_dma source(%dma_start3A_131 : memref<48x128xi32, #tpu.memory_space<hbm>>) target(%dma_start3A_129 : memref<48x128xi32, #tpu.memory_space<vmem>>) target_semaphore(%arg12 : memref<!tpu.dma_semaphore, #tpu.memory_space<semaphore_mem>>)
      %dma_wait3A_132 = arith.constant 0 : i32
      %dma_wait3A_133 = arith.constant 0 : i32
      %dma_wait3A_134 = tpu.memref_slice %arg7[%dma_wait3A_132, %dma_wait3A_133] : memref<48x128xi32, #tpu.memory_space<vmem>> -> memref<48x128xi32, #tpu.memory_space<vmem>>
      %dma_wait3A_135 = arith.constant 0 : i32
      %dma_wait3A_136 = tpu.memref_slice %arg3[%add3A_111, %dma_wait3A_135] : memref<2560x128xi32, #tpu.memory_space<hbm>> -> memref<48x128xi32, #tpu.memory_space<hbm>>
      %dma_wait3A_137 = arith.constant 0 : i32
      %dma_wait3A_138 = arith.constant 0 : i32
      %dma_wait3A_139 = tpu.memref_slice %arg7[%dma_wait3A_137, %dma_wait3A_138] : memref<48x128xi32, #tpu.memory_space<vmem>> -> memref<48x128xi32, #tpu.memory_space<vmem>>
      %dma_wait3A_140 = arith.constant 0 : i32
      %dma_wait3A_141 = tpu.memref_slice %arg3[%add3A_111, %dma_wait3A_140] : memref<2560x128xi32, #tpu.memory_space<hbm>> -> memref<48x128xi32, #tpu.memory_space<hbm>>
      tpu.wait_dma2 semaphore(%arg12 : memref<!tpu.dma_semaphore, #tpu.memory_space<semaphore_mem>>) src(%dma_wait3A_141 : memref<48x128xi32, #tpu.memory_space<hbm>>) dst(%dma_wait3A_139 : memref<48x128xi32, #tpu.memory_space<vmem>>)
      %dma_wait3A_142 = arith.constant 0 : i32
      %dma_wait3A_143 = arith.constant 0 : i32
      %dma_wait3A_144 = tpu.memref_slice %arg8[%dma_wait3A_142, %dma_wait3A_143] : memref<48x128xi32, #tpu.memory_space<vmem>> -> memref<48x128xi32, #tpu.memory_space<vmem>>
      %dma_wait3A_145 = arith.constant 0 : i32
      %dma_wait3A_146 = tpu.memref_slice %arg4[%add3A_111, %dma_wait3A_145] : memref<2560x128xi32, #tpu.memory_space<hbm>> -> memref<48x128xi32, #tpu.memory_space<hbm>>
      %dma_wait3A_147 = arith.constant 0 : i32
      %dma_wait3A_148 = arith.constant 0 : i32
      %dma_wait3A_149 = tpu.memref_slice %arg8[%dma_wait3A_147, %dma_wait3A_148] : memref<48x128xi32, #tpu.memory_space<vmem>> -> memref<48x128xi32, #tpu.memory_space<vmem>>
      %dma_wait3A_150 = arith.constant 0 : i32
      %dma_wait3A_151 = tpu.memref_slice %arg4[%add3A_111, %dma_wait3A_150] : memref<2560x128xi32, #tpu.memory_space<hbm>> -> memref<48x128xi32, #tpu.memory_space<hbm>>
      tpu.wait_dma2 semaphore(%arg12 : memref<!tpu.dma_semaphore, #tpu.memory_space<semaphore_mem>>) src(%dma_wait3A_151 : memref<48x128xi32, #tpu.memory_space<hbm>>) dst(%dma_wait3A_149 : memref<48x128xi32, #tpu.memory_space<vmem>>)
      %scan3A_152 = arith.constant 0 : i32
      %scan3A_153 = arith.constant 24 : i32
      %scan3A_154 = arith.addi %scan3A_152, %scan3A_153 : i32
      %scan3A_155 = arith.constant 1 : i32
      scf.for %scan3A_204 = %scan3A_152 to %scan3A_154 step %scan3A_155  : i32 {
        %mul3A_205 = arith.constant 2 : i32
        %mul3A_206 = arith.muli %scan3A_204, %mul3A_205 : i32
        %add3A_207 = arith.constant 0 : i32
        %add3A_208 = arith.addi %add3A_207, %mul3A_206 : i32
        %dma_start3A_209 = arith.constant 0 : i32
        %dma_start3A_210 = tpu.memref_slice %arg7[%add3A_208, %dma_start3A_209] : memref<48x128xi32, #tpu.memory_space<vmem>> -> memref<1x128xi32, #tpu.memory_space<vmem>>
        %dma_start3A_211 = tpu.memref_squeeze %dma_start3A_210 : memref<1x128xi32, #tpu.memory_space<vmem>> -> memref<128xi32, #tpu.memory_space<vmem>>
        %dma_start3A_212 = arith.constant 0 : i32
        %dma_start3A_213 = arith.constant 0 : i32
        %dma_start3A_214 = tpu.memref_slice %arg2[%dma_start3A_212, %dma_start3A_213] : memref<10000x128xf32, #tpu.memory_space<hbm>> -> memref<10000x128xf32, #tpu.memory_space<hbm>>
        tpu.enqueue_indirect_dma source(%dma_start3A_214 : memref<10000x128xf32, #tpu.memory_space<hbm>>) target(%arg9 : memref<128x128xf32, #tpu.memory_space<vmem>>) offsets(%dma_start3A_211 : memref<128xi32, #tpu.memory_space<vmem>>) semaphore(%arg13 : memref<!tpu.dma_semaphore, #tpu.memory_space<semaphore_mem>>)
        %add3A_215 = arith.constant 1 : i32
        %add3A_216 = arith.addi %add3A_208, %add3A_215 : i32
        %dma_start3A_217 = arith.constant 0 : i32
        %dma_start3A_218 = tpu.memref_slice %arg7[%add3A_216, %dma_start3A_217] : memref<48x128xi32, #tpu.memory_space<vmem>> -> memref<1x128xi32, #tpu.memory_space<vmem>>
        %dma_start3A_219 = tpu.memref_squeeze %dma_start3A_218 : memref<1x128xi32, #tpu.memory_space<vmem>> -> memref<128xi32, #tpu.memory_space<vmem>>
        %dma_start3A_220 = arith.constant 0 : i32
        %dma_start3A_221 = arith.constant 0 : i32
        %dma_start3A_222 = tpu.memref_slice %arg2[%dma_start3A_220, %dma_start3A_221] : memref<10000x128xf32, #tpu.memory_space<hbm>> -> memref<10000x128xf32, #tpu.memory_space<hbm>>
        tpu.enqueue_indirect_dma source(%dma_start3A_222 : memref<10000x128xf32, #tpu.memory_space<hbm>>) target(%arg10 : memref<128x128xf32, #tpu.memory_space<vmem>>) offsets(%dma_start3A_219 : memref<128xi32, #tpu.memory_space<vmem>>) semaphore(%arg14 : memref<!tpu.dma_semaphore, #tpu.memory_space<semaphore_mem>>)
        %dma_wait3A_223 = arith.constant 0 : i32
        %dma_wait3A_224 = tpu.memref_slice %arg7[%add3A_208, %dma_wait3A_223] : memref<48x128xi32, #tpu.memory_space<vmem>> -> memref<1x128xi32, #tpu.memory_space<vmem>>
        %dma_wait3A_225 = tpu.memref_squeeze %dma_wait3A_224 : memref<1x128xi32, #tpu.memory_space<vmem>> -> memref<128xi32, #tpu.memory_space<vmem>>
        %dma_wait3A_226 = arith.constant 0 : i32
        %dma_wait3A_227 = arith.constant 0 : i32
        %dma_wait3A_228 = tpu.memref_slice %arg2[%dma_wait3A_226, %dma_wait3A_227] : memref<10000x128xf32, #tpu.memory_space<hbm>> -> memref<10000x128xf32, #tpu.memory_space<hbm>>
        tpu.wait_indirect_dma semaphore(%arg13 : memref<!tpu.dma_semaphore, #tpu.memory_space<semaphore_mem>>) src(%dma_wait3A_228 : memref<10000x128xf32, #tpu.memory_space<hbm>>) dst(%arg9 : memref<128x128xf32, #tpu.memory_space<vmem>>)
        %dma_start3A_229 = arith.constant 0 : i32
        %dma_start3A_230 = tpu.memref_slice %arg8[%add3A_208, %dma_start3A_229] : memref<48x128xi32, #tpu.memory_space<vmem>> -> memref<1x128xi32, #tpu.memory_space<vmem>>
        %dma_start3A_231 = tpu.memref_squeeze %dma_start3A_230 : memref<1x128xi32, #tpu.memory_space<vmem>> -> memref<128xi32, #tpu.memory_space<vmem>>
        %dma_start3A_232 = arith.constant 0 : i32
        %dma_start3A_233 = arith.constant 0 : i32
        %dma_start3A_234 = tpu.memref_slice %arg11[%dma_start3A_232, %dma_start3A_233] : memref<10112x128xf32, #tpu.memory_space<vmem_shared>> -> memref<10112x128xf32, #tpu.memory_space<vmem_shared>>
        tpu.enqueue_indirect_dma source(%arg9 : memref<128x128xf32, #tpu.memory_space<vmem>>) target(%dma_start3A_234 : memref<10112x128xf32, #tpu.memory_space<vmem_shared>>) offsets(%dma_start3A_231 : memref<128xi32, #tpu.memory_space<vmem>>) semaphore(%arg15 : memref<!tpu.dma_semaphore, #tpu.memory_space<semaphore_mem>>) {add = true}
        %dma_wait3A_235 = arith.constant 0 : i32
        %dma_wait3A_236 = tpu.memref_slice %arg7[%add3A_216, %dma_wait3A_235] : memref<48x128xi32, #tpu.memory_space<vmem>> -> memref<1x128xi32, #tpu.memory_space<vmem>>
        %dma_wait3A_237 = tpu.memref_squeeze %dma_wait3A_236 : memref<1x128xi32, #tpu.memory_space<vmem>> -> memref<128xi32, #tpu.memory_space<vmem>>
        %dma_wait3A_238 = arith.constant 0 : i32
        %dma_wait3A_239 = arith.constant 0 : i32
        %dma_wait3A_240 = tpu.memref_slice %arg2[%dma_wait3A_238, %dma_wait3A_239] : memref<10000x128xf32, #tpu.memory_space<hbm>> -> memref<10000x128xf32, #tpu.memory_space<hbm>>
        tpu.wait_indirect_dma semaphore(%arg14 : memref<!tpu.dma_semaphore, #tpu.memory_space<semaphore_mem>>) src(%dma_wait3A_240 : memref<10000x128xf32, #tpu.memory_space<hbm>>) dst(%arg10 : memref<128x128xf32, #tpu.memory_space<vmem>>)
        %add3A_241 = arith.constant 1 : i32
        %add3A_242 = arith.addi %add3A_208, %add3A_241 : i32
        %dma_start3A_243 = arith.constant 0 : i32
        %dma_start3A_244 = tpu.memref_slice %arg8[%add3A_242, %dma_start3A_243] : memref<48x128xi32, #tpu.memory_space<vmem>> -> memref<1x128xi32, #tpu.memory_space<vmem>>
        %dma_start3A_245 = tpu.memref_squeeze %dma_start3A_244 : memref<1x128xi32, #tpu.memory_space<vmem>> -> memref<128xi32, #tpu.memory_space<vmem>>
        %dma_start3A_246 = arith.constant 0 : i32
        %dma_start3A_247 = arith.constant 0 : i32
        %dma_start3A_248 = tpu.memref_slice %arg11[%dma_start3A_246, %dma_start3A_247] : memref<10112x128xf32, #tpu.memory_space<vmem_shared>> -> memref<10112x128xf32, #tpu.memory_space<vmem_shared>>
        tpu.enqueue_indirect_dma source(%arg10 : memref<128x128xf32, #tpu.memory_space<vmem>>) target(%dma_start3A_248 : memref<10112x128xf32, #tpu.memory_space<vmem_shared>>) offsets(%dma_start3A_245 : memref<128xi32, #tpu.memory_space<vmem>>) semaphore(%arg16 : memref<!tpu.dma_semaphore, #tpu.memory_space<semaphore_mem>>) {add = true}
        %dma_wait3A_249 = arith.constant 0 : i32
        %dma_wait3A_250 = tpu.memref_slice %arg8[%add3A_208, %dma_wait3A_249] : memref<48x128xi32, #tpu.memory_space<vmem>> -> memref<1x128xi32, #tpu.memory_space<vmem>>
        %dma_wait3A_251 = tpu.memref_squeeze %dma_wait3A_250 : memref<1x128xi32, #tpu.memory_space<vmem>> -> memref<128xi32, #tpu.memory_space<vmem>>
        %dma_wait3A_252 = arith.constant 0 : i32
        %dma_wait3A_253 = arith.constant 0 : i32
        %dma_wait3A_254 = tpu.memref_slice %arg11[%dma_wait3A_252, %dma_wait3A_253] : memref<10112x128xf32, #tpu.memory_space<vmem_shared>> -> memref<10112x128xf32, #tpu.memory_space<vmem_shared>>
        tpu.wait_indirect_dma semaphore(%arg15 : memref<!tpu.dma_semaphore, #tpu.memory_space<semaphore_mem>>) src(%arg9 : memref<128x128xf32, #tpu.memory_space<vmem>>) dst(%dma_wait3A_254 : memref<10112x128xf32, #tpu.memory_space<vmem_shared>>)
        %dma_wait3A_255 = arith.constant 0 : i32
        %dma_wait3A_256 = tpu.memref_slice %arg8[%add3A_242, %dma_wait3A_255] : memref<48x128xi32, #tpu.memory_space<vmem>> -> memref<1x128xi32, #tpu.memory_space<vmem>>
        %dma_wait3A_257 = tpu.memref_squeeze %dma_wait3A_256 : memref<1x128xi32, #tpu.memory_space<vmem>> -> memref<128xi32, #tpu.memory_space<vmem>>
        %dma_wait3A_258 = arith.constant 0 : i32
        %dma_wait3A_259 = arith.constant 0 : i32
        %dma_wait3A_260 = tpu.memref_slice %arg11[%dma_wait3A_258, %dma_wait3A_259] : memref<10112x128xf32, #tpu.memory_space<vmem_shared>> -> memref<10112x128xf32, #tpu.memory_space<vmem_shared>>
        tpu.wait_indirect_dma semaphore(%arg16 : memref<!tpu.dma_semaphore, #tpu.memory_space<semaphore_mem>>) src(%arg10 : memref<128x128xf32, #tpu.memory_space<vmem>>) dst(%dma_wait3A_260 : memref<10112x128xf32, #tpu.memory_space<vmem_shared>>)
      }
      %scan3A_156 = arith.constant 24 : i32
      %add3A_157 = arith.constant 144 : i32
      %add3A_158 = arith.addi %mul3A_18, %add3A_157 : i32
      %dma_start3A_159 = arith.constant 0 : i32
      %dma_start3A_160 = arith.constant 0 : i32
      %dma_start3A_161 = tpu.memref_slice %arg7[%dma_start3A_159, %dma_start3A_160] : memref<48x128xi32, #tpu.memory_space<vmem>> -> memref<8x128xi32, #tpu.memory_space<vmem>>
      %dma_start3A_162 = arith.constant 0 : i32
      %dma_start3A_163 = tpu.memref_slice %arg3[%add3A_158, %dma_start3A_162] : memref<2560x128xi32, #tpu.memory_space<hbm>> -> memref<8x128xi32, #tpu.memory_space<hbm>>
      %dma_start3A_164 = arith.constant 0 : i32
      %dma_start3A_165 = arith.constant 0 : i32
      %dma_start3A_166 = tpu.memref_slice %arg7[%dma_start3A_164, %dma_start3A_165] : memref<48x128xi32, #tpu.memory_space<vmem>> -> memref<8x128xi32, #tpu.memory_space<vmem>>
      %dma_start3A_167 = arith.constant 0 : i32
      %dma_start3A_168 = tpu.memref_slice %arg3[%add3A_158, %dma_start3A_167] : memref<2560x128xi32, #tpu.memory_space<hbm>> -> memref<8x128xi32, #tpu.memory_space<hbm>>
      tpu.enqueue_dma source(%dma_start3A_168 : memref<8x128xi32, #tpu.memory_space<hbm>>) target(%dma_start3A_166 : memref<8x128xi32, #tpu.memory_space<vmem>>) target_semaphore(%arg12 : memref<!tpu.dma_semaphore, #tpu.memory_space<semaphore_mem>>)
      %dma_start3A_169 = arith.constant 0 : i32
      %dma_start3A_170 = arith.constant 0 : i32
      %dma_start3A_171 = tpu.memref_slice %arg8[%dma_start3A_169, %dma_start3A_170] : memref<48x128xi32, #tpu.memory_space<vmem>> -> memref<8x128xi32, #tpu.memory_space<vmem>>
      %dma_start3A_172 = arith.constant 0 : i32
      %dma_start3A_173 = tpu.memref_slice %arg4[%add3A_158, %dma_start3A_172] : memref<2560x128xi32, #tpu.memory_space<hbm>> -> memref<8x128xi32, #tpu.memory_space<hbm>>
      %dma_start3A_174 = arith.constant 0 : i32
      %dma_start3A_175 = arith.constant 0 : i32
      %dma_start3A_176 = tpu.memref_slice %arg8[%dma_start3A_174, %dma_start3A_175] : memref<48x128xi32, #tpu.memory_space<vmem>> -> memref<8x128xi32, #tpu.memory_space<vmem>>
      %dma_start3A_177 = arith.constant 0 : i32
      %dma_start3A_178 = tpu.memref_slice %arg4[%add3A_158, %dma_start3A_177] : memref<2560x128xi32, #tpu.memory_space<hbm>> -> memref<8x128xi32, #tpu.memory_space<hbm>>
      tpu.enqueue_dma source(%dma_start3A_178 : memref<8x128xi32, #tpu.memory_space<hbm>>) target(%dma_start3A_176 : memref<8x128xi32, #tpu.memory_space<vmem>>) target_semaphore(%arg12 : memref<!tpu.dma_semaphore, #tpu.memory_space<semaphore_mem>>)
      %dma_wait3A_179 = arith.constant 0 : i32
      %dma_wait3A_180 = arith.constant 0 : i32
      %dma_wait3A_181 = tpu.memref_slice %arg7[%dma_wait3A_179, %dma_wait3A_180] : memref<48x128xi32, #tpu.memory_space<vmem>> -> memref<8x128xi32, #tpu.memory_space<vmem>>
      %dma_wait3A_182 = arith.constant 0 : i32
      %dma_wait3A_183 = tpu.memref_slice %arg3[%add3A_158, %dma_wait3A_182] : memref<2560x128xi32, #tpu.memory_space<hbm>> -> memref<8x128xi32, #tpu.memory_space<hbm>>
      %dma_wait3A_184 = arith.constant 0 : i32
      %dma_wait3A_185 = arith.constant 0 : i32
      %dma_wait3A_186 = tpu.memref_slice %arg7[%dma_wait3A_184, %dma_wait3A_185] : memref<48x128xi32, #tpu.memory_space<vmem>> -> memref<8x128xi32, #tpu.memory_space<vmem>>
      %dma_wait3A_187 = arith.constant 0 : i32
      %dma_wait3A_188 = tpu.memref_slice %arg3[%add3A_158, %dma_wait3A_187] : memref<2560x128xi32, #tpu.memory_space<hbm>> -> memref<8x128xi32, #tpu.memory_space<hbm>>
      tpu.wait_dma2 semaphore(%arg12 : memref<!tpu.dma_semaphore, #tpu.memory_space<semaphore_mem>>) src(%dma_wait3A_188 : memref<8x128xi32, #tpu.memory_space<hbm>>) dst(%dma_wait3A_186 : memref<8x128xi32, #tpu.memory_space<vmem>>)
      %dma_wait3A_189 = arith.constant 0 : i32
      %dma_wait3A_190 = arith.constant 0 : i32
      %dma_wait3A_191 = tpu.memref_slice %arg8[%dma_wait3A_189, %dma_wait3A_190] : memref<48x128xi32, #tpu.memory_space<vmem>> -> memref<8x128xi32, #tpu.memory_space<vmem>>
      %dma_wait3A_192 = arith.constant 0 : i32
      %dma_wait3A_193 = tpu.memref_slice %arg4[%add3A_158, %dma_wait3A_192] : memref<2560x128xi32, #tpu.memory_space<hbm>> -> memref<8x128xi32, #tpu.memory_space<hbm>>
      %dma_wait3A_194 = arith.constant 0 : i32
      %dma_wait3A_195 = arith.constant 0 : i32
      %dma_wait3A_196 = tpu.memref_slice %arg8[%dma_wait3A_194, %dma_wait3A_195] : memref<48x128xi32, #tpu.memory_space<vmem>> -> memref<8x128xi32, #tpu.memory_space<vmem>>
      %dma_wait3A_197 = arith.constant 0 : i32
      %dma_wait3A_198 = tpu.memref_slice %arg4[%add3A_158, %dma_wait3A_197] : memref<2560x128xi32, #tpu.memory_space<hbm>> -> memref<8x128xi32, #tpu.memory_space<hbm>>
      tpu.wait_dma2 semaphore(%arg12 : memref<!tpu.dma_semaphore, #tpu.memory_space<semaphore_mem>>) src(%dma_wait3A_198 : memref<8x128xi32, #tpu.memory_space<hbm>>) dst(%dma_wait3A_196 : memref<8x128xi32, #tpu.memory_space<vmem>>)
      %scan3A_199 = arith.constant 0 : i32
      %scan3A_200 = arith.constant 4 : i32
      %scan3A_201 = arith.addi %scan3A_199, %scan3A_200 : i32
      %scan3A_202 = arith.constant 1 : i32
      scf.for %scan3A_204 = %scan3A_199 to %scan3A_201 step %scan3A_202  : i32 {
        %mul3A_205 = arith.constant 2 : i32
        %mul3A_206 = arith.muli %scan3A_204, %mul3A_205 : i32
        %add3A_207 = arith.constant 0 : i32
        %add3A_208 = arith.addi %add3A_207, %mul3A_206 : i32
        %dma_start3A_209 = arith.constant 0 : i32
        %dma_start3A_210 = tpu.memref_slice %arg7[%add3A_208, %dma_start3A_209] : memref<48x128xi32, #tpu.memory_space<vmem>> -> memref<1x128xi32, #tpu.memory_space<vmem>>
        %dma_start3A_211 = tpu.memref_squeeze %dma_start3A_210 : memref<1x128xi32, #tpu.memory_space<vmem>> -> memref<128xi32, #tpu.memory_space<vmem>>
        %dma_start3A_212 = arith.constant 0 : i32
        %dma_start3A_213 = arith.constant 0 : i32
        %dma_start3A_214 = tpu.memref_slice %arg2[%dma_start3A_212, %dma_start3A_213] : memref<10000x128xf32, #tpu.memory_space<hbm>> -> memref<10000x128xf32, #tpu.memory_space<hbm>>
        tpu.enqueue_indirect_dma source(%dma_start3A_214 : memref<10000x128xf32, #tpu.memory_space<hbm>>) target(%arg9 : memref<128x128xf32, #tpu.memory_space<vmem>>) offsets(%dma_start3A_211 : memref<128xi32, #tpu.memory_space<vmem>>) semaphore(%arg13 : memref<!tpu.dma_semaphore, #tpu.memory_space<semaphore_mem>>)
        %add3A_215 = arith.constant 1 : i32
        %add3A_216 = arith.addi %add3A_208, %add3A_215 : i32
        %dma_start3A_217 = arith.constant 0 : i32
        %dma_start3A_218 = tpu.memref_slice %arg7[%add3A_216, %dma_start3A_217] : memref<48x128xi32, #tpu.memory_space<vmem>> -> memref<1x128xi32, #tpu.memory_space<vmem>>
        %dma_start3A_219 = tpu.memref_squeeze %dma_start3A_218 : memref<1x128xi32, #tpu.memory_space<vmem>> -> memref<128xi32, #tpu.memory_space<vmem>>
        %dma_start3A_220 = arith.constant 0 : i32
        %dma_start3A_221 = arith.constant 0 : i32
        %dma_start3A_222 = tpu.memref_slice %arg2[%dma_start3A_220, %dma_start3A_221] : memref<10000x128xf32, #tpu.memory_space<hbm>> -> memref<10000x128xf32, #tpu.memory_space<hbm>>
        tpu.enqueue_indirect_dma source(%dma_start3A_222 : memref<10000x128xf32, #tpu.memory_space<hbm>>) target(%arg10 : memref<128x128xf32, #tpu.memory_space<vmem>>) offsets(%dma_start3A_219 : memref<128xi32, #tpu.memory_space<vmem>>) semaphore(%arg14 : memref<!tpu.dma_semaphore, #tpu.memory_space<semaphore_mem>>)
        %dma_wait3A_223 = arith.constant 0 : i32
        %dma_wait3A_224 = tpu.memref_slice %arg7[%add3A_208, %dma_wait3A_223] : memref<48x128xi32, #tpu.memory_space<vmem>> -> memref<1x128xi32, #tpu.memory_space<vmem>>
        %dma_wait3A_225 = tpu.memref_squeeze %dma_wait3A_224 : memref<1x128xi32, #tpu.memory_space<vmem>> -> memref<128xi32, #tpu.memory_space<vmem>>
        %dma_wait3A_226 = arith.constant 0 : i32
        %dma_wait3A_227 = arith.constant 0 : i32
        %dma_wait3A_228 = tpu.memref_slice %arg2[%dma_wait3A_226, %dma_wait3A_227] : memref<10000x128xf32, #tpu.memory_space<hbm>> -> memref<10000x128xf32, #tpu.memory_space<hbm>>
        tpu.wait_indirect_dma semaphore(%arg13 : memref<!tpu.dma_semaphore, #tpu.memory_space<semaphore_mem>>) src(%dma_wait3A_228 : memref<10000x128xf32, #tpu.memory_space<hbm>>) dst(%arg9 : memref<128x128xf32, #tpu.memory_space<vmem>>)
        %dma_start3A_229 = arith.constant 0 : i32
        %dma_start3A_230 = tpu.memref_slice %arg8[%add3A_208, %dma_start3A_229] : memref<48x128xi32, #tpu.memory_space<vmem>> -> memref<1x128xi32, #tpu.memory_space<vmem>>
        %dma_start3A_231 = tpu.memref_squeeze %dma_start3A_230 : memref<1x128xi32, #tpu.memory_space<vmem>> -> memref<128xi32, #tpu.memory_space<vmem>>
        %dma_start3A_232 = arith.constant 0 : i32
        %dma_start3A_233 = arith.constant 0 : i32
        %dma_start3A_234 = tpu.memref_slice %arg11[%dma_start3A_232, %dma_start3A_233] : memref<10112x128xf32, #tpu.memory_space<vmem_shared>> -> memref<10112x128xf32, #tpu.memory_space<vmem_shared>>
        tpu.enqueue_indirect_dma source(%arg9 : memref<128x128xf32, #tpu.memory_space<vmem>>) target(%dma_start3A_234 : memref<10112x128xf32, #tpu.memory_space<vmem_shared>>) offsets(%dma_start3A_231 : memref<128xi32, #tpu.memory_space<vmem>>) semaphore(%arg15 : memref<!tpu.dma_semaphore, #tpu.memory_space<semaphore_mem>>) {add = true}
        %dma_wait3A_235 = arith.constant 0 : i32
        %dma_wait3A_236 = tpu.memref_slice %arg7[%add3A_216, %dma_wait3A_235] : memref<48x128xi32, #tpu.memory_space<vmem>> -> memref<1x128xi32, #tpu.memory_space<vmem>>
        %dma_wait3A_237 = tpu.memref_squeeze %dma_wait3A_236 : memref<1x128xi32, #tpu.memory_space<vmem>> -> memref<128xi32, #tpu.memory_space<vmem>>
        %dma_wait3A_238 = arith.constant 0 : i32
        %dma_wait3A_239 = arith.constant 0 : i32
        %dma_wait3A_240 = tpu.memref_slice %arg2[%dma_wait3A_238, %dma_wait3A_239] : memref<10000x128xf32, #tpu.memory_space<hbm>> -> memref<10000x128xf32, #tpu.memory_space<hbm>>
        tpu.wait_indirect_dma semaphore(%arg14 : memref<!tpu.dma_semaphore, #tpu.memory_space<semaphore_mem>>) src(%dma_wait3A_240 : memref<10000x128xf32, #tpu.memory_space<hbm>>) dst(%arg10 : memref<128x128xf32, #tpu.memory_space<vmem>>)
        %add3A_241 = arith.constant 1 : i32
        %add3A_242 = arith.addi %add3A_208, %add3A_241 : i32
        %dma_start3A_243 = arith.constant 0 : i32
        %dma_start3A_244 = tpu.memref_slice %arg8[%add3A_242, %dma_start3A_243] : memref<48x128xi32, #tpu.memory_space<vmem>> -> memref<1x128xi32, #tpu.memory_space<vmem>>
        %dma_start3A_245 = tpu.memref_squeeze %dma_start3A_244 : memref<1x128xi32, #tpu.memory_space<vmem>> -> memref<128xi32, #tpu.memory_space<vmem>>
        %dma_start3A_246 = arith.constant 0 : i32
        %dma_start3A_247 = arith.constant 0 : i32
        %dma_start3A_248 = tpu.memref_slice %arg11[%dma_start3A_246, %dma_start3A_247] : memref<10112x128xf32, #tpu.memory_space<vmem_shared>> -> memref<10112x128xf32, #tpu.memory_space<vmem_shared>>
        tpu.enqueue_indirect_dma source(%arg10 : memref<128x128xf32, #tpu.memory_space<vmem>>) target(%dma_start3A_248 : memref<10112x128xf32, #tpu.memory_space<vmem_shared>>) offsets(%dma_start3A_245 : memref<128xi32, #tpu.memory_space<vmem>>) semaphore(%arg16 : memref<!tpu.dma_semaphore, #tpu.memory_space<semaphore_mem>>) {add = true}
        %dma_wait3A_249 = arith.constant 0 : i32
        %dma_wait3A_250 = tpu.memref_slice %arg8[%add3A_208, %dma_wait3A_249] : memref<48x128xi32, #tpu.memory_space<vmem>> -> memref<1x128xi32, #tpu.memory_space<vmem>>
        %dma_wait3A_251 = tpu.memref_squeeze %dma_wait3A_250 : memref<1x128xi32, #tpu.memory_space<vmem>> -> memref<128xi32, #tpu.memory_space<vmem>>
        %dma_wait3A_252 = arith.constant 0 : i32
        %dma_wait3A_253 = arith.constant 0 : i32
        %dma_wait3A_254 = tpu.memref_slice %arg11[%dma_wait3A_252, %dma_wait3A_253] : memref<10112x128xf32, #tpu.memory_space<vmem_shared>> -> memref<10112x128xf32, #tpu.memory_space<vmem_shared>>
        tpu.wait_indirect_dma semaphore(%arg15 : memref<!tpu.dma_semaphore, #tpu.memory_space<semaphore_mem>>) src(%arg9 : memref<128x128xf32, #tpu.memory_space<vmem>>) dst(%dma_wait3A_254 : memref<10112x128xf32, #tpu.memory_space<vmem_shared>>)
        %dma_wait3A_255 = arith.constant 0 : i32
        %dma_wait3A_256 = tpu.memref_slice %arg8[%add3A_242, %dma_wait3A_255] : memref<48x128xi32, #tpu.memory_space<vmem>> -> memref<1x128xi32, #tpu.memory_space<vmem>>
        %dma_wait3A_257 = tpu.memref_squeeze %dma_wait3A_256 : memref<1x128xi32, #tpu.memory_space<vmem>> -> memref<128xi32, #tpu.memory_space<vmem>>
        %dma_wait3A_258 = arith.constant 0 : i32
        %dma_wait3A_259 = arith.constant 0 : i32
        %dma_wait3A_260 = tpu.memref_slice %arg11[%dma_wait3A_258, %dma_wait3A_259] : memref<10112x128xf32, #tpu.memory_space<vmem_shared>> -> memref<10112x128xf32, #tpu.memory_space<vmem_shared>>
        tpu.wait_indirect_dma semaphore(%arg16 : memref<!tpu.dma_semaphore, #tpu.memory_space<semaphore_mem>>) src(%arg10 : memref<128x128xf32, #tpu.memory_space<vmem>>) dst(%dma_wait3A_260 : memref<10112x128xf32, #tpu.memory_space<vmem_shared>>)
      }
      %scan3A_203 = arith.constant 4 : i32
    } else {
    }
    %eq3A_5 = arith.constant 1 : i32
    %eq3A_6 = arith.cmpi eq, %arg0, %eq3A_5 : i32
    %convert_element_type3A_7 = arith.extui %eq3A_6 : i1 to i32
    %cond3A_8 = arith.constant 0 : i32
    %cond3A_9 = arith.cmpi ne, %convert_element_type3A_7, %cond3A_8 : i32
    scf.if %cond3A_9 {
      %mul3A_17 = arith.constant 8 : i32
      %mul3A_18 = arith.muli %arg1, %mul3A_17 : i32
      %add3A_19 = arith.constant 2432 : i32
      %add3A_20 = arith.addi %add3A_19, %mul3A_18 : i32
      %add3A_21 = arith.constant 0 : i32
      %add3A_22 = arith.addi %add3A_20, %add3A_21 : i32
      %dma_start3A = arith.constant 0 : i32
      %dma_start3A_23 = arith.constant 0 : i32
      %dma_start3A_24 = tpu.memref_slice %arg7[%dma_start3A, %dma_start3A_23] : memref<48x128xi32, #tpu.memory_space<vmem>> -> memref<8x128xi32, #tpu.memory_space<vmem>>
      %dma_start3A_25 = arith.constant 0 : i32
      %dma_start3A_26 = tpu.memref_slice %arg3[%add3A_22, %dma_start3A_25] : memref<2560x128xi32, #tpu.memory_space<hbm>> -> memref<8x128xi32, #tpu.memory_space<hbm>>
      %dma_start3A_27 = arith.constant 0 : i32
      %dma_start3A_28 = arith.constant 0 : i32
      %dma_start3A_29 = tpu.memref_slice %arg7[%dma_start3A_27, %dma_start3A_28] : memref<48x128xi32, #tpu.memory_space<vmem>> -> memref<8x128xi32, #tpu.memory_space<vmem>>
      %dma_start3A_30 = arith.constant 0 : i32
      %dma_start3A_31 = tpu.memref_slice %arg3[%add3A_22, %dma_start3A_30] : memref<2560x128xi32, #tpu.memory_space<hbm>> -> memref<8x128xi32, #tpu.memory_space<hbm>>
      tpu.enqueue_dma source(%dma_start3A_31 : memref<8x128xi32, #tpu.memory_space<hbm>>) target(%dma_start3A_29 : memref<8x128xi32, #tpu.memory_space<vmem>>) target_semaphore(%arg12 : memref<!tpu.dma_semaphore, #tpu.memory_space<semaphore_mem>>)
      %dma_start3A_32 = arith.constant 0 : i32
      %dma_start3A_33 = arith.constant 0 : i32
      %dma_start3A_34 = tpu.memref_slice %arg8[%dma_start3A_32, %dma_start3A_33] : memref<48x128xi32, #tpu.memory_space<vmem>> -> memref<8x128xi32, #tpu.memory_space<vmem>>
      %dma_start3A_35 = arith.constant 0 : i32
      %dma_start3A_36 = tpu.memref_slice %arg4[%add3A_22, %dma_start3A_35] : memref<2560x128xi32, #tpu.memory_space<hbm>> -> memref<8x128xi32, #tpu.memory_space<hbm>>
      %dma_start3A_37 = arith.constant 0 : i32
      %dma_start3A_38 = arith.constant 0 : i32
      %dma_start3A_39 = tpu.memref_slice %arg8[%dma_start3A_37, %dma_start3A_38] : memref<48x128xi32, #tpu.memory_space<vmem>> -> memref<8x128xi32, #tpu.memory_space<vmem>>
      %dma_start3A_40 = arith.constant 0 : i32
      %dma_start3A_41 = tpu.memref_slice %arg4[%add3A_22, %dma_start3A_40] : memref<2560x128xi32, #tpu.memory_space<hbm>> -> memref<8x128xi32, #tpu.memory_space<hbm>>
      tpu.enqueue_dma source(%dma_start3A_41 : memref<8x128xi32, #tpu.memory_space<hbm>>) target(%dma_start3A_39 : memref<8x128xi32, #tpu.memory_space<vmem>>) target_semaphore(%arg12 : memref<!tpu.dma_semaphore, #tpu.memory_space<semaphore_mem>>)
      %dma_wait3A = arith.constant 0 : i32
      %dma_wait3A_42 = arith.constant 0 : i32
      %dma_wait3A_43 = tpu.memref_slice %arg7[%dma_wait3A, %dma_wait3A_42] : memref<48x128xi32, #tpu.memory_space<vmem>> -> memref<8x128xi32, #tpu.memory_space<vmem>>
      %dma_wait3A_44 = arith.constant 0 : i32
      %dma_wait3A_45 = tpu.memref_slice %arg3[%add3A_22, %dma_wait3A_44] : memref<2560x128xi32, #tpu.memory_space<hbm>> -> memref<8x128xi32, #tpu.memory_space<hbm>>
      %dma_wait3A_46 = arith.constant 0 : i32
      %dma_wait3A_47 = arith.constant 0 : i32
      %dma_wait3A_48 = tpu.memref_slice %arg7[%dma_wait3A_46, %dma_wait3A_47] : memref<48x128xi32, #tpu.memory_space<vmem>> -> memref<8x128xi32, #tpu.memory_space<vmem>>
      %dma_wait3A_49 = arith.constant 0 : i32
      %dma_wait3A_50 = tpu.memref_slice %arg3[%add3A_22, %dma_wait3A_49] : memref<2560x128xi32, #tpu.memory_space<hbm>> -> memref<8x128xi32, #tpu.memory_space<hbm>>
      tpu.wait_dma2 semaphore(%arg12 : memref<!tpu.dma_semaphore, #tpu.memory_space<semaphore_mem>>) src(%dma_wait3A_50 : memref<8x128xi32, #tpu.memory_space<hbm>>) dst(%dma_wait3A_48 : memref<8x128xi32, #tpu.memory_space<vmem>>)
      %dma_wait3A_51 = arith.constant 0 : i32
      %dma_wait3A_52 = arith.constant 0 : i32
      %dma_wait3A_53 = tpu.memref_slice %arg8[%dma_wait3A_51, %dma_wait3A_52] : memref<48x128xi32, #tpu.memory_space<vmem>> -> memref<8x128xi32, #tpu.memory_space<vmem>>
      %dma_wait3A_54 = arith.constant 0 : i32
      %dma_wait3A_55 = tpu.memref_slice %arg4[%add3A_22, %dma_wait3A_54] : memref<2560x128xi32, #tpu.memory_space<hbm>> -> memref<8x128xi32, #tpu.memory_space<hbm>>
      %dma_wait3A_56 = arith.constant 0 : i32
      %dma_wait3A_57 = arith.constant 0 : i32
      %dma_wait3A_58 = tpu.memref_slice %arg8[%dma_wait3A_56, %dma_wait3A_57] : memref<48x128xi32, #tpu.memory_space<vmem>> -> memref<8x128xi32, #tpu.memory_space<vmem>>
      %dma_wait3A_59 = arith.constant 0 : i32
      %dma_wait3A_60 = tpu.memref_slice %arg4[%add3A_22, %dma_wait3A_59] : memref<2560x128xi32, #tpu.memory_space<hbm>> -> memref<8x128xi32, #tpu.memory_space<hbm>>
      tpu.wait_dma2 semaphore(%arg12 : memref<!tpu.dma_semaphore, #tpu.memory_space<semaphore_mem>>) src(%dma_wait3A_60 : memref<8x128xi32, #tpu.memory_space<hbm>>) dst(%dma_wait3A_58 : memref<8x128xi32, #tpu.memory_space<vmem>>)
      %scan3A = arith.constant 0 : i32
      %scan3A_61 = arith.constant 4 : i32
      %scan3A_62 = arith.addi %scan3A, %scan3A_61 : i32
      %scan3A_63 = arith.constant 1 : i32
      scf.for %scan3A_65 = %scan3A to %scan3A_62 step %scan3A_63  : i32 {
        %mul3A_66 = arith.constant 2 : i32
        %mul3A_67 = arith.muli %scan3A_65, %mul3A_66 : i32
        %add3A_68 = arith.constant 0 : i32
        %add3A_69 = arith.addi %add3A_68, %mul3A_67 : i32
        %dma_start3A_70 = arith.constant 0 : i32
        %dma_start3A_71 = tpu.memref_slice %arg7[%add3A_69, %dma_start3A_70] : memref<48x128xi32, #tpu.memory_space<vmem>> -> memref<1x128xi32, #tpu.memory_space<vmem>>
        %dma_start3A_72 = tpu.memref_squeeze %dma_start3A_71 : memref<1x128xi32, #tpu.memory_space<vmem>> -> memref<128xi32, #tpu.memory_space<vmem>>
        %dma_start3A_73 = arith.constant 0 : i32
        %dma_start3A_74 = arith.constant 0 : i32
        %dma_start3A_75 = tpu.memref_slice %arg2[%dma_start3A_73, %dma_start3A_74] : memref<10000x128xf32, #tpu.memory_space<hbm>> -> memref<10000x128xf32, #tpu.memory_space<hbm>>
        tpu.enqueue_indirect_dma source(%dma_start3A_75 : memref<10000x128xf32, #tpu.memory_space<hbm>>) target(%arg9 : memref<128x128xf32, #tpu.memory_space<vmem>>) offsets(%dma_start3A_72 : memref<128xi32, #tpu.memory_space<vmem>>) semaphore(%arg13 : memref<!tpu.dma_semaphore, #tpu.memory_space<semaphore_mem>>)
        %add3A_76 = arith.constant 1 : i32
        %add3A_77 = arith.addi %add3A_69, %add3A_76 : i32
        %dma_start3A_78 = arith.constant 0 : i32
        %dma_start3A_79 = tpu.memref_slice %arg7[%add3A_77, %dma_start3A_78] : memref<48x128xi32, #tpu.memory_space<vmem>> -> memref<1x128xi32, #tpu.memory_space<vmem>>
        %dma_start3A_80 = tpu.memref_squeeze %dma_start3A_79 : memref<1x128xi32, #tpu.memory_space<vmem>> -> memref<128xi32, #tpu.memory_space<vmem>>
        %dma_start3A_81 = arith.constant 0 : i32
        %dma_start3A_82 = arith.constant 0 : i32
        %dma_start3A_83 = tpu.memref_slice %arg2[%dma_start3A_81, %dma_start3A_82] : memref<10000x128xf32, #tpu.memory_space<hbm>> -> memref<10000x128xf32, #tpu.memory_space<hbm>>
        tpu.enqueue_indirect_dma source(%dma_start3A_83 : memref<10000x128xf32, #tpu.memory_space<hbm>>) target(%arg10 : memref<128x128xf32, #tpu.memory_space<vmem>>) offsets(%dma_start3A_80 : memref<128xi32, #tpu.memory_space<vmem>>) semaphore(%arg14 : memref<!tpu.dma_semaphore, #tpu.memory_space<semaphore_mem>>)
        %dma_wait3A_84 = arith.constant 0 : i32
        %dma_wait3A_85 = tpu.memref_slice %arg7[%add3A_69, %dma_wait3A_84] : memref<48x128xi32, #tpu.memory_space<vmem>> -> memref<1x128xi32, #tpu.memory_space<vmem>>
        %dma_wait3A_86 = tpu.memref_squeeze %dma_wait3A_85 : memref<1x128xi32, #tpu.memory_space<vmem>> -> memref<128xi32, #tpu.memory_space<vmem>>
        %dma_wait3A_87 = arith.constant 0 : i32
        %dma_wait3A_88 = arith.constant 0 : i32
        %dma_wait3A_89 = tpu.memref_slice %arg2[%dma_wait3A_87, %dma_wait3A_88] : memref<10000x128xf32, #tpu.memory_space<hbm>> -> memref<10000x128xf32, #tpu.memory_space<hbm>>
        tpu.wait_indirect_dma semaphore(%arg13 : memref<!tpu.dma_semaphore, #tpu.memory_space<semaphore_mem>>) src(%dma_wait3A_89 : memref<10000x128xf32, #tpu.memory_space<hbm>>) dst(%arg9 : memref<128x128xf32, #tpu.memory_space<vmem>>)
        %dma_start3A_90 = arith.constant 0 : i32
        %dma_start3A_91 = tpu.memref_slice %arg8[%add3A_69, %dma_start3A_90] : memref<48x128xi32, #tpu.memory_space<vmem>> -> memref<1x128xi32, #tpu.memory_space<vmem>>
        %dma_start3A_92 = tpu.memref_squeeze %dma_start3A_91 : memref<1x128xi32, #tpu.memory_space<vmem>> -> memref<128xi32, #tpu.memory_space<vmem>>
        %dma_start3A_93 = arith.constant 0 : i32
        %dma_start3A_94 = arith.constant 0 : i32
        %dma_start3A_95 = tpu.memref_slice %arg11[%dma_start3A_93, %dma_start3A_94] : memref<10112x128xf32, #tpu.memory_space<vmem_shared>> -> memref<10112x128xf32, #tpu.memory_space<vmem_shared>>
        tpu.enqueue_indirect_dma source(%arg9 : memref<128x128xf32, #tpu.memory_space<vmem>>) target(%dma_start3A_95 : memref<10112x128xf32, #tpu.memory_space<vmem_shared>>) offsets(%dma_start3A_92 : memref<128xi32, #tpu.memory_space<vmem>>) semaphore(%arg15 : memref<!tpu.dma_semaphore, #tpu.memory_space<semaphore_mem>>) {add = true}
        %dma_wait3A_96 = arith.constant 0 : i32
        %dma_wait3A_97 = tpu.memref_slice %arg7[%add3A_77, %dma_wait3A_96] : memref<48x128xi32, #tpu.memory_space<vmem>> -> memref<1x128xi32, #tpu.memory_space<vmem>>
        %dma_wait3A_98 = tpu.memref_squeeze %dma_wait3A_97 : memref<1x128xi32, #tpu.memory_space<vmem>> -> memref<128xi32, #tpu.memory_space<vmem>>
        %dma_wait3A_99 = arith.constant 0 : i32
        %dma_wait3A_100 = arith.constant 0 : i32
        %dma_wait3A_101 = tpu.memref_slice %arg2[%dma_wait3A_99, %dma_wait3A_100] : memref<10000x128xf32, #tpu.memory_space<hbm>> -> memref<10000x128xf32, #tpu.memory_space<hbm>>
        tpu.wait_indirect_dma semaphore(%arg14 : memref<!tpu.dma_semaphore, #tpu.memory_space<semaphore_mem>>) src(%dma_wait3A_101 : memref<10000x128xf32, #tpu.memory_space<hbm>>) dst(%arg10 : memref<128x128xf32, #tpu.memory_space<vmem>>)
        %add3A_102 = arith.constant 1 : i32
        %add3A_103 = arith.addi %add3A_69, %add3A_102 : i32
        %dma_start3A_104 = arith.constant 0 : i32
        %dma_start3A_105 = tpu.memref_slice %arg8[%add3A_103, %dma_start3A_104] : memref<48x128xi32, #tpu.memory_space<vmem>> -> memref<1x128xi32, #tpu.memory_space<vmem>>
        %dma_start3A_106 = tpu.memref_squeeze %dma_start3A_105 : memref<1x128xi32, #tpu.memory_space<vmem>> -> memref<128xi32, #tpu.memory_space<vmem>>
        %dma_start3A_107 = arith.constant 0 : i32
        %dma_start3A_108 = arith.constant 0 : i32
        %dma_start3A_109 = tpu.memref_slice %arg11[%dma_start3A_107, %dma_start3A_108] : memref<10112x128xf32, #tpu.memory_space<vmem_shared>> -> memref<10112x128xf32, #tpu.memory_space<vmem_shared>>
        tpu.enqueue_indirect_dma source(%arg10 : memref<128x128xf32, #tpu.memory_space<vmem>>) target(%dma_start3A_109 : memref<10112x128xf32, #tpu.memory_space<vmem_shared>>) offsets(%dma_start3A_106 : memref<128xi32, #tpu.memory_space<vmem>>) semaphore(%arg16 : memref<!tpu.dma_semaphore, #tpu.memory_space<semaphore_mem>>) {add = true}
        %dma_wait3A_110 = arith.constant 0 : i32
        %dma_wait3A_111 = tpu.memref_slice %arg8[%add3A_69, %dma_wait3A_110] : memref<48x128xi32, #tpu.memory_space<vmem>> -> memref<1x128xi32, #tpu.memory_space<vmem>>
        %dma_wait3A_112 = tpu.memref_squeeze %dma_wait3A_111 : memref<1x128xi32, #tpu.memory_space<vmem>> -> memref<128xi32, #tpu.memory_space<vmem>>
        %dma_wait3A_113 = arith.constant 0 : i32
        %dma_wait3A_114 = arith.constant 0 : i32
        %dma_wait3A_115 = tpu.memref_slice %arg11[%dma_wait3A_113, %dma_wait3A_114] : memref<10112x128xf32, #tpu.memory_space<vmem_shared>> -> memref<10112x128xf32, #tpu.memory_space<vmem_shared>>
        tpu.wait_indirect_dma semaphore(%arg15 : memref<!tpu.dma_semaphore, #tpu.memory_space<semaphore_mem>>) src(%arg9 : memref<128x128xf32, #tpu.memory_space<vmem>>) dst(%dma_wait3A_115 : memref<10112x128xf32, #tpu.memory_space<vmem_shared>>)
        %dma_wait3A_116 = arith.constant 0 : i32
        %dma_wait3A_117 = tpu.memref_slice %arg8[%add3A_103, %dma_wait3A_116] : memref<48x128xi32, #tpu.memory_space<vmem>> -> memref<1x128xi32, #tpu.memory_space<vmem>>
        %dma_wait3A_118 = tpu.memref_squeeze %dma_wait3A_117 : memref<1x128xi32, #tpu.memory_space<vmem>> -> memref<128xi32, #tpu.memory_space<vmem>>
        %dma_wait3A_119 = arith.constant 0 : i32
        %dma_wait3A_120 = arith.constant 0 : i32
        %dma_wait3A_121 = tpu.memref_slice %arg11[%dma_wait3A_119, %dma_wait3A_120] : memref<10112x128xf32, #tpu.memory_space<vmem_shared>> -> memref<10112x128xf32, #tpu.memory_space<vmem_shared>>
        tpu.wait_indirect_dma semaphore(%arg16 : memref<!tpu.dma_semaphore, #tpu.memory_space<semaphore_mem>>) src(%arg10 : memref<128x128xf32, #tpu.memory_space<vmem>>) dst(%dma_wait3A_121 : memref<10112x128xf32, #tpu.memory_space<vmem_shared>>)
      }
      %scan3A_64 = arith.constant 4 : i32
    } else {
    }
    %barrier3A_10 = arith.constant 0 : index
    tpu.barrier barrier_id(%barrier3A_10)
    %mul3A_11 = arith.constant 632 : i32
    %mul3A_12 = arith.muli %arg1, %mul3A_11 : i32
    %mul3A_13 = arith.constant 10112 : i32
    %mul3A_14 = arith.muli %arg0, %mul3A_13 : i32
    %mul3A_15 = arith.constant 632 : i32
    %mul3A_16 = arith.muli %arg1, %mul3A_15 : i32
    %add3A = arith.addi %mul3A_14, %mul3A_16 : i32
    "tpu.region"() ({
      %run_scoped3A = tpu.sem_alloc : memref<!tpu.dma_semaphore, #tpu.memory_space<semaphore_mem>>
      %dma_start3A = arith.constant 0 : i32
      %dma_start3A_17 = tpu.memref_slice %arg6[%add3A, %dma_start3A] : memref<20224x128xf32, #tpu.memory_space<hbm>> -> memref<632x128xf32, #tpu.memory_space<hbm>>
      %dma_start3A_18 = arith.constant 0 : i32
      %dma_start3A_19 = tpu.memref_slice %arg11[%mul3A_12, %dma_start3A_18] : memref<10112x128xf32, #tpu.memory_space<vmem_shared>> -> memref<632x128xf32, #tpu.memory_space<vmem_shared>>
      tpu.enqueue_dma source(%dma_start3A_19 : memref<632x128xf32, #tpu.memory_space<vmem_shared>>) target(%dma_start3A_17 : memref<632x128xf32, #tpu.memory_space<hbm>>) target_semaphore(%run_scoped3A : memref<!tpu.dma_semaphore, #tpu.memory_space<semaphore_mem>>)
      %dma_wait3A = arith.constant 0 : i32
      %dma_wait3A_20 = tpu.memref_slice %arg6[%add3A, %dma_wait3A] : memref<20224x128xf32, #tpu.memory_space<hbm>> -> memref<632x128xf32, #tpu.memory_space<hbm>>
      %dma_wait3A_21 = arith.constant 0 : i32
      %dma_wait3A_22 = tpu.memref_slice %arg11[%mul3A_12, %dma_wait3A_21] : memref<10112x128xf32, #tpu.memory_space<vmem_shared>> -> memref<632x128xf32, #tpu.memory_space<vmem_shared>>
      tpu.wait_dma2 semaphore(%run_scoped3A : memref<!tpu.dma_semaphore, #tpu.memory_space<semaphore_mem>>) src(%dma_wait3A_22 : memref<632x128xf32, #tpu.memory_space<vmem_shared>>) dst(%dma_wait3A_20 : memref<632x128xf32, #tpu.memory_space<hbm>>)
      tpu.yield
    }) : () -> ()
    return
  }
}

module attributes {stable_mosaic.version = 14 : i64} {
  func.func @body(%arg0: i32, %arg1: memref<2000x128xf32, #tpu.memory_space<vmem>>, %arg2: memref<128x64xf32, #tpu.memory_space<vmem>>, %arg3: memref<1x64xf32, #tpu.memory_space<vmem>>, %arg4: memref<2000x128xf32, #tpu.memory_space<vmem>>) attributes {dimension_semantics = [#tpu.dimension_semantics<arbitrary>], iteration_bounds = array<i64: 5>, scalar_prefetch = 0 : i64, scratch_operands = 0 : i64, tpu.core_type = #tpu.core_type<tc>, window_params = [{transform_indices = @transform_0, window_bounds = array<i64: 2000, 128>}, {pipeline_mode = #tpu.pipeline_mode<synchronous>, transform_indices = @transform_1, window_bounds = array<i64: 128, 64>}, {pipeline_mode = #tpu.pipeline_mode<synchronous>, transform_indices = @transform_2, window_bounds = array<i64: 1, 64>}, {transform_indices = @transform_3, window_bounds = array<i64: 2000, 128>}]} {
    %get3A = arith.constant 0 : index
    %get3A_0 = arith.constant 0 : index
    %get3A_1 = vector.load %arg1[%get3A, %get3A_0] : memref<2000x128xf32, #tpu.memory_space<vmem>>, vector<2000x128xf32>
    %get3A_2 = arith.constant 0 : index
    %get3A_3 = arith.constant 0 : index
    %get3A_4 = vector.load %arg2[%get3A_2, %get3A_3] : memref<128x64xf32, #tpu.memory_space<vmem>>, vector<128x64xf32>
    %dot_general3A = arith.constant dense<0.000000e+00> : vector<2000x64xf32>
    %dot_general3A_5 = tpu.matmul %get3A_1, %get3A_4, %dot_general3A {dimension_numbers = #tpu.dot_dimension_numbers<[1], [0], [0], [1], [0, 0, 1, 1], [], []>, transpose_lhs_hint = false} : vector<2000x128xf32>, vector<128x64xf32>, vector<2000x64xf32> -> vector<2000x64xf32>
    %get3A_6 = arith.constant 0 : index
    %get3A_7 = arith.constant 0 : index
    %get3A_8 = vector.load %arg3[%get3A_6, %get3A_7] : memref<1x64xf32, #tpu.memory_space<vmem>>, vector<1x64xf32>
    %add3A = vector.broadcast %get3A_8 : vector<1x64xf32> to vector<2000x64xf32>
    %add3A_9 = arith.addf %dot_general3A_5, %add3A : vector<2000x64xf32>
    %broadcast_in_dim3A = arith.constant 0.000000e+00 : f32
    %broadcast_in_dim3A_10 = vector.broadcast %broadcast_in_dim3A : f32 to vector<2000x64xf32>
    %concatenate3A = tpu.concatenate %add3A_9, %broadcast_in_dim3A_10 in 1 : vector<2000x64xf32>, vector<2000x64xf32> -> vector<2000x128xf32>
    %swap3A = arith.constant 0 : index
    %swap3A_11 = arith.constant 0 : index
    %swap3A_12 = vector.load %arg4[%swap3A, %swap3A_11] : memref<2000x128xf32, #tpu.memory_space<vmem>>, vector<2000x128xf32>
    tpu.vector_store %arg4[%swap3A, %swap3A_11], %concatenate3A {strides = array<i32>} : memref<2000x128xf32, #tpu.memory_space<vmem>>, vector<2000x128xf32>,
    return
  }
  func.func @transform_0(%arg0: i32) -> (i32, i32) {
    %c0_i32 = arith.constant 0 : i32
    %c0_i32_0 = arith.constant 0 : i32
    return %arg0, %c0_i32 : i32, i32
  }
  func.func @transform_1(%arg0: i32) -> (i32, i32) {
    %c0_i32 = arith.constant 0 : i32
    %c0_i32_0 = arith.constant 0 : i32
    %c0_i32_1 = arith.constant 0 : i32
    return %c0_i32, %c0_i32_0 : i32, i32
  }
  func.func @transform_2(%arg0: i32) -> (i32, i32) {
    %c0_i32 = arith.constant 0 : i32
    %c0_i32_0 = arith.constant 0 : i32
    %c0_i32_1 = arith.constant 0 : i32
    return %c0_i32, %c0_i32_0 : i32, i32
  }
  func.func @transform_3(%arg0: i32) -> (i32, i32) {
    %c0_i32 = arith.constant 0 : i32
    %c0_i32_0 = arith.constant 0 : i32
    return %arg0, %c0_i32 : i32, i32
  }
}

module attributes {stable_mosaic.version = 14 : i64} {
  func.func @body(%arg0: i32, %arg1: memref<2000x128xf32, #tpu.memory_space<vmem>>, %arg2: memref<2000x128xf32, #tpu.memory_space<vmem>>, %arg3: memref<2000x128xf32, #tpu.memory_space<vmem>>, %arg4: memref<64x64xf32, #tpu.memory_space<vmem>>, %arg5: memref<1x64xf32, #tpu.memory_space<vmem>>, %arg6: memref<64x64xf32, #tpu.memory_space<vmem>>, %arg7: memref<1x64xf32, #tpu.memory_space<vmem>>, %arg8: memref<2000x128xf32, #tpu.memory_space<vmem>>) attributes {dimension_semantics = [#tpu.dimension_semantics<arbitrary>], iteration_bounds = array<i64: 5>, scalar_prefetch = 0 : i64, scratch_operands = 0 : i64, tpu.core_type = #tpu.core_type<tc>, window_params = [{transform_indices = @transform_0, window_bounds = array<i64: 2000, 128>}, {transform_indices = @transform_1, window_bounds = array<i64: 2000, 128>}, {transform_indices = @transform_2, window_bounds = array<i64: 2000, 128>}, {pipeline_mode = #tpu.pipeline_mode<synchronous>, transform_indices = @transform_3, window_bounds = array<i64: 64, 64>}, {pipeline_mode = #tpu.pipeline_mode<synchronous>, transform_indices = @transform_4, window_bounds = array<i64: 1, 64>}, {pipeline_mode = #tpu.pipeline_mode<synchronous>, transform_indices = @transform_5, window_bounds = array<i64: 64, 64>}, {pipeline_mode = #tpu.pipeline_mode<synchronous>, transform_indices = @transform_6, window_bounds = array<i64: 1, 64>}, {transform_indices = @transform_7, window_bounds = array<i64: 2000, 128>}]} {
    %get3A = arith.constant 0 : index
    %get3A_0 = arith.constant 0 : index
    %get3A_1 = vector.load %arg1[%get3A, %get3A_0] : memref<2000x128xf32, #tpu.memory_space<vmem>>, vector<2000x128xf32>
    %get3A_2 = arith.constant 0 : index
    %get3A_3 = arith.constant 0 : index
    %get3A_4 = vector.load %arg2[%get3A_2, %get3A_3] : memref<2000x128xf32, #tpu.memory_space<vmem>>, vector<2000x128xf32>
    %add3A = arith.addf %get3A_1, %get3A_4 : vector<2000x128xf32>
    %get3A_5 = arith.constant 0 : index
    %get3A_6 = arith.constant 0 : index
    %get3A_7 = vector.load %arg3[%get3A_5, %get3A_6] : memref<2000x128xf32, #tpu.memory_space<vmem>>, vector<2000x128xf32>
    %add3A_8 = arith.addf %add3A, %get3A_7 : vector<2000x128xf32>
    %slice3A = vector.extract_strided_slice %add3A_8 {offsets = [0, 0], sizes = [2000, 64], strides = [1, 1]} : vector<2000x128xf32> to vector<2000x64xf32>
    %get3A_9 = arith.constant 0 : index
    %get3A_10 = arith.constant 0 : index
    %get3A_11 = vector.load %arg4[%get3A_9, %get3A_10] : memref<64x64xf32, #tpu.memory_space<vmem>>, vector<64x64xf32>
    %dot_general3A = arith.constant dense<0.000000e+00> : vector<2000x64xf32>
    %dot_general3A_12 = tpu.matmul %slice3A, %get3A_11, %dot_general3A {dimension_numbers = #tpu.dot_dimension_numbers<[1], [0], [0], [1], [0, 0, 1, 1], [], []>, transpose_lhs_hint = false} : vector<2000x64xf32>, vector<64x64xf32>, vector<2000x64xf32> -> vector<2000x64xf32>
    %get3A_13 = arith.constant 0 : index
    %get3A_14 = arith.constant 0 : index
    %get3A_15 = vector.load %arg5[%get3A_13, %get3A_14] : memref<1x64xf32, #tpu.memory_space<vmem>>, vector<1x64xf32>
    %add3A_16 = vector.broadcast %get3A_15 : vector<1x64xf32> to vector<2000x64xf32>
    %add3A_17 = arith.addf %dot_general3A_12, %add3A_16 : vector<2000x64xf32>
    %max3A = arith.constant 0.000000e+00 : f32
    %max3A_18 = vector.broadcast %max3A : f32 to vector<2000x64xf32>
    %max3A_19 = arith.maximumf %add3A_17, %max3A_18 : vector<2000x64xf32>
    %get3A_20 = arith.constant 0 : index
    %get3A_21 = arith.constant 0 : index
    %get3A_22 = vector.load %arg6[%get3A_20, %get3A_21] : memref<64x64xf32, #tpu.memory_space<vmem>>, vector<64x64xf32>
    %dot_general3A_23 = arith.constant dense<0.000000e+00> : vector<2000x64xf32>
    %dot_general3A_24 = tpu.matmul %max3A_19, %get3A_22, %dot_general3A_23 {dimension_numbers = #tpu.dot_dimension_numbers<[1], [0], [0], [1], [0, 0, 1, 1], [], []>, transpose_lhs_hint = false} : vector<2000x64xf32>, vector<64x64xf32>, vector<2000x64xf32> -> vector<2000x64xf32>
    %get3A_25 = arith.constant 0 : index
    %get3A_26 = arith.constant 0 : index
    %get3A_27 = vector.load %arg7[%get3A_25, %get3A_26] : memref<1x64xf32, #tpu.memory_space<vmem>>, vector<1x64xf32>
    %add3A_28 = vector.broadcast %get3A_27 : vector<1x64xf32> to vector<2000x64xf32>
    %add3A_29 = arith.addf %dot_general3A_24, %add3A_28 : vector<2000x64xf32>
    %max3A_30 = arith.constant 0.000000e+00 : f32
    %max3A_31 = vector.broadcast %max3A_30 : f32 to vector<2000x64xf32>
    %max3A_32 = arith.maximumf %add3A_29, %max3A_31 : vector<2000x64xf32>
    %broadcast_in_dim3A = arith.constant 0.000000e+00 : f32
    %broadcast_in_dim3A_33 = vector.broadcast %broadcast_in_dim3A : f32 to vector<2000x64xf32>
    %concatenate3A = tpu.concatenate %max3A_32, %broadcast_in_dim3A_33 in 1 : vector<2000x64xf32>, vector<2000x64xf32> -> vector<2000x128xf32>
    %swap3A = arith.constant 0 : index
    %swap3A_34 = arith.constant 0 : index
    %swap3A_35 = vector.load %arg8[%swap3A, %swap3A_34] : memref<2000x128xf32, #tpu.memory_space<vmem>>, vector<2000x128xf32>
    tpu.vector_store %arg8[%swap3A, %swap3A_34], %concatenate3A {strides = array<i32>} : memref<2000x128xf32, #tpu.memory_space<vmem>>, vector<2000x128xf32>,
    return
  }
  func.func @transform_0(%arg0: i32) -> (i32, i32) {
    %c0_i32 = arith.constant 0 : i32
    %c0_i32_0 = arith.constant 0 : i32
    return %arg0, %c0_i32 : i32, i32
  }
  func.func @transform_1(%arg0: i32) -> (i32, i32) {
    %c0_i32 = arith.constant 0 : i32
    %c0_i32_0 = arith.constant 0 : i32
    return %arg0, %c0_i32 : i32, i32
  }
  func.func @transform_2(%arg0: i32) -> (i32, i32) {
    %c0_i32 = arith.constant 0 : i32
    %c0_i32_0 = arith.constant 0 : i32
    return %arg0, %c0_i32 : i32, i32
  }
  func.func @transform_3(%arg0: i32) -> (i32, i32) {
    %c0_i32 = arith.constant 0 : i32
    %c0_i32_0 = arith.constant 0 : i32
    %c0_i32_1 = arith.constant 0 : i32
    return %c0_i32, %c0_i32_0 : i32, i32
  }
  func.func @transform_4(%arg0: i32) -> (i32, i32) {
    %c0_i32 = arith.constant 0 : i32
    %c0_i32_0 = arith.constant 0 : i32
    %c0_i32_1 = arith.constant 0 : i32
    return %c0_i32, %c0_i32_0 : i32, i32
  }
  func.func @transform_5(%arg0: i32) -> (i32, i32) {
    %c0_i32 = arith.constant 0 : i32
    %c0_i32_0 = arith.constant 0 : i32
    %c0_i32_1 = arith.constant 0 : i32
    return %c0_i32, %c0_i32_0 : i32, i32
  }
  func.func @transform_6(%arg0: i32) -> (i32, i32) {
    %c0_i32 = arith.constant 0 : i32
    %c0_i32_0 = arith.constant 0 : i32
    %c0_i32_1 = arith.constant 0 : i32
    return %c0_i32, %c0_i32_0 : i32, i32
  }
  func.func @transform_7(%arg0: i32) -> (i32, i32) {
    %c0_i32 = arith.constant 0 : i32
    %c0_i32_0 = arith.constant 0 : i32
    return %arg0, %c0_i32 : i32, i32
  }
}

module attributes {stable_mosaic.version = 14 : i64} {
  func.func @body(%arg0: i32, %arg1: memref<2000x128xf32, #tpu.memory_space<vmem>>, %arg2: memref<1x1x2000xi32, #tpu.memory_space<vmem>>, %arg3: memref<64x64xf32, #tpu.memory_space<vmem>>, %arg4: memref<1x64xf32, #tpu.memory_space<vmem>>, %arg5: memref<64x6xf32, #tpu.memory_space<vmem>>, %arg6: memref<1x6xf32, #tpu.memory_space<vmem>>, %arg7: memref<128x6xf32, #tpu.memory_space<vmem>>, %arg8: memref<128x64xf32, #tpu.memory_space<vmem>>) attributes {dimension_semantics = [#tpu.dimension_semantics<arbitrary>], iteration_bounds = array<i64: 5>, scalar_prefetch = 0 : i64, scratch_operands = 1 : i64, tpu.core_type = #tpu.core_type<tc>, window_params = [{transform_indices = @transform_0, window_bounds = array<i64: 2000, 128>}, {transform_indices = @transform_1, window_bounds = array<i64: 1, 1, 2000>}, {pipeline_mode = #tpu.pipeline_mode<synchronous>, transform_indices = @transform_2, window_bounds = array<i64: 64, 64>}, {pipeline_mode = #tpu.pipeline_mode<synchronous>, transform_indices = @transform_3, window_bounds = array<i64: 1, 64>}, {pipeline_mode = #tpu.pipeline_mode<synchronous>, transform_indices = @transform_4, window_bounds = array<i64: 64, 6>}, {pipeline_mode = #tpu.pipeline_mode<synchronous>, transform_indices = @transform_5, window_bounds = array<i64: 1, 6>}, {pipeline_mode = #tpu.pipeline_mode<synchronous>, transform_indices = @transform_6, window_bounds = array<i64: 128, 6>}]} {
    %eq3A = arith.constant 0 : i32
    %eq3A_0 = arith.cmpi eq, %arg0, %eq3A : i32
    %convert_element_type3A = arith.extui %eq3A_0 : i1 to i32
    %cond3A = arith.constant 0 : i32
    %cond3A_1 = arith.cmpi ne, %convert_element_type3A, %cond3A : i32
    scf.if %cond3A_1 {
      %broadcast_in_dim3A = arith.constant 0.000000e+00 : f32
      %broadcast_in_dim3A_24 = vector.broadcast %broadcast_in_dim3A : f32 to vector<128x64xf32>
      %swap3A_25 = arith.constant 0 : index
      %swap3A_26 = arith.constant 0 : index
      %swap3A_27 = vector.load %arg8[%swap3A_25, %swap3A_26] : memref<128x64xf32, #tpu.memory_space<vmem>>, vector<128x64xf32>
      tpu.vector_store %arg8[%swap3A_25, %swap3A_26], %broadcast_in_dim3A_24 {strides = array<i32>} : memref<128x64xf32, #tpu.memory_space<vmem>>, vector<128x64xf32>,
    } else {
    }
    %get3A = arith.constant 0 : index
    %get3A_2 = arith.constant 0 : index
    %get3A_3 = arith.constant 0 : index
    %get3A_4 = vector.load %arg2[%get3A, %get3A_2, %get3A_3] : memref<1x1x2000xi32, #tpu.memory_space<vmem>>, vector<1x1x2000xi32>
    %get3A_5 = vector.shape_cast %get3A_4 : vector<1x1x2000xi32> to vector<1x2000xi32>
    %iota3A = tpu.iota {dimensions = array<i32: 0>} : vector<128x2000xi32>
    %eq3A_6 = vector.broadcast %get3A_5 : vector<1x2000xi32> to vector<128x2000xi32>
    %eq3A_7 = arith.cmpi eq, %iota3A, %eq3A_6 : vector<128x2000xi32>
    %convert_element_type3A_8 = arith.extui %eq3A_7 : vector<128x2000xi1> to vector<128x2000xi32>
    %convert_element_type3A_9 = arith.sitofp %convert_element_type3A_8 : vector<128x2000xi32> to vector<128x2000xf32>
    %get3A_10 = arith.constant 0 : index
    %get3A_11 = arith.constant 0 : index
    %get3A_12 = vector.load %arg8[%get3A_10, %get3A_11] : memref<128x64xf32, #tpu.memory_space<vmem>>, vector<128x64xf32>
    %get3A_13 = arith.constant 0 : index
    %get3A_14 = arith.constant 0 : index
    %get3A_15 = vector.load %arg1[%get3A_13, %get3A_14] : memref<2000x128xf32, #tpu.memory_space<vmem>>, vector<2000x128xf32>
    %slice3A = vector.extract_strided_slice %get3A_15 {offsets = [0, 0], sizes = [2000, 64], strides = [1, 1]} : vector<2000x128xf32> to vector<2000x64xf32>
    %dot_general3A = arith.constant dense<0.000000e+00> : vector<128x64xf32>
    %dot_general3A_16 = tpu.matmul %convert_element_type3A_9, %slice3A, %dot_general3A {dimension_numbers = #tpu.dot_dimension_numbers<[1], [0], [0], [1], [0, 0, 1, 1], [], []>, transpose_lhs_hint = false} : vector<128x2000xf32>, vector<2000x64xf32>, vector<128x64xf32> -> vector<128x64xf32>
    %add3A = arith.addf %get3A_12, %dot_general3A_16 : vector<128x64xf32>
    %swap3A = arith.constant 0 : index
    %swap3A_17 = arith.constant 0 : index
    %swap3A_18 = vector.load %arg8[%swap3A, %swap3A_17] : memref<128x64xf32, #tpu.memory_space<vmem>>, vector<128x64xf32>
    tpu.vector_store %arg8[%swap3A, %swap3A_17], %add3A {strides = array<i32>} : memref<128x64xf32, #tpu.memory_space<vmem>>, vector<128x64xf32>,
    %eq3A_19 = arith.constant 4 : i32
    %eq3A_20 = arith.cmpi eq, %arg0, %eq3A_19 : i32
    %convert_element_type3A_21 = arith.extui %eq3A_20 : i1 to i32
    %cond3A_22 = arith.constant 0 : i32
    %cond3A_23 = arith.cmpi ne, %convert_element_type3A_21, %cond3A_22 : i32
    scf.if %cond3A_23 {
      %get3A_24 = arith.constant 0 : index
      %get3A_25 = arith.constant 0 : index
      %get3A_26 = vector.load %arg8[%get3A_24, %get3A_25] : memref<128x64xf32, #tpu.memory_space<vmem>>, vector<128x64xf32>
      %get3A_27 = arith.constant 0 : index
      %get3A_28 = arith.constant 0 : index
      %get3A_29 = vector.load %arg3[%get3A_27, %get3A_28] : memref<64x64xf32, #tpu.memory_space<vmem>>, vector<64x64xf32>
      %dot_general3A_30 = arith.constant dense<0.000000e+00> : vector<128x64xf32>
      %dot_general3A_31 = tpu.matmul %get3A_26, %get3A_29, %dot_general3A_30 {dimension_numbers = #tpu.dot_dimension_numbers<[1], [0], [0], [1], [0, 0, 1, 1], [], []>, transpose_lhs_hint = false} : vector<128x64xf32>, vector<64x64xf32>, vector<128x64xf32> -> vector<128x64xf32>
      %get3A_32 = arith.constant 0 : index
      %get3A_33 = arith.constant 0 : index
      %get3A_34 = vector.load %arg4[%get3A_32, %get3A_33] : memref<1x64xf32, #tpu.memory_space<vmem>>, vector<1x64xf32>
      %add3A_35 = vector.broadcast %get3A_34 : vector<1x64xf32> to vector<128x64xf32>
      %add3A_36 = arith.addf %dot_general3A_31, %add3A_35 : vector<128x64xf32>
      %max3A = arith.constant 0.000000e+00 : f32
      %max3A_37 = vector.broadcast %max3A : f32 to vector<128x64xf32>
      %max3A_38 = arith.maximumf %add3A_36, %max3A_37 : vector<128x64xf32>
      %get3A_39 = arith.constant 0 : index
      %get3A_40 = arith.constant 0 : index
      %get3A_41 = vector.load %arg5[%get3A_39, %get3A_40] : memref<64x6xf32, #tpu.memory_space<vmem>>, vector<64x6xf32>
      %dot_general3A_42 = arith.constant dense<0.000000e+00> : vector<128x6xf32>
      %dot_general3A_43 = tpu.matmul %max3A_38, %get3A_41, %dot_general3A_42 {dimension_numbers = #tpu.dot_dimension_numbers<[1], [0], [0], [1], [0, 0, 1, 1], [], []>, transpose_lhs_hint = false} : vector<128x64xf32>, vector<64x6xf32>, vector<128x6xf32> -> vector<128x6xf32>
      %get3A_44 = arith.constant 0 : index
      %get3A_45 = arith.constant 0 : index
      %get3A_46 = vector.load %arg6[%get3A_44, %get3A_45] : memref<1x6xf32, #tpu.memory_space<vmem>>, vector<1x6xf32>
      %add3A_47 = vector.broadcast %get3A_46 : vector<1x6xf32> to vector<128x6xf32>
      %add3A_48 = arith.addf %dot_general3A_43, %add3A_47 : vector<128x6xf32>
      %reduce_max3A = arith.constant dense<0xFF800000> : vector<128xf32>
      %reduce_max3A_49 = vector.multi_reduction <maximumf>, %add3A_48, %reduce_max3A [1] : vector<128x6xf32> to vector<128xf32>
      %broadcast_in_dim3A = vector.shape_cast %reduce_max3A_49 : vector<128xf32> to vector<128x1xf32>
      %sub3A = vector.broadcast %broadcast_in_dim3A : vector<128x1xf32> to vector<128x6xf32>
      %sub3A_50 = arith.subf %add3A_48, %sub3A : vector<128x6xf32>
      %exp3A = math.exp %sub3A_50 : vector<128x6xf32>
      %reduce_sum3A = arith.constant dense<0.000000e+00> : vector<128xf32>
      %reduce_sum3A_51 = vector.multi_reduction <add>, %exp3A, %reduce_sum3A [1] : vector<128x6xf32> to vector<128xf32>
      %broadcast_in_dim3A_52 = vector.shape_cast %reduce_sum3A_51 : vector<128xf32> to vector<128x1xf32>
      %log3A = math.log %broadcast_in_dim3A_52 : vector<128x1xf32>
      %add3A_53 = arith.addf %log3A, %broadcast_in_dim3A : vector<128x1xf32>
      %sub3A_54 = vector.broadcast %add3A_53 : vector<128x1xf32> to vector<128x6xf32>
      %sub3A_55 = arith.subf %add3A_48, %sub3A_54 : vector<128x6xf32>
      %swap3A_56 = arith.constant 0 : index
      %swap3A_57 = arith.constant 0 : index
      %swap3A_58 = vector.load %arg7[%swap3A_56, %swap3A_57] : memref<128x6xf32, #tpu.memory_space<vmem>>, vector<128x6xf32>
      tpu.vector_store %arg7[%swap3A_56, %swap3A_57], %sub3A_55 {strides = array<i32>} : memref<128x6xf32, #tpu.memory_space<vmem>>, vector<128x6xf32>,
    } else {
    }
    return
  }
  func.func @transform_0(%arg0: i32) -> (i32, i32) {
    %c0_i32 = arith.constant 0 : i32
    %c0_i32_0 = arith.constant 0 : i32
    return %arg0, %c0_i32 : i32, i32
  }
  func.func @transform_1(%arg0: i32) -> (i32, i32, i32) {
    %c0_i32 = arith.constant 0 : i32
    %c0_i32_0 = arith.constant 0 : i32
    %c0_i32_1 = arith.constant 0 : i32
    return %arg0, %c0_i32, %c0_i32_0 : i32, i32, i32
  }
  func.func @transform_2(%arg0: i32) -> (i32, i32) {
    %c0_i32 = arith.constant 0 : i32
    %c0_i32_0 = arith.constant 0 : i32
    %c0_i32_1 = arith.constant 0 : i32
    return %c0_i32, %c0_i32_0 : i32, i32
  }
  func.func @transform_3(%arg0: i32) -> (i32, i32) {
    %c0_i32 = arith.constant 0 : i32
    %c0_i32_0 = arith.constant 0 : i32
    %c0_i32_1 = arith.constant 0 : i32
    return %c0_i32, %c0_i32_0 : i32, i32
  }
  func.func @transform_4(%arg0: i32) -> (i32, i32) {
    %c0_i32 = arith.constant 0 : i32
    %c0_i32_0 = arith.constant 0 : i32
    %c0_i32_1 = arith.constant 0 : i32
    return %c0_i32, %c0_i32_0 : i32, i32
  }
  func.func @transform_5(%arg0: i32) -> (i32, i32) {
    %c0_i32 = arith.constant 0 : i32
    %c0_i32_0 = arith.constant 0 : i32
    %c0_i32_1 = arith.constant 0 : i32
    return %c0_i32, %c0_i32_0 : i32, i32
  }
  func.func @transform_6(%arg0: i32) -> (i32, i32) {
    %c0_i32 = arith.constant 0 : i32
    %c0_i32_0 = arith.constant 0 : i32
    %c0_i32_1 = arith.constant 0 : i32
    return %c0_i32, %c0_i32_0 : i32, i32
  }
}

</mosaic_0001>

<sc_bundles>
// kernel: kernel.10.cloned.1.call-start
scs
__scs_entry_jumppad:
0x0: {  	(pc) =	sbr.rel $0x88, $3  }
0x1: {  	(tag) =	ssettag $0x0;
	lr =	simm.s32 $0x1  }
0x2: {  	[smem:$0x3F8C] =	sst lr;
	_ =	strace $0xD0000000  }
0x3: {  	_ = 	snop  }
0x4: {  	_ = 	snop  }
0x5: {  	_ = 	snop  }
0x6: {  	_ = 	snop  }
0x7: {  	_ = 	snop  }
__scs_overlays_trampoline_lowered:
0x8: {  	[smem:$0x3F9B] =	sst s0  }
0x9: {  	[smem:$0x3F9C] =	sst s1  }
0xa: {  	[smem:$0x3F9D] =	sst s2  }
0xb: {  	[smem:$0x3F9E] =	sst s3  }
0xc: {  	[smem:$0x3F9F] =	sst s4  }
0xd: {  	[smem:$0x3FA0] =	sst s5  }
0xe: {  	[smem:$0x3FA1] =	sst s6  }
0xf: {  	[smem:$0x3FA2] =	sst s7  }
0x10: {  	[smem:$0x3FA3] =	sst s8  }
0x11: {  	[smem:$0x3FA4] =	sst s9;
	s0 =	simm.s32 @!p0 $0x0  }
0x12: {  	s1 =	sld [smem:$0x3F8A];
	s0 =	simm.s32 @p0 $0x1  }
0x13: {  	[smem:$0x3FA5] =	sst s0;
	s0 =	simm.s32 @!p1 $0x0  }
0x14: {  	s2 =	sld [smem:$0x3F89];
	s0 =	simm.s32 @p1 $0x1  }
0x15: {  	[smem:$0x3FA6] =	sst s0;
	s0 =	simm.s32 @!p2 $0x0  }
0x16: {  	s3 =	sld [smem:$0x3FDB];
	s0 =	simm.s32 @p2 $0x1  }
0x17: {  	s4 =	simm.s32 $0x1BF5;
	[smem:$0x3FA8] =	sst s0  }
0x18: {  	s0 =	sld [smem:$0x3F8B];
	_ =	swait.ge [sflag:s4], $0x0  }
0x19: {  	s7 =	sld [smem:$0x3F8C]  }
0x1a: {  	s8 =	sadd.s32 $0xFFFFE003, lr  }
0x1b: {  	s9 =	sadd.s32 $0xFFFFFEF7, lr;
	s5 =	simm.s32 $0xFFFFFFFF;
	p2 =	slt.u32 s8, $0xFFFFF086  }
0x1c: {  	p1 =	slt.u32 s9, $0xF7A;
	s5 =	simm.s32 @!p2 $0x0  }
0x1d: {  	s5 =	simm.s32 @p1 $0x1;
	p0 =	seq.s32 s7, s2  }
0x1e: {  	s7 =	smul.u32 @!p0 $0xF7A, s2;
	p2 =	seq.s32 @!p0 s5, $0x0  }
0x1f: {  	s9 =	smul.u32 $0xF7A, s1;
	s8 =	simm.s32 @!p0 $0x1BF5;
	p2 =	por !p2, p0  }
0x20: {  	[sflag:s8] =	ssyncset.s32 @!p0 $0xFFFFF086;
	s6 =	sadd.s32 @!p0 s3, s7;
	s7 =	simm.s32 @!p0 $0x108  }
0x21: {  	s3 =	sadd.s32 s3, s9;
	s6 =	sadd.s32 @!p0 $0x88, s6;
	s7 =	simm.s32 @p2 $0x1082  }
0x22: {  	[simem:s7], [sflag:s8] =	dma.local @!p0 [hbm:s6], $0xF7A  }
0x23: {  	s9 =	sor.u32 $0xD0000000, s2;
	s6 =	simm.s32 $0x108;
	_ =	swait.ge @!p0 [sflag:s8], $0x0  }
0x24: {  	s3 =	sadd.s32 $0x88, s3;
	s6 =	simm.s32 @!p1 $0x1082;
	[sflag:s4] =	ssyncset.s32 $0xFFFFF086  }
0x25: {  	[simem:s6], [sflag:s4] =	dma.local [hbm:s3], $0xF7A  }
0x26: {  	[smem:$0x3F8C] =	sst s1;
	(tag) =	ssettag s2;
	_ =	strace s9  }
0x27: {  	s1 =	sld [smem:$0x3F9C]  }
0x28: {  	s2 =	sld [smem:$0x3F9D]  }
0x29: {  	s4 =	sld [smem:$0x3F9F]  }
0x2a: {  	p0 =	seq.s32 s5, $0x0;
	s5 =	sld [smem:$0x3FA0]  }
0x2b: {  	s6 =	sld [smem:$0x3FA1]  }
0x2c: {  	s7 =	sld [smem:$0x3FA2]  }
0x2d: {  	s3 =	simm.s32 $0x108;
	s8 =	sld [smem:$0x3FA3]  }
0x2e: {  	s3 =	simm.s32 @!p0 $0x1082;
	s9 =	sld [smem:$0x3FA4]  }
0x2f: {  	lr =	sadd.s32 s0, s3;
	s0 =	sld [smem:$0x3F9B]  }
0x30: {  	s3 =	sld [smem:$0x3F9E]  }
0x31: {  	[smem:$0x3FA7] =	sst s10  }
0x32: {  	s10 =	sld [smem:$0x3FA5];
	_ =	sdelay $0x3  }
0x33: {  	p0 =	seq.s32 s10, $0x1;
	s10 =	sld [smem:$0x3FA7];
	_ =	sdelay $0x3  }
0x34: {  	[smem:$0x3FA7] =	sst s10  }
0x35: {  	s10 =	sld [smem:$0x3FA6];
	_ =	sdelay $0x3  }
0x36: {  	p1 =	seq.s32 s10, $0x1;
	s10 =	sld [smem:$0x3FA7];
	_ =	sdelay $0x3  }
0x37: {  	[smem:$0x3FA7] =	sst s10  }
0x38: {  	s10 =	sld [smem:$0x3FA8]  }
0x39: {  	_ = 	snop;
	(pc) =	sbr.ind lr, $3  }
0x3a: {  	_ = 	snop  }
0x3b: {  	_ = 	snop  }
0x3c: {  	p2 =	seq.s32 s10, $0x1;
	s10 =	sld [smem:$0x3FA7]  }
0x3d: {  	_ =	shalt  }
0x3e: {  	_ =	shalt  }
0x3f: {  	_ =	shalt  }
0x40: {  	_ =	shalt  }
0x41: {  	_ =	shalt  }
0x42: {  	_ =	shalt  }
0x43: {  	_ =	shalt  }
0x44: {  	_ =	shalt  }
0x45: {  	_ =	shalt  }
0x46: {  	_ =	shalt  }
0x47: {  	_ =	shalt  }
0x48: {  	_ =	shalt  }
0x49: {  	_ =	shalt  }
0x4a: {  	_ =	shalt  }
0x4b: {  	_ =	shalt  }
0x4c: {  	_ =	shalt  }
0x4d: {  	_ =	shalt  }
0x4e: {  	_ =	shalt  }
0x4f: {  	_ =	shalt  }
0x50: {  	_ =	shalt  }
0x51: {  	_ =	shalt  }
0x52: {  	_ =	shalt  }
0x53: {  	_ =	shalt  }
0x54: {  	_ =	shalt  }
0x55: {  	_ =	shalt  }
0x56: {  	_ =	shalt  }
0x57: {  	_ =	shalt  }
0x58: {  	_ =	shalt  }
0x59: {  	_ =	shalt  }
0x5a: {  	_ =	shalt  }
0x5b: {  	_ =	shalt  }
0x5c: {  	_ =	shalt  }
0x5d: {  	_ =	shalt  }
0x5e: {  	_ =	shalt  }
0x5f: {  	_ =	shalt  }
0x60: {  	_ =	shalt  }
0x61: {  	_ =	shalt  }
0x62: {  	_ =	shalt  }
0x63: {  	_ =	shalt  }
0x64: {  	_ =	shalt  }
0x65: {  	_ =	shalt  }
0x66: {  	_ =	shalt  }
0x67: {  	_ =	shalt  }
0x68: {  	_ =	shalt  }
0x69: {  	_ =	shalt  }
0x6a: {  	_ =	shalt  }
0x6b: {  	_ =	shalt  }
0x6c: {  	_ =	shalt  }
0x6d: {  	_ =	shalt  }
0x6e: {  	_ =	shalt  }
0x6f: {  	_ =	shalt  }
0x70: {  	_ =	shalt  }
0x71: {  	_ =	shalt  }
0x72: {  	_ =	shalt  }
0x73: {  	_ =	shalt  }
0x74: {  	_ =	shalt  }
0x75: {  	_ =	shalt  }
0x76: {  	_ =	shalt  }
0x77: {  	_ =	shalt  }
0x78: {  	_ =	shalt  }
0x79: {  	_ =	shalt  }
0x7a: {  	_ =	shalt  }
0x7b: {  	_ =	shalt  }
0x7c: {  	_ =	shalt  }
0x7d: {  	_ =	shalt  }
0x7e: {  	_ =	shalt  }
0x7f: {  	_ =	shalt  }
0x80: {  	_ =	shalt  }
0x81: {  	_ =	shalt  }
0x82: {  	_ =	shalt  }
0x83: {  	_ =	shalt  }
0x84: {  	_ =	shalt  }
0x85: {  	_ =	shalt  }
0x86: {  	_ =	shalt  }
0x87: {  	_ =	shalt  }
.Lfunc_end0:
.L_simem_size_0:
called_computation_lowered:
.L_overlay_start_0:
0x88: {  	s2 =	sld [smem:$0x3FD9]  }
0x89: {  	s3 =	sld [smem:$0x3FFE];
	_ =	sdelay $0x1  }
0x8a: {  	s1 =	srdreg.scid  }
0x8b: {  	s0 =	sand.u32 $0x1, s1  }
0x8c: {  	s16 =	sshll.u32 s0, $0xA;
	s2 =	sadd.s32 s3, s2  }
0x8d: {  	s2 =	sadd.s32 s2, s16  }
0x8e: {  	[smem:$0x3FB3] =	sst s2  }
0x8f: {  	_ = 	snop  }
0x90: {  	(tm) =	ssettm $0x1  }
0x91: {  	s17 =	sld [smem:$0x3FFB];
	_ =	sdelay $0x3  }
0x92: {  	_ =	strace s17  }
0x93: {  	s2 =	sld [smem:$0x3FFC];
	_ =	sdelay $0x3  }
0x94: {  	_ =	strace s2  }
0x95: {  	s2 =	sld [smem:$0x3FFD];
	_ =	sdelay $0x3  }
0x96: {  	_ =	strace s2  }
0x97: {  	_ =	strace $0x8FFFFFFF  }
0x98: {  	s18 =	sld [smem:$0x3FDB];
	_ =	sdelay $0x1  }
0x99: {  	s19 =	simm.s32 $_scs_section_size  }
0x9a: {  	s4 =	simm.s32 $_size__tile_overlayer_lowered;
	s5 =	simm.s32 $_tile_overlayer_lowered  }
0x9b: {  	s22 =	simm.s32 $0x1BFF;
	s21 =	sshll.u32 s5, $0x1;
	s2 =	sadd.s32 s19, s18  }
0x9c: {  	s6 =	simm.s32 $0x0;
	s20 =	sshll.u32 s4, $0x1;
	s4 =	sadd.s32 s21, s2  }
0x9d: {  	[timem:s6], [sflag:s22] =	dma.local [hbm:s4], s20  }
0x9e: {  	_ =	swait.ge [sflag:s22], s20  }
0x9f: {  	s3 =	ssub.s32 $0x0, s20;
	[sflag:s22] =	ssyncset.done $0x0  }
0xa0: {  	[sflag:s22] =	ssyncadd.s32 s3;
	_ =	sdelay $0x1  }
0xa1: {  	s23 =	simm.s32 $0x1B8B  }
0xa2: {  	_ =	swait.ge [sflag:s23], $0x1  }
0xa3: {  	[sflag:s23] =	ssyncset.done $0x0  }
0xa4: {  	s25 =	simm.s32 $0x1B8E;
	s24 =	sld [smem:$0x3FFE];
	[sflag:s23] =	ssyncadd.s32 $0xFFFFFFFF  }
0xa5: {  	s26 =	simm.s32 $execute0_lowered;
	[smem:$0x3FD2] =	sst s25  }
0xa6: {  	s4 =	sshll.u32 s26, $0x1;
	_ =	strace $0x80000046;
	[dreg:$0x1] =	wrdreg $0xFFFFFFFF  }
0xa7: {  	s28 =	simm.s32 $_size_execute0_lowered;
	s2 =	sadd.s32 s2, s4;
	[dreg:$0x0] =	wrdreg $0x0  }
0xa8: {  	s4 =	sshll.u32 s28, $0x1;
	[dreg:$0x2] =	wrdreg s2  }
0xa9: {  	[dreg:$0x3] =	wrdreg s4  }
0xaa: {  	[dreg:$0x4] =	wrdreg $0xC0  }
0xab: {  	_ =	task [dreg:s6], $0x5FFFF  }
0xac: {  	[dreg:$0x1] =	wrdreg $0xFFFFFFFF  }
0xad: {  	[dreg:$0x0] =	wrdreg $0x60  }
0xae: {  	[dreg:$0x2] =	wrdreg s24  }
0xaf: {  	[dreg:$0x3] =	wrdreg $0xB0000  }
0xb0: {  	[dreg:$0x4] =	wrdreg $0x9  }
0xb1: {  	_ =	task.clear_ibuf [dreg:s6], $0x5FFFF;
	_ =	strace $0x90000046  }
0xb2: {  	s29 =	simm.s32 $0x9;
	_ =	strace $0x80000048  }
0xb3: {  	_ =	swait.ge [sflag:s29], $0x1  }
0xb4: {  	[sflag:s29] =	ssyncadd.s32 $0xFFFFFFFF  }
0xb5: {  	_ =	strace $0x90000048  }
0xb6: {  	_ =	sfence  }
0xb7: {  	s30 =	sld [smem:$0x0];
	_ =	sdelay $0x2  }
0xb8: {  	s31 =	sshll.u32 s1, $0xD;
	s1 =	sshrl.u32 s1, $0x2  }
0xb9: {  	s3 =	sand.u32 $0x4000, s31;
	s1 =	sadd.s32 s1, s30  }
0xba: {  	s0 =	sor.u32 s3, s0;
	s1 =	sshll.u32 s1, $0x11  }
0xbb: {  	s0 =	sor.u32 s1, s0  }
0xbc: {  	s0 =	sadd.s32 $0x8F2B, s0  }
0xbd: {  	[sflag:s0] =	ssyncadd.remote.s32 $0x1  }
0xbe: {  	_ =	sfence.sel $0xFFFF  }
0xbf: {  	[dreg:$0x0] =	wrdreg $0xFFFFFFFF;
	(pc) =	sbr.abs _section_cstart, $3  }
0xc0: {  	[dreg:$0x1] =	wrdreg $0xFFFFFFFF  }
0xc1: {  	_ =	task.clear_ibuf [dreg:s6], $0x2FFFF;
	_ =	strace $0x9FFFFFFF  }
0xc2: {  	(tm) =	ssettm $0x7FFFFFFF  }
0xc3: {  	_ =	shalt  }
tec
execute0_lowered:
.L_overlay_start_1:
0x0: {  	(tag) =	ssettag $0x1  }
0x1: {  	s0 =	rddreg [dreg:$0x0]  }
0x2: {  	s2 =	rddreg [dreg:$0x1];
	s3 =	simm.s32 $0x0  }
0x3: {  	s13 =	stileid.u32;
	s1 =	srdreg.scid;
	s28 =	simm.s32 $0x3  }
0x4: {  	s30 =	simm.s32 $0x4;
	s31 =	simm.s32 $0x5;
	s14 =	simm.s32 $0x1A80  }
0x5: {  	s29 =	simm.s32 $0x300;
	s15 =	simm.s32 $0x1B80;
	s7 =	smul.u32 $0x2780, s13  }
0x6: {  	[smem:$0x7FF] =	sst s3;
	s1 =	sand.u32 $0x1, s1;
	s10 =	smul.u32 $0x4F000, s13  }
0x7: {  	s4 =	sadd.s32 $0x19200, s0;
	s5 =	sadd.s32 $0xF200, s0;
	s19 =	smul.u32 $0x4C00, s13  }
0x8: {  	s6 =	sadd.s32 $0x5200, s0;
	s20 =	sshll.u32 s13, $0x6;
	s12 =	smul.u32 $0x980, s13  }
0x9: {  	s26 =	sshll.u32 s13, $0x7;
	s13 =	simm.s32 $0x100;
	_ =	strace $0x80000047  }
0xa: {  	s8 =	smul.u32 $0x27800, s1;
	s9 =	ssub.s32 $0x2, s1;
	p0 =	seq.s32 s1, $0x1  }
0xb: {  	s16 =	sor.u32 $0x9800, s26;
	s26 =	simm.s32 $0x2;
	s17 =	sshrl.u32 s9, $0x1  }
0xc: {  	s18 =	sshrl.u32 s10, $0x2;
	s10 =	sshrl.u32 s19, $0x3;
	s21 =	sadd.s32 s5, s12  }
0xd: {  	s12 =	sadd.s32 s6, s12;
	s8 =	sadd.s32 s7, s8;
	s7 =	sadd.s32 s7, s0  }
0xe: {  	s9 =	ssub.s32 s9, s17;
	s11 =	sadd.s32 s18, s2;
	[dreg:$0x3] =	wrdreg s21  }
0xf: {  	s22 =	sadd.s32 $0x300, s10;
	[dreg:$0x4] =	wrdreg s12;
	s24 =	sadd.s32 $0x600, s10  }
0x10: {  	s10 =	sadd.s32 $0x900, s10;
	s21 =	simm.s32 $0x1800;
	s0 =	sadd.s32 s8, s0  }
0x11: {  	s7 =	sadd.s32 $0x40400, s7;
	s8 =	sor.u32 $0x1C06, s20;
	s23 =	sadd.s32 s5, s22  }
0x12: {  	s1 =	sadd.s32 s6, s22;
	s25 =	sadd.s32 s5, s24;
	[dreg:$0x9] =	wrdreg s10  }
0x13: {  	s12 =	sadd.s32 s6, s24;
	s18 =	smax.u32 s9, $0x1;
	[dreg:$0x5] =	wrdreg s23  }
.Ltmp0:
0x14: {  	s19 =	sshrl.u32 s11, $0x3;
	[dreg:$0x6] =	wrdreg s1;
	(pc) =	sbr.rel .LBB2_1-.Ltmp0, $4  }
0x15: {  	s20 =	simm.s32 $0x6;
	s22 =	simm.s32 $0x1;
	[dreg:$0x7] =	wrdreg s25  }
0x16: {  	s24 =	simm.s32 $0x3000;
	s9 =	simm.s32 $0x0;
	[dreg:$0x8] =	wrdreg s12  }
0x17: {  	s17 =	sadd.s32 $0x67C00, s0;
	s23 =	simm.s32 $0x80;
	s25 =	simm.s32 $0x7000  }
0x18: {  	s12 =	simm.s32 $0x1880;
	s0 =	simm.s32 $0x380;
	s1 =	simm.s32 $0x1B00  }
.LBB2_8:
0x19: {  	s10 =	sshra.s32 s10, $0x2;
	[sflag:s31] =	ssyncadd.s32 $0xFFFFC000  }
0x1a: {  	[tilespmem:s24], [sflag:$0x2] =	stream.indirect.gather [hbm4b:s4+s23], $0x80, s10, s23, $0xb8;
	[tilespmem:$0x1EC00] =	vst v63  }
0x1b: {  	s11 =	sadd.s32 $0x80, s10  }
0x1c: {  	[tilespmem:s25], [sflag:$0x3] =	stream.indirect.gather [hbm4b:s4+s23], $0x80, s11, s23, $0xb8;
	[tilespmem:$0x1EC00] =	vst v63  }
0x1d: {  	_ =	swait.ge [sflag:s26], $0x4000  }
0x1e: {  	[sflag:s26] =	ssyncset.done $0x0  }
0x1f: {  	s13 =	sadd.s32 $0x1800, s10;
	[sflag:s26] =	ssyncadd.s32 $0xFFFFC000  }
0x20: {  	[spmem:s2] =	stream.indirect.scatter.add.f32 [tilespmem:s24], [sflag:$0x4], $0x80, s13, s23, $0xb8;
	[tilespmem:$0x1EC00] =	vst v63  }
0x21: {  	_ =	swait.ge [sflag:s28], $0x4000  }
0x22: {  	[sflag:s28] =	ssyncset.done $0x0  }
0x23: {  	s10 =	sadd.s32 $0x1880, s10;
	[sflag:s28] =	ssyncadd.s32 $0xFFFFC000  }
0x24: {  	[spmem:s2] =	stream.indirect.scatter.add.f32 [tilespmem:s25], [sflag:$0x5], $0x80, s10, s23, $0xb8;
	[tilespmem:$0x1EC00] =	vst v63  }
0x25: {  	_ =	swait.ge [sflag:s30], $0x4000  }
0x26: {  	[sflag:s30] =	ssyncset.done $0x0  }
0x27: {  	[sflag:s30] =	ssyncadd.s32 $0xFFFFC000  }
0x28: {  	_ =	swait.ge [sflag:s31], $0x4000  }
0x29: {  	s12 =	simm.s32 $0x1880;
	[sflag:s31] =	ssyncset.done $0x0  }
0x2a: {  	s13 =	simm.s32 $0x100;
	s10 =	rddreg [dreg:$0x9];
	[sflag:s31] =	ssyncadd.s32 $0xFFFFC000  }
.LBB2_9:
0x2b: {  	s11 =	sadd.s32 s5, s10  }
0x2c: {  	[tilespmem:s3], [sflag:$0x1] =	stream.linear.gather [hbm4b:s11+s3], $0x400, $0x38;
	[tilespmem:$0x1EC00] =	vst v63  }
0x2d: {  	s11 =	sadd.s32 s6, s10  }
0x2e: {  	[tilespmem:s21], [sflag:$0x1] =	stream.linear.gather [hbm4b:s11+s3], $0x400, $0x38;
	[tilespmem:$0x1EC00] =	vst v63  }
0x2f: {  	_ =	swait.ge [sflag:s22], $0x400  }
0x30: {  	[sflag:s22] =	ssyncset.done $0x0  }
0x31: {  	[sflag:s22] =	ssyncadd.s32 $0xFFFFFC00  }
0x32: {  	_ =	swait.ge [sflag:s22], $0x400  }
0x33: {  	[sflag:s22] =	ssyncset.done $0x0  }
0x34: {  	[sflag:s22] =	ssyncadd.s32 $0xFFFFFC00  }
0x35: {  	[tilespmem:s24], [sflag:$0x2] =	stream.indirect.gather [hbm4b:s4+s23], $0x80, s3, s23, $0xb8;
	[tilespmem:$0x1EC00] =	vst v63  }
0x36: {  	_ = 	snop  }
0x37: {  	[tilespmem:s25], [sflag:$0x3] =	stream.indirect.gather [hbm4b:s4+s23], $0x80, s23, s23, $0xb8;
	[tilespmem:$0x1EC00] =	vst v63  }
0x38: {  	_ =	swait.ge [sflag:s26], $0x4000  }
0x39: {  	[sflag:s26] =	ssyncset.done $0x0  }
0x3a: {  	[sflag:s26] =	ssyncadd.s32 $0xFFFFC000  }
0x3b: {  	[spmem:s2] =	stream.indirect.scatter.add.f32 [tilespmem:s24], [sflag:$0x4], $0x80, s21, s23, $0xb8;
	[tilespmem:$0x1EC00] =	vst v63  }
0x3c: {  	_ =	swait.ge [sflag:s28], $0x4000  }
0x3d: {  	[sflag:s28] =	ssyncset.done $0x0  }
0x3e: {  	[sflag:s28] =	ssyncadd.s32 $0xFFFFC000  }
0x3f: {  	[spmem:s2] =	stream.indirect.scatter.add.f32 [tilespmem:s25], [sflag:$0x5], $0x80, s12, s23, $0xb8;
	[tilespmem:$0x1EC00] =	vst v63  }
0x40: {  	_ =	swait.ge [sflag:s30], $0x4000  }
0x41: {  	[sflag:s30] =	ssyncset.done $0x0  }
0x42: {  	[sflag:s30] =	ssyncadd.s32 $0xFFFFC000  }
0x43: {  	_ =	swait.ge [sflag:s31], $0x4000  }
0x44: {  	[sflag:s31] =	ssyncset.done $0x0  }
0x45: {  	[sflag:s31] =	ssyncadd.s32 $0xFFFFC000  }
0x46: {  	[tilespmem:s24], [sflag:$0x2] =	stream.indirect.gather [hbm4b:s4+s23], $0x80, s13, s23, $0xb8;
	[tilespmem:$0x1EC00] =	vst v63  }
0x47: {  	s11 =	simm.s32 $0x180  }
0x48: {  	[tilespmem:s25], [sflag:$0x3] =	stream.indirect.gather [hbm4b:s4+s23], $0x80, s11, s23, $0xb8;
	[tilespmem:$0x1EC00] =	vst v63  }
0x49: {  	_ =	swait.ge [sflag:s26], $0x4000  }
0x4a: {  	[sflag:s26] =	ssyncset.done $0x0  }
0x4b: {  	s11 =	simm.s32 $0x1900;
	[sflag:s26] =	ssyncadd.s32 $0xFFFFC000  }
0x4c: {  	[spmem:s2] =	stream.indirect.scatter.add.f32 [tilespmem:s24], [sflag:$0x4], $0x80, s11, s23, $0xb8;
	[tilespmem:$0x1EC00] =	vst v63  }
0x4d: {  	_ =	swait.ge [sflag:s28], $0x4000  }
0x4e: {  	[sflag:s28] =	ssyncset.done $0x0  }
0x4f: {  	s11 =	simm.s32 $0x1980;
	[sflag:s28] =	ssyncadd.s32 $0xFFFFC000  }
0x50: {  	[spmem:s2] =	stream.indirect.scatter.add.f32 [tilespmem:s25], [sflag:$0x5], $0x80, s11, s23, $0xb8;
	[tilespmem:$0x1EC00] =	vst v63  }
0x51: {  	_ =	swait.ge [sflag:s30], $0x4000  }
0x52: {  	[sflag:s30] =	ssyncset.done $0x0  }
0x53: {  	[sflag:s30] =	ssyncadd.s32 $0xFFFFC000  }
0x54: {  	_ =	swait.ge [sflag:s31], $0x4000  }
0x55: {  	[sflag:s31] =	ssyncset.done $0x0  }
0x56: {  	s11 =	simm.s32 $0x200;
	[sflag:s31] =	ssyncadd.s32 $0xFFFFC000  }
0x57: {  	[tilespmem:s24], [sflag:$0x2] =	stream.indirect.gather [hbm4b:s4+s23], $0x80, s11, s23, $0xb8;
	[tilespmem:$0x1EC00] =	vst v63  }
0x58: {  	s11 =	simm.s32 $0x280  }
0x59: {  	[tilespmem:s25], [sflag:$0x3] =	stream.indirect.gather [hbm4b:s4+s23], $0x80, s11, s23, $0xb8;
	[tilespmem:$0x1EC00] =	vst v63  }
0x5a: {  	_ =	swait.ge [sflag:s26], $0x4000  }
0x5b: {  	[sflag:s26] =	ssyncset.done $0x0  }
0x5c: {  	s11 =	simm.s32 $0x1A00;
	[sflag:s26] =	ssyncadd.s32 $0xFFFFC000  }
0x5d: {  	[spmem:s2] =	stream.indirect.scatter.add.f32 [tilespmem:s24], [sflag:$0x4], $0x80, s11, s23, $0xb8;
	[tilespmem:$0x1EC00] =	vst v63  }
0x5e: {  	_ =	swait.ge [sflag:s28], $0x4000  }
0x5f: {  	[sflag:s28] =	ssyncset.done $0x0  }
0x60: {  	[sflag:s28] =	ssyncadd.s32 $0xFFFFC000  }
0x61: {  	[spmem:s2] =	stream.indirect.scatter.add.f32 [tilespmem:s25], [sflag:$0x5], $0x80, s14, s23, $0xb8;
	[tilespmem:$0x1EC00] =	vst v63  }
0x62: {  	_ =	swait.ge [sflag:s30], $0x4000  }
0x63: {  	[sflag:s30] =	ssyncset.done $0x0  }
0x64: {  	[sflag:s30] =	ssyncadd.s32 $0xFFFFC000  }
0x65: {  	_ =	swait.ge [sflag:s31], $0x4000  }
0x66: {  	[sflag:s31] =	ssyncset.done $0x0  }
0x67: {  	[sflag:s31] =	ssyncadd.s32 $0xFFFFC000  }
0x68: {  	[tilespmem:s24], [sflag:$0x2] =	stream.indirect.gather [hbm4b:s4+s23], $0x80, s29, s23, $0xb8;
	[tilespmem:$0x1EC00] =	vst v63  }
0x69: {  	_ = 	snop  }
0x6a: {  	[tilespmem:s25], [sflag:$0x3] =	stream.indirect.gather [hbm4b:s4+s23], $0x80, s0, s23, $0xb8;
	[tilespmem:$0x1EC00] =	vst v63  }
0x6b: {  	_ =	swait.ge [sflag:s26], $0x4000  }
0x6c: {  	[sflag:s26] =	ssyncset.done $0x0  }
0x6d: {  	[sflag:s26] =	ssyncadd.s32 $0xFFFFC000  }
0x6e: {  	[spmem:s2] =	stream.indirect.scatter.add.f32 [tilespmem:s24], [sflag:$0x4], $0x80, s1, s23, $0xb8;
	[tilespmem:$0x1EC00] =	vst v63  }
0x6f: {  	_ =	swait.ge [sflag:s28], $0x4000  }
0x70: {  	[sflag:s28] =	ssyncset.done $0x0  }
0x71: {  	[sflag:s28] =	ssyncadd.s32 $0xFFFFC000  }
0x72: {  	[spmem:s2] =	stream.indirect.scatter.add.f32 [tilespmem:s25], [sflag:$0x5], $0x80, s15, s23, $0xb8;
	[tilespmem:$0x1EC00] =	vst v63  }
0x73: {  	_ =	swait.ge [sflag:s30], $0x4000  }
0x74: {  	[sflag:s30] =	ssyncset.done $0x0  }
0x75: {  	[sflag:s30] =	ssyncadd.s32 $0xFFFFC000  }
0x76: {  	_ =	swait.ge [sflag:s31], $0x4000  }
0x77: {  	s9 =	sadd.s32 $0x1, s9;
	[sflag:s31] =	ssyncset.done $0x0  }
0x78: {  	p1 =	sne.s32 s9, s18;
	[sflag:s31] =	ssyncadd.s32 $0xFFFFC000  }
.Ltmp1:
0x79: {  	[bflag:$0x0] =	sbarrier.arrive $0xFFFF;
	(pc) =	sbr.rel @!p1 .LBB2_10-.Ltmp1, $4  }
0x7a: {  	[hbm:s17], [sflag:s8] =	dma.local [spmem:s19], $0x2780  }
0x7b: {  	_ =	swait.ge [sflag:s20], $0x2780  }
0x7c: {  	[sflag:s20] =	ssyncset.done $0x0  }
0x7d: {  	[sflag:s20] =	ssyncadd.s32 $0xFFFFD880  }
.LBB2_1:
0x7e: {  	[spmem:s19], [sflag:s8] =	dma.local [hbm:s7], $0x2780  }
.Ltmp2:
0x7f: {  	_ =	swait.ge [sflag:s20], $0x2780;
	(pc) =	sbr.rel @p0 .LBB2_9-.Ltmp2, $4  }
0x80: {  	[sflag:s20] =	ssyncset.done $0x0  }
0x81: {  	[sflag:s20] =	ssyncadd.s32 $0xFFFFD880  }
0x82: {  	[bflag:$0x0] =	sbarrier.arrive $0xFFFF  }
0x83: {  	s10 =	smov.u32 s16  }
0x84: {  	s10 =	simm.s32 $0x0;
	s11 =	rddreg [dreg:$0x3]  }
0x85: {  	[tilespmem:s10], [sflag:$0x1] =	stream.linear.gather [hbm4b:s11+s10], $0x1800, $0x38;
	[tilespmem:$0x1EC00] =	vst v63  }
0x86: {  	s12 =	rddreg [dreg:$0x4]  }
0x87: {  	[tilespmem:s21], [sflag:$0x1] =	stream.linear.gather [hbm4b:s12+s10], $0x1800, $0x38;
	[tilespmem:$0x1EC00] =	vst v63  }
0x88: {  	_ =	swait.ge [sflag:s22], $0x1800  }
0x89: {  	[sflag:s22] =	ssyncset.done $0x0  }
0x8a: {  	[sflag:s22] =	ssyncadd.s32 $0xFFFFE800  }
0x8b: {  	_ =	swait.ge [sflag:s22], $0x1800  }
0x8c: {  	[sflag:s22] =	ssyncset.done $0x0  }
0x8d: {  	s13 =	simm.s32 $0x0;
	[sflag:s22] =	ssyncadd.s32 $0xFFFFE800  }
0x8e: {  	[tilespmem:s24], [sflag:$0x2] =	stream.indirect.gather [hbm4b:s4+s23], $0x80, s13, s23, $0xb8;
	[tilespmem:$0x1EC00] =	vst v63  }
0x8f: {  	s11 =	simm.s32 $0x80  }
0x90: {  	[tilespmem:s25], [sflag:$0x3] =	stream.indirect.gather [hbm4b:s4+s23], $0x80, s11, s23, $0xb8;
	[tilespmem:$0x1EC00] =	vst v63  }
0x91: {  	_ =	swait.ge [sflag:s26], $0x4000  }
0x92: {  	[sflag:s26] =	ssyncset.done $0x0  }
0x93: {  	s12 =	simm.s32 $0x1800;
	[sflag:s26] =	ssyncadd.s32 $0xFFFFC000  }
0x94: {  	[spmem:s2] =	stream.indirect.scatter.add.f32 [tilespmem:s24], [sflag:$0x4], $0x80, s12, s23, $0xb8;
	[tilespmem:$0x1EC00] =	vst v63  }
0x95: {  	_ =	swait.ge [sflag:s28], $0x4000  }
0x96: {  	[sflag:s28] =	ssyncset.done $0x0  }
0x97: {  	s13 =	simm.s32 $0x1880;
	[sflag:s28] =	ssyncadd.s32 $0xFFFFC000  }
0x98: {  	[spmem:s2] =	stream.indirect.scatter.add.f32 [tilespmem:s25], [sflag:$0x5], $0x80, s13, s23, $0xb8;
	[tilespmem:$0x1EC00] =	vst v63  }
0x99: {  	_ =	swait.ge [sflag:s30], $0x4000  }
0x9a: {  	[sflag:s30] =	ssyncset.done $0x0  }
0x9b: {  	[sflag:s30] =	ssyncadd.s32 $0xFFFFC000  }
0x9c: {  	_ =	swait.ge [sflag:s31], $0x4000  }
0x9d: {  	s10 =	simm.s32 $0x400;
	s11 =	simm.s32 $0x800;
	[sflag:s31] =	ssyncset.done $0x0  }
.LBB2_3:
0x9e: {  	s12 =	sshra.s32 s10, $0x2  }
0x9f: {  	[sflag:s31] =	ssyncadd.s32 $0xFFFFC000;
	s10 =	smov.u32 s11;
	s13 =	sadd.s32 $0x400, s11  }
0xa0: {  	[tilespmem:s24], [sflag:$0x2] =	stream.indirect.gather [hbm4b:s4+s23], $0x80, s12, s23, $0xb8;
	[tilespmem:$0x1EC00] =	vst v63  }
0xa1: {  	p1 =	sne.s32 s11, $0x5C00;
	s11 =	sadd.s32 $0x80, s12  }
0xa2: {  	[tilespmem:s25], [sflag:$0x3] =	stream.indirect.gather [hbm4b:s4+s23], $0x80, s11, s23, $0xb8;
	[tilespmem:$0x1EC00] =	vst v63  }
0xa3: {  	_ =	swait.ge [sflag:s26], $0x4000  }
0xa4: {  	[sflag:s26] =	ssyncset.done $0x0  }
0xa5: {  	s11 =	sadd.s32 $0x1800, s12;
	[sflag:s26] =	ssyncadd.s32 $0xFFFFC000  }
0xa6: {  	[spmem:s2] =	stream.indirect.scatter.add.f32 [tilespmem:s24], [sflag:$0x4], $0x80, s11, s23, $0xb8;
	[tilespmem:$0x1EC00] =	vst v63  }
0xa7: {  	_ =	swait.ge [sflag:s28], $0x4000  }
0xa8: {  	[sflag:s28] =	ssyncset.done $0x0  }
0xa9: {  	s11 =	sadd.s32 $0x1880, s12;
	[sflag:s28] =	ssyncadd.s32 $0xFFFFC000  }
0xaa: {  	[spmem:s2] =	stream.indirect.scatter.add.f32 [tilespmem:s25], [sflag:$0x5], $0x80, s11, s23, $0xb8;
	[tilespmem:$0x1EC00] =	vst v63  }
.Ltmp3:
0xab: {  	_ =	swait.ge [sflag:s30], $0x4000;
	(pc) =	sbr.rel @p1 .LBB2_3-.Ltmp3, $4  }
0xac: {  	[sflag:s30] =	ssyncset.done $0x0  }
0xad: {  	[sflag:s30] =	ssyncadd.s32 $0xFFFFC000  }
0xae: {  	_ =	swait.ge [sflag:s31], $0x4000  }
0xaf: {  	s11 =	smov.u32 s13;
	[sflag:s31] =	ssyncset.done $0x0  }
0xb0: {  	s10 =	sshra.s32 s10, $0x2;
	[sflag:s31] =	ssyncadd.s32 $0xFFFFC000  }
0xb1: {  	[tilespmem:s24], [sflag:$0x2] =	stream.indirect.gather [hbm4b:s4+s23], $0x80, s10, s23, $0xb8;
	[tilespmem:$0x1EC00] =	vst v63  }
0xb2: {  	s11 =	sadd.s32 $0x80, s10  }
0xb3: {  	[tilespmem:s25], [sflag:$0x3] =	stream.indirect.gather [hbm4b:s4+s23], $0x80, s11, s23, $0xb8;
	[tilespmem:$0x1EC00] =	vst v63  }
0xb4: {  	_ =	swait.ge [sflag:s26], $0x4000  }
0xb5: {  	[sflag:s26] =	ssyncset.done $0x0  }
0xb6: {  	s12 =	sadd.s32 $0x1800, s10;
	[sflag:s26] =	ssyncadd.s32 $0xFFFFC000  }
0xb7: {  	[spmem:s2] =	stream.indirect.scatter.add.f32 [tilespmem:s24], [sflag:$0x4], $0x80, s12, s23, $0xb8;
	[tilespmem:$0x1EC00] =	vst v63  }
0xb8: {  	_ =	swait.ge [sflag:s28], $0x4000  }
0xb9: {  	[sflag:s28] =	ssyncset.done $0x0  }
0xba: {  	s10 =	sadd.s32 $0x1880, s10;
	[sflag:s28] =	ssyncadd.s32 $0xFFFFC000  }
0xbb: {  	[spmem:s2] =	stream.indirect.scatter.add.f32 [tilespmem:s25], [sflag:$0x5], $0x80, s10, s23, $0xb8;
	[tilespmem:$0x1EC00] =	vst v63  }
0xbc: {  	_ =	swait.ge [sflag:s30], $0x4000  }
0xbd: {  	[sflag:s30] =	ssyncset.done $0x0  }
0xbe: {  	[sflag:s30] =	ssyncadd.s32 $0xFFFFC000  }
0xbf: {  	_ =	swait.ge [sflag:s31], $0x4000  }
0xc0: {  	[sflag:s31] =	ssyncset.done $0x0  }
0xc1: {  	s10 =	simm.s32 $0x0;
	s13 =	rddreg [dreg:$0x5];
	[sflag:s31] =	ssyncadd.s32 $0xFFFFC000  }
0xc2: {  	[tilespmem:s10], [sflag:$0x1] =	stream.linear.gather [hbm4b:s13+s10], $0x1800, $0x38;
	[tilespmem:$0x1EC00] =	vst v63  }
0xc3: {  	s12 =	rddreg [dreg:$0x6]  }
0xc4: {  	[tilespmem:s21], [sflag:$0x1] =	stream.linear.gather [hbm4b:s12+s10], $0x1800, $0x38;
	[tilespmem:$0x1EC00] =	vst v63  }
0xc5: {  	_ =	swait.ge [sflag:s22], $0x1800  }
0xc6: {  	[sflag:s22] =	ssyncset.done $0x0  }
0xc7: {  	[sflag:s22] =	ssyncadd.s32 $0xFFFFE800  }
0xc8: {  	_ =	swait.ge [sflag:s22], $0x1800  }
0xc9: {  	[sflag:s22] =	ssyncset.done $0x0  }
0xca: {  	s13 =	simm.s32 $0x0;
	[sflag:s22] =	ssyncadd.s32 $0xFFFFE800  }
0xcb: {  	[tilespmem:s24], [sflag:$0x2] =	stream.indirect.gather [hbm4b:s4+s23], $0x80, s13, s23, $0xb8;
	[tilespmem:$0x1EC00] =	vst v63  }
0xcc: {  	s11 =	simm.s32 $0x80  }
0xcd: {  	[tilespmem:s25], [sflag:$0x3] =	stream.indirect.gather [hbm4b:s4+s23], $0x80, s11, s23, $0xb8;
	[tilespmem:$0x1EC00] =	vst v63  }
0xce: {  	_ =	swait.ge [sflag:s26], $0x4000  }
0xcf: {  	[sflag:s26] =	ssyncset.done $0x0  }
0xd0: {  	s12 =	simm.s32 $0x1800;
	[sflag:s26] =	ssyncadd.s32 $0xFFFFC000  }
0xd1: {  	[spmem:s2] =	stream.indirect.scatter.add.f32 [tilespmem:s24], [sflag:$0x4], $0x80, s12, s23, $0xb8;
	[tilespmem:$0x1EC00] =	vst v63  }
0xd2: {  	_ =	swait.ge [sflag:s28], $0x4000  }
0xd3: {  	[sflag:s28] =	ssyncset.done $0x0  }
0xd4: {  	s13 =	simm.s32 $0x1880;
	[sflag:s28] =	ssyncadd.s32 $0xFFFFC000  }
0xd5: {  	[spmem:s2] =	stream.indirect.scatter.add.f32 [tilespmem:s25], [sflag:$0x5], $0x80, s13, s23, $0xb8;
	[tilespmem:$0x1EC00] =	vst v63  }
0xd6: {  	_ =	swait.ge [sflag:s30], $0x4000  }
0xd7: {  	[sflag:s30] =	ssyncset.done $0x0  }
0xd8: {  	[sflag:s30] =	ssyncadd.s32 $0xFFFFC000  }
0xd9: {  	_ =	swait.ge [sflag:s31], $0x4000  }
0xda: {  	s10 =	simm.s32 $0x400;
	s11 =	simm.s32 $0x800;
	[sflag:s31] =	ssyncset.done $0x0  }
.LBB2_5:
0xdb: {  	s12 =	sshra.s32 s10, $0x2  }
0xdc: {  	[sflag:s31] =	ssyncadd.s32 $0xFFFFC000;
	s10 =	smov.u32 s11;
	s13 =	sadd.s32 $0x400, s11  }
0xdd: {  	[tilespmem:s24], [sflag:$0x2] =	stream.indirect.gather [hbm4b:s4+s23], $0x80, s12, s23, $0xb8;
	[tilespmem:$0x1EC00] =	vst v63  }
0xde: {  	p1 =	sne.s32 s11, $0x5C00;
	s11 =	sadd.s32 $0x80, s12  }
0xdf: {  	[tilespmem:s25], [sflag:$0x3] =	stream.indirect.gather [hbm4b:s4+s23], $0x80, s11, s23, $0xb8;
	[tilespmem:$0x1EC00] =	vst v63  }
0xe0: {  	_ =	swait.ge [sflag:s26], $0x4000  }
0xe1: {  	[sflag:s26] =	ssyncset.done $0x0  }
0xe2: {  	s11 =	sadd.s32 $0x1800, s12;
	[sflag:s26] =	ssyncadd.s32 $0xFFFFC000  }
0xe3: {  	[spmem:s2] =	stream.indirect.scatter.add.f32 [tilespmem:s24], [sflag:$0x4], $0x80, s11, s23, $0xb8;
	[tilespmem:$0x1EC00] =	vst v63  }
0xe4: {  	_ =	swait.ge [sflag:s28], $0x4000  }
0xe5: {  	[sflag:s28] =	ssyncset.done $0x0  }
0xe6: {  	s11 =	sadd.s32 $0x1880, s12;
	[sflag:s28] =	ssyncadd.s32 $0xFFFFC000  }
0xe7: {  	[spmem:s2] =	stream.indirect.scatter.add.f32 [tilespmem:s25], [sflag:$0x5], $0x80, s11, s23, $0xb8;
	[tilespmem:$0x1EC00] =	vst v63  }
.Ltmp4:
0xe8: {  	_ =	swait.ge [sflag:s30], $0x4000;
	(pc) =	sbr.rel @p1 .LBB2_5-.Ltmp4, $4  }
0xe9: {  	[sflag:s30] =	ssyncset.done $0x0  }
0xea: {  	[sflag:s30] =	ssyncadd.s32 $0xFFFFC000  }
0xeb: {  	_ =	swait.ge [sflag:s31], $0x4000  }
0xec: {  	s11 =	smov.u32 s13;
	[sflag:s31] =	ssyncset.done $0x0  }
0xed: {  	s10 =	sshra.s32 s10, $0x2;
	[sflag:s31] =	ssyncadd.s32 $0xFFFFC000  }
0xee: {  	[tilespmem:s24], [sflag:$0x2] =	stream.indirect.gather [hbm4b:s4+s23], $0x80, s10, s23, $0xb8;
	[tilespmem:$0x1EC00] =	vst v63  }
0xef: {  	s11 =	sadd.s32 $0x80, s10  }
0xf0: {  	[tilespmem:s25], [sflag:$0x3] =	stream.indirect.gather [hbm4b:s4+s23], $0x80, s11, s23, $0xb8;
	[tilespmem:$0x1EC00] =	vst v63  }
0xf1: {  	_ =	swait.ge [sflag:s26], $0x4000  }
0xf2: {  	[sflag:s26] =	ssyncset.done $0x0  }
0xf3: {  	s12 =	sadd.s32 $0x1800, s10;
	[sflag:s26] =	ssyncadd.s32 $0xFFFFC000  }
0xf4: {  	[spmem:s2] =	stream.indirect.scatter.add.f32 [tilespmem:s24], [sflag:$0x4], $0x80, s12, s23, $0xb8;
	[tilespmem:$0x1EC00] =	vst v63  }
0xf5: {  	_ =	swait.ge [sflag:s28], $0x4000  }
0xf6: {  	[sflag:s28] =	ssyncset.done $0x0  }
0xf7: {  	s10 =	sadd.s32 $0x1880, s10;
	[sflag:s28] =	ssyncadd.s32 $0xFFFFC000  }
0xf8: {  	[spmem:s2] =	stream.indirect.scatter.add.f32 [tilespmem:s25], [sflag:$0x5], $0x80, s10, s23, $0xb8;
	[tilespmem:$0x1EC00] =	vst v63  }
0xf9: {  	_ =	swait.ge [sflag:s30], $0x4000  }
0xfa: {  	[sflag:s30] =	ssyncset.done $0x0  }
0xfb: {  	[sflag:s30] =	ssyncadd.s32 $0xFFFFC000  }
0xfc: {  	_ =	swait.ge [sflag:s31], $0x4000  }
0xfd: {  	[sflag:s31] =	ssyncset.done $0x0  }
0xfe: {  	s10 =	simm.s32 $0x0;
	s13 =	rddreg [dreg:$0x7];
	[sflag:s31] =	ssyncadd.s32 $0xFFFFC000  }
0xff: {  	[tilespmem:s10], [sflag:$0x1] =	stream.linear.gather [hbm4b:s13+s10], $0x1800, $0x38;
	[tilespmem:$0x1EC00] =	vst v63  }
0x100: {  	s12 =	rddreg [dreg:$0x8]  }
0x101: {  	[tilespmem:s21], [sflag:$0x1] =	stream.linear.gather [hbm4b:s12+s10], $0x1800, $0x38;
	[tilespmem:$0x1EC00] =	vst v63  }
0x102: {  	_ =	swait.ge [sflag:s22], $0x1800  }
0x103: {  	[sflag:s22] =	ssyncset.done $0x0  }
0x104: {  	[sflag:s22] =	ssyncadd.s32 $0xFFFFE800  }
0x105: {  	_ =	swait.ge [sflag:s22], $0x1800  }
0x106: {  	[sflag:s22] =	ssyncset.done $0x0  }
0x107: {  	s13 =	simm.s32 $0x0;
	[sflag:s22] =	ssyncadd.s32 $0xFFFFE800  }
0x108: {  	[tilespmem:s24], [sflag:$0x2] =	stream.indirect.gather [hbm4b:s4+s23], $0x80, s13, s23, $0xb8;
	[tilespmem:$0x1EC00] =	vst v63  }
0x109: {  	s11 =	simm.s32 $0x80  }
0x10a: {  	[tilespmem:s25], [sflag:$0x3] =	stream.indirect.gather [hbm4b:s4+s23], $0x80, s11, s23, $0xb8;
	[tilespmem:$0x1EC00] =	vst v63  }
0x10b: {  	_ =	swait.ge [sflag:s26], $0x4000  }
0x10c: {  	[sflag:s26] =	ssyncset.done $0x0  }
0x10d: {  	s12 =	simm.s32 $0x1800;
	[sflag:s26] =	ssyncadd.s32 $0xFFFFC000  }
0x10e: {  	[spmem:s2] =	stream.indirect.scatter.add.f32 [tilespmem:s24], [sflag:$0x4], $0x80, s12, s23, $0xb8;
	[tilespmem:$0x1EC00] =	vst v63  }
0x10f: {  	_ =	swait.ge [sflag:s28], $0x4000  }
0x110: {  	[sflag:s28] =	ssyncset.done $0x0  }
0x111: {  	s13 =	simm.s32 $0x1880;
	[sflag:s28] =	ssyncadd.s32 $0xFFFFC000  }
0x112: {  	[spmem:s2] =	stream.indirect.scatter.add.f32 [tilespmem:s25], [sflag:$0x5], $0x80, s13, s23, $0xb8;
	[tilespmem:$0x1EC00] =	vst v63  }
0x113: {  	_ =	swait.ge [sflag:s30], $0x4000  }
0x114: {  	[sflag:s30] =	ssyncset.done $0x0  }
0x115: {  	[sflag:s30] =	ssyncadd.s32 $0xFFFFC000  }
0x116: {  	_ =	swait.ge [sflag:s31], $0x4000  }
0x117: {  	s10 =	simm.s32 $0x400;
	s11 =	simm.s32 $0x800;
	[sflag:s31] =	ssyncset.done $0x0  }
.LBB2_7:
0x118: {  	s12 =	sshra.s32 s10, $0x2  }
0x119: {  	[sflag:s31] =	ssyncadd.s32 $0xFFFFC000;
	s10 =	smov.u32 s11;
	s13 =	sadd.s32 $0x400, s11  }
0x11a: {  	[tilespmem:s24], [sflag:$0x2] =	stream.indirect.gather [hbm4b:s4+s23], $0x80, s12, s23, $0xb8;
	[tilespmem:$0x1EC00] =	vst v63  }
0x11b: {  	p1 =	sne.s32 s11, $0x5C00;
	s11 =	sadd.s32 $0x80, s12  }
0x11c: {  	[tilespmem:s25], [sflag:$0x3] =	stream.indirect.gather [hbm4b:s4+s23], $0x80, s11, s23, $0xb8;
	[tilespmem:$0x1EC00] =	vst v63  }
0x11d: {  	_ =	swait.ge [sflag:s26], $0x4000  }
0x11e: {  	[sflag:s26] =	ssyncset.done $0x0  }
0x11f: {  	s11 =	sadd.s32 $0x1800, s12;
	[sflag:s26] =	ssyncadd.s32 $0xFFFFC000  }
0x120: {  	[spmem:s2] =	stream.indirect.scatter.add.f32 [tilespmem:s24], [sflag:$0x4], $0x80, s11, s23, $0xb8;
	[tilespmem:$0x1EC00] =	vst v63  }
0x121: {  	_ =	swait.ge [sflag:s28], $0x4000  }
0x122: {  	[sflag:s28] =	ssyncset.done $0x0  }
0x123: {  	s11 =	sadd.s32 $0x1880, s12;
	[sflag:s28] =	ssyncadd.s32 $0xFFFFC000  }
0x124: {  	[spmem:s2] =	stream.indirect.scatter.add.f32 [tilespmem:s25], [sflag:$0x5], $0x80, s11, s23, $0xb8;
	[tilespmem:$0x1EC00] =	vst v63  }
.Ltmp5:
0x125: {  	_ =	swait.ge [sflag:s30], $0x4000;
	(pc) =	sbr.rel @p1 .LBB2_7-.Ltmp5, $4  }
0x126: {  	[sflag:s30] =	ssyncset.done $0x0  }
0x127: {  	[sflag:s30] =	ssyncadd.s32 $0xFFFFC000  }
0x128: {  	_ =	swait.ge [sflag:s31], $0x4000  }
0x129: {  	s11 =	smov.u32 s13;
	[sflag:s31] =	ssyncset.done $0x0  }
.Ltmp6:
0x12a: {  	_ = 	snop;
	(pc) =	sbr.rel .LBB2_8-.Ltmp6, $1  }
0x12b: {  	_ =	sdelay $0x3  }
.LBB2_10:
0x12c: {  	_ =	sfence.sel $0x180000  }
0x12d: {  	[bflag:$0x0] =	sbarrier.arrive $0xFFFF  }
0x12e: {  	_ =	strace $0x90000047  }
0x12f: {  	s0 =	stileid.u32;
	[bflag:$0x2] =	sbarrier.arrive $0xFFFF  }
0x130: {  	p0 =	sne.s32 s0, $0x0;
	s0 =	rddreg [dreg:$0x2]  }
0x131: {  	s0 =	sadd.s32 @!p0 $0x100000, s0  }
0x132: {  	[sflag:s0] =	ssyncadd.tile.s32 @!p0 $0x1;
	_ =	shalt  }
.Lfunc_end2:
_tile_overlayer_lowered:
.L_overlay_start_2:
0x133: {  	(tag) =	ssettag $0x2  }
0x134: {  	s0 =	rddreg [dreg:$0x0];
	s2 =	stileid.u32  }
0x135: {  	s1 =	rddreg [dreg:$0x1];
	p0 =	sne.s32 s2, $0x0  }
0x136: {  	s3 =	rddreg [dreg:$0x2];
	[bflag:$0x3] =	sbarrier.arrive $0xFFFF;
	s2 =	simm.s32 @!p0 $0x1C06  }
0x137: {  	[timem:s3], [sflag:s2] =	dma.local @!p0 [hbm:s0], s1  }
0x138: {  	s0 =	simm.s32 @!p0 $0x6  }
0x139: {  	_ =	swait.ge @!p0 [sflag:s0], s1  }
0x13a: {  	s1 =	ssub.s32 @!p0 $0x0, s1;
	[sflag:s0] =	ssyncset.done @!p0 $0x0  }
0x13b: {  	[sflag:s0] =	ssyncadd.s32 @!p0 s1  }
0x13c: {  	[bflag:$0x3] =	sbarrier.arrive $0xFFFF  }
0x13d: {  	_ =	shalt  }

// kernel: kernel.13.cloned.1.call-start
scs
__scs_entry_jumppad:
0x0: {  	(pc) =	sbr.rel $0x88, $3  }
0x1: {  	(tag) =	ssettag $0x0;
	lr =	simm.s32 $0x1  }
0x2: {  	[smem:$0x3F8C] =	sst lr;
	_ =	strace $0xD0000000  }
0x3: {  	_ = 	snop  }
0x4: {  	_ = 	snop  }
0x5: {  	_ = 	snop  }
0x6: {  	_ = 	snop  }
0x7: {  	_ = 	snop  }
__scs_overlays_trampoline_lowered:
0x8: {  	[smem:$0x3F9B] =	sst s0  }
0x9: {  	[smem:$0x3F9C] =	sst s1  }
0xa: {  	[smem:$0x3F9D] =	sst s2  }
0xb: {  	[smem:$0x3F9E] =	sst s3  }
0xc: {  	[smem:$0x3F9F] =	sst s4  }
0xd: {  	[smem:$0x3FA0] =	sst s5  }
0xe: {  	[smem:$0x3FA1] =	sst s6  }
0xf: {  	[smem:$0x3FA2] =	sst s7  }
0x10: {  	[smem:$0x3FA3] =	sst s8  }
0x11: {  	[smem:$0x3FA4] =	sst s9;
	s0 =	simm.s32 @!p0 $0x0  }
0x12: {  	s1 =	sld [smem:$0x3F8A];
	s0 =	simm.s32 @p0 $0x1  }
0x13: {  	[smem:$0x3FA5] =	sst s0;
	s0 =	simm.s32 @!p1 $0x0  }
0x14: {  	s2 =	sld [smem:$0x3F89];
	s0 =	simm.s32 @p1 $0x1  }
0x15: {  	[smem:$0x3FA6] =	sst s0;
	s0 =	simm.s32 @!p2 $0x0  }
0x16: {  	s3 =	sld [smem:$0x3FDB];
	s0 =	simm.s32 @p2 $0x1  }
0x17: {  	s4 =	simm.s32 $0x1BF5;
	[smem:$0x3FA8] =	sst s0  }
0x18: {  	s0 =	sld [smem:$0x3F8B];
	_ =	swait.ge [sflag:s4], $0x0  }
0x19: {  	s7 =	sld [smem:$0x3F8C]  }
0x1a: {  	s8 =	sadd.s32 $0xFFFFE003, lr  }
0x1b: {  	s9 =	sadd.s32 $0xFFFFFEF7, lr;
	s5 =	simm.s32 $0xFFFFFFFF;
	p2 =	slt.u32 s8, $0xFFFFF086  }
0x1c: {  	p1 =	slt.u32 s9, $0xF7A;
	s5 =	simm.s32 @!p2 $0x0  }
0x1d: {  	s5 =	simm.s32 @p1 $0x1;
	p0 =	seq.s32 s7, s2  }
0x1e: {  	s7 =	smul.u32 @!p0 $0xF7A, s2;
	p2 =	seq.s32 @!p0 s5, $0x0  }
0x1f: {  	s9 =	smul.u32 $0xF7A, s1;
	s8 =	simm.s32 @!p0 $0x1BF5;
	p2 =	por !p2, p0  }
0x20: {  	[sflag:s8] =	ssyncset.s32 @!p0 $0xFFFFF086;
	s6 =	sadd.s32 @!p0 s3, s7;
	s7 =	simm.s32 @!p0 $0x108  }
0x21: {  	s3 =	sadd.s32 s3, s9;
	s6 =	sadd.s32 @!p0 $0x88, s6;
	s7 =	simm.s32 @p2 $0x1082  }
0x22: {  	[simem:s7], [sflag:s8] =	dma.local @!p0 [hbm:s6], $0xF7A  }
0x23: {  	s9 =	sor.u32 $0xD0000000, s2;
	s6 =	simm.s32 $0x108;
	_ =	swait.ge @!p0 [sflag:s8], $0x0  }
0x24: {  	s3 =	sadd.s32 $0x88, s3;
	s6 =	simm.s32 @!p1 $0x1082;
	[sflag:s4] =	ssyncset.s32 $0xFFFFF086  }
0x25: {  	[simem:s6], [sflag:s4] =	dma.local [hbm:s3], $0xF7A  }
0x26: {  	[smem:$0x3F8C] =	sst s1;
	(tag) =	ssettag s2;
	_ =	strace s9  }
0x27: {  	s1 =	sld [smem:$0x3F9C]  }
0x28: {  	s2 =	sld [smem:$0x3F9D]  }
0x29: {  	s4 =	sld [smem:$0x3F9F]  }
0x2a: {  	p0 =	seq.s32 s5, $0x0;
	s5 =	sld [smem:$0x3FA0]  }
0x2b: {  	s6 =	sld [smem:$0x3FA1]  }
0x2c: {  	s7 =	sld [smem:$0x3FA2]  }
0x2d: {  	s3 =	simm.s32 $0x108;
	s8 =	sld [smem:$0x3FA3]  }
0x2e: {  	s3 =	simm.s32 @!p0 $0x1082;
	s9 =	sld [smem:$0x3FA4]  }
0x2f: {  	lr =	sadd.s32 s0, s3;
	s0 =	sld [smem:$0x3F9B]  }
0x30: {  	s3 =	sld [smem:$0x3F9E]  }
0x31: {  	[smem:$0x3FA7] =	sst s10  }
0x32: {  	s10 =	sld [smem:$0x3FA5];
	_ =	sdelay $0x3  }
0x33: {  	p0 =	seq.s32 s10, $0x1;
	s10 =	sld [smem:$0x3FA7];
	_ =	sdelay $0x3  }
0x34: {  	[smem:$0x3FA7] =	sst s10  }
0x35: {  	s10 =	sld [smem:$0x3FA6];
	_ =	sdelay $0x3  }
0x36: {  	p1 =	seq.s32 s10, $0x1;
	s10 =	sld [smem:$0x3FA7];
	_ =	sdelay $0x3  }
0x37: {  	[smem:$0x3FA7] =	sst s10  }
0x38: {  	s10 =	sld [smem:$0x3FA8]  }
0x39: {  	_ = 	snop;
	(pc) =	sbr.ind lr, $3  }
0x3a: {  	_ = 	snop  }
0x3b: {  	_ = 	snop  }
0x3c: {  	p2 =	seq.s32 s10, $0x1;
	s10 =	sld [smem:$0x3FA7]  }
0x3d: {  	_ =	shalt  }
0x3e: {  	_ =	shalt  }
0x3f: {  	_ =	shalt  }
0x40: {  	_ =	shalt  }
0x41: {  	_ =	shalt  }
0x42: {  	_ =	shalt  }
0x43: {  	_ =	shalt  }
0x44: {  	_ =	shalt  }
0x45: {  	_ =	shalt  }
0x46: {  	_ =	shalt  }
0x47: {  	_ =	shalt  }
0x48: {  	_ =	shalt  }
0x49: {  	_ =	shalt  }
0x4a: {  	_ =	shalt  }
0x4b: {  	_ =	shalt  }
0x4c: {  	_ =	shalt  }
0x4d: {  	_ =	shalt  }
0x4e: {  	_ =	shalt  }
0x4f: {  	_ =	shalt  }
0x50: {  	_ =	shalt  }
0x51: {  	_ =	shalt  }
0x52: {  	_ =	shalt  }
0x53: {  	_ =	shalt  }
0x54: {  	_ =	shalt  }
0x55: {  	_ =	shalt  }
0x56: {  	_ =	shalt  }
0x57: {  	_ =	shalt  }
0x58: {  	_ =	shalt  }
0x59: {  	_ =	shalt  }
0x5a: {  	_ =	shalt  }
0x5b: {  	_ =	shalt  }
0x5c: {  	_ =	shalt  }
0x5d: {  	_ =	shalt  }
0x5e: {  	_ =	shalt  }
0x5f: {  	_ =	shalt  }
0x60: {  	_ =	shalt  }
0x61: {  	_ =	shalt  }
0x62: {  	_ =	shalt  }
0x63: {  	_ =	shalt  }
0x64: {  	_ =	shalt  }
0x65: {  	_ =	shalt  }
0x66: {  	_ =	shalt  }
0x67: {  	_ =	shalt  }
0x68: {  	_ =	shalt  }
0x69: {  	_ =	shalt  }
0x6a: {  	_ =	shalt  }
0x6b: {  	_ =	shalt  }
0x6c: {  	_ =	shalt  }
0x6d: {  	_ =	shalt  }
0x6e: {  	_ =	shalt  }
0x6f: {  	_ =	shalt  }
0x70: {  	_ =	shalt  }
0x71: {  	_ =	shalt  }
0x72: {  	_ =	shalt  }
0x73: {  	_ =	shalt  }
0x74: {  	_ =	shalt  }
0x75: {  	_ =	shalt  }
0x76: {  	_ =	shalt  }
0x77: {  	_ =	shalt  }
0x78: {  	_ =	shalt  }
0x79: {  	_ =	shalt  }
0x7a: {  	_ =	shalt  }
0x7b: {  	_ =	shalt  }
0x7c: {  	_ =	shalt  }
0x7d: {  	_ =	shalt  }
0x7e: {  	_ =	shalt  }
0x7f: {  	_ =	shalt  }
0x80: {  	_ =	shalt  }
0x81: {  	_ =	shalt  }
0x82: {  	_ =	shalt  }
0x83: {  	_ =	shalt  }
0x84: {  	_ =	shalt  }
0x85: {  	_ =	shalt  }
0x86: {  	_ =	shalt  }
0x87: {  	_ =	shalt  }
.Lfunc_end0:
.L_simem_size_0:
called_computation.1_lowered:
.L_overlay_start_0:
0x88: {  	s2 =	sld [smem:$0x3FD9]  }
0x89: {  	s3 =	sld [smem:$0x3FFE];
	_ =	sdelay $0x1  }
0x8a: {  	s1 =	srdreg.scid  }
0x8b: {  	s0 =	sand.u32 $0x1, s1  }
0x8c: {  	s16 =	sshll.u32 s0, $0xA;
	s2 =	sadd.s32 s3, s2  }
0x8d: {  	s2 =	sadd.s32 s2, s16  }
0x8e: {  	[smem:$0x3FB3] =	sst s2  }
0x8f: {  	_ = 	snop  }
0x90: {  	(tm) =	ssettm $0x1  }
0x91: {  	s17 =	sld [smem:$0x3FFB];
	_ =	sdelay $0x3  }
0x92: {  	_ =	strace s17  }
0x93: {  	s2 =	sld [smem:$0x3FFC];
	_ =	sdelay $0x3  }
0x94: {  	_ =	strace s2  }
0x95: {  	s2 =	sld [smem:$0x3FFD];
	_ =	sdelay $0x3  }
0x96: {  	_ =	strace s2  }
0x97: {  	_ =	strace $0x8FFFFFFF  }
0x98: {  	s18 =	sld [smem:$0x3FDB];
	_ =	sdelay $0x1  }
0x99: {  	s19 =	simm.s32 $_scs_section_size  }
0x9a: {  	s4 =	simm.s32 $_size__tile_overlayer_lowered;
	s5 =	simm.s32 $_tile_overlayer_lowered  }
0x9b: {  	s22 =	simm.s32 $0x1BFF;
	s21 =	sshll.u32 s5, $0x1;
	s2 =	sadd.s32 s19, s18  }
0x9c: {  	s6 =	simm.s32 $0x0;
	s20 =	sshll.u32 s4, $0x1;
	s4 =	sadd.s32 s21, s2  }
0x9d: {  	[timem:s6], [sflag:s22] =	dma.local [hbm:s4], s20  }
0x9e: {  	_ =	swait.ge [sflag:s22], s20  }
0x9f: {  	s3 =	ssub.s32 $0x0, s20;
	[sflag:s22] =	ssyncset.done $0x0  }
0xa0: {  	[sflag:s22] =	ssyncadd.s32 s3;
	_ =	sdelay $0x1  }
0xa1: {  	s23 =	simm.s32 $0x1B8B  }
0xa2: {  	_ =	swait.ge [sflag:s23], $0x1  }
0xa3: {  	[sflag:s23] =	ssyncset.done $0x0  }
0xa4: {  	s25 =	simm.s32 $0x1B8E;
	s24 =	sld [smem:$0x3FFE];
	[sflag:s23] =	ssyncadd.s32 $0xFFFFFFFF  }
0xa5: {  	s26 =	simm.s32 $execute0_lowered;
	[smem:$0x3FD2] =	sst s25  }
0xa6: {  	s4 =	sshll.u32 s26, $0x1;
	_ =	strace $0x80000049;
	[dreg:$0x1] =	wrdreg $0xFFFFFFFF  }
0xa7: {  	s28 =	simm.s32 $_size_execute0_lowered;
	s2 =	sadd.s32 s2, s4;
	[dreg:$0x0] =	wrdreg $0x0  }
0xa8: {  	s4 =	sshll.u32 s28, $0x1;
	[dreg:$0x2] =	wrdreg s2  }
0xa9: {  	[dreg:$0x3] =	wrdreg s4  }
0xaa: {  	[dreg:$0x4] =	wrdreg $0xC0  }
0xab: {  	_ =	task [dreg:s6], $0x5FFFF  }
0xac: {  	[dreg:$0x1] =	wrdreg $0xFFFFFFFF  }
0xad: {  	[dreg:$0x0] =	wrdreg $0x60  }
0xae: {  	[dreg:$0x2] =	wrdreg s24  }
0xaf: {  	[dreg:$0x3] =	wrdreg $0xB0000  }
0xb0: {  	[dreg:$0x4] =	wrdreg $0x9  }
0xb1: {  	_ =	task.clear_ibuf [dreg:s6], $0x5FFFF;
	_ =	strace $0x90000049  }
0xb2: {  	s29 =	simm.s32 $0x9;
	_ =	strace $0x8000004B  }
0xb3: {  	_ =	swait.ge [sflag:s29], $0x1  }
0xb4: {  	[sflag:s29] =	ssyncadd.s32 $0xFFFFFFFF  }
0xb5: {  	_ =	strace $0x9000004B  }
0xb6: {  	_ =	sfence  }
0xb7: {  	s30 =	sld [smem:$0x0];
	_ =	sdelay $0x2  }
0xb8: {  	s31 =	sshll.u32 s1, $0xD;
	s1 =	sshrl.u32 s1, $0x2  }
0xb9: {  	s3 =	sand.u32 $0x4000, s31;
	s1 =	sadd.s32 s1, s30  }
0xba: {  	s0 =	sor.u32 s3, s0;
	s1 =	sshll.u32 s1, $0x11  }
0xbb: {  	s0 =	sor.u32 s1, s0  }
0xbc: {  	s0 =	sadd.s32 $0x8F2B, s0  }
0xbd: {  	[sflag:s0] =	ssyncadd.remote.s32 $0x1  }
0xbe: {  	_ =	sfence.sel $0xFFFF  }
0xbf: {  	[dreg:$0x0] =	wrdreg $0xFFFFFFFF;
	(pc) =	sbr.abs _section_cstart, $3  }
0xc0: {  	[dreg:$0x1] =	wrdreg $0xFFFFFFFF  }
0xc1: {  	_ =	task.clear_ibuf [dreg:s6], $0x2FFFF;
	_ =	strace $0x9FFFFFFF  }
0xc2: {  	(tm) =	ssettm $0x7FFFFFFF  }
0xc3: {  	_ =	shalt  }
tec
execute0_lowered:
.L_overlay_start_1:
0x0: {  	(tag) =	ssettag $0x1  }
0x1: {  	s0 =	rddreg [dreg:$0x0]  }
0x2: {  	s2 =	rddreg [dreg:$0x1];
	s3 =	simm.s32 $0x0  }
0x3: {  	s13 =	stileid.u32;
	s1 =	srdreg.scid;
	s28 =	simm.s32 $0x3  }
0x4: {  	s30 =	simm.s32 $0x4;
	s31 =	simm.s32 $0x5;
	s14 =	simm.s32 $0x1A80  }
0x5: {  	s29 =	simm.s32 $0x300;
	s15 =	simm.s32 $0x1B80;
	s7 =	smul.u32 $0x2780, s13  }
0x6: {  	[smem:$0x7FF] =	sst s3;
	s1 =	sand.u32 $0x1, s1;
	s10 =	smul.u32 $0x4F000, s13  }
0x7: {  	s4 =	sadd.s32 $0x19200, s0;
	s5 =	sadd.s32 $0xF200, s0;
	s19 =	smul.u32 $0x4C00, s13  }
0x8: {  	s6 =	sadd.s32 $0x5200, s0;
	s20 =	sshll.u32 s13, $0x6;
	s12 =	smul.u32 $0x980, s13  }
0x9: {  	s26 =	sshll.u32 s13, $0x7;
	s13 =	simm.s32 $0x100;
	_ =	strace $0x8000004A  }
0xa: {  	s8 =	smul.u32 $0x27800, s1;
	s9 =	ssub.s32 $0x2, s1;
	p0 =	seq.s32 s1, $0x1  }
0xb: {  	s16 =	sor.u32 $0x9800, s26;
	s26 =	simm.s32 $0x2;
	s17 =	sshrl.u32 s9, $0x1  }
0xc: {  	s18 =	sshrl.u32 s10, $0x2;
	s10 =	sshrl.u32 s19, $0x3;
	s21 =	sadd.s32 s5, s12  }
0xd: {  	s12 =	sadd.s32 s6, s12;
	s8 =	sadd.s32 s7, s8;
	s7 =	sadd.s32 s7, s0  }
0xe: {  	s9 =	ssub.s32 s9, s17;
	s11 =	sadd.s32 s18, s2;
	[dreg:$0x3] =	wrdreg s21  }
0xf: {  	s22 =	sadd.s32 $0x300, s10;
	[dreg:$0x4] =	wrdreg s12;
	s24 =	sadd.s32 $0x600, s10  }
0x10: {  	s10 =	sadd.s32 $0x900, s10;
	s21 =	simm.s32 $0x1800;
	s0 =	sadd.s32 s8, s0  }
0x11: {  	s7 =	sadd.s32 $0x40400, s7;
	s8 =	sor.u32 $0x1C06, s20;
	s23 =	sadd.s32 s5, s22  }
0x12: {  	s1 =	sadd.s32 s6, s22;
	s25 =	sadd.s32 s5, s24;
	[dreg:$0x9] =	wrdreg s10  }
0x13: {  	s12 =	sadd.s32 s6, s24;
	s18 =	smax.u32 s9, $0x1;
	[dreg:$0x5] =	wrdreg s23  }
.Ltmp0:
0x14: {  	s19 =	sshrl.u32 s11, $0x3;
	[dreg:$0x6] =	wrdreg s1;
	(pc) =	sbr.rel .LBB2_1-.Ltmp0, $4  }
0x15: {  	s20 =	simm.s32 $0x6;
	s22 =	simm.s32 $0x1;
	[dreg:$0x7] =	wrdreg s25  }
0x16: {  	s24 =	simm.s32 $0x3000;
	s9 =	simm.s32 $0x0;
	[dreg:$0x8] =	wrdreg s12  }
0x17: {  	s17 =	sadd.s32 $0x67C00, s0;
	s23 =	simm.s32 $0x80;
	s25 =	simm.s32 $0x7000  }
0x18: {  	s12 =	simm.s32 $0x1880;
	s0 =	simm.s32 $0x380;
	s1 =	simm.s32 $0x1B00  }
.LBB2_8:
0x19: {  	s10 =	sshra.s32 s10, $0x2;
	[sflag:s31] =	ssyncadd.s32 $0xFFFFC000  }
0x1a: {  	[tilespmem:s24], [sflag:$0x2] =	stream.indirect.gather [hbm4b:s4+s23], $0x80, s10, s23, $0xb8;
	[tilespmem:$0x1EC00] =	vst v63  }
0x1b: {  	s11 =	sadd.s32 $0x80, s10  }
0x1c: {  	[tilespmem:s25], [sflag:$0x3] =	stream.indirect.gather [hbm4b:s4+s23], $0x80, s11, s23, $0xb8;
	[tilespmem:$0x1EC00] =	vst v63  }
0x1d: {  	_ =	swait.ge [sflag:s26], $0x4000  }
0x1e: {  	[sflag:s26] =	ssyncset.done $0x0  }
0x1f: {  	s13 =	sadd.s32 $0x1800, s10;
	[sflag:s26] =	ssyncadd.s32 $0xFFFFC000  }
0x20: {  	[spmem:s2] =	stream.indirect.scatter.add.f32 [tilespmem:s24], [sflag:$0x4], $0x80, s13, s23, $0xb8;
	[tilespmem:$0x1EC00] =	vst v63  }
0x21: {  	_ =	swait.ge [sflag:s28], $0x4000  }
0x22: {  	[sflag:s28] =	ssyncset.done $0x0  }
0x23: {  	s10 =	sadd.s32 $0x1880, s10;
	[sflag:s28] =	ssyncadd.s32 $0xFFFFC000  }
0x24: {  	[spmem:s2] =	stream.indirect.scatter.add.f32 [tilespmem:s25], [sflag:$0x5], $0x80, s10, s23, $0xb8;
	[tilespmem:$0x1EC00] =	vst v63  }
0x25: {  	_ =	swait.ge [sflag:s30], $0x4000  }
0x26: {  	[sflag:s30] =	ssyncset.done $0x0  }
0x27: {  	[sflag:s30] =	ssyncadd.s32 $0xFFFFC000  }
0x28: {  	_ =	swait.ge [sflag:s31], $0x4000  }
0x29: {  	s12 =	simm.s32 $0x1880;
	[sflag:s31] =	ssyncset.done $0x0  }
0x2a: {  	s13 =	simm.s32 $0x100;
	s10 =	rddreg [dreg:$0x9];
	[sflag:s31] =	ssyncadd.s32 $0xFFFFC000  }
.LBB2_9:
0x2b: {  	s11 =	sadd.s32 s5, s10  }
0x2c: {  	[tilespmem:s3], [sflag:$0x1] =	stream.linear.gather [hbm4b:s11+s3], $0x400, $0x38;
	[tilespmem:$0x1EC00] =	vst v63  }
0x2d: {  	s11 =	sadd.s32 s6, s10  }
0x2e: {  	[tilespmem:s21], [sflag:$0x1] =	stream.linear.gather [hbm4b:s11+s3], $0x400, $0x38;
	[tilespmem:$0x1EC00] =	vst v63  }
0x2f: {  	_ =	swait.ge [sflag:s22], $0x400  }
0x30: {  	[sflag:s22] =	ssyncset.done $0x0  }
0x31: {  	[sflag:s22] =	ssyncadd.s32 $0xFFFFFC00  }
0x32: {  	_ =	swait.ge [sflag:s22], $0x400  }
0x33: {  	[sflag:s22] =	ssyncset.done $0x0  }
0x34: {  	[sflag:s22] =	ssyncadd.s32 $0xFFFFFC00  }
0x35: {  	[tilespmem:s24], [sflag:$0x2] =	stream.indirect.gather [hbm4b:s4+s23], $0x80, s3, s23, $0xb8;
	[tilespmem:$0x1EC00] =	vst v63  }
0x36: {  	_ = 	snop  }
0x37: {  	[tilespmem:s25], [sflag:$0x3] =	stream.indirect.gather [hbm4b:s4+s23], $0x80, s23, s23, $0xb8;
	[tilespmem:$0x1EC00] =	vst v63  }
0x38: {  	_ =	swait.ge [sflag:s26], $0x4000  }
0x39: {  	[sflag:s26] =	ssyncset.done $0x0  }
0x3a: {  	[sflag:s26] =	ssyncadd.s32 $0xFFFFC000  }
0x3b: {  	[spmem:s2] =	stream.indirect.scatter.add.f32 [tilespmem:s24], [sflag:$0x4], $0x80, s21, s23, $0xb8;
	[tilespmem:$0x1EC00] =	vst v63  }
0x3c: {  	_ =	swait.ge [sflag:s28], $0x4000  }
0x3d: {  	[sflag:s28] =	ssyncset.done $0x0  }
0x3e: {  	[sflag:s28] =	ssyncadd.s32 $0xFFFFC000  }
0x3f: {  	[spmem:s2] =	stream.indirect.scatter.add.f32 [tilespmem:s25], [sflag:$0x5], $0x80, s12, s23, $0xb8;
	[tilespmem:$0x1EC00] =	vst v63  }
0x40: {  	_ =	swait.ge [sflag:s30], $0x4000  }
0x41: {  	[sflag:s30] =	ssyncset.done $0x0  }
0x42: {  	[sflag:s30] =	ssyncadd.s32 $0xFFFFC000  }
0x43: {  	_ =	swait.ge [sflag:s31], $0x4000  }
0x44: {  	[sflag:s31] =	ssyncset.done $0x0  }
0x45: {  	[sflag:s31] =	ssyncadd.s32 $0xFFFFC000  }
0x46: {  	[tilespmem:s24], [sflag:$0x2] =	stream.indirect.gather [hbm4b:s4+s23], $0x80, s13, s23, $0xb8;
	[tilespmem:$0x1EC00] =	vst v63  }
0x47: {  	s11 =	simm.s32 $0x180  }
0x48: {  	[tilespmem:s25], [sflag:$0x3] =	stream.indirect.gather [hbm4b:s4+s23], $0x80, s11, s23, $0xb8;
	[tilespmem:$0x1EC00] =	vst v63  }
0x49: {  	_ =	swait.ge [sflag:s26], $0x4000  }
0x4a: {  	[sflag:s26] =	ssyncset.done $0x0  }
0x4b: {  	s11 =	simm.s32 $0x1900;
	[sflag:s26] =	ssyncadd.s32 $0xFFFFC000  }
0x4c: {  	[spmem:s2] =	stream.indirect.scatter.add.f32 [tilespmem:s24], [sflag:$0x4], $0x80, s11, s23, $0xb8;
	[tilespmem:$0x1EC00] =	vst v63  }
0x4d: {  	_ =	swait.ge [sflag:s28], $0x4000  }
0x4e: {  	[sflag:s28] =	ssyncset.done $0x0  }
0x4f: {  	s11 =	simm.s32 $0x1980;
	[sflag:s28] =	ssyncadd.s32 $0xFFFFC000  }
0x50: {  	[spmem:s2] =	stream.indirect.scatter.add.f32 [tilespmem:s25], [sflag:$0x5], $0x80, s11, s23, $0xb8;
	[tilespmem:$0x1EC00] =	vst v63  }
0x51: {  	_ =	swait.ge [sflag:s30], $0x4000  }
0x52: {  	[sflag:s30] =	ssyncset.done $0x0  }
0x53: {  	[sflag:s30] =	ssyncadd.s32 $0xFFFFC000  }
0x54: {  	_ =	swait.ge [sflag:s31], $0x4000  }
0x55: {  	[sflag:s31] =	ssyncset.done $0x0  }
0x56: {  	s11 =	simm.s32 $0x200;
	[sflag:s31] =	ssyncadd.s32 $0xFFFFC000  }
0x57: {  	[tilespmem:s24], [sflag:$0x2] =	stream.indirect.gather [hbm4b:s4+s23], $0x80, s11, s23, $0xb8;
	[tilespmem:$0x1EC00] =	vst v63  }
0x58: {  	s11 =	simm.s32 $0x280  }
0x59: {  	[tilespmem:s25], [sflag:$0x3] =	stream.indirect.gather [hbm4b:s4+s23], $0x80, s11, s23, $0xb8;
	[tilespmem:$0x1EC00] =	vst v63  }
0x5a: {  	_ =	swait.ge [sflag:s26], $0x4000  }
0x5b: {  	[sflag:s26] =	ssyncset.done $0x0  }
0x5c: {  	s11 =	simm.s32 $0x1A00;
	[sflag:s26] =	ssyncadd.s32 $0xFFFFC000  }
0x5d: {  	[spmem:s2] =	stream.indirect.scatter.add.f32 [tilespmem:s24], [sflag:$0x4], $0x80, s11, s23, $0xb8;
	[tilespmem:$0x1EC00] =	vst v63  }
0x5e: {  	_ =	swait.ge [sflag:s28], $0x4000  }
0x5f: {  	[sflag:s28] =	ssyncset.done $0x0  }
0x60: {  	[sflag:s28] =	ssyncadd.s32 $0xFFFFC000  }
0x61: {  	[spmem:s2] =	stream.indirect.scatter.add.f32 [tilespmem:s25], [sflag:$0x5], $0x80, s14, s23, $0xb8;
	[tilespmem:$0x1EC00] =	vst v63  }
0x62: {  	_ =	swait.ge [sflag:s30], $0x4000  }
0x63: {  	[sflag:s30] =	ssyncset.done $0x0  }
0x64: {  	[sflag:s30] =	ssyncadd.s32 $0xFFFFC000  }
0x65: {  	_ =	swait.ge [sflag:s31], $0x4000  }
0x66: {  	[sflag:s31] =	ssyncset.done $0x0  }
0x67: {  	[sflag:s31] =	ssyncadd.s32 $0xFFFFC000  }
0x68: {  	[tilespmem:s24], [sflag:$0x2] =	stream.indirect.gather [hbm4b:s4+s23], $0x80, s29, s23, $0xb8;
	[tilespmem:$0x1EC00] =	vst v63  }
0x69: {  	_ = 	snop  }
0x6a: {  	[tilespmem:s25], [sflag:$0x3] =	stream.indirect.gather [hbm4b:s4+s23], $0x80, s0, s23, $0xb8;
	[tilespmem:$0x1EC00] =	vst v63  }
0x6b: {  	_ =	swait.ge [sflag:s26], $0x4000  }
0x6c: {  	[sflag:s26] =	ssyncset.done $0x0  }
0x6d: {  	[sflag:s26] =	ssyncadd.s32 $0xFFFFC000  }
0x6e: {  	[spmem:s2] =	stream.indirect.scatter.add.f32 [tilespmem:s24], [sflag:$0x4], $0x80, s1, s23, $0xb8;
	[tilespmem:$0x1EC00] =	vst v63  }
0x6f: {  	_ =	swait.ge [sflag:s28], $0x4000  }
0x70: {  	[sflag:s28] =	ssyncset.done $0x0  }
0x71: {  	[sflag:s28] =	ssyncadd.s32 $0xFFFFC000  }
0x72: {  	[spmem:s2] =	stream.indirect.scatter.add.f32 [tilespmem:s25], [sflag:$0x5], $0x80, s15, s23, $0xb8;
	[tilespmem:$0x1EC00] =	vst v63  }
0x73: {  	_ =	swait.ge [sflag:s30], $0x4000  }
0x74: {  	[sflag:s30] =	ssyncset.done $0x0  }
0x75: {  	[sflag:s30] =	ssyncadd.s32 $0xFFFFC000  }
0x76: {  	_ =	swait.ge [sflag:s31], $0x4000  }
0x77: {  	s9 =	sadd.s32 $0x1, s9;
	[sflag:s31] =	ssyncset.done $0x0  }
0x78: {  	p1 =	sne.s32 s9, s18;
	[sflag:s31] =	ssyncadd.s32 $0xFFFFC000  }
.Ltmp1:
0x79: {  	[bflag:$0x0] =	sbarrier.arrive $0xFFFF;
	(pc) =	sbr.rel @!p1 .LBB2_10-.Ltmp1, $4  }
0x7a: {  	[hbm:s17], [sflag:s8] =	dma.local [spmem:s19], $0x2780  }
0x7b: {  	_ =	swait.ge [sflag:s20], $0x2780  }
0x7c: {  	[sflag:s20] =	ssyncset.done $0x0  }
0x7d: {  	[sflag:s20] =	ssyncadd.s32 $0xFFFFD880  }
.LBB2_1:
0x7e: {  	[spmem:s19], [sflag:s8] =	dma.local [hbm:s7], $0x2780  }
.Ltmp2:
0x7f: {  	_ =	swait.ge [sflag:s20], $0x2780;
	(pc) =	sbr.rel @p0 .LBB2_9-.Ltmp2, $4  }
0x80: {  	[sflag:s20] =	ssyncset.done $0x0  }
0x81: {  	[sflag:s20] =	ssyncadd.s32 $0xFFFFD880  }
0x82: {  	[bflag:$0x0] =	sbarrier.arrive $0xFFFF  }
0x83: {  	s10 =	smov.u32 s16  }
0x84: {  	s10 =	simm.s32 $0x0;
	s11 =	rddreg [dreg:$0x3]  }
0x85: {  	[tilespmem:s10], [sflag:$0x1] =	stream.linear.gather [hbm4b:s11+s10], $0x1800, $0x38;
	[tilespmem:$0x1EC00] =	vst v63  }
0x86: {  	s12 =	rddreg [dreg:$0x4]  }
0x87: {  	[tilespmem:s21], [sflag:$0x1] =	stream.linear.gather [hbm4b:s12+s10], $0x1800, $0x38;
	[tilespmem:$0x1EC00] =	vst v63  }
0x88: {  	_ =	swait.ge [sflag:s22], $0x1800  }
0x89: {  	[sflag:s22] =	ssyncset.done $0x0  }
0x8a: {  	[sflag:s22] =	ssyncadd.s32 $0xFFFFE800  }
0x8b: {  	_ =	swait.ge [sflag:s22], $0x1800  }
0x8c: {  	[sflag:s22] =	ssyncset.done $0x0  }
0x8d: {  	s13 =	simm.s32 $0x0;
	[sflag:s22] =	ssyncadd.s32 $0xFFFFE800  }
0x8e: {  	[tilespmem:s24], [sflag:$0x2] =	stream.indirect.gather [hbm4b:s4+s23], $0x80, s13, s23, $0xb8;
	[tilespmem:$0x1EC00] =	vst v63  }
0x8f: {  	s11 =	simm.s32 $0x80  }
0x90: {  	[tilespmem:s25], [sflag:$0x3] =	stream.indirect.gather [hbm4b:s4+s23], $0x80, s11, s23, $0xb8;
	[tilespmem:$0x1EC00] =	vst v63  }
0x91: {  	_ =	swait.ge [sflag:s26], $0x4000  }
0x92: {  	[sflag:s26] =	ssyncset.done $0x0  }
0x93: {  	s12 =	simm.s32 $0x1800;
	[sflag:s26] =	ssyncadd.s32 $0xFFFFC000  }
0x94: {  	[spmem:s2] =	stream.indirect.scatter.add.f32 [tilespmem:s24], [sflag:$0x4], $0x80, s12, s23, $0xb8;
	[tilespmem:$0x1EC00] =	vst v63  }
0x95: {  	_ =	swait.ge [sflag:s28], $0x4000  }
0x96: {  	[sflag:s28] =	ssyncset.done $0x0  }
0x97: {  	s13 =	simm.s32 $0x1880;
	[sflag:s28] =	ssyncadd.s32 $0xFFFFC000  }
0x98: {  	[spmem:s2] =	stream.indirect.scatter.add.f32 [tilespmem:s25], [sflag:$0x5], $0x80, s13, s23, $0xb8;
	[tilespmem:$0x1EC00] =	vst v63  }
0x99: {  	_ =	swait.ge [sflag:s30], $0x4000  }
0x9a: {  	[sflag:s30] =	ssyncset.done $0x0  }
0x9b: {  	[sflag:s30] =	ssyncadd.s32 $0xFFFFC000  }
0x9c: {  	_ =	swait.ge [sflag:s31], $0x4000  }
0x9d: {  	s10 =	simm.s32 $0x400;
	s11 =	simm.s32 $0x800;
	[sflag:s31] =	ssyncset.done $0x0  }
.LBB2_3:
0x9e: {  	s12 =	sshra.s32 s10, $0x2  }
0x9f: {  	[sflag:s31] =	ssyncadd.s32 $0xFFFFC000;
	s10 =	smov.u32 s11;
	s13 =	sadd.s32 $0x400, s11  }
0xa0: {  	[tilespmem:s24], [sflag:$0x2] =	stream.indirect.gather [hbm4b:s4+s23], $0x80, s12, s23, $0xb8;
	[tilespmem:$0x1EC00] =	vst v63  }
0xa1: {  	p1 =	sne.s32 s11, $0x5C00;
	s11 =	sadd.s32 $0x80, s12  }
0xa2: {  	[tilespmem:s25], [sflag:$0x3] =	stream.indirect.gather [hbm4b:s4+s23], $0x80, s11, s23, $0xb8;
	[tilespmem:$0x1EC00] =	vst v63  }
0xa3: {  	_ =	swait.ge [sflag:s26], $0x4000  }
0xa4: {  	[sflag:s26] =	ssyncset.done $0x0  }
0xa5: {  	s11 =	sadd.s32 $0x1800, s12;
	[sflag:s26] =	ssyncadd.s32 $0xFFFFC000  }
0xa6: {  	[spmem:s2] =	stream.indirect.scatter.add.f32 [tilespmem:s24], [sflag:$0x4], $0x80, s11, s23, $0xb8;
	[tilespmem:$0x1EC00] =	vst v63  }
0xa7: {  	_ =	swait.ge [sflag:s28], $0x4000  }
0xa8: {  	[sflag:s28] =	ssyncset.done $0x0  }
0xa9: {  	s11 =	sadd.s32 $0x1880, s12;
	[sflag:s28] =	ssyncadd.s32 $0xFFFFC000  }
0xaa: {  	[spmem:s2] =	stream.indirect.scatter.add.f32 [tilespmem:s25], [sflag:$0x5], $0x80, s11, s23, $0xb8;
	[tilespmem:$0x1EC00] =	vst v63  }
.Ltmp3:
0xab: {  	_ =	swait.ge [sflag:s30], $0x4000;
	(pc) =	sbr.rel @p1 .LBB2_3-.Ltmp3, $4  }
0xac: {  	[sflag:s30] =	ssyncset.done $0x0  }
0xad: {  	[sflag:s30] =	ssyncadd.s32 $0xFFFFC000  }
0xae: {  	_ =	swait.ge [sflag:s31], $0x4000  }
0xaf: {  	s11 =	smov.u32 s13;
	[sflag:s31] =	ssyncset.done $0x0  }
0xb0: {  	s10 =	sshra.s32 s10, $0x2;
	[sflag:s31] =	ssyncadd.s32 $0xFFFFC000  }
0xb1: {  	[tilespmem:s24], [sflag:$0x2] =	stream.indirect.gather [hbm4b:s4+s23], $0x80, s10, s23, $0xb8;
	[tilespmem:$0x1EC00] =	vst v63  }
0xb2: {  	s11 =	sadd.s32 $0x80, s10  }
0xb3: {  	[tilespmem:s25], [sflag:$0x3] =	stream.indirect.gather [hbm4b:s4+s23], $0x80, s11, s23, $0xb8;
	[tilespmem:$0x1EC00] =	vst v63  }
0xb4: {  	_ =	swait.ge [sflag:s26], $0x4000  }
0xb5: {  	[sflag:s26] =	ssyncset.done $0x0  }
0xb6: {  	s12 =	sadd.s32 $0x1800, s10;
	[sflag:s26] =	ssyncadd.s32 $0xFFFFC000  }
0xb7: {  	[spmem:s2] =	stream.indirect.scatter.add.f32 [tilespmem:s24], [sflag:$0x4], $0x80, s12, s23, $0xb8;
	[tilespmem:$0x1EC00] =	vst v63  }
0xb8: {  	_ =	swait.ge [sflag:s28], $0x4000  }
0xb9: {  	[sflag:s28] =	ssyncset.done $0x0  }
0xba: {  	s10 =	sadd.s32 $0x1880, s10;
	[sflag:s28] =	ssyncadd.s32 $0xFFFFC000  }
0xbb: {  	[spmem:s2] =	stream.indirect.scatter.add.f32 [tilespmem:s25], [sflag:$0x5], $0x80, s10, s23, $0xb8;
	[tilespmem:$0x1EC00] =	vst v63  }
0xbc: {  	_ =	swait.ge [sflag:s30], $0x4000  }
0xbd: {  	[sflag:s30] =	ssyncset.done $0x0  }
0xbe: {  	[sflag:s30] =	ssyncadd.s32 $0xFFFFC000  }
0xbf: {  	_ =	swait.ge [sflag:s31], $0x4000  }
0xc0: {  	[sflag:s31] =	ssyncset.done $0x0  }
0xc1: {  	s10 =	simm.s32 $0x0;
	s13 =	rddreg [dreg:$0x5];
	[sflag:s31] =	ssyncadd.s32 $0xFFFFC000  }
0xc2: {  	[tilespmem:s10], [sflag:$0x1] =	stream.linear.gather [hbm4b:s13+s10], $0x1800, $0x38;
	[tilespmem:$0x1EC00] =	vst v63  }
0xc3: {  	s12 =	rddreg [dreg:$0x6]  }
0xc4: {  	[tilespmem:s21], [sflag:$0x1] =	stream.linear.gather [hbm4b:s12+s10], $0x1800, $0x38;
	[tilespmem:$0x1EC00] =	vst v63  }
0xc5: {  	_ =	swait.ge [sflag:s22], $0x1800  }
0xc6: {  	[sflag:s22] =	ssyncset.done $0x0  }
0xc7: {  	[sflag:s22] =	ssyncadd.s32 $0xFFFFE800  }
0xc8: {  	_ =	swait.ge [sflag:s22], $0x1800  }
0xc9: {  	[sflag:s22] =	ssyncset.done $0x0  }
0xca: {  	s13 =	simm.s32 $0x0;
	[sflag:s22] =	ssyncadd.s32 $0xFFFFE800  }
0xcb: {  	[tilespmem:s24], [sflag:$0x2] =	stream.indirect.gather [hbm4b:s4+s23], $0x80, s13, s23, $0xb8;
	[tilespmem:$0x1EC00] =	vst v63  }
0xcc: {  	s11 =	simm.s32 $0x80  }
0xcd: {  	[tilespmem:s25], [sflag:$0x3] =	stream.indirect.gather [hbm4b:s4+s23], $0x80, s11, s23, $0xb8;
	[tilespmem:$0x1EC00] =	vst v63  }
0xce: {  	_ =	swait.ge [sflag:s26], $0x4000  }
0xcf: {  	[sflag:s26] =	ssyncset.done $0x0  }
0xd0: {  	s12 =	simm.s32 $0x1800;
	[sflag:s26] =	ssyncadd.s32 $0xFFFFC000  }
0xd1: {  	[spmem:s2] =	stream.indirect.scatter.add.f32 [tilespmem:s24], [sflag:$0x4], $0x80, s12, s23, $0xb8;
	[tilespmem:$0x1EC00] =	vst v63  }
0xd2: {  	_ =	swait.ge [sflag:s28], $0x4000  }
0xd3: {  	[sflag:s28] =	ssyncset.done $0x0  }
0xd4: {  	s13 =	simm.s32 $0x1880;
	[sflag:s28] =	ssyncadd.s32 $0xFFFFC000  }
0xd5: {  	[spmem:s2] =	stream.indirect.scatter.add.f32 [tilespmem:s25], [sflag:$0x5], $0x80, s13, s23, $0xb8;
	[tilespmem:$0x1EC00] =	vst v63  }
0xd6: {  	_ =	swait.ge [sflag:s30], $0x4000  }
0xd7: {  	[sflag:s30] =	ssyncset.done $0x0  }
0xd8: {  	[sflag:s30] =	ssyncadd.s32 $0xFFFFC000  }
0xd9: {  	_ =	swait.ge [sflag:s31], $0x4000  }
0xda: {  	s10 =	simm.s32 $0x400;
	s11 =	simm.s32 $0x800;
	[sflag:s31] =	ssyncset.done $0x0  }
.LBB2_5:
0xdb: {  	s12 =	sshra.s32 s10, $0x2  }
0xdc: {  	[sflag:s31] =	ssyncadd.s32 $0xFFFFC000;
	s10 =	smov.u32 s11;
	s13 =	sadd.s32 $0x400, s11  }
0xdd: {  	[tilespmem:s24], [sflag:$0x2] =	stream.indirect.gather [hbm4b:s4+s23], $0x80, s12, s23, $0xb8;
	[tilespmem:$0x1EC00] =	vst v63  }
0xde: {  	p1 =	sne.s32 s11, $0x5C00;
	s11 =	sadd.s32 $0x80, s12  }
0xdf: {  	[tilespmem:s25], [sflag:$0x3] =	stream.indirect.gather [hbm4b:s4+s23], $0x80, s11, s23, $0xb8;
	[tilespmem:$0x1EC00] =	vst v63  }
0xe0: {  	_ =	swait.ge [sflag:s26], $0x4000  }
0xe1: {  	[sflag:s26] =	ssyncset.done $0x0  }
0xe2: {  	s11 =	sadd.s32 $0x1800, s12;
	[sflag:s26] =	ssyncadd.s32 $0xFFFFC000  }
0xe3: {  	[spmem:s2] =	stream.indirect.scatter.add.f32 [tilespmem:s24], [sflag:$0x4], $0x80, s11, s23, $0xb8;
	[tilespmem:$0x1EC00] =	vst v63  }
0xe4: {  	_ =	swait.ge [sflag:s28], $0x4000  }
0xe5: {  	[sflag:s28] =	ssyncset.done $0x0  }
0xe6: {  	s11 =	sadd.s32 $0x1880, s12;
	[sflag:s28] =	ssyncadd.s32 $0xFFFFC000  }
0xe7: {  	[spmem:s2] =	stream.indirect.scatter.add.f32 [tilespmem:s25], [sflag:$0x5], $0x80, s11, s23, $0xb8;
	[tilespmem:$0x1EC00] =	vst v63  }
.Ltmp4:
0xe8: {  	_ =	swait.ge [sflag:s30], $0x4000;
	(pc) =	sbr.rel @p1 .LBB2_5-.Ltmp4, $4  }
0xe9: {  	[sflag:s30] =	ssyncset.done $0x0  }
0xea: {  	[sflag:s30] =	ssyncadd.s32 $0xFFFFC000  }
0xeb: {  	_ =	swait.ge [sflag:s31], $0x4000  }
0xec: {  	s11 =	smov.u32 s13;
	[sflag:s31] =	ssyncset.done $0x0  }
0xed: {  	s10 =	sshra.s32 s10, $0x2;
	[sflag:s31] =	ssyncadd.s32 $0xFFFFC000  }
0xee: {  	[tilespmem:s24], [sflag:$0x2] =	stream.indirect.gather [hbm4b:s4+s23], $0x80, s10, s23, $0xb8;
	[tilespmem:$0x1EC00] =	vst v63  }
0xef: {  	s11 =	sadd.s32 $0x80, s10  }
0xf0: {  	[tilespmem:s25], [sflag:$0x3] =	stream.indirect.gather [hbm4b:s4+s23], $0x80, s11, s23, $0xb8;
	[tilespmem:$0x1EC00] =	vst v63  }
0xf1: {  	_ =	swait.ge [sflag:s26], $0x4000  }
0xf2: {  	[sflag:s26] =	ssyncset.done $0x0  }
0xf3: {  	s12 =	sadd.s32 $0x1800, s10;
	[sflag:s26] =	ssyncadd.s32 $0xFFFFC000  }
0xf4: {  	[spmem:s2] =	stream.indirect.scatter.add.f32 [tilespmem:s24], [sflag:$0x4], $0x80, s12, s23, $0xb8;
	[tilespmem:$0x1EC00] =	vst v63  }
0xf5: {  	_ =	swait.ge [sflag:s28], $0x4000  }
0xf6: {  	[sflag:s28] =	ssyncset.done $0x0  }
0xf7: {  	s10 =	sadd.s32 $0x1880, s10;
	[sflag:s28] =	ssyncadd.s32 $0xFFFFC000  }
0xf8: {  	[spmem:s2] =	stream.indirect.scatter.add.f32 [tilespmem:s25], [sflag:$0x5], $0x80, s10, s23, $0xb8;
	[tilespmem:$0x1EC00] =	vst v63  }
0xf9: {  	_ =	swait.ge [sflag:s30], $0x4000  }
0xfa: {  	[sflag:s30] =	ssyncset.done $0x0  }
0xfb: {  	[sflag:s30] =	ssyncadd.s32 $0xFFFFC000  }
0xfc: {  	_ =	swait.ge [sflag:s31], $0x4000  }
0xfd: {  	[sflag:s31] =	ssyncset.done $0x0  }
0xfe: {  	s10 =	simm.s32 $0x0;
	s13 =	rddreg [dreg:$0x7];
	[sflag:s31] =	ssyncadd.s32 $0xFFFFC000  }
0xff: {  	[tilespmem:s10], [sflag:$0x1] =	stream.linear.gather [hbm4b:s13+s10], $0x1800, $0x38;
	[tilespmem:$0x1EC00] =	vst v63  }
0x100: {  	s12 =	rddreg [dreg:$0x8]  }
0x101: {  	[tilespmem:s21], [sflag:$0x1] =	stream.linear.gather [hbm4b:s12+s10], $0x1800, $0x38;
	[tilespmem:$0x1EC00] =	vst v63  }
0x102: {  	_ =	swait.ge [sflag:s22], $0x1800  }
0x103: {  	[sflag:s22] =	ssyncset.done $0x0  }
0x104: {  	[sflag:s22] =	ssyncadd.s32 $0xFFFFE800  }
0x105: {  	_ =	swait.ge [sflag:s22], $0x1800  }
0x106: {  	[sflag:s22] =	ssyncset.done $0x0  }
0x107: {  	s13 =	simm.s32 $0x0;
	[sflag:s22] =	ssyncadd.s32 $0xFFFFE800  }
0x108: {  	[tilespmem:s24], [sflag:$0x2] =	stream.indirect.gather [hbm4b:s4+s23], $0x80, s13, s23, $0xb8;
	[tilespmem:$0x1EC00] =	vst v63  }
0x109: {  	s11 =	simm.s32 $0x80  }
0x10a: {  	[tilespmem:s25], [sflag:$0x3] =	stream.indirect.gather [hbm4b:s4+s23], $0x80, s11, s23, $0xb8;
	[tilespmem:$0x1EC00] =	vst v63  }
0x10b: {  	_ =	swait.ge [sflag:s26], $0x4000  }
0x10c: {  	[sflag:s26] =	ssyncset.done $0x0  }
0x10d: {  	s12 =	simm.s32 $0x1800;
	[sflag:s26] =	ssyncadd.s32 $0xFFFFC000  }
0x10e: {  	[spmem:s2] =	stream.indirect.scatter.add.f32 [tilespmem:s24], [sflag:$0x4], $0x80, s12, s23, $0xb8;
	[tilespmem:$0x1EC00] =	vst v63  }
0x10f: {  	_ =	swait.ge [sflag:s28], $0x4000  }
0x110: {  	[sflag:s28] =	ssyncset.done $0x0  }
0x111: {  	s13 =	simm.s32 $0x1880;
	[sflag:s28] =	ssyncadd.s32 $0xFFFFC000  }
0x112: {  	[spmem:s2] =	stream.indirect.scatter.add.f32 [tilespmem:s25], [sflag:$0x5], $0x80, s13, s23, $0xb8;
	[tilespmem:$0x1EC00] =	vst v63  }
0x113: {  	_ =	swait.ge [sflag:s30], $0x4000  }
0x114: {  	[sflag:s30] =	ssyncset.done $0x0  }
0x115: {  	[sflag:s30] =	ssyncadd.s32 $0xFFFFC000  }
0x116: {  	_ =	swait.ge [sflag:s31], $0x4000  }
0x117: {  	s10 =	simm.s32 $0x400;
	s11 =	simm.s32 $0x800;
	[sflag:s31] =	ssyncset.done $0x0  }
.LBB2_7:
0x118: {  	s12 =	sshra.s32 s10, $0x2  }
0x119: {  	[sflag:s31] =	ssyncadd.s32 $0xFFFFC000;
	s10 =	smov.u32 s11;
	s13 =	sadd.s32 $0x400, s11  }
0x11a: {  	[tilespmem:s24], [sflag:$0x2] =	stream.indirect.gather [hbm4b:s4+s23], $0x80, s12, s23, $0xb8;
	[tilespmem:$0x1EC00] =	vst v63  }
0x11b: {  	p1 =	sne.s32 s11, $0x5C00;
	s11 =	sadd.s32 $0x80, s12  }
0x11c: {  	[tilespmem:s25], [sflag:$0x3] =	stream.indirect.gather [hbm4b:s4+s23], $0x80, s11, s23, $0xb8;
	[tilespmem:$0x1EC00] =	vst v63  }
0x11d: {  	_ =	swait.ge [sflag:s26], $0x4000  }
0x11e: {  	[sflag:s26] =	ssyncset.done $0x0  }
0x11f: {  	s11 =	sadd.s32 $0x1800, s12;
	[sflag:s26] =	ssyncadd.s32 $0xFFFFC000  }
0x120: {  	[spmem:s2] =	stream.indirect.scatter.add.f32 [tilespmem:s24], [sflag:$0x4], $0x80, s11, s23, $0xb8;
	[tilespmem:$0x1EC00] =	vst v63  }
0x121: {  	_ =	swait.ge [sflag:s28], $0x4000  }
0x122: {  	[sflag:s28] =	ssyncset.done $0x0  }
0x123: {  	s11 =	sadd.s32 $0x1880, s12;
	[sflag:s28] =	ssyncadd.s32 $0xFFFFC000  }
0x124: {  	[spmem:s2] =	stream.indirect.scatter.add.f32 [tilespmem:s25], [sflag:$0x5], $0x80, s11, s23, $0xb8;
	[tilespmem:$0x1EC00] =	vst v63  }
.Ltmp5:
0x125: {  	_ =	swait.ge [sflag:s30], $0x4000;
	(pc) =	sbr.rel @p1 .LBB2_7-.Ltmp5, $4  }
0x126: {  	[sflag:s30] =	ssyncset.done $0x0  }
0x127: {  	[sflag:s30] =	ssyncadd.s32 $0xFFFFC000  }
0x128: {  	_ =	swait.ge [sflag:s31], $0x4000  }
0x129: {  	s11 =	smov.u32 s13;
	[sflag:s31] =	ssyncset.done $0x0  }
.Ltmp6:
0x12a: {  	_ = 	snop;
	(pc) =	sbr.rel .LBB2_8-.Ltmp6, $1  }
0x12b: {  	_ =	sdelay $0x3  }
.LBB2_10:
0x12c: {  	_ =	sfence.sel $0x180000  }
0x12d: {  	[bflag:$0x0] =	sbarrier.arrive $0xFFFF  }
0x12e: {  	_ =	strace $0x9000004A  }
0x12f: {  	s0 =	stileid.u32;
	[bflag:$0x2] =	sbarrier.arrive $0xFFFF  }
0x130: {  	p0 =	sne.s32 s0, $0x0;
	s0 =	rddreg [dreg:$0x2]  }
0x131: {  	s0 =	sadd.s32 @!p0 $0x100000, s0  }
0x132: {  	[sflag:s0] =	ssyncadd.tile.s32 @!p0 $0x1;
	_ =	shalt  }
.Lfunc_end2:
_tile_overlayer_lowered:
.L_overlay_start_2:
0x133: {  	(tag) =	ssettag $0x2  }
0x134: {  	s0 =	rddreg [dreg:$0x0];
	s2 =	stileid.u32  }
0x135: {  	s1 =	rddreg [dreg:$0x1];
	p0 =	sne.s32 s2, $0x0  }
0x136: {  	s3 =	rddreg [dreg:$0x2];
	[bflag:$0x3] =	sbarrier.arrive $0xFFFF;
	s2 =	simm.s32 @!p0 $0x1C06  }
0x137: {  	[timem:s3], [sflag:s2] =	dma.local @!p0 [hbm:s0], s1  }
0x138: {  	s0 =	simm.s32 @!p0 $0x6  }
0x139: {  	_ =	swait.ge @!p0 [sflag:s0], s1  }
0x13a: {  	s1 =	ssub.s32 @!p0 $0x0, s1;
	[sflag:s0] =	ssyncset.done @!p0 $0x0  }
0x13b: {  	[sflag:s0] =	ssyncadd.s32 @!p0 s1  }
0x13c: {  	[bflag:$0x3] =	sbarrier.arrive $0xFFFF  }
0x13d: {  	_ =	shalt  }

// kernel: kernel.16.cloned.1.call-start
scs
__scs_entry_jumppad:
0x0: {  	(pc) =	sbr.rel $0x88, $3  }
0x1: {  	(tag) =	ssettag $0x0;
	lr =	simm.s32 $0x1  }
0x2: {  	[smem:$0x3F8C] =	sst lr;
	_ =	strace $0xD0000000  }
0x3: {  	_ = 	snop  }
0x4: {  	_ = 	snop  }
0x5: {  	_ = 	snop  }
0x6: {  	_ = 	snop  }
0x7: {  	_ = 	snop  }
__scs_overlays_trampoline_lowered:
0x8: {  	[smem:$0x3F9B] =	sst s0  }
0x9: {  	[smem:$0x3F9C] =	sst s1  }
0xa: {  	[smem:$0x3F9D] =	sst s2  }
0xb: {  	[smem:$0x3F9E] =	sst s3  }
0xc: {  	[smem:$0x3F9F] =	sst s4  }
0xd: {  	[smem:$0x3FA0] =	sst s5  }
0xe: {  	[smem:$0x3FA1] =	sst s6  }
0xf: {  	[smem:$0x3FA2] =	sst s7  }
0x10: {  	[smem:$0x3FA3] =	sst s8  }
0x11: {  	[smem:$0x3FA4] =	sst s9;
	s0 =	simm.s32 @!p0 $0x0  }
0x12: {  	s1 =	sld [smem:$0x3F8A];
	s0 =	simm.s32 @p0 $0x1  }
0x13: {  	[smem:$0x3FA5] =	sst s0;
	s0 =	simm.s32 @!p1 $0x0  }
0x14: {  	s2 =	sld [smem:$0x3F89];
	s0 =	simm.s32 @p1 $0x1  }
0x15: {  	[smem:$0x3FA6] =	sst s0;
	s0 =	simm.s32 @!p2 $0x0  }
0x16: {  	s3 =	sld [smem:$0x3FDB];
	s0 =	simm.s32 @p2 $0x1  }
0x17: {  	s4 =	simm.s32 $0x1BF5;
	[smem:$0x3FA8] =	sst s0  }
0x18: {  	s0 =	sld [smem:$0x3F8B];
	_ =	swait.ge [sflag:s4], $0x0  }
0x19: {  	s7 =	sld [smem:$0x3F8C]  }
0x1a: {  	s8 =	sadd.s32 $0xFFFFE003, lr  }
0x1b: {  	s9 =	sadd.s32 $0xFFFFFEF7, lr;
	s5 =	simm.s32 $0xFFFFFFFF;
	p2 =	slt.u32 s8, $0xFFFFF086  }
0x1c: {  	p1 =	slt.u32 s9, $0xF7A;
	s5 =	simm.s32 @!p2 $0x0  }
0x1d: {  	s5 =	simm.s32 @p1 $0x1;
	p0 =	seq.s32 s7, s2  }
0x1e: {  	s7 =	smul.u32 @!p0 $0xF7A, s2;
	p2 =	seq.s32 @!p0 s5, $0x0  }
0x1f: {  	s9 =	smul.u32 $0xF7A, s1;
	s8 =	simm.s32 @!p0 $0x1BF5;
	p2 =	por !p2, p0  }
0x20: {  	[sflag:s8] =	ssyncset.s32 @!p0 $0xFFFFF086;
	s6 =	sadd.s32 @!p0 s3, s7;
	s7 =	simm.s32 @!p0 $0x108  }
0x21: {  	s3 =	sadd.s32 s3, s9;
	s6 =	sadd.s32 @!p0 $0x88, s6;
	s7 =	simm.s32 @p2 $0x1082  }
0x22: {  	[simem:s7], [sflag:s8] =	dma.local @!p0 [hbm:s6], $0xF7A  }
0x23: {  	s9 =	sor.u32 $0xD0000000, s2;
	s6 =	simm.s32 $0x108;
	_ =	swait.ge @!p0 [sflag:s8], $0x0  }
0x24: {  	s3 =	sadd.s32 $0x88, s3;
	s6 =	simm.s32 @!p1 $0x1082;
	[sflag:s4] =	ssyncset.s32 $0xFFFFF086  }
0x25: {  	[simem:s6], [sflag:s4] =	dma.local [hbm:s3], $0xF7A  }
0x26: {  	[smem:$0x3F8C] =	sst s1;
	(tag) =	ssettag s2;
	_ =	strace s9  }
0x27: {  	s1 =	sld [smem:$0x3F9C]  }
0x28: {  	s2 =	sld [smem:$0x3F9D]  }
0x29: {  	s4 =	sld [smem:$0x3F9F]  }
0x2a: {  	p0 =	seq.s32 s5, $0x0;
	s5 =	sld [smem:$0x3FA0]  }
0x2b: {  	s6 =	sld [smem:$0x3FA1]  }
0x2c: {  	s7 =	sld [smem:$0x3FA2]  }
0x2d: {  	s3 =	simm.s32 $0x108;
	s8 =	sld [smem:$0x3FA3]  }
0x2e: {  	s3 =	simm.s32 @!p0 $0x1082;
	s9 =	sld [smem:$0x3FA4]  }
0x2f: {  	lr =	sadd.s32 s0, s3;
	s0 =	sld [smem:$0x3F9B]  }
0x30: {  	s3 =	sld [smem:$0x3F9E]  }
0x31: {  	[smem:$0x3FA7] =	sst s10  }
0x32: {  	s10 =	sld [smem:$0x3FA5];
	_ =	sdelay $0x3  }
0x33: {  	p0 =	seq.s32 s10, $0x1;
	s10 =	sld [smem:$0x3FA7];
	_ =	sdelay $0x3  }
0x34: {  	[smem:$0x3FA7] =	sst s10  }
0x35: {  	s10 =	sld [smem:$0x3FA6];
	_ =	sdelay $0x3  }
0x36: {  	p1 =	seq.s32 s10, $0x1;
	s10 =	sld [smem:$0x3FA7];
	_ =	sdelay $0x3  }
0x37: {  	[smem:$0x3FA7] =	sst s10  }
0x38: {  	s10 =	sld [smem:$0x3FA8]  }
0x39: {  	_ = 	snop;
	(pc) =	sbr.ind lr, $3  }
0x3a: {  	_ = 	snop  }
0x3b: {  	_ = 	snop  }
0x3c: {  	p2 =	seq.s32 s10, $0x1;
	s10 =	sld [smem:$0x3FA7]  }
0x3d: {  	_ =	shalt  }
0x3e: {  	_ =	shalt  }
0x3f: {  	_ =	shalt  }
0x40: {  	_ =	shalt  }
0x41: {  	_ =	shalt  }
0x42: {  	_ =	shalt  }
0x43: {  	_ =	shalt  }
0x44: {  	_ =	shalt  }
0x45: {  	_ =	shalt  }
0x46: {  	_ =	shalt  }
0x47: {  	_ =	shalt  }
0x48: {  	_ =	shalt  }
0x49: {  	_ =	shalt  }
0x4a: {  	_ =	shalt  }
0x4b: {  	_ =	shalt  }
0x4c: {  	_ =	shalt  }
0x4d: {  	_ =	shalt  }
0x4e: {  	_ =	shalt  }
0x4f: {  	_ =	shalt  }
0x50: {  	_ =	shalt  }
0x51: {  	_ =	shalt  }
0x52: {  	_ =	shalt  }
0x53: {  	_ =	shalt  }
0x54: {  	_ =	shalt  }
0x55: {  	_ =	shalt  }
0x56: {  	_ =	shalt  }
0x57: {  	_ =	shalt  }
0x58: {  	_ =	shalt  }
0x59: {  	_ =	shalt  }
0x5a: {  	_ =	shalt  }
0x5b: {  	_ =	shalt  }
0x5c: {  	_ =	shalt  }
0x5d: {  	_ =	shalt  }
0x5e: {  	_ =	shalt  }
0x5f: {  	_ =	shalt  }
0x60: {  	_ =	shalt  }
0x61: {  	_ =	shalt  }
0x62: {  	_ =	shalt  }
0x63: {  	_ =	shalt  }
0x64: {  	_ =	shalt  }
0x65: {  	_ =	shalt  }
0x66: {  	_ =	shalt  }
0x67: {  	_ =	shalt  }
0x68: {  	_ =	shalt  }
0x69: {  	_ =	shalt  }
0x6a: {  	_ =	shalt  }
0x6b: {  	_ =	shalt  }
0x6c: {  	_ =	shalt  }
0x6d: {  	_ =	shalt  }
0x6e: {  	_ =	shalt  }
0x6f: {  	_ =	shalt  }
0x70: {  	_ =	shalt  }
0x71: {  	_ =	shalt  }
0x72: {  	_ =	shalt  }
0x73: {  	_ =	shalt  }
0x74: {  	_ =	shalt  }
0x75: {  	_ =	shalt  }
0x76: {  	_ =	shalt  }
0x77: {  	_ =	shalt  }
0x78: {  	_ =	shalt  }
0x79: {  	_ =	shalt  }
0x7a: {  	_ =	shalt  }
0x7b: {  	_ =	shalt  }
0x7c: {  	_ =	shalt  }
0x7d: {  	_ =	shalt  }
0x7e: {  	_ =	shalt  }
0x7f: {  	_ =	shalt  }
0x80: {  	_ =	shalt  }
0x81: {  	_ =	shalt  }
0x82: {  	_ =	shalt  }
0x83: {  	_ =	shalt  }
0x84: {  	_ =	shalt  }
0x85: {  	_ =	shalt  }
0x86: {  	_ =	shalt  }
0x87: {  	_ =	shalt  }
.Lfunc_end0:
.L_simem_size_0:
called_computation.2_lowered:
.L_overlay_start_0:
0x88: {  	s2 =	sld [smem:$0x3FD9]  }
0x89: {  	s3 =	sld [smem:$0x3FFE];
	_ =	sdelay $0x1  }
0x8a: {  	s1 =	srdreg.scid  }
0x8b: {  	s0 =	sand.u32 $0x1, s1  }
0x8c: {  	s16 =	sshll.u32 s0, $0xA;
	s2 =	sadd.s32 s3, s2  }
0x8d: {  	s2 =	sadd.s32 s2, s16  }
0x8e: {  	[smem:$0x3FB3] =	sst s2  }
0x8f: {  	_ = 	snop  }
0x90: {  	(tm) =	ssettm $0x1  }
0x91: {  	s17 =	sld [smem:$0x3FFB];
	_ =	sdelay $0x3  }
0x92: {  	_ =	strace s17  }
0x93: {  	s2 =	sld [smem:$0x3FFC];
	_ =	sdelay $0x3  }
0x94: {  	_ =	strace s2  }
0x95: {  	s2 =	sld [smem:$0x3FFD];
	_ =	sdelay $0x3  }
0x96: {  	_ =	strace s2  }
0x97: {  	_ =	strace $0x8FFFFFFF  }
0x98: {  	s18 =	sld [smem:$0x3FDB];
	_ =	sdelay $0x1  }
0x99: {  	s19 =	simm.s32 $_scs_section_size  }
0x9a: {  	s4 =	simm.s32 $_size__tile_overlayer_lowered;
	s5 =	simm.s32 $_tile_overlayer_lowered  }
0x9b: {  	s22 =	simm.s32 $0x1BFF;
	s21 =	sshll.u32 s5, $0x1;
	s2 =	sadd.s32 s19, s18  }
0x9c: {  	s6 =	simm.s32 $0x0;
	s20 =	sshll.u32 s4, $0x1;
	s4 =	sadd.s32 s21, s2  }
0x9d: {  	[timem:s6], [sflag:s22] =	dma.local [hbm:s4], s20  }
0x9e: {  	_ =	swait.ge [sflag:s22], s20  }
0x9f: {  	s3 =	ssub.s32 $0x0, s20;
	[sflag:s22] =	ssyncset.done $0x0  }
0xa0: {  	[sflag:s22] =	ssyncadd.s32 s3;
	_ =	sdelay $0x1  }
0xa1: {  	s23 =	simm.s32 $0x1B8B  }
0xa2: {  	_ =	swait.ge [sflag:s23], $0x1  }
0xa3: {  	[sflag:s23] =	ssyncset.done $0x0  }
0xa4: {  	s25 =	simm.s32 $0x1B8E;
	s24 =	sld [smem:$0x3FFE];
	[sflag:s23] =	ssyncadd.s32 $0xFFFFFFFF  }
0xa5: {  	s26 =	simm.s32 $execute0_lowered;
	[smem:$0x3FD2] =	sst s25  }
0xa6: {  	s4 =	sshll.u32 s26, $0x1;
	_ =	strace $0x8000004C;
	[dreg:$0x1] =	wrdreg $0xFFFFFFFF  }
0xa7: {  	s28 =	simm.s32 $_size_execute0_lowered;
	s2 =	sadd.s32 s2, s4;
	[dreg:$0x0] =	wrdreg $0x0  }
0xa8: {  	s4 =	sshll.u32 s28, $0x1;
	[dreg:$0x2] =	wrdreg s2  }
0xa9: {  	[dreg:$0x3] =	wrdreg s4  }
0xaa: {  	[dreg:$0x4] =	wrdreg $0xC0  }
0xab: {  	_ =	task [dreg:s6], $0x5FFFF  }
0xac: {  	[dreg:$0x1] =	wrdreg $0xFFFFFFFF  }
0xad: {  	[dreg:$0x0] =	wrdreg $0x60  }
0xae: {  	[dreg:$0x2] =	wrdreg s24  }
0xaf: {  	[dreg:$0x3] =	wrdreg $0xB0000  }
0xb0: {  	[dreg:$0x4] =	wrdreg $0x9  }
0xb1: {  	_ =	task.clear_ibuf [dreg:s6], $0x5FFFF;
	_ =	strace $0x9000004C  }
0xb2: {  	s29 =	simm.s32 $0x9;
	_ =	strace $0x8000004E  }
0xb3: {  	_ =	swait.ge [sflag:s29], $0x1  }
0xb4: {  	[sflag:s29] =	ssyncadd.s32 $0xFFFFFFFF  }
0xb5: {  	_ =	strace $0x9000004E  }
0xb6: {  	_ =	sfence  }
0xb7: {  	s30 =	sld [smem:$0x0];
	_ =	sdelay $0x2  }
0xb8: {  	s31 =	sshll.u32 s1, $0xD;
	s1 =	sshrl.u32 s1, $0x2  }
0xb9: {  	s3 =	sand.u32 $0x4000, s31;
	s1 =	sadd.s32 s1, s30  }
0xba: {  	s0 =	sor.u32 s3, s0;
	s1 =	sshll.u32 s1, $0x11  }
0xbb: {  	s0 =	sor.u32 s1, s0  }
0xbc: {  	s0 =	sadd.s32 $0x8F2B, s0  }
0xbd: {  	[sflag:s0] =	ssyncadd.remote.s32 $0x1  }
0xbe: {  	_ =	sfence.sel $0xFFFF  }
0xbf: {  	[dreg:$0x0] =	wrdreg $0xFFFFFFFF;
	(pc) =	sbr.abs _section_cstart, $3  }
0xc0: {  	[dreg:$0x1] =	wrdreg $0xFFFFFFFF  }
0xc1: {  	_ =	task.clear_ibuf [dreg:s6], $0x2FFFF;
	_ =	strace $0x9FFFFFFF  }
0xc2: {  	(tm) =	ssettm $0x7FFFFFFF  }
0xc3: {  	_ =	shalt  }
tec
execute0_lowered:
.L_overlay_start_1:
0x0: {  	(tag) =	ssettag $0x1  }
0x1: {  	s0 =	rddreg [dreg:$0x0]  }
0x2: {  	s2 =	rddreg [dreg:$0x1];
	s3 =	simm.s32 $0x0  }
0x3: {  	s13 =	stileid.u32;
	s1 =	srdreg.scid;
	s28 =	simm.s32 $0x3  }
0x4: {  	s30 =	simm.s32 $0x4;
	s31 =	simm.s32 $0x5;
	s14 =	simm.s32 $0x1A80  }
0x5: {  	s29 =	simm.s32 $0x300;
	s15 =	simm.s32 $0x1B80;
	s7 =	smul.u32 $0x2780, s13  }
0x6: {  	[smem:$0x7FF] =	sst s3;
	s1 =	sand.u32 $0x1, s1;
	s10 =	smul.u32 $0x4F000, s13  }
0x7: {  	s4 =	sadd.s32 $0x19200, s0;
	s5 =	sadd.s32 $0xF200, s0;
	s19 =	smul.u32 $0x4C00, s13  }
0x8: {  	s6 =	sadd.s32 $0x5200, s0;
	s20 =	sshll.u32 s13, $0x6;
	s12 =	smul.u32 $0x980, s13  }
0x9: {  	s26 =	sshll.u32 s13, $0x7;
	s13 =	simm.s32 $0x100;
	_ =	strace $0x8000004D  }
0xa: {  	s8 =	smul.u32 $0x27800, s1;
	s9 =	ssub.s32 $0x2, s1;
	p0 =	seq.s32 s1, $0x1  }
0xb: {  	s16 =	sor.u32 $0x9800, s26;
	s26 =	simm.s32 $0x2;
	s17 =	sshrl.u32 s9, $0x1  }
0xc: {  	s18 =	sshrl.u32 s10, $0x2;
	s10 =	sshrl.u32 s19, $0x3;
	s21 =	sadd.s32 s5, s12  }
0xd: {  	s12 =	sadd.s32 s6, s12;
	s8 =	sadd.s32 s7, s8;
	s7 =	sadd.s32 s7, s0  }
0xe: {  	s9 =	ssub.s32 s9, s17;
	s11 =	sadd.s32 s18, s2;
	[dreg:$0x3] =	wrdreg s21  }
0xf: {  	s22 =	sadd.s32 $0x300, s10;
	[dreg:$0x4] =	wrdreg s12;
	s24 =	sadd.s32 $0x600, s10  }
0x10: {  	s10 =	sadd.s32 $0x900, s10;
	s21 =	simm.s32 $0x1800;
	s0 =	sadd.s32 s8, s0  }
0x11: {  	s7 =	sadd.s32 $0x40400, s7;
	s8 =	sor.u32 $0x1C06, s20;
	s23 =	sadd.s32 s5, s22  }
0x12: {  	s1 =	sadd.s32 s6, s22;
	s25 =	sadd.s32 s5, s24;
	[dreg:$0x9] =	wrdreg s10  }
0x13: {  	s12 =	sadd.s32 s6, s24;
	s18 =	smax.u32 s9, $0x1;
	[dreg:$0x5] =	wrdreg s23  }
.Ltmp0:
0x14: {  	s19 =	sshrl.u32 s11, $0x3;
	[dreg:$0x6] =	wrdreg s1;
	(pc) =	sbr.rel .LBB2_1-.Ltmp0, $4  }
0x15: {  	s20 =	simm.s32 $0x6;
	s22 =	simm.s32 $0x1;
	[dreg:$0x7] =	wrdreg s25  }
0x16: {  	s24 =	simm.s32 $0x3000;
	s9 =	simm.s32 $0x0;
	[dreg:$0x8] =	wrdreg s12  }
0x17: {  	s17 =	sadd.s32 $0x67C00, s0;
	s23 =	simm.s32 $0x80;
	s25 =	simm.s32 $0x7000  }
0x18: {  	s12 =	simm.s32 $0x1880;
	s0 =	simm.s32 $0x380;
	s1 =	simm.s32 $0x1B00  }
.LBB2_8:
0x19: {  	s10 =	sshra.s32 s10, $0x2;
	[sflag:s31] =	ssyncadd.s32 $0xFFFFC000  }
0x1a: {  	[tilespmem:s24], [sflag:$0x2] =	stream.indirect.gather [hbm4b:s4+s23], $0x80, s10, s23, $0xb8;
	[tilespmem:$0x1EC00] =	vst v63  }
0x1b: {  	s11 =	sadd.s32 $0x80, s10  }
0x1c: {  	[tilespmem:s25], [sflag:$0x3] =	stream.indirect.gather [hbm4b:s4+s23], $0x80, s11, s23, $0xb8;
	[tilespmem:$0x1EC00] =	vst v63  }
0x1d: {  	_ =	swait.ge [sflag:s26], $0x4000  }
0x1e: {  	[sflag:s26] =	ssyncset.done $0x0  }
0x1f: {  	s13 =	sadd.s32 $0x1800, s10;
	[sflag:s26] =	ssyncadd.s32 $0xFFFFC000  }
0x20: {  	[spmem:s2] =	stream.indirect.scatter.add.f32 [tilespmem:s24], [sflag:$0x4], $0x80, s13, s23, $0xb8;
	[tilespmem:$0x1EC00] =	vst v63  }
0x21: {  	_ =	swait.ge [sflag:s28], $0x4000  }
0x22: {  	[sflag:s28] =	ssyncset.done $0x0  }
0x23: {  	s10 =	sadd.s32 $0x1880, s10;
	[sflag:s28] =	ssyncadd.s32 $0xFFFFC000  }
0x24: {  	[spmem:s2] =	stream.indirect.scatter.add.f32 [tilespmem:s25], [sflag:$0x5], $0x80, s10, s23, $0xb8;
	[tilespmem:$0x1EC00] =	vst v63  }
0x25: {  	_ =	swait.ge [sflag:s30], $0x4000  }
0x26: {  	[sflag:s30] =	ssyncset.done $0x0  }
0x27: {  	[sflag:s30] =	ssyncadd.s32 $0xFFFFC000  }
0x28: {  	_ =	swait.ge [sflag:s31], $0x4000  }
0x29: {  	s12 =	simm.s32 $0x1880;
	[sflag:s31] =	ssyncset.done $0x0  }
0x2a: {  	s13 =	simm.s32 $0x100;
	s10 =	rddreg [dreg:$0x9];
	[sflag:s31] =	ssyncadd.s32 $0xFFFFC000  }
.LBB2_9:
0x2b: {  	s11 =	sadd.s32 s5, s10  }
0x2c: {  	[tilespmem:s3], [sflag:$0x1] =	stream.linear.gather [hbm4b:s11+s3], $0x400, $0x38;
	[tilespmem:$0x1EC00] =	vst v63  }
0x2d: {  	s11 =	sadd.s32 s6, s10  }
0x2e: {  	[tilespmem:s21], [sflag:$0x1] =	stream.linear.gather [hbm4b:s11+s3], $0x400, $0x38;
	[tilespmem:$0x1EC00] =	vst v63  }
0x2f: {  	_ =	swait.ge [sflag:s22], $0x400  }
0x30: {  	[sflag:s22] =	ssyncset.done $0x0  }
0x31: {  	[sflag:s22] =	ssyncadd.s32 $0xFFFFFC00  }
0x32: {  	_ =	swait.ge [sflag:s22], $0x400  }
0x33: {  	[sflag:s22] =	ssyncset.done $0x0  }
0x34: {  	[sflag:s22] =	ssyncadd.s32 $0xFFFFFC00  }
0x35: {  	[tilespmem:s24], [sflag:$0x2] =	stream.indirect.gather [hbm4b:s4+s23], $0x80, s3, s23, $0xb8;
	[tilespmem:$0x1EC00] =	vst v63  }
0x36: {  	_ = 	snop  }
0x37: {  	[tilespmem:s25], [sflag:$0x3] =	stream.indirect.gather [hbm4b:s4+s23], $0x80, s23, s23, $0xb8;
	[tilespmem:$0x1EC00] =	vst v63  }
0x38: {  	_ =	swait.ge [sflag:s26], $0x4000  }
0x39: {  	[sflag:s26] =	ssyncset.done $0x0  }
0x3a: {  	[sflag:s26] =	ssyncadd.s32 $0xFFFFC000  }
0x3b: {  	[spmem:s2] =	stream.indirect.scatter.add.f32 [tilespmem:s24], [sflag:$0x4], $0x80, s21, s23, $0xb8;
	[tilespmem:$0x1EC00] =	vst v63  }
0x3c: {  	_ =	swait.ge [sflag:s28], $0x4000  }
0x3d: {  	[sflag:s28] =	ssyncset.done $0x0  }
0x3e: {  	[sflag:s28] =	ssyncadd.s32 $0xFFFFC000  }
0x3f: {  	[spmem:s2] =	stream.indirect.scatter.add.f32 [tilespmem:s25], [sflag:$0x5], $0x80, s12, s23, $0xb8;
	[tilespmem:$0x1EC00] =	vst v63  }
0x40: {  	_ =	swait.ge [sflag:s30], $0x4000  }
0x41: {  	[sflag:s30] =	ssyncset.done $0x0  }
0x42: {  	[sflag:s30] =	ssyncadd.s32 $0xFFFFC000  }
0x43: {  	_ =	swait.ge [sflag:s31], $0x4000  }
0x44: {  	[sflag:s31] =	ssyncset.done $0x0  }
0x45: {  	[sflag:s31] =	ssyncadd.s32 $0xFFFFC000  }
0x46: {  	[tilespmem:s24], [sflag:$0x2] =	stream.indirect.gather [hbm4b:s4+s23], $0x80, s13, s23, $0xb8;
	[tilespmem:$0x1EC00] =	vst v63  }
0x47: {  	s11 =	simm.s32 $0x180  }
0x48: {  	[tilespmem:s25], [sflag:$0x3] =	stream.indirect.gather [hbm4b:s4+s23], $0x80, s11, s23, $0xb8;
	[tilespmem:$0x1EC00] =	vst v63  }
0x49: {  	_ =	swait.ge [sflag:s26], $0x4000  }
0x4a: {  	[sflag:s26] =	ssyncset.done $0x0  }
0x4b: {  	s11 =	simm.s32 $0x1900;
	[sflag:s26] =	ssyncadd.s32 $0xFFFFC000  }
0x4c: {  	[spmem:s2] =	stream.indirect.scatter.add.f32 [tilespmem:s24], [sflag:$0x4], $0x80, s11, s23, $0xb8;
	[tilespmem:$0x1EC00] =	vst v63  }
0x4d: {  	_ =	swait.ge [sflag:s28], $0x4000  }
0x4e: {  	[sflag:s28] =	ssyncset.done $0x0  }
0x4f: {  	s11 =	simm.s32 $0x1980;
	[sflag:s28] =	ssyncadd.s32 $0xFFFFC000  }
0x50: {  	[spmem:s2] =	stream.indirect.scatter.add.f32 [tilespmem:s25], [sflag:$0x5], $0x80, s11, s23, $0xb8;
	[tilespmem:$0x1EC00] =	vst v63  }
0x51: {  	_ =	swait.ge [sflag:s30], $0x4000  }
0x52: {  	[sflag:s30] =	ssyncset.done $0x0  }
0x53: {  	[sflag:s30] =	ssyncadd.s32 $0xFFFFC000  }
0x54: {  	_ =	swait.ge [sflag:s31], $0x4000  }
0x55: {  	[sflag:s31] =	ssyncset.done $0x0  }
0x56: {  	s11 =	simm.s32 $0x200;
	[sflag:s31] =	ssyncadd.s32 $0xFFFFC000  }
0x57: {  	[tilespmem:s24], [sflag:$0x2] =	stream.indirect.gather [hbm4b:s4+s23], $0x80, s11, s23, $0xb8;
	[tilespmem:$0x1EC00] =	vst v63  }
0x58: {  	s11 =	simm.s32 $0x280  }
0x59: {  	[tilespmem:s25], [sflag:$0x3] =	stream.indirect.gather [hbm4b:s4+s23], $0x80, s11, s23, $0xb8;
	[tilespmem:$0x1EC00] =	vst v63  }
0x5a: {  	_ =	swait.ge [sflag:s26], $0x4000  }
0x5b: {  	[sflag:s26] =	ssyncset.done $0x0  }
0x5c: {  	s11 =	simm.s32 $0x1A00;
	[sflag:s26] =	ssyncadd.s32 $0xFFFFC000  }
0x5d: {  	[spmem:s2] =	stream.indirect.scatter.add.f32 [tilespmem:s24], [sflag:$0x4], $0x80, s11, s23, $0xb8;
	[tilespmem:$0x1EC00] =	vst v63  }
0x5e: {  	_ =	swait.ge [sflag:s28], $0x4000  }
0x5f: {  	[sflag:s28] =	ssyncset.done $0x0  }
0x60: {  	[sflag:s28] =	ssyncadd.s32 $0xFFFFC000  }
0x61: {  	[spmem:s2] =	stream.indirect.scatter.add.f32 [tilespmem:s25], [sflag:$0x5], $0x80, s14, s23, $0xb8;
	[tilespmem:$0x1EC00] =	vst v63  }
0x62: {  	_ =	swait.ge [sflag:s30], $0x4000  }
0x63: {  	[sflag:s30] =	ssyncset.done $0x0  }
0x64: {  	[sflag:s30] =	ssyncadd.s32 $0xFFFFC000  }
0x65: {  	_ =	swait.ge [sflag:s31], $0x4000  }
0x66: {  	[sflag:s31] =	ssyncset.done $0x0  }
0x67: {  	[sflag:s31] =	ssyncadd.s32 $0xFFFFC000  }
0x68: {  	[tilespmem:s24], [sflag:$0x2] =	stream.indirect.gather [hbm4b:s4+s23], $0x80, s29, s23, $0xb8;
	[tilespmem:$0x1EC00] =	vst v63  }
0x69: {  	_ = 	snop  }
0x6a: {  	[tilespmem:s25], [sflag:$0x3] =	stream.indirect.gather [hbm4b:s4+s23], $0x80, s0, s23, $0xb8;
	[tilespmem:$0x1EC00] =	vst v63  }
0x6b: {  	_ =	swait.ge [sflag:s26], $0x4000  }
0x6c: {  	[sflag:s26] =	ssyncset.done $0x0  }
0x6d: {  	[sflag:s26] =	ssyncadd.s32 $0xFFFFC000  }
0x6e: {  	[spmem:s2] =	stream.indirect.scatter.add.f32 [tilespmem:s24], [sflag:$0x4], $0x80, s1, s23, $0xb8;
	[tilespmem:$0x1EC00] =	vst v63  }
0x6f: {  	_ =	swait.ge [sflag:s28], $0x4000  }
0x70: {  	[sflag:s28] =	ssyncset.done $0x0  }
0x71: {  	[sflag:s28] =	ssyncadd.s32 $0xFFFFC000  }
0x72: {  	[spmem:s2] =	stream.indirect.scatter.add.f32 [tilespmem:s25], [sflag:$0x5], $0x80, s15, s23, $0xb8;
	[tilespmem:$0x1EC00] =	vst v63  }
0x73: {  	_ =	swait.ge [sflag:s30], $0x4000  }
0x74: {  	[sflag:s30] =	ssyncset.done $0x0  }
0x75: {  	[sflag:s30] =	ssyncadd.s32 $0xFFFFC000  }
0x76: {  	_ =	swait.ge [sflag:s31], $0x4000  }
0x77: {  	s9 =	sadd.s32 $0x1, s9;
	[sflag:s31] =	ssyncset.done $0x0  }
0x78: {  	p1 =	sne.s32 s9, s18;
	[sflag:s31] =	ssyncadd.s32 $0xFFFFC000  }
.Ltmp1:
0x79: {  	[bflag:$0x0] =	sbarrier.arrive $0xFFFF;
	(pc) =	sbr.rel @!p1 .LBB2_10-.Ltmp1, $4  }
0x7a: {  	[hbm:s17], [sflag:s8] =	dma.local [spmem:s19], $0x2780  }
0x7b: {  	_ =	swait.ge [sflag:s20], $0x2780  }
0x7c: {  	[sflag:s20] =	ssyncset.done $0x0  }
0x7d: {  	[sflag:s20] =	ssyncadd.s32 $0xFFFFD880  }
.LBB2_1:
0x7e: {  	[spmem:s19], [sflag:s8] =	dma.local [hbm:s7], $0x2780  }
.Ltmp2:
0x7f: {  	_ =	swait.ge [sflag:s20], $0x2780;
	(pc) =	sbr.rel @p0 .LBB2_9-.Ltmp2, $4  }
0x80: {  	[sflag:s20] =	ssyncset.done $0x0  }
0x81: {  	[sflag:s20] =	ssyncadd.s32 $0xFFFFD880  }
0x82: {  	[bflag:$0x0] =	sbarrier.arrive $0xFFFF  }
0x83: {  	s10 =	smov.u32 s16  }
0x84: {  	s10 =	simm.s32 $0x0;
	s11 =	rddreg [dreg:$0x3]  }
0x85: {  	[tilespmem:s10], [sflag:$0x1] =	stream.linear.gather [hbm4b:s11+s10], $0x1800, $0x38;
	[tilespmem:$0x1EC00] =	vst v63  }
0x86: {  	s12 =	rddreg [dreg:$0x4]  }
0x87: {  	[tilespmem:s21], [sflag:$0x1] =	stream.linear.gather [hbm4b:s12+s10], $0x1800, $0x38;
	[tilespmem:$0x1EC00] =	vst v63  }
0x88: {  	_ =	swait.ge [sflag:s22], $0x1800  }
0x89: {  	[sflag:s22] =	ssyncset.done $0x0  }
0x8a: {  	[sflag:s22] =	ssyncadd.s32 $0xFFFFE800  }
0x8b: {  	_ =	swait.ge [sflag:s22], $0x1800  }
0x8c: {  	[sflag:s22] =	ssyncset.done $0x0  }
0x8d: {  	s13 =	simm.s32 $0x0;
	[sflag:s22] =	ssyncadd.s32 $0xFFFFE800  }
0x8e: {  	[tilespmem:s24], [sflag:$0x2] =	stream.indirect.gather [hbm4b:s4+s23], $0x80, s13, s23, $0xb8;
	[tilespmem:$0x1EC00] =	vst v63  }
0x8f: {  	s11 =	simm.s32 $0x80  }
0x90: {  	[tilespmem:s25], [sflag:$0x3] =	stream.indirect.gather [hbm4b:s4+s23], $0x80, s11, s23, $0xb8;
	[tilespmem:$0x1EC00] =	vst v63  }
0x91: {  	_ =	swait.ge [sflag:s26], $0x4000  }
0x92: {  	[sflag:s26] =	ssyncset.done $0x0  }
0x93: {  	s12 =	simm.s32 $0x1800;
	[sflag:s26] =	ssyncadd.s32 $0xFFFFC000  }
0x94: {  	[spmem:s2] =	stream.indirect.scatter.add.f32 [tilespmem:s24], [sflag:$0x4], $0x80, s12, s23, $0xb8;
	[tilespmem:$0x1EC00] =	vst v63  }
0x95: {  	_ =	swait.ge [sflag:s28], $0x4000  }
0x96: {  	[sflag:s28] =	ssyncset.done $0x0  }
0x97: {  	s13 =	simm.s32 $0x1880;
	[sflag:s28] =	ssyncadd.s32 $0xFFFFC000  }
0x98: {  	[spmem:s2] =	stream.indirect.scatter.add.f32 [tilespmem:s25], [sflag:$0x5], $0x80, s13, s23, $0xb8;
	[tilespmem:$0x1EC00] =	vst v63  }
0x99: {  	_ =	swait.ge [sflag:s30], $0x4000  }
0x9a: {  	[sflag:s30] =	ssyncset.done $0x0  }
0x9b: {  	[sflag:s30] =	ssyncadd.s32 $0xFFFFC000  }
0x9c: {  	_ =	swait.ge [sflag:s31], $0x4000  }
0x9d: {  	s10 =	simm.s32 $0x400;
	s11 =	simm.s32 $0x800;
	[sflag:s31] =	ssyncset.done $0x0  }
.LBB2_3:
0x9e: {  	s12 =	sshra.s32 s10, $0x2  }
0x9f: {  	[sflag:s31] =	ssyncadd.s32 $0xFFFFC000;
	s10 =	smov.u32 s11;
	s13 =	sadd.s32 $0x400, s11  }
0xa0: {  	[tilespmem:s24], [sflag:$0x2] =	stream.indirect.gather [hbm4b:s4+s23], $0x80, s12, s23, $0xb8;
	[tilespmem:$0x1EC00] =	vst v63  }
0xa1: {  	p1 =	sne.s32 s11, $0x5C00;
	s11 =	sadd.s32 $0x80, s12  }
0xa2: {  	[tilespmem:s25], [sflag:$0x3] =	stream.indirect.gather [hbm4b:s4+s23], $0x80, s11, s23, $0xb8;
	[tilespmem:$0x1EC00] =	vst v63  }
0xa3: {  	_ =	swait.ge [sflag:s26], $0x4000  }
0xa4: {  	[sflag:s26] =	ssyncset.done $0x0  }
0xa5: {  	s11 =	sadd.s32 $0x1800, s12;
	[sflag:s26] =	ssyncadd.s32 $0xFFFFC000  }
0xa6: {  	[spmem:s2] =	stream.indirect.scatter.add.f32 [tilespmem:s24], [sflag:$0x4], $0x80, s11, s23, $0xb8;
	[tilespmem:$0x1EC00] =	vst v63  }
0xa7: {  	_ =	swait.ge [sflag:s28], $0x4000  }
0xa8: {  	[sflag:s28] =	ssyncset.done $0x0  }
0xa9: {  	s11 =	sadd.s32 $0x1880, s12;
	[sflag:s28] =	ssyncadd.s32 $0xFFFFC000  }
0xaa: {  	[spmem:s2] =	stream.indirect.scatter.add.f32 [tilespmem:s25], [sflag:$0x5], $0x80, s11, s23, $0xb8;
	[tilespmem:$0x1EC00] =	vst v63  }
.Ltmp3:
0xab: {  	_ =	swait.ge [sflag:s30], $0x4000;
	(pc) =	sbr.rel @p1 .LBB2_3-.Ltmp3, $4  }
0xac: {  	[sflag:s30] =	ssyncset.done $0x0  }
0xad: {  	[sflag:s30] =	ssyncadd.s32 $0xFFFFC000  }
0xae: {  	_ =	swait.ge [sflag:s31], $0x4000  }
0xaf: {  	s11 =	smov.u32 s13;
	[sflag:s31] =	ssyncset.done $0x0  }
0xb0: {  	s10 =	sshra.s32 s10, $0x2;
	[sflag:s31] =	ssyncadd.s32 $0xFFFFC000  }
0xb1: {  	[tilespmem:s24], [sflag:$0x2] =	stream.indirect.gather [hbm4b:s4+s23], $0x80, s10, s23, $0xb8;
	[tilespmem:$0x1EC00] =	vst v63  }
0xb2: {  	s11 =	sadd.s32 $0x80, s10  }
0xb3: {  	[tilespmem:s25], [sflag:$0x3] =	stream.indirect.gather [hbm4b:s4+s23], $0x80, s11, s23, $0xb8;
	[tilespmem:$0x1EC00] =	vst v63  }
0xb4: {  	_ =	swait.ge [sflag:s26], $0x4000  }
0xb5: {  	[sflag:s26] =	ssyncset.done $0x0  }
0xb6: {  	s12 =	sadd.s32 $0x1800, s10;
	[sflag:s26] =	ssyncadd.s32 $0xFFFFC000  }
0xb7: {  	[spmem:s2] =	stream.indirect.scatter.add.f32 [tilespmem:s24], [sflag:$0x4], $0x80, s12, s23, $0xb8;
	[tilespmem:$0x1EC00] =	vst v63  }
0xb8: {  	_ =	swait.ge [sflag:s28], $0x4000  }
0xb9: {  	[sflag:s28] =	ssyncset.done $0x0  }
0xba: {  	s10 =	sadd.s32 $0x1880, s10;
	[sflag:s28] =	ssyncadd.s32 $0xFFFFC000  }
0xbb: {  	[spmem:s2] =	stream.indirect.scatter.add.f32 [tilespmem:s25], [sflag:$0x5], $0x80, s10, s23, $0xb8;
	[tilespmem:$0x1EC00] =	vst v63  }
0xbc: {  	_ =	swait.ge [sflag:s30], $0x4000  }
0xbd: {  	[sflag:s30] =	ssyncset.done $0x0  }
0xbe: {  	[sflag:s30] =	ssyncadd.s32 $0xFFFFC000  }
0xbf: {  	_ =	swait.ge [sflag:s31], $0x4000  }
0xc0: {  	[sflag:s31] =	ssyncset.done $0x0  }
0xc1: {  	s10 =	simm.s32 $0x0;
	s13 =	rddreg [dreg:$0x5];
	[sflag:s31] =	ssyncadd.s32 $0xFFFFC000  }
0xc2: {  	[tilespmem:s10], [sflag:$0x1] =	stream.linear.gather [hbm4b:s13+s10], $0x1800, $0x38;
	[tilespmem:$0x1EC00] =	vst v63  }
0xc3: {  	s12 =	rddreg [dreg:$0x6]  }
0xc4: {  	[tilespmem:s21], [sflag:$0x1] =	stream.linear.gather [hbm4b:s12+s10], $0x1800, $0x38;
	[tilespmem:$0x1EC00] =	vst v63  }
0xc5: {  	_ =	swait.ge [sflag:s22], $0x1800  }
0xc6: {  	[sflag:s22] =	ssyncset.done $0x0  }
0xc7: {  	[sflag:s22] =	ssyncadd.s32 $0xFFFFE800  }
0xc8: {  	_ =	swait.ge [sflag:s22], $0x1800  }
0xc9: {  	[sflag:s22] =	ssyncset.done $0x0  }
0xca: {  	s13 =	simm.s32 $0x0;
	[sflag:s22] =	ssyncadd.s32 $0xFFFFE800  }
0xcb: {  	[tilespmem:s24], [sflag:$0x2] =	stream.indirect.gather [hbm4b:s4+s23], $0x80, s13, s23, $0xb8;
	[tilespmem:$0x1EC00] =	vst v63  }
0xcc: {  	s11 =	simm.s32 $0x80  }
0xcd: {  	[tilespmem:s25], [sflag:$0x3] =	stream.indirect.gather [hbm4b:s4+s23], $0x80, s11, s23, $0xb8;
	[tilespmem:$0x1EC00] =	vst v63  }
0xce: {  	_ =	swait.ge [sflag:s26], $0x4000  }
0xcf: {  	[sflag:s26] =	ssyncset.done $0x0  }
0xd0: {  	s12 =	simm.s32 $0x1800;
	[sflag:s26] =	ssyncadd.s32 $0xFFFFC000  }
0xd1: {  	[spmem:s2] =	stream.indirect.scatter.add.f32 [tilespmem:s24], [sflag:$0x4], $0x80, s12, s23, $0xb8;
	[tilespmem:$0x1EC00] =	vst v63  }
0xd2: {  	_ =	swait.ge [sflag:s28], $0x4000  }
0xd3: {  	[sflag:s28] =	ssyncset.done $0x0  }
0xd4: {  	s13 =	simm.s32 $0x1880;
	[sflag:s28] =	ssyncadd.s32 $0xFFFFC000  }
0xd5: {  	[spmem:s2] =	stream.indirect.scatter.add.f32 [tilespmem:s25], [sflag:$0x5], $0x80, s13, s23, $0xb8;
	[tilespmem:$0x1EC00] =	vst v63  }
0xd6: {  	_ =	swait.ge [sflag:s30], $0x4000  }
0xd7: {  	[sflag:s30] =	ssyncset.done $0x0  }
0xd8: {  	[sflag:s30] =	ssyncadd.s32 $0xFFFFC000  }
0xd9: {  	_ =	swait.ge [sflag:s31], $0x4000  }
0xda: {  	s10 =	simm.s32 $0x400;
	s11 =	simm.s32 $0x800;
	[sflag:s31] =	ssyncset.done $0x0  }
.LBB2_5:
0xdb: {  	s12 =	sshra.s32 s10, $0x2  }
0xdc: {  	[sflag:s31] =	ssyncadd.s32 $0xFFFFC000;
	s10 =	smov.u32 s11;
	s13 =	sadd.s32 $0x400, s11  }
0xdd: {  	[tilespmem:s24], [sflag:$0x2] =	stream.indirect.gather [hbm4b:s4+s23], $0x80, s12, s23, $0xb8;
	[tilespmem:$0x1EC00] =	vst v63  }
0xde: {  	p1 =	sne.s32 s11, $0x5C00;
	s11 =	sadd.s32 $0x80, s12  }
0xdf: {  	[tilespmem:s25], [sflag:$0x3] =	stream.indirect.gather [hbm4b:s4+s23], $0x80, s11, s23, $0xb8;
	[tilespmem:$0x1EC00] =	vst v63  }
0xe0: {  	_ =	swait.ge [sflag:s26], $0x4000  }
0xe1: {  	[sflag:s26] =	ssyncset.done $0x0  }
0xe2: {  	s11 =	sadd.s32 $0x1800, s12;
	[sflag:s26] =	ssyncadd.s32 $0xFFFFC000  }
0xe3: {  	[spmem:s2] =	stream.indirect.scatter.add.f32 [tilespmem:s24], [sflag:$0x4], $0x80, s11, s23, $0xb8;
	[tilespmem:$0x1EC00] =	vst v63  }
0xe4: {  	_ =	swait.ge [sflag:s28], $0x4000  }
0xe5: {  	[sflag:s28] =	ssyncset.done $0x0  }
0xe6: {  	s11 =	sadd.s32 $0x1880, s12;
	[sflag:s28] =	ssyncadd.s32 $0xFFFFC000  }
0xe7: {  	[spmem:s2] =	stream.indirect.scatter.add.f32 [tilespmem:s25], [sflag:$0x5], $0x80, s11, s23, $0xb8;
	[tilespmem:$0x1EC00] =	vst v63  }
.Ltmp4:
0xe8: {  	_ =	swait.ge [sflag:s30], $0x4000;
	(pc) =	sbr.rel @p1 .LBB2_5-.Ltmp4, $4  }
0xe9: {  	[sflag:s30] =	ssyncset.done $0x0  }
0xea: {  	[sflag:s30] =	ssyncadd.s32 $0xFFFFC000  }
0xeb: {  	_ =	swait.ge [sflag:s31], $0x4000  }
0xec: {  	s11 =	smov.u32 s13;
	[sflag:s31] =	ssyncset.done $0x0  }
0xed: {  	s10 =	sshra.s32 s10, $0x2;
	[sflag:s31] =	ssyncadd.s32 $0xFFFFC000  }
0xee: {  	[tilespmem:s24], [sflag:$0x2] =	stream.indirect.gather [hbm4b:s4+s23], $0x80, s10, s23, $0xb8;
	[tilespmem:$0x1EC00] =	vst v63  }
0xef: {  	s11 =	sadd.s32 $0x80, s10  }
0xf0: {  	[tilespmem:s25], [sflag:$0x3] =	stream.indirect.gather [hbm4b:s4+s23], $0x80, s11, s23, $0xb8;
	[tilespmem:$0x1EC00] =	vst v63  }
0xf1: {  	_ =	swait.ge [sflag:s26], $0x4000  }
0xf2: {  	[sflag:s26] =	ssyncset.done $0x0  }
0xf3: {  	s12 =	sadd.s32 $0x1800, s10;
	[sflag:s26] =	ssyncadd.s32 $0xFFFFC000  }
0xf4: {  	[spmem:s2] =	stream.indirect.scatter.add.f32 [tilespmem:s24], [sflag:$0x4], $0x80, s12, s23, $0xb8;
	[tilespmem:$0x1EC00] =	vst v63  }
0xf5: {  	_ =	swait.ge [sflag:s28], $0x4000  }
0xf6: {  	[sflag:s28] =	ssyncset.done $0x0  }
0xf7: {  	s10 =	sadd.s32 $0x1880, s10;
	[sflag:s28] =	ssyncadd.s32 $0xFFFFC000  }
0xf8: {  	[spmem:s2] =	stream.indirect.scatter.add.f32 [tilespmem:s25], [sflag:$0x5], $0x80, s10, s23, $0xb8;
	[tilespmem:$0x1EC00] =	vst v63  }
0xf9: {  	_ =	swait.ge [sflag:s30], $0x4000  }
0xfa: {  	[sflag:s30] =	ssyncset.done $0x0  }
0xfb: {  	[sflag:s30] =	ssyncadd.s32 $0xFFFFC000  }
0xfc: {  	_ =	swait.ge [sflag:s31], $0x4000  }
0xfd: {  	[sflag:s31] =	ssyncset.done $0x0  }
0xfe: {  	s10 =	simm.s32 $0x0;
	s13 =	rddreg [dreg:$0x7];
	[sflag:s31] =	ssyncadd.s32 $0xFFFFC000  }
0xff: {  	[tilespmem:s10], [sflag:$0x1] =	stream.linear.gather [hbm4b:s13+s10], $0x1800, $0x38;
	[tilespmem:$0x1EC00] =	vst v63  }
0x100: {  	s12 =	rddreg [dreg:$0x8]  }
0x101: {  	[tilespmem:s21], [sflag:$0x1] =	stream.linear.gather [hbm4b:s12+s10], $0x1800, $0x38;
	[tilespmem:$0x1EC00] =	vst v63  }
0x102: {  	_ =	swait.ge [sflag:s22], $0x1800  }
0x103: {  	[sflag:s22] =	ssyncset.done $0x0  }
0x104: {  	[sflag:s22] =	ssyncadd.s32 $0xFFFFE800  }
0x105: {  	_ =	swait.ge [sflag:s22], $0x1800  }
0x106: {  	[sflag:s22] =	ssyncset.done $0x0  }
0x107: {  	s13 =	simm.s32 $0x0;
	[sflag:s22] =	ssyncadd.s32 $0xFFFFE800  }
0x108: {  	[tilespmem:s24], [sflag:$0x2] =	stream.indirect.gather [hbm4b:s4+s23], $0x80, s13, s23, $0xb8;
	[tilespmem:$0x1EC00] =	vst v63  }
0x109: {  	s11 =	simm.s32 $0x80  }
0x10a: {  	[tilespmem:s25], [sflag:$0x3] =	stream.indirect.gather [hbm4b:s4+s23], $0x80, s11, s23, $0xb8;
	[tilespmem:$0x1EC00] =	vst v63  }
0x10b: {  	_ =	swait.ge [sflag:s26], $0x4000  }
0x10c: {  	[sflag:s26] =	ssyncset.done $0x0  }
0x10d: {  	s12 =	simm.s32 $0x1800;
	[sflag:s26] =	ssyncadd.s32 $0xFFFFC000  }
0x10e: {  	[spmem:s2] =	stream.indirect.scatter.add.f32 [tilespmem:s24], [sflag:$0x4], $0x80, s12, s23, $0xb8;
	[tilespmem:$0x1EC00] =	vst v63  }
0x10f: {  	_ =	swait.ge [sflag:s28], $0x4000  }
0x110: {  	[sflag:s28] =	ssyncset.done $0x0  }
0x111: {  	s13 =	simm.s32 $0x1880;
	[sflag:s28] =	ssyncadd.s32 $0xFFFFC000  }
0x112: {  	[spmem:s2] =	stream.indirect.scatter.add.f32 [tilespmem:s25], [sflag:$0x5], $0x80, s13, s23, $0xb8;
	[tilespmem:$0x1EC00] =	vst v63  }
0x113: {  	_ =	swait.ge [sflag:s30], $0x4000  }
0x114: {  	[sflag:s30] =	ssyncset.done $0x0  }
0x115: {  	[sflag:s30] =	ssyncadd.s32 $0xFFFFC000  }
0x116: {  	_ =	swait.ge [sflag:s31], $0x4000  }
0x117: {  	s10 =	simm.s32 $0x400;
	s11 =	simm.s32 $0x800;
	[sflag:s31] =	ssyncset.done $0x0  }
.LBB2_7:
0x118: {  	s12 =	sshra.s32 s10, $0x2  }
0x119: {  	[sflag:s31] =	ssyncadd.s32 $0xFFFFC000;
	s10 =	smov.u32 s11;
	s13 =	sadd.s32 $0x400, s11  }
0x11a: {  	[tilespmem:s24], [sflag:$0x2] =	stream.indirect.gather [hbm4b:s4+s23], $0x80, s12, s23, $0xb8;
	[tilespmem:$0x1EC00] =	vst v63  }
0x11b: {  	p1 =	sne.s32 s11, $0x5C00;
	s11 =	sadd.s32 $0x80, s12  }
0x11c: {  	[tilespmem:s25], [sflag:$0x3] =	stream.indirect.gather [hbm4b:s4+s23], $0x80, s11, s23, $0xb8;
	[tilespmem:$0x1EC00] =	vst v63  }
0x11d: {  	_ =	swait.ge [sflag:s26], $0x4000  }
0x11e: {  	[sflag:s26] =	ssyncset.done $0x0  }
0x11f: {  	s11 =	sadd.s32 $0x1800, s12;
	[sflag:s26] =	ssyncadd.s32 $0xFFFFC000  }
0x120: {  	[spmem:s2] =	stream.indirect.scatter.add.f32 [tilespmem:s24], [sflag:$0x4], $0x80, s11, s23, $0xb8;
	[tilespmem:$0x1EC00] =	vst v63  }
0x121: {  	_ =	swait.ge [sflag:s28], $0x4000  }
0x122: {  	[sflag:s28] =	ssyncset.done $0x0  }
0x123: {  	s11 =	sadd.s32 $0x1880, s12;
	[sflag:s28] =	ssyncadd.s32 $0xFFFFC000  }
0x124: {  	[spmem:s2] =	stream.indirect.scatter.add.f32 [tilespmem:s25], [sflag:$0x5], $0x80, s11, s23, $0xb8;
	[tilespmem:$0x1EC00] =	vst v63  }
.Ltmp5:
0x125: {  	_ =	swait.ge [sflag:s30], $0x4000;
	(pc) =	sbr.rel @p1 .LBB2_7-.Ltmp5, $4  }
0x126: {  	[sflag:s30] =	ssyncset.done $0x0  }
0x127: {  	[sflag:s30] =	ssyncadd.s32 $0xFFFFC000  }
0x128: {  	_ =	swait.ge [sflag:s31], $0x4000  }
0x129: {  	s11 =	smov.u32 s13;
	[sflag:s31] =	ssyncset.done $0x0  }
.Ltmp6:
0x12a: {  	_ = 	snop;
	(pc) =	sbr.rel .LBB2_8-.Ltmp6, $1  }
0x12b: {  	_ =	sdelay $0x3  }
.LBB2_10:
0x12c: {  	_ =	sfence.sel $0x180000  }
0x12d: {  	[bflag:$0x0] =	sbarrier.arrive $0xFFFF  }
0x12e: {  	_ =	strace $0x9000004D  }
0x12f: {  	s0 =	stileid.u32;
	[bflag:$0x2] =	sbarrier.arrive $0xFFFF  }
0x130: {  	p0 =	sne.s32 s0, $0x0;
	s0 =	rddreg [dreg:$0x2]  }
0x131: {  	s0 =	sadd.s32 @!p0 $0x100000, s0  }
0x132: {  	[sflag:s0] =	ssyncadd.tile.s32 @!p0 $0x1;
	_ =	shalt  }
.Lfunc_end2:
_tile_overlayer_lowered:
.L_overlay_start_2:
0x133: {  	(tag) =	ssettag $0x2  }
0x134: {  	s0 =	rddreg [dreg:$0x0];
	s2 =	stileid.u32  }
0x135: {  	s1 =	rddreg [dreg:$0x1];
	p0 =	sne.s32 s2, $0x0  }
0x136: {  	s3 =	rddreg [dreg:$0x2];
	[bflag:$0x3] =	sbarrier.arrive $0xFFFF;
	s2 =	simm.s32 @!p0 $0x1C06  }
0x137: {  	[timem:s3], [sflag:s2] =	dma.local @!p0 [hbm:s0], s1  }
0x138: {  	s0 =	simm.s32 @!p0 $0x6  }
0x139: {  	_ =	swait.ge @!p0 [sflag:s0], s1  }
0x13a: {  	s1 =	ssub.s32 @!p0 $0x0, s1;
	[sflag:s0] =	ssyncset.done @!p0 $0x0  }
0x13b: {  	[sflag:s0] =	ssyncadd.s32 @!p0 s1  }
0x13c: {  	[bflag:$0x3] =	sbarrier.arrive $0xFFFF  }
0x13d: {  	_ =	shalt  }

</sc_bundles>
